<compile_context>
chip_gen: v7x
topology: tpu7x:2x2x1
jax: 0.10.2.dev20260603
libtpu: 0.0.44.dev20260713+nightly
codegen_flags: <defaults>
</compile_context>

<pallas_src>
import jax
import jax.numpy as jnp
from jax import lax
from jax.experimental import pallas as pl
from jax.experimental.pallas import tpu as pltpu
from jax.experimental.pallas import tpu_sc as plsc

N = 10000
E = 320000
C = 5000
D = 128
D_SPH = 9
NC = 2
NS = 16
NW = NC * NS
EW = E // NW
B = 80
NCHUNK = EW // B
NBUF = 3
SL = 128
CP = 5120
RPT = CP // NS


def _tc_prep(posA_ref, posB_ref, ei_ref, np_ref, nei_ref):
    np_ref[...] = (posA_ref[...] + posB_ref[...]) * 0.5
    nei_ref[...] = lax.shift_right_logical(ei_ref[...], 1)


def _tc_combine(xs_ref, eas_ref, wcx_ref, wce_ref, wg_ref, out_ref):
    xsum = xs_ref[0, :C, :] + xs_ref[1, :C, :]
    ri = lax.broadcasted_iota(jnp.int32, (3 * NW, 3), 0)
    ki = lax.broadcasted_iota(jnp.int32, (3 * NW, 3), 1)
    sel = jnp.where(ri // NW == ki, 1.0, 0.0).astype(jnp.float32)
    easum = lax.dot_general(eas_ref[...], sel, (((0,), (0,)), ((), ())),
                            preferred_element_type=jnp.float32)[:C, :]
    t = jnp.dot(xsum, wcx_ref[...], preferred_element_type=jnp.float32)
    t = t + jnp.dot(easum, wce_ref[...], preferred_element_type=jnp.float32)
    out_ref[...] = jnp.dot(t, wg_ref[...], preferred_element_type=jnp.float32)


def _sc_body(x_hbm, src_hbm, dst_hbm, ea_hbm, np_hbm,
             xslab, ea_out, nea_hbm,
             src_v, dst_v, d2r, np_v, gbuf, ea_g, neabuf,
             eacc0, eacc1, eacc2, xacc,
             gsem0, gsem1, gsem2, ssem0, ssem1, ssem2,
             nsem0, nsem1, nsem2, esem0, esem1, esem2):
    cid = lax.axis_index("c")
    sid = lax.axis_index("s")
    wid = cid * NS + sid
    base_e = wid * EW
    gsems = (gsem0, gsem1, gsem2)
    ssems = (ssem0, ssem1, ssem2)
    nsems = (nsem0, nsem1, nsem2)
    esems = (esem0, esem1, esem2)
    eaccs = (eacc0, eacc1, eacc2)

    pltpu.sync_copy(src_hbm.at[pl.ds(base_e, EW)], src_v)
    pltpu.sync_copy(dst_hbm.at[pl.ds(base_e, EW)], dst_v)
    pltpu.sync_copy(np_hbm, np_v.at[pl.ds(0, 3 * C)])

    zf = jnp.zeros((16,), jnp.float32)

    def zrow(i, _):
        for u in range(D // 16):
            gbuf[0, i, pl.ds(u * 16, 16)] = zf
        return 0

    lax.fori_loop(0, B, zrow, 0)

    def zflat(i, _):
        eacc0[pl.ds(i * 16, 16)] = zf
        eacc1[pl.ds(i * 16, 16)] = zf
        eacc2[pl.ds(i * 16, 16)] = zf
        return 0

    lax.fori_loop(0, CP // 16, zflat, 0)

    for q in range(RPT // B):
        r0 = sid * RPT + q * B
        pltpu.sync_copy(gbuf.at[0], xacc.at[pl.ds(r0, B), :])
    plsc.subcore_barrier()

    def fire_gather(j, b):
        pltpu.async_copy(x_hbm.at[src_v.at[pl.ds(j * B, B)]], gbuf.at[b],
                         gsems[b])

    def fire_ea(j, b):
        for k in range(3):
            pltpu.async_copy(
                ea_hbm.at[pl.ds(k * E + base_e + j * B, B)],
                ea_g.at[pl.ds((b * 3 + k) * SL, B)], esems[b])

    def chunk(j, b, fire):
        pltpu.make_async_copy(x_hbm.at[src_v.at[pl.ds(j * B, B)]],
                              gbuf.at[b], gsems[b]).wait()
        for k in range(3):
            pltpu.make_async_copy(
                ea_hbm.at[pl.ds(k * E + base_e + j * B, B)],
                ea_g.at[pl.ds((b * 3 + k) * SL, B)], esems[b]).wait()
        d2s = []
        for u in range(B // 16):
            d2 = lax.shift_right_logical(dst_v[pl.ds(j * B + u * 16, 16)], 1)
            d2r[b, 0, pl.ds(u * 16, 16)] = d2
            d2s.append(d2)
        pltpu.async_copy(gbuf.at[b], xacc.at[d2r.at[b, 0]], ssems[b],
                         add=True)

        @pl.when(j >= NBUF)
        def _():
            for k in range(3):
                pltpu.make_async_copy(
                    neabuf.at[pl.ds((b * 3 + k) * SL, B)],
                    nea_hbm.at[pl.ds(k * E + base_e + j * B, B)],
                    nsems[b]).wait()

        for g in range(B // 16):
            s2 = lax.shift_right_logical(src_v[pl.ds(j * B + g * 16, 16)], 1)
            b3s = s2 * 3
            b3d = d2s[g] * 3
            for k in range(3):
                ea_k = ea_g[pl.ds((b * 3 + k) * SL + g * 16, 16)]
                plsc.addupdate_scatter(eaccs[k], [d2s[g]], ea_k)
                diff = (plsc.load_gather(np_v, [b3d + k])
                        - plsc.load_gather(np_v, [b3s + k]))
                neabuf[pl.ds((b * 3 + k) * SL + g * 16, 16)] = diff
        for k in range(3):
            pltpu.async_copy(neabuf.at[pl.ds((b * 3 + k) * SL, B)],
                             nea_hbm.at[pl.ds(k * E + base_e + j * B, B)],
                             nsems[b])

        pltpu.make_async_copy(gbuf.at[b], xacc.at[d2r.at[b, 0]],
                              ssems[b]).wait()
        if fire:
            @pl.when(j + NBUF < NCHUNK)
            def _():
                fire_gather(j + NBUF, b)
                fire_ea(j + NBUF, b)

    for b in range(NBUF):
        fire_gather(b, b)
        fire_ea(b, b)

    def outer(j0, _):
        for b in range(NBUF):
            chunk(j0 * NBUF + b, b, True)
        return 0

    lax.fori_loop(0, NCHUNK // NBUF, outer, 0)
    for t in range(NCHUNK - NBUF * (NCHUNK // NBUF)):
        chunk(NBUF * (NCHUNK // NBUF) + t, t, False)

    for t in range(NBUF):
        j = NCHUNK - NBUF + t
        b = j % NBUF
        for k in range(3):
            pltpu.make_async_copy(
                neabuf.at[pl.ds((b * 3 + k) * SL, B)],
                nea_hbm.at[pl.ds(k * E + base_e + j * B, B)],
                nsems[b]).wait()

    for k in range(3):
        pltpu.sync_copy(eaccs[k],
                        ea_out.at[pl.ds((k * NW + wid) * CP, CP)])

    plsc.subcore_barrier()
    for q in range(RPT // B):
        r0 = sid * RPT + q * B
        pltpu.sync_copy(xacc.at[pl.ds(r0, B), :], gbuf.at[0])
        pltpu.sync_copy(gbuf.at[0], xslab.at[cid, pl.ds(r0, B), :])


def kernel(x, pos, edge_index, edge_attr, batch, n_norm,
           W_conv_x, W_conv_e, W_bloom, W_gather_x, W_gather_e):
    del batch, W_bloom
    f32 = jnp.float32

    pos6 = pos.reshape(C, 6)
    posA = pos6[:, 0:3]
    posB = pos6[:, 3:6]
    ei_r = edge_index.reshape(2, E // D, D)
    new_pos, nei_r = pl.pallas_call(
        _tc_prep,
        out_shape=(jax.ShapeDtypeStruct((C, 3), f32),
                   jax.ShapeDtypeStruct((2, E // D, D), jnp.int32)),
    )(posA, posB, ei_r)
    new_edge_index = nei_r.reshape(2, E)

    mesh = plsc.VectorSubcoreMesh(core_axis_name="c", subcore_axis_name="s")
    dma = pltpu.SemaphoreType.DMA
    sc = pl.kernel(
        _sc_body,
        out_type=(jax.ShapeDtypeStruct((NC, CP, D), f32),
                  jax.ShapeDtypeStruct((3 * NW * CP,), f32),
                  jax.ShapeDtypeStruct((3 * E,), f32)),
        mesh=mesh,
        compiler_params=pltpu.CompilerParams(needs_layout_passes=False),
        scratch_types=(
            pltpu.VMEM((EW,), jnp.int32),
            pltpu.VMEM((EW,), jnp.int32),
            pltpu.VMEM((NBUF, 1, B), jnp.int32),
            pltpu.VMEM((15104,), f32),
            pltpu.VMEM((NBUF, B, D), f32),
            pltpu.VMEM((NBUF * 3 * SL,), f32),
            pltpu.VMEM((NBUF * 3 * SL,), f32),
            pltpu.VMEM((CP,), f32),
            pltpu.VMEM((CP,), f32),
            pltpu.VMEM((CP,), f32),
            pltpu.VMEM_SHARED((CP, D), f32),
            dma, dma, dma, dma, dma, dma,
            dma, dma, dma, dma, dma, dma,
        ),
    )
    xslab, ea_part, nea_soa = sc(
        x, edge_index[0], edge_index[1],
        edge_attr.T.reshape(3 * E), new_pos.reshape(3 * C))
    new_edge_attr = nea_soa.reshape(3, E).T

    scale = 2.0 / jnp.asarray(n_norm, f32)
    wg = W_gather_x * scale
    x_new = pl.pallas_call(
        _tc_combine,
        out_shape=jax.ShapeDtypeStruct((C, D), f32),
    )(xslab, ea_part.reshape(3 * NW, CP), W_conv_x[:, D_SPH:],
      W_conv_e[:, D_SPH:], wg)

    return (x_new, new_pos, new_edge_index, new_edge_attr)

# --- scband reference (transcript-rebuilt; emitter-appended) ---
"""Pipeline reference for scband-pooling-8684423873054 (READ-ONLY COPY).

The authoritative reference and input builder live on the scoring server;
editing this copy changes nothing except your own understanding.
"""

import jax, jax.numpy as jnp
import numpy as np

N = 10000
E = 320000
D_IN = 128
D_OUT = 128
LMAX = 2
D_SPH = (LMAX + 1) ** 2  # 9 spherical-harmonic 'bloom' channels
K_BLOOM = 2              # bloom points emitted per node
POOL = 2                 # pooling ratio: clusters C = N // POOL
C = N // POOL


def setup_inputs(seed: int = 0) -> dict:
    key = jax.random.key(seed)
    ks = jax.random.split(key, 9)
    x = jax.random.normal(ks[0], (N, D_IN), dtype=jnp.float32)
    pos = jax.random.normal(ks[1], (N, 3), dtype=jnp.float32)
    edge_index = jax.random.randint(ks[2], (2, E), 0, N, dtype=jnp.int32)
    edge_attr = jax.random.normal(ks[3], (E, 3), dtype=jnp.float32)
    batch = jnp.zeros((N,), dtype=jnp.int32)
    W_conv_x = jax.random.normal(ks[4], (D_IN, D_SPH + D_OUT), dtype=jnp.float32) * (1.0 / np.sqrt(D_IN))
    W_conv_e = jax.random.normal(ks[5], (3, D_SPH + D_OUT), dtype=jnp.float32) * 0.1
    W_bloom = jax.random.normal(ks[6], (D_SPH, K_BLOOM * 3), dtype=jnp.float32) * 0.1
    W_gather_x = jax.random.normal(ks[7], (D_OUT, D_OUT), dtype=jnp.float32) * (1.0 / np.sqrt(D_OUT))
    W_gather_e = jax.random.normal(ks[8], (3, D_OUT), dtype=jnp.float32) * 0.1
    return {"x": x, "pos": pos, "edge_index": edge_index, "edge_attr": edge_attr,
            "batch": batch, "n_norm": 1,
            "W_conv_x": W_conv_x, "W_conv_e": W_conv_e, "W_bloom": W_bloom,
            "W_gather_x": W_gather_x, "W_gather_e": W_gather_e}


def reference(x, pos, edge_index, edge_attr, batch, n_norm,
              W_conv_x, W_conv_e, W_bloom, W_gather_x, W_gather_e):
    src = edge_index[0]
    dst = edge_index[1]
    # bloom conv: edge-wise message = gather(x)[src] * W + edge_attr * W, scatter-add to dst
    msg = x[src] @ W_conv_x + edge_attr @ W_conv_e            # [E, D_SPH + D_OUT]
    out = jax.ops.segment_sum(msg, dst, num_segments=N) / jnp.asarray(n_norm, jnp.float32)
    sph = out[:, :D_SPH]                                       # bloom (sph) channels
    h = out[:, D_SPH:]                                         # feature channels
    # bloom module: each node emits K_BLOOM points offset by learned fn of sph
    offsets = (sph @ W_bloom).reshape(N, K_BLOOM, 3)
    bloom_pos = (pos[:, None, :] + offsets).reshape(N * K_BLOOM, 3)
    bloom_batch = jnp.repeat(jnp.arange(N), K_BLOOM)           # map bloom pt -> original node
    # cluster module (deterministic coarsening so shapes stay static)
    clusters = bloom_batch // POOL                             # map bloom pt -> new node
    # new_pos = scatter_mean(pos[bloom_batch], clusters)
    psum = jax.ops.segment_sum(pos[bloom_batch], clusters, num_segments=C)
    cnt = jax.ops.segment_sum(jnp.ones((N * K_BLOOM, 1), jnp.float32), clusters, num_segments=C)
    new_pos = psum / jnp.maximum(cnt, 1.0)
    # gather conv over bipartite gather_edge_index = [clusters, bloom_batch]
    gather_edge_attr = pos[bloom_batch] - new_pos[clusters]
    gmsg = h[bloom_batch] @ W_gather_x + gather_edge_attr @ W_gather_e
    x_new = jax.ops.segment_sum(gmsg, clusters, num_segments=C)
    # new_edge_index via composition of adjacency with bloom/cluster maps; since every
    # bloom of node n lands in cluster n // POOL, this composes to edge_index // POOL
    new_edge_index = edge_index // POOL
    new_edge_attr = new_pos[new_edge_index[1]] - new_pos[new_edge_index[0]]
    return (x_new, new_pos, new_edge_index, new_edge_attr)

if __name__ == "__main__":
    import jax
    _d = setup_inputs()
    print(jax.jit(kernel)(*tuple(_d.values())))

</pallas_src>

<mosaic_0001>
#map = affine_map<(d0, d1) -> (0, 0)>
#map1 = affine_map<(d0, d1) -> (0)>
#map2 = affine_map<(d0, d1) -> (0, 0, 0)>
module attributes {stable_mosaic.version = 14 : i64} {
  func.func @_sc_body(%arg0: i32, %arg1: i32, %arg2: memref<10000x128xf32, #tpu.memory_space<hbm>>, %arg3: memref<320000xi32, #tpu.memory_space<hbm>>, %arg4: memref<320000xi32, #tpu.memory_space<hbm>>, %arg5: memref<960000xf32, #tpu.memory_space<hbm>>, %arg6: memref<15000xf32, #tpu.memory_space<hbm>>, %arg7: memref<2x5120x128xf32, #tpu.memory_space<hbm>>, %arg8: memref<491520xf32, #tpu.memory_space<hbm>>, %arg9: memref<960000xf32, #tpu.memory_space<hbm>>, %arg10: memref<10000xi32, #tpu.memory_space<vmem>>, %arg11: memref<10000xi32, #tpu.memory_space<vmem>>, %arg12: memref<3x1x80xi32, #tpu.memory_space<vmem>>, %arg13: memref<15104xf32, #tpu.memory_space<vmem>>, %arg14: memref<3x80x128xf32, #tpu.memory_space<vmem>>, %arg15: memref<1152xf32, #tpu.memory_space<vmem>>, %arg16: memref<1152xf32, #tpu.memory_space<vmem>>, %arg17: memref<5120xf32, #tpu.memory_space<vmem>>, %arg18: memref<5120xf32, #tpu.memory_space<vmem>>, %arg19: memref<5120xf32, #tpu.memory_space<vmem>>, %arg20: memref<5120x128xf32, #tpu.memory_space<vmem_shared>>, %arg21: memref<!tpu.dma_semaphore, #tpu.memory_space<semaphore_mem>>, %arg22: memref<!tpu.dma_semaphore, #tpu.memory_space<semaphore_mem>>, %arg23: memref<!tpu.dma_semaphore, #tpu.memory_space<semaphore_mem>>, %arg24: memref<!tpu.dma_semaphore, #tpu.memory_space<semaphore_mem>>, %arg25: memref<!tpu.dma_semaphore, #tpu.memory_space<semaphore_mem>>, %arg26: memref<!tpu.dma_semaphore, #tpu.memory_space<semaphore_mem>>, %arg27: memref<!tpu.dma_semaphore, #tpu.memory_space<semaphore_mem>>, %arg28: memref<!tpu.dma_semaphore, #tpu.memory_space<semaphore_mem>>, %arg29: memref<!tpu.dma_semaphore, #tpu.memory_space<semaphore_mem>>, %arg30: memref<!tpu.dma_semaphore, #tpu.memory_space<semaphore_mem>>, %arg31: memref<!tpu.dma_semaphore, #tpu.memory_space<semaphore_mem>>, %arg32: memref<!tpu.dma_semaphore, #tpu.memory_space<semaphore_mem>>) attributes {dimension_semantics = [#tpu.dimension_semantics<core_parallel>, #tpu.dimension_semantics<subcore_parallel>], iteration_bounds = array<i64: 2, 16>, scalar_prefetch = 0 : i64, scratch_operands = 23 : i64, tpu.core_type = #tpu.core_type<sc_vector_subcore>, window_params = [{transform_indices = #map}, {transform_indices = #map1}, {transform_indices = #map1}, {transform_indices = #map1}, {transform_indices = #map1}, {transform_indices = #map2}, {transform_indices = #map1}, {transform_indices = #map1}]} {
    %mul3A = arith.constant 16 : i32
    %mul3A_0 = arith.muli %arg0, %mul3A : i32
    %add3A = arith.addi %mul3A_0, %arg1 : i32
    %mul3A_1 = arith.constant 10000 : i32
    %mul3A_2 = arith.muli %add3A, %mul3A_1 : i32
    "tpu.region"() ({
      %run_scoped3A_1145 = tpu.sem_alloc : memref<!tpu.dma_semaphore, #tpu.memory_space<semaphore_mem>>
      %dma_start3A_1146 = tpu.memref_slice %arg3[%mul3A_2] : memref<320000xi32, #tpu.memory_space<hbm>> -> memref<10000xi32, #tpu.memory_space<hbm>>
      %dma_start3A_1147 = tpu.memref_slice %arg3[%mul3A_2] : memref<320000xi32, #tpu.memory_space<hbm>> -> memref<10000xi32, #tpu.memory_space<hbm>>
      tpu.enqueue_dma source(%dma_start3A_1147 : memref<10000xi32, #tpu.memory_space<hbm>>) target(%arg10 : memref<10000xi32, #tpu.memory_space<vmem>>) target_semaphore(%run_scoped3A_1145 : memref<!tpu.dma_semaphore, #tpu.memory_space<semaphore_mem>>)
      %dma_wait3A_1148 = tpu.memref_slice %arg3[%mul3A_2] : memref<320000xi32, #tpu.memory_space<hbm>> -> memref<10000xi32, #tpu.memory_space<hbm>>
      %dma_wait3A_1149 = tpu.memref_slice %arg3[%mul3A_2] : memref<320000xi32, #tpu.memory_space<hbm>> -> memref<10000xi32, #tpu.memory_space<hbm>>
      tpu.wait_dma2 semaphore(%run_scoped3A_1145 : memref<!tpu.dma_semaphore, #tpu.memory_space<semaphore_mem>>) src(%dma_wait3A_1149 : memref<10000xi32, #tpu.memory_space<hbm>>) dst(%arg10 : memref<10000xi32, #tpu.memory_space<vmem>>)
      tpu.yield
    }) : () -> ()
    "tpu.region"() ({
      %run_scoped3A_1145 = tpu.sem_alloc : memref<!tpu.dma_semaphore, #tpu.memory_space<semaphore_mem>>
      %dma_start3A_1146 = tpu.memref_slice %arg4[%mul3A_2] : memref<320000xi32, #tpu.memory_space<hbm>> -> memref<10000xi32, #tpu.memory_space<hbm>>
      %dma_start3A_1147 = tpu.memref_slice %arg4[%mul3A_2] : memref<320000xi32, #tpu.memory_space<hbm>> -> memref<10000xi32, #tpu.memory_space<hbm>>
      tpu.enqueue_dma source(%dma_start3A_1147 : memref<10000xi32, #tpu.memory_space<hbm>>) target(%arg11 : memref<10000xi32, #tpu.memory_space<vmem>>) target_semaphore(%run_scoped3A_1145 : memref<!tpu.dma_semaphore, #tpu.memory_space<semaphore_mem>>)
      %dma_wait3A_1148 = tpu.memref_slice %arg4[%mul3A_2] : memref<320000xi32, #tpu.memory_space<hbm>> -> memref<10000xi32, #tpu.memory_space<hbm>>
      %dma_wait3A_1149 = tpu.memref_slice %arg4[%mul3A_2] : memref<320000xi32, #tpu.memory_space<hbm>> -> memref<10000xi32, #tpu.memory_space<hbm>>
      tpu.wait_dma2 semaphore(%run_scoped3A_1145 : memref<!tpu.dma_semaphore, #tpu.memory_space<semaphore_mem>>) src(%dma_wait3A_1149 : memref<10000xi32, #tpu.memory_space<hbm>>) dst(%arg11 : memref<10000xi32, #tpu.memory_space<vmem>>)
      tpu.yield
    }) : () -> ()
    "tpu.region"() ({
      %run_scoped3A_1145 = tpu.sem_alloc : memref<!tpu.dma_semaphore, #tpu.memory_space<semaphore_mem>>
      %dma_start3A_1146 = arith.constant 0 : i32
      %dma_start3A_1147 = tpu.memref_slice %arg13[%dma_start3A_1146] : memref<15104xf32, #tpu.memory_space<vmem>> -> memref<15000xf32, #tpu.memory_space<vmem>>
      %dma_start3A_1148 = arith.constant 0 : i32
      %dma_start3A_1149 = tpu.memref_slice %arg13[%dma_start3A_1148] : memref<15104xf32, #tpu.memory_space<vmem>> -> memref<15000xf32, #tpu.memory_space<vmem>>
      tpu.enqueue_dma source(%arg6 : memref<15000xf32, #tpu.memory_space<hbm>>) target(%dma_start3A_1149 : memref<15000xf32, #tpu.memory_space<vmem>>) target_semaphore(%run_scoped3A_1145 : memref<!tpu.dma_semaphore, #tpu.memory_space<semaphore_mem>>)
      %dma_wait3A_1150 = arith.constant 0 : i32
      %dma_wait3A_1151 = tpu.memref_slice %arg13[%dma_wait3A_1150] : memref<15104xf32, #tpu.memory_space<vmem>> -> memref<15000xf32, #tpu.memory_space<vmem>>
      %dma_wait3A_1152 = arith.constant 0 : i32
      %dma_wait3A_1153 = tpu.memref_slice %arg13[%dma_wait3A_1152] : memref<15104xf32, #tpu.memory_space<vmem>> -> memref<15000xf32, #tpu.memory_space<vmem>>
      tpu.wait_dma2 semaphore(%run_scoped3A_1145 : memref<!tpu.dma_semaphore, #tpu.memory_space<semaphore_mem>>) src(%arg6 : memref<15000xf32, #tpu.memory_space<hbm>>) dst(%dma_wait3A_1153 : memref<15000xf32, #tpu.memory_space<vmem>>)
      tpu.yield
    }) : () -> ()
    %broadcast_in_dim3A = arith.constant 0.000000e+00 : f32
    %broadcast_in_dim3A_3 = vector.broadcast %broadcast_in_dim3A : f32 to vector<16xf32>
    %scan3A = arith.constant 0 : i32
    %scan3A_4 = arith.constant 0 : i32
    %scan3A_5 = arith.constant 80 : i32
    %scan3A_6 = arith.addi %scan3A_4, %scan3A_5 : i32
    %scan3A_7 = arith.constant 1 : i32
    %scan3A_8 = scf.for %scan3A_1145 = %scan3A_4 to %scan3A_6 step %scan3A_7 iter_args(%scan3A_1146 = %scan3A) -> (i32)  : i32 {
      %swap3A_1147 = arith.constant 0 : i32
      %swap3A_1148 = arith.index_cast %swap3A_1147 : i32 to index
      %swap3A_1149 = arith.index_cast %scan3A_1145 : i32 to index
      %swap3A_1150 = arith.constant 0 : index
      %swap3A_1151 = tpu.vector_load %arg14[%swap3A_1148, %swap3A_1149, %swap3A_1150] {strides = array<i32>} : memref<3x80x128xf32, #tpu.memory_space<vmem>>, vector<16xf32>,
      tpu.vector_store %arg14[%swap3A_1148, %swap3A_1149, %swap3A_1150], %broadcast_in_dim3A_3 {strides = array<i32>} : memref<3x80x128xf32, #tpu.memory_space<vmem>>, vector<16xf32>,
      %swap3A_1152 = arith.constant 0 : i32
      %swap3A_1153 = arith.index_cast %swap3A_1152 : i32 to index
      %swap3A_1154 = arith.index_cast %scan3A_1145 : i32 to index
      %swap3A_1155 = arith.constant 16 : index
      %swap3A_1156 = tpu.vector_load %arg14[%swap3A_1153, %swap3A_1154, %swap3A_1155] {strides = array<i32>} : memref<3x80x128xf32, #tpu.memory_space<vmem>>, vector<16xf32>,
      tpu.vector_store %arg14[%swap3A_1153, %swap3A_1154, %swap3A_1155], %broadcast_in_dim3A_3 {strides = array<i32>} : memref<3x80x128xf32, #tpu.memory_space<vmem>>, vector<16xf32>,
      %swap3A_1157 = arith.constant 0 : i32
      %swap3A_1158 = arith.index_cast %swap3A_1157 : i32 to index
      %swap3A_1159 = arith.index_cast %scan3A_1145 : i32 to index
      %swap3A_1160 = arith.constant 32 : index
      %swap3A_1161 = tpu.vector_load %arg14[%swap3A_1158, %swap3A_1159, %swap3A_1160] {strides = array<i32>} : memref<3x80x128xf32, #tpu.memory_space<vmem>>, vector<16xf32>,
      tpu.vector_store %arg14[%swap3A_1158, %swap3A_1159, %swap3A_1160], %broadcast_in_dim3A_3 {strides = array<i32>} : memref<3x80x128xf32, #tpu.memory_space<vmem>>, vector<16xf32>,
      %swap3A_1162 = arith.constant 0 : i32
      %swap3A_1163 = arith.index_cast %swap3A_1162 : i32 to index
      %swap3A_1164 = arith.index_cast %scan3A_1145 : i32 to index
      %swap3A_1165 = arith.constant 48 : index
      %swap3A_1166 = tpu.vector_load %arg14[%swap3A_1163, %swap3A_1164, %swap3A_1165] {strides = array<i32>} : memref<3x80x128xf32, #tpu.memory_space<vmem>>, vector<16xf32>,
      tpu.vector_store %arg14[%swap3A_1163, %swap3A_1164, %swap3A_1165], %broadcast_in_dim3A_3 {strides = array<i32>} : memref<3x80x128xf32, #tpu.memory_space<vmem>>, vector<16xf32>,
      %swap3A_1167 = arith.constant 0 : i32
      %swap3A_1168 = arith.index_cast %swap3A_1167 : i32 to index
      %swap3A_1169 = arith.index_cast %scan3A_1145 : i32 to index
      %swap3A_1170 = arith.constant 64 : index
      %swap3A_1171 = tpu.vector_load %arg14[%swap3A_1168, %swap3A_1169, %swap3A_1170] {strides = array<i32>} : memref<3x80x128xf32, #tpu.memory_space<vmem>>, vector<16xf32>,
      tpu.vector_store %arg14[%swap3A_1168, %swap3A_1169, %swap3A_1170], %broadcast_in_dim3A_3 {strides = array<i32>} : memref<3x80x128xf32, #tpu.memory_space<vmem>>, vector<16xf32>,
      %swap3A_1172 = arith.constant 0 : i32
      %swap3A_1173 = arith.index_cast %swap3A_1172 : i32 to index
      %swap3A_1174 = arith.index_cast %scan3A_1145 : i32 to index
      %swap3A_1175 = arith.constant 80 : index
      %swap3A_1176 = tpu.vector_load %arg14[%swap3A_1173, %swap3A_1174, %swap3A_1175] {strides = array<i32>} : memref<3x80x128xf32, #tpu.memory_space<vmem>>, vector<16xf32>,
      tpu.vector_store %arg14[%swap3A_1173, %swap3A_1174, %swap3A_1175], %broadcast_in_dim3A_3 {strides = array<i32>} : memref<3x80x128xf32, #tpu.memory_space<vmem>>, vector<16xf32>,
      %swap3A_1177 = arith.constant 0 : i32
      %swap3A_1178 = arith.index_cast %swap3A_1177 : i32 to index
      %swap3A_1179 = arith.index_cast %scan3A_1145 : i32 to index
      %swap3A_1180 = arith.constant 96 : index
      %swap3A_1181 = tpu.vector_load %arg14[%swap3A_1178, %swap3A_1179, %swap3A_1180] {strides = array<i32>} : memref<3x80x128xf32, #tpu.memory_space<vmem>>, vector<16xf32>,
      tpu.vector_store %arg14[%swap3A_1178, %swap3A_1179, %swap3A_1180], %broadcast_in_dim3A_3 {strides = array<i32>} : memref<3x80x128xf32, #tpu.memory_space<vmem>>, vector<16xf32>,
      %swap3A_1182 = arith.constant 0 : i32
      %swap3A_1183 = arith.index_cast %swap3A_1182 : i32 to index
      %swap3A_1184 = arith.index_cast %scan3A_1145 : i32 to index
      %swap3A_1185 = arith.constant 112 : index
      %swap3A_1186 = tpu.vector_load %arg14[%swap3A_1183, %swap3A_1184, %swap3A_1185] {strides = array<i32>} : memref<3x80x128xf32, #tpu.memory_space<vmem>>, vector<16xf32>,
      tpu.vector_store %arg14[%swap3A_1183, %swap3A_1184, %swap3A_1185], %broadcast_in_dim3A_3 {strides = array<i32>} : memref<3x80x128xf32, #tpu.memory_space<vmem>>, vector<16xf32>,
      %scan3A_1187 = arith.constant 0 : i32
      scf.yield %scan3A_1187 : i32
    }
    %scan3A_9 = arith.constant 80 : i32
    %scan3A_10 = arith.constant 0 : i32
    %scan3A_11 = arith.constant 0 : i32
    %scan3A_12 = arith.constant 320 : i32
    %scan3A_13 = arith.addi %scan3A_11, %scan3A_12 : i32
    %scan3A_14 = arith.constant 1 : i32
    %scan3A_15 = scf.for %scan3A_1145 = %scan3A_11 to %scan3A_13 step %scan3A_14 iter_args(%scan3A_1146 = %scan3A_10) -> (i32)  : i32 {
      %mul3A_1147 = arith.constant 16 : i32
      %mul3A_1148 = arith.muli %scan3A_1145, %mul3A_1147 : i32
      %swap3A_1149 = arith.index_cast %mul3A_1148 : i32 to index
      %swap3A_1150 = tpu.vector_load %arg17[%swap3A_1149] {strides = array<i32>} : memref<5120xf32, #tpu.memory_space<vmem>>, vector<16xf32>,
      tpu.vector_store %arg17[%swap3A_1149], %broadcast_in_dim3A_3 {strides = array<i32>} : memref<5120xf32, #tpu.memory_space<vmem>>, vector<16xf32>,
      %mul3A_1151 = arith.constant 16 : i32
      %mul3A_1152 = arith.muli %scan3A_1145, %mul3A_1151 : i32
      %swap3A_1153 = arith.index_cast %mul3A_1152 : i32 to index
      %swap3A_1154 = tpu.vector_load %arg18[%swap3A_1153] {strides = array<i32>} : memref<5120xf32, #tpu.memory_space<vmem>>, vector<16xf32>,
      tpu.vector_store %arg18[%swap3A_1153], %broadcast_in_dim3A_3 {strides = array<i32>} : memref<5120xf32, #tpu.memory_space<vmem>>, vector<16xf32>,
      %mul3A_1155 = arith.constant 16 : i32
      %mul3A_1156 = arith.muli %scan3A_1145, %mul3A_1155 : i32
      %swap3A_1157 = arith.index_cast %mul3A_1156 : i32 to index
      %swap3A_1158 = tpu.vector_load %arg19[%swap3A_1157] {strides = array<i32>} : memref<5120xf32, #tpu.memory_space<vmem>>, vector<16xf32>,
      tpu.vector_store %arg19[%swap3A_1157], %broadcast_in_dim3A_3 {strides = array<i32>} : memref<5120xf32, #tpu.memory_space<vmem>>, vector<16xf32>,
      %scan3A_1159 = arith.constant 0 : i32
      scf.yield %scan3A_1159 : i32
    }
    %scan3A_16 = arith.constant 320 : i32
    %mul3A_17 = arith.constant 320 : i32
    %mul3A_18 = arith.muli %arg1, %mul3A_17 : i32
    %add3A_19 = arith.constant 0 : i32
    %add3A_20 = arith.addi %mul3A_18, %add3A_19 : i32
    %run_scoped3A = arith.constant 0 : i32
    "tpu.region"() ({
      %run_scoped3A_1145 = tpu.sem_alloc : memref<!tpu.dma_semaphore, #tpu.memory_space<semaphore_mem>>
      %dma_start3A_1146 = arith.constant 0 : i32
      %dma_start3A_1147 = arith.constant 0 : i32
      %dma_start3A_1148 = tpu.memref_slice %arg14[%run_scoped3A, %dma_start3A_1146, %dma_start3A_1147] : memref<3x80x128xf32, #tpu.memory_space<vmem>> -> memref<1x80x128xf32, #tpu.memory_space<vmem>>
      %dma_start3A_1149 = tpu.memref_squeeze %dma_start3A_1148 : memref<1x80x128xf32, #tpu.memory_space<vmem>> -> memref<80x128xf32, #tpu.memory_space<vmem>>
      %dma_start3A_1150 = arith.constant 0 : i32
      %dma_start3A_1151 = tpu.memref_slice %arg20[%add3A_20, %dma_start3A_1150] : memref<5120x128xf32, #tpu.memory_space<vmem_shared>> -> memref<80x128xf32, #tpu.memory_space<vmem_shared>>
      %dma_start3A_1152 = arith.constant 0 : i32
      %dma_start3A_1153 = tpu.memref_slice %arg20[%add3A_20, %dma_start3A_1152] : memref<5120x128xf32, #tpu.memory_space<vmem_shared>> -> memref<80x128xf32, #tpu.memory_space<vmem_shared>>
      %dma_start3A_1154 = arith.constant 0 : i32
      %dma_start3A_1155 = arith.constant 0 : i32
      %dma_start3A_1156 = tpu.memref_slice %arg14[%run_scoped3A, %dma_start3A_1154, %dma_start3A_1155] : memref<3x80x128xf32, #tpu.memory_space<vmem>> -> memref<1x80x128xf32, #tpu.memory_space<vmem>>
      %dma_start3A_1157 = tpu.memref_squeeze %dma_start3A_1156 : memref<1x80x128xf32, #tpu.memory_space<vmem>> -> memref<80x128xf32, #tpu.memory_space<vmem>>
      tpu.enqueue_dma source(%dma_start3A_1157 : memref<80x128xf32, #tpu.memory_space<vmem>>) target(%dma_start3A_1153 : memref<80x128xf32, #tpu.memory_space<vmem_shared>>) target_semaphore(%run_scoped3A_1145 : memref<!tpu.dma_semaphore, #tpu.memory_space<semaphore_mem>>)
      %dma_wait3A_1158 = arith.constant 0 : i32
      %dma_wait3A_1159 = arith.constant 0 : i32
      %dma_wait3A_1160 = tpu.memref_slice %arg14[%run_scoped3A, %dma_wait3A_1158, %dma_wait3A_1159] : memref<3x80x128xf32, #tpu.memory_space<vmem>> -> memref<1x80x128xf32, #tpu.memory_space<vmem>>
      %dma_wait3A_1161 = tpu.memref_squeeze %dma_wait3A_1160 : memref<1x80x128xf32, #tpu.memory_space<vmem>> -> memref<80x128xf32, #tpu.memory_space<vmem>>
      %dma_wait3A_1162 = arith.constant 0 : i32
      %dma_wait3A_1163 = tpu.memref_slice %arg20[%add3A_20, %dma_wait3A_1162] : memref<5120x128xf32, #tpu.memory_space<vmem_shared>> -> memref<80x128xf32, #tpu.memory_space<vmem_shared>>
      %dma_wait3A_1164 = arith.constant 0 : i32
      %dma_wait3A_1165 = tpu.memref_slice %arg20[%add3A_20, %dma_wait3A_1164] : memref<5120x128xf32, #tpu.memory_space<vmem_shared>> -> memref<80x128xf32, #tpu.memory_space<vmem_shared>>
      %dma_wait3A_1166 = arith.constant 0 : i32
      %dma_wait3A_1167 = arith.constant 0 : i32
      %dma_wait3A_1168 = tpu.memref_slice %arg14[%run_scoped3A, %dma_wait3A_1166, %dma_wait3A_1167] : memref<3x80x128xf32, #tpu.memory_space<vmem>> -> memref<1x80x128xf32, #tpu.memory_space<vmem>>
      %dma_wait3A_1169 = tpu.memref_squeeze %dma_wait3A_1168 : memref<1x80x128xf32, #tpu.memory_space<vmem>> -> memref<80x128xf32, #tpu.memory_space<vmem>>
      tpu.wait_dma2 semaphore(%run_scoped3A_1145 : memref<!tpu.dma_semaphore, #tpu.memory_space<semaphore_mem>>) src(%dma_wait3A_1169 : memref<80x128xf32, #tpu.memory_space<vmem>>) dst(%dma_wait3A_1165 : memref<80x128xf32, #tpu.memory_space<vmem_shared>>)
      tpu.yield
    }) : () -> ()
    %mul3A_21 = arith.constant 320 : i32
    %mul3A_22 = arith.muli %arg1, %mul3A_21 : i32
    %add3A_23 = arith.constant 80 : i32
    %add3A_24 = arith.addi %mul3A_22, %add3A_23 : i32
    %run_scoped3A_25 = arith.constant 0 : i32
    "tpu.region"() ({
      %run_scoped3A_1145 = tpu.sem_alloc : memref<!tpu.dma_semaphore, #tpu.memory_space<semaphore_mem>>
      %dma_start3A_1146 = arith.constant 0 : i32
      %dma_start3A_1147 = arith.constant 0 : i32
      %dma_start3A_1148 = tpu.memref_slice %arg14[%run_scoped3A_25, %dma_start3A_1146, %dma_start3A_1147] : memref<3x80x128xf32, #tpu.memory_space<vmem>> -> memref<1x80x128xf32, #tpu.memory_space<vmem>>
      %dma_start3A_1149 = tpu.memref_squeeze %dma_start3A_1148 : memref<1x80x128xf32, #tpu.memory_space<vmem>> -> memref<80x128xf32, #tpu.memory_space<vmem>>
      %dma_start3A_1150 = arith.constant 0 : i32
      %dma_start3A_1151 = tpu.memref_slice %arg20[%add3A_24, %dma_start3A_1150] : memref<5120x128xf32, #tpu.memory_space<vmem_shared>> -> memref<80x128xf32, #tpu.memory_space<vmem_shared>>
      %dma_start3A_1152 = arith.constant 0 : i32
      %dma_start3A_1153 = tpu.memref_slice %arg20[%add3A_24, %dma_start3A_1152] : memref<5120x128xf32, #tpu.memory_space<vmem_shared>> -> memref<80x128xf32, #tpu.memory_space<vmem_shared>>
      %dma_start3A_1154 = arith.constant 0 : i32
      %dma_start3A_1155 = arith.constant 0 : i32
      %dma_start3A_1156 = tpu.memref_slice %arg14[%run_scoped3A_25, %dma_start3A_1154, %dma_start3A_1155] : memref<3x80x128xf32, #tpu.memory_space<vmem>> -> memref<1x80x128xf32, #tpu.memory_space<vmem>>
      %dma_start3A_1157 = tpu.memref_squeeze %dma_start3A_1156 : memref<1x80x128xf32, #tpu.memory_space<vmem>> -> memref<80x128xf32, #tpu.memory_space<vmem>>
      tpu.enqueue_dma source(%dma_start3A_1157 : memref<80x128xf32, #tpu.memory_space<vmem>>) target(%dma_start3A_1153 : memref<80x128xf32, #tpu.memory_space<vmem_shared>>) target_semaphore(%run_scoped3A_1145 : memref<!tpu.dma_semaphore, #tpu.memory_space<semaphore_mem>>)
      %dma_wait3A_1158 = arith.constant 0 : i32
      %dma_wait3A_1159 = arith.constant 0 : i32
      %dma_wait3A_1160 = tpu.memref_slice %arg14[%run_scoped3A_25, %dma_wait3A_1158, %dma_wait3A_1159] : memref<3x80x128xf32, #tpu.memory_space<vmem>> -> memref<1x80x128xf32, #tpu.memory_space<vmem>>
      %dma_wait3A_1161 = tpu.memref_squeeze %dma_wait3A_1160 : memref<1x80x128xf32, #tpu.memory_space<vmem>> -> memref<80x128xf32, #tpu.memory_space<vmem>>
      %dma_wait3A_1162 = arith.constant 0 : i32
      %dma_wait3A_1163 = tpu.memref_slice %arg20[%add3A_24, %dma_wait3A_1162] : memref<5120x128xf32, #tpu.memory_space<vmem_shared>> -> memref<80x128xf32, #tpu.memory_space<vmem_shared>>
      %dma_wait3A_1164 = arith.constant 0 : i32
      %dma_wait3A_1165 = tpu.memref_slice %arg20[%add3A_24, %dma_wait3A_1164] : memref<5120x128xf32, #tpu.memory_space<vmem_shared>> -> memref<80x128xf32, #tpu.memory_space<vmem_shared>>
      %dma_wait3A_1166 = arith.constant 0 : i32
      %dma_wait3A_1167 = arith.constant 0 : i32
      %dma_wait3A_1168 = tpu.memref_slice %arg14[%run_scoped3A_25, %dma_wait3A_1166, %dma_wait3A_1167] : memref<3x80x128xf32, #tpu.memory_space<vmem>> -> memref<1x80x128xf32, #tpu.memory_space<vmem>>
      %dma_wait3A_1169 = tpu.memref_squeeze %dma_wait3A_1168 : memref<1x80x128xf32, #tpu.memory_space<vmem>> -> memref<80x128xf32, #tpu.memory_space<vmem>>
      tpu.wait_dma2 semaphore(%run_scoped3A_1145 : memref<!tpu.dma_semaphore, #tpu.memory_space<semaphore_mem>>) src(%dma_wait3A_1169 : memref<80x128xf32, #tpu.memory_space<vmem>>) dst(%dma_wait3A_1165 : memref<80x128xf32, #tpu.memory_space<vmem_shared>>)
      tpu.yield
    }) : () -> ()
    %mul3A_26 = arith.constant 320 : i32
    %mul3A_27 = arith.muli %arg1, %mul3A_26 : i32
    %add3A_28 = arith.constant 160 : i32
    %add3A_29 = arith.addi %mul3A_27, %add3A_28 : i32
    %run_scoped3A_30 = arith.constant 0 : i32
    "tpu.region"() ({
      %run_scoped3A_1145 = tpu.sem_alloc : memref<!tpu.dma_semaphore, #tpu.memory_space<semaphore_mem>>
      %dma_start3A_1146 = arith.constant 0 : i32
      %dma_start3A_1147 = arith.constant 0 : i32
      %dma_start3A_1148 = tpu.memref_slice %arg14[%run_scoped3A_30, %dma_start3A_1146, %dma_start3A_1147] : memref<3x80x128xf32, #tpu.memory_space<vmem>> -> memref<1x80x128xf32, #tpu.memory_space<vmem>>
      %dma_start3A_1149 = tpu.memref_squeeze %dma_start3A_1148 : memref<1x80x128xf32, #tpu.memory_space<vmem>> -> memref<80x128xf32, #tpu.memory_space<vmem>>
      %dma_start3A_1150 = arith.constant 0 : i32
      %dma_start3A_1151 = tpu.memref_slice %arg20[%add3A_29, %dma_start3A_1150] : memref<5120x128xf32, #tpu.memory_space<vmem_shared>> -> memref<80x128xf32, #tpu.memory_space<vmem_shared>>
      %dma_start3A_1152 = arith.constant 0 : i32
      %dma_start3A_1153 = tpu.memref_slice %arg20[%add3A_29, %dma_start3A_1152] : memref<5120x128xf32, #tpu.memory_space<vmem_shared>> -> memref<80x128xf32, #tpu.memory_space<vmem_shared>>
      %dma_start3A_1154 = arith.constant 0 : i32
      %dma_start3A_1155 = arith.constant 0 : i32
      %dma_start3A_1156 = tpu.memref_slice %arg14[%run_scoped3A_30, %dma_start3A_1154, %dma_start3A_1155] : memref<3x80x128xf32, #tpu.memory_space<vmem>> -> memref<1x80x128xf32, #tpu.memory_space<vmem>>
      %dma_start3A_1157 = tpu.memref_squeeze %dma_start3A_1156 : memref<1x80x128xf32, #tpu.memory_space<vmem>> -> memref<80x128xf32, #tpu.memory_space<vmem>>
      tpu.enqueue_dma source(%dma_start3A_1157 : memref<80x128xf32, #tpu.memory_space<vmem>>) target(%dma_start3A_1153 : memref<80x128xf32, #tpu.memory_space<vmem_shared>>) target_semaphore(%run_scoped3A_1145 : memref<!tpu.dma_semaphore, #tpu.memory_space<semaphore_mem>>)
      %dma_wait3A_1158 = arith.constant 0 : i32
      %dma_wait3A_1159 = arith.constant 0 : i32
      %dma_wait3A_1160 = tpu.memref_slice %arg14[%run_scoped3A_30, %dma_wait3A_1158, %dma_wait3A_1159] : memref<3x80x128xf32, #tpu.memory_space<vmem>> -> memref<1x80x128xf32, #tpu.memory_space<vmem>>
      %dma_wait3A_1161 = tpu.memref_squeeze %dma_wait3A_1160 : memref<1x80x128xf32, #tpu.memory_space<vmem>> -> memref<80x128xf32, #tpu.memory_space<vmem>>
      %dma_wait3A_1162 = arith.constant 0 : i32
      %dma_wait3A_1163 = tpu.memref_slice %arg20[%add3A_29, %dma_wait3A_1162] : memref<5120x128xf32, #tpu.memory_space<vmem_shared>> -> memref<80x128xf32, #tpu.memory_space<vmem_shared>>
      %dma_wait3A_1164 = arith.constant 0 : i32
      %dma_wait3A_1165 = tpu.memref_slice %arg20[%add3A_29, %dma_wait3A_1164] : memref<5120x128xf32, #tpu.memory_space<vmem_shared>> -> memref<80x128xf32, #tpu.memory_space<vmem_shared>>
      %dma_wait3A_1166 = arith.constant 0 : i32
      %dma_wait3A_1167 = arith.constant 0 : i32
      %dma_wait3A_1168 = tpu.memref_slice %arg14[%run_scoped3A_30, %dma_wait3A_1166, %dma_wait3A_1167] : memref<3x80x128xf32, #tpu.memory_space<vmem>> -> memref<1x80x128xf32, #tpu.memory_space<vmem>>
      %dma_wait3A_1169 = tpu.memref_squeeze %dma_wait3A_1168 : memref<1x80x128xf32, #tpu.memory_space<vmem>> -> memref<80x128xf32, #tpu.memory_space<vmem>>
      tpu.wait_dma2 semaphore(%run_scoped3A_1145 : memref<!tpu.dma_semaphore, #tpu.memory_space<semaphore_mem>>) src(%dma_wait3A_1169 : memref<80x128xf32, #tpu.memory_space<vmem>>) dst(%dma_wait3A_1165 : memref<80x128xf32, #tpu.memory_space<vmem_shared>>)
      tpu.yield
    }) : () -> ()
    %mul3A_31 = arith.constant 320 : i32
    %mul3A_32 = arith.muli %arg1, %mul3A_31 : i32
    %add3A_33 = arith.constant 240 : i32
    %add3A_34 = arith.addi %mul3A_32, %add3A_33 : i32
    %run_scoped3A_35 = arith.constant 0 : i32
    "tpu.region"() ({
      %run_scoped3A_1145 = tpu.sem_alloc : memref<!tpu.dma_semaphore, #tpu.memory_space<semaphore_mem>>
      %dma_start3A_1146 = arith.constant 0 : i32
      %dma_start3A_1147 = arith.constant 0 : i32
      %dma_start3A_1148 = tpu.memref_slice %arg14[%run_scoped3A_35, %dma_start3A_1146, %dma_start3A_1147] : memref<3x80x128xf32, #tpu.memory_space<vmem>> -> memref<1x80x128xf32, #tpu.memory_space<vmem>>
      %dma_start3A_1149 = tpu.memref_squeeze %dma_start3A_1148 : memref<1x80x128xf32, #tpu.memory_space<vmem>> -> memref<80x128xf32, #tpu.memory_space<vmem>>
      %dma_start3A_1150 = arith.constant 0 : i32
      %dma_start3A_1151 = tpu.memref_slice %arg20[%add3A_34, %dma_start3A_1150] : memref<5120x128xf32, #tpu.memory_space<vmem_shared>> -> memref<80x128xf32, #tpu.memory_space<vmem_shared>>
      %dma_start3A_1152 = arith.constant 0 : i32
      %dma_start3A_1153 = tpu.memref_slice %arg20[%add3A_34, %dma_start3A_1152] : memref<5120x128xf32, #tpu.memory_space<vmem_shared>> -> memref<80x128xf32, #tpu.memory_space<vmem_shared>>
      %dma_start3A_1154 = arith.constant 0 : i32
      %dma_start3A_1155 = arith.constant 0 : i32
      %dma_start3A_1156 = tpu.memref_slice %arg14[%run_scoped3A_35, %dma_start3A_1154, %dma_start3A_1155] : memref<3x80x128xf32, #tpu.memory_space<vmem>> -> memref<1x80x128xf32, #tpu.memory_space<vmem>>
      %dma_start3A_1157 = tpu.memref_squeeze %dma_start3A_1156 : memref<1x80x128xf32, #tpu.memory_space<vmem>> -> memref<80x128xf32, #tpu.memory_space<vmem>>
      tpu.enqueue_dma source(%dma_start3A_1157 : memref<80x128xf32, #tpu.memory_space<vmem>>) target(%dma_start3A_1153 : memref<80x128xf32, #tpu.memory_space<vmem_shared>>) target_semaphore(%run_scoped3A_1145 : memref<!tpu.dma_semaphore, #tpu.memory_space<semaphore_mem>>)
      %dma_wait3A_1158 = arith.constant 0 : i32
      %dma_wait3A_1159 = arith.constant 0 : i32
      %dma_wait3A_1160 = tpu.memref_slice %arg14[%run_scoped3A_35, %dma_wait3A_1158, %dma_wait3A_1159] : memref<3x80x128xf32, #tpu.memory_space<vmem>> -> memref<1x80x128xf32, #tpu.memory_space<vmem>>
      %dma_wait3A_1161 = tpu.memref_squeeze %dma_wait3A_1160 : memref<1x80x128xf32, #tpu.memory_space<vmem>> -> memref<80x128xf32, #tpu.memory_space<vmem>>
      %dma_wait3A_1162 = arith.constant 0 : i32
      %dma_wait3A_1163 = tpu.memref_slice %arg20[%add3A_34, %dma_wait3A_1162] : memref<5120x128xf32, #tpu.memory_space<vmem_shared>> -> memref<80x128xf32, #tpu.memory_space<vmem_shared>>
      %dma_wait3A_1164 = arith.constant 0 : i32
      %dma_wait3A_1165 = tpu.memref_slice %arg20[%add3A_34, %dma_wait3A_1164] : memref<5120x128xf32, #tpu.memory_space<vmem_shared>> -> memref<80x128xf32, #tpu.memory_space<vmem_shared>>
      %dma_wait3A_1166 = arith.constant 0 : i32
      %dma_wait3A_1167 = arith.constant 0 : i32
      %dma_wait3A_1168 = tpu.memref_slice %arg14[%run_scoped3A_35, %dma_wait3A_1166, %dma_wait3A_1167] : memref<3x80x128xf32, #tpu.memory_space<vmem>> -> memref<1x80x128xf32, #tpu.memory_space<vmem>>
      %dma_wait3A_1169 = tpu.memref_squeeze %dma_wait3A_1168 : memref<1x80x128xf32, #tpu.memory_space<vmem>> -> memref<80x128xf32, #tpu.memory_space<vmem>>
      tpu.wait_dma2 semaphore(%run_scoped3A_1145 : memref<!tpu.dma_semaphore, #tpu.memory_space<semaphore_mem>>) src(%dma_wait3A_1169 : memref<80x128xf32, #tpu.memory_space<vmem>>) dst(%dma_wait3A_1165 : memref<80x128xf32, #tpu.memory_space<vmem_shared>>)
      tpu.yield
    }) : () -> ()
    %barrier3A = arith.constant 0 : index
    tpu.barrier barrier_id(%barrier3A)
    %dma_start3A = arith.constant 0 : i32
    %dma_start3A_36 = arith.constant 0 : i32
    %dma_start3A_37 = arith.constant 0 : i32
    %dma_start3A_38 = tpu.memref_slice %arg14[%dma_start3A, %dma_start3A_36, %dma_start3A_37] : memref<3x80x128xf32, #tpu.memory_space<vmem>> -> memref<1x80x128xf32, #tpu.memory_space<vmem>>
    %dma_start3A_39 = tpu.memref_squeeze %dma_start3A_38 : memref<1x80x128xf32, #tpu.memory_space<vmem>> -> memref<80x128xf32, #tpu.memory_space<vmem>>
    %dma_start3A_40 = arith.constant 0 : i32
    %dma_start3A_41 = tpu.memref_slice %arg10[%dma_start3A_40] : memref<10000xi32, #tpu.memory_space<vmem>> -> memref<80xi32, #tpu.memory_space<vmem>>
    %dma_start3A_42 = arith.constant 0 : i32
    %dma_start3A_43 = arith.constant 0 : i32
    %dma_start3A_44 = tpu.memref_slice %arg2[%dma_start3A_42, %dma_start3A_43] : memref<10000x128xf32, #tpu.memory_space<hbm>> -> memref<10000x128xf32, #tpu.memory_space<hbm>>
    tpu.enqueue_indirect_dma source(%dma_start3A_44 : memref<10000x128xf32, #tpu.memory_space<hbm>>) target(%dma_start3A_39 : memref<80x128xf32, #tpu.memory_space<vmem>>) offsets(%dma_start3A_41 : memref<80xi32, #tpu.memory_space<vmem>>) semaphore(%arg21 : memref<!tpu.dma_semaphore, #tpu.memory_space<semaphore_mem>>)
    %add3A_45 = arith.constant 0 : i32
    %add3A_46 = arith.addi %add3A_45, %mul3A_2 : i32
    %add3A_47 = arith.constant 0 : i32
    %add3A_48 = arith.addi %add3A_46, %add3A_47 : i32
    %dma_start3A_49 = arith.constant 0 : i32
    %dma_start3A_50 = tpu.memref_slice %arg15[%dma_start3A_49] : memref<1152xf32, #tpu.memory_space<vmem>> -> memref<80xf32, #tpu.memory_space<vmem>>
    %dma_start3A_51 = tpu.memref_slice %arg5[%add3A_48] : memref<960000xf32, #tpu.memory_space<hbm>> -> memref<80xf32, #tpu.memory_space<hbm>>
    %dma_start3A_52 = arith.constant 0 : i32
    %dma_start3A_53 = tpu.memref_slice %arg15[%dma_start3A_52] : memref<1152xf32, #tpu.memory_space<vmem>> -> memref<80xf32, #tpu.memory_space<vmem>>
    %dma_start3A_54 = tpu.memref_slice %arg5[%add3A_48] : memref<960000xf32, #tpu.memory_space<hbm>> -> memref<80xf32, #tpu.memory_space<hbm>>
    tpu.enqueue_dma source(%dma_start3A_54 : memref<80xf32, #tpu.memory_space<hbm>>) target(%dma_start3A_53 : memref<80xf32, #tpu.memory_space<vmem>>) target_semaphore(%arg30 : memref<!tpu.dma_semaphore, #tpu.memory_space<semaphore_mem>>)
    %add3A_55 = arith.constant 320000 : i32
    %add3A_56 = arith.addi %add3A_55, %mul3A_2 : i32
    %add3A_57 = arith.constant 0 : i32
    %add3A_58 = arith.addi %add3A_56, %add3A_57 : i32
    %dma_start3A_59 = arith.constant 128 : i32
    %dma_start3A_60 = tpu.memref_slice %arg15[%dma_start3A_59] : memref<1152xf32, #tpu.memory_space<vmem>> -> memref<80xf32, #tpu.memory_space<vmem>>
    %dma_start3A_61 = tpu.memref_slice %arg5[%add3A_58] : memref<960000xf32, #tpu.memory_space<hbm>> -> memref<80xf32, #tpu.memory_space<hbm>>
    %dma_start3A_62 = arith.constant 128 : i32
    %dma_start3A_63 = tpu.memref_slice %arg15[%dma_start3A_62] : memref<1152xf32, #tpu.memory_space<vmem>> -> memref<80xf32, #tpu.memory_space<vmem>>
    %dma_start3A_64 = tpu.memref_slice %arg5[%add3A_58] : memref<960000xf32, #tpu.memory_space<hbm>> -> memref<80xf32, #tpu.memory_space<hbm>>
    tpu.enqueue_dma source(%dma_start3A_64 : memref<80xf32, #tpu.memory_space<hbm>>) target(%dma_start3A_63 : memref<80xf32, #tpu.memory_space<vmem>>) target_semaphore(%arg30 : memref<!tpu.dma_semaphore, #tpu.memory_space<semaphore_mem>>)
    %add3A_65 = arith.constant 640000 : i32
    %add3A_66 = arith.addi %add3A_65, %mul3A_2 : i32
    %add3A_67 = arith.constant 0 : i32
    %add3A_68 = arith.addi %add3A_66, %add3A_67 : i32
    %dma_start3A_69 = arith.constant 256 : i32
    %dma_start3A_70 = tpu.memref_slice %arg15[%dma_start3A_69] : memref<1152xf32, #tpu.memory_space<vmem>> -> memref<80xf32, #tpu.memory_space<vmem>>
    %dma_start3A_71 = tpu.memref_slice %arg5[%add3A_68] : memref<960000xf32, #tpu.memory_space<hbm>> -> memref<80xf32, #tpu.memory_space<hbm>>
    %dma_start3A_72 = arith.constant 256 : i32
    %dma_start3A_73 = tpu.memref_slice %arg15[%dma_start3A_72] : memref<1152xf32, #tpu.memory_space<vmem>> -> memref<80xf32, #tpu.memory_space<vmem>>
    %dma_start3A_74 = tpu.memref_slice %arg5[%add3A_68] : memref<960000xf32, #tpu.memory_space<hbm>> -> memref<80xf32, #tpu.memory_space<hbm>>
    tpu.enqueue_dma source(%dma_start3A_74 : memref<80xf32, #tpu.memory_space<hbm>>) target(%dma_start3A_73 : memref<80xf32, #tpu.memory_space<vmem>>) target_semaphore(%arg30 : memref<!tpu.dma_semaphore, #tpu.memory_space<semaphore_mem>>)
    %dma_start3A_75 = arith.constant 1 : i32
    %dma_start3A_76 = arith.constant 0 : i32
    %dma_start3A_77 = arith.constant 0 : i32
    %dma_start3A_78 = tpu.memref_slice %arg14[%dma_start3A_75, %dma_start3A_76, %dma_start3A_77] : memref<3x80x128xf32, #tpu.memory_space<vmem>> -> memref<1x80x128xf32, #tpu.memory_space<vmem>>
    %dma_start3A_79 = tpu.memref_squeeze %dma_start3A_78 : memref<1x80x128xf32, #tpu.memory_space<vmem>> -> memref<80x128xf32, #tpu.memory_space<vmem>>
    %dma_start3A_80 = arith.constant 80 : i32
    %dma_start3A_81 = tpu.memref_slice %arg10[%dma_start3A_80] : memref<10000xi32, #tpu.memory_space<vmem>> -> memref<80xi32, #tpu.memory_space<vmem>>
    %dma_start3A_82 = arith.constant 0 : i32
    %dma_start3A_83 = arith.constant 0 : i32
    %dma_start3A_84 = tpu.memref_slice %arg2[%dma_start3A_82, %dma_start3A_83] : memref<10000x128xf32, #tpu.memory_space<hbm>> -> memref<10000x128xf32, #tpu.memory_space<hbm>>
    tpu.enqueue_indirect_dma source(%dma_start3A_84 : memref<10000x128xf32, #tpu.memory_space<hbm>>) target(%dma_start3A_79 : memref<80x128xf32, #tpu.memory_space<vmem>>) offsets(%dma_start3A_81 : memref<80xi32, #tpu.memory_space<vmem>>) semaphore(%arg22 : memref<!tpu.dma_semaphore, #tpu.memory_space<semaphore_mem>>)
    %add3A_85 = arith.constant 0 : i32
    %add3A_86 = arith.addi %add3A_85, %mul3A_2 : i32
    %add3A_87 = arith.constant 80 : i32
    %add3A_88 = arith.addi %add3A_86, %add3A_87 : i32
    %dma_start3A_89 = arith.constant 384 : i32
    %dma_start3A_90 = tpu.memref_slice %arg15[%dma_start3A_89] : memref<1152xf32, #tpu.memory_space<vmem>> -> memref<80xf32, #tpu.memory_space<vmem>>
    %dma_start3A_91 = tpu.memref_slice %arg5[%add3A_88] : memref<960000xf32, #tpu.memory_space<hbm>> -> memref<80xf32, #tpu.memory_space<hbm>>
    %dma_start3A_92 = arith.constant 384 : i32
    %dma_start3A_93 = tpu.memref_slice %arg15[%dma_start3A_92] : memref<1152xf32, #tpu.memory_space<vmem>> -> memref<80xf32, #tpu.memory_space<vmem>>
    %dma_start3A_94 = tpu.memref_slice %arg5[%add3A_88] : memref<960000xf32, #tpu.memory_space<hbm>> -> memref<80xf32, #tpu.memory_space<hbm>>
    tpu.enqueue_dma source(%dma_start3A_94 : memref<80xf32, #tpu.memory_space<hbm>>) target(%dma_start3A_93 : memref<80xf32, #tpu.memory_space<vmem>>) target_semaphore(%arg31 : memref<!tpu.dma_semaphore, #tpu.memory_space<semaphore_mem>>)
    %add3A_95 = arith.constant 320000 : i32
    %add3A_96 = arith.addi %add3A_95, %mul3A_2 : i32
    %add3A_97 = arith.constant 80 : i32
    %add3A_98 = arith.addi %add3A_96, %add3A_97 : i32
    %dma_start3A_99 = arith.constant 512 : i32
    %dma_start3A_100 = tpu.memref_slice %arg15[%dma_start3A_99] : memref<1152xf32, #tpu.memory_space<vmem>> -> memref<80xf32, #tpu.memory_space<vmem>>
    %dma_start3A_101 = tpu.memref_slice %arg5[%add3A_98] : memref<960000xf32, #tpu.memory_space<hbm>> -> memref<80xf32, #tpu.memory_space<hbm>>
    %dma_start3A_102 = arith.constant 512 : i32
    %dma_start3A_103 = tpu.memref_slice %arg15[%dma_start3A_102] : memref<1152xf32, #tpu.memory_space<vmem>> -> memref<80xf32, #tpu.memory_space<vmem>>
    %dma_start3A_104 = tpu.memref_slice %arg5[%add3A_98] : memref<960000xf32, #tpu.memory_space<hbm>> -> memref<80xf32, #tpu.memory_space<hbm>>
    tpu.enqueue_dma source(%dma_start3A_104 : memref<80xf32, #tpu.memory_space<hbm>>) target(%dma_start3A_103 : memref<80xf32, #tpu.memory_space<vmem>>) target_semaphore(%arg31 : memref<!tpu.dma_semaphore, #tpu.memory_space<semaphore_mem>>)
    %add3A_105 = arith.constant 640000 : i32
    %add3A_106 = arith.addi %add3A_105, %mul3A_2 : i32
    %add3A_107 = arith.constant 80 : i32
    %add3A_108 = arith.addi %add3A_106, %add3A_107 : i32
    %dma_start3A_109 = arith.constant 640 : i32
    %dma_start3A_110 = tpu.memref_slice %arg15[%dma_start3A_109] : memref<1152xf32, #tpu.memory_space<vmem>> -> memref<80xf32, #tpu.memory_space<vmem>>
    %dma_start3A_111 = tpu.memref_slice %arg5[%add3A_108] : memref<960000xf32, #tpu.memory_space<hbm>> -> memref<80xf32, #tpu.memory_space<hbm>>
    %dma_start3A_112 = arith.constant 640 : i32
    %dma_start3A_113 = tpu.memref_slice %arg15[%dma_start3A_112] : memref<1152xf32, #tpu.memory_space<vmem>> -> memref<80xf32, #tpu.memory_space<vmem>>
    %dma_start3A_114 = tpu.memref_slice %arg5[%add3A_108] : memref<960000xf32, #tpu.memory_space<hbm>> -> memref<80xf32, #tpu.memory_space<hbm>>
    tpu.enqueue_dma source(%dma_start3A_114 : memref<80xf32, #tpu.memory_space<hbm>>) target(%dma_start3A_113 : memref<80xf32, #tpu.memory_space<vmem>>) target_semaphore(%arg31 : memref<!tpu.dma_semaphore, #tpu.memory_space<semaphore_mem>>)
    %dma_start3A_115 = arith.constant 2 : i32
    %dma_start3A_116 = arith.constant 0 : i32
    %dma_start3A_117 = arith.constant 0 : i32
    %dma_start3A_118 = tpu.memref_slice %arg14[%dma_start3A_115, %dma_start3A_116, %dma_start3A_117] : memref<3x80x128xf32, #tpu.memory_space<vmem>> -> memref<1x80x128xf32, #tpu.memory_space<vmem>>
    %dma_start3A_119 = tpu.memref_squeeze %dma_start3A_118 : memref<1x80x128xf32, #tpu.memory_space<vmem>> -> memref<80x128xf32, #tpu.memory_space<vmem>>
    %dma_start3A_120 = arith.constant 160 : i32
    %dma_start3A_121 = tpu.memref_slice %arg10[%dma_start3A_120] : memref<10000xi32, #tpu.memory_space<vmem>> -> memref<80xi32, #tpu.memory_space<vmem>>
    %dma_start3A_122 = arith.constant 0 : i32
    %dma_start3A_123 = arith.constant 0 : i32
    %dma_start3A_124 = tpu.memref_slice %arg2[%dma_start3A_122, %dma_start3A_123] : memref<10000x128xf32, #tpu.memory_space<hbm>> -> memref<10000x128xf32, #tpu.memory_space<hbm>>
    tpu.enqueue_indirect_dma source(%dma_start3A_124 : memref<10000x128xf32, #tpu.memory_space<hbm>>) target(%dma_start3A_119 : memref<80x128xf32, #tpu.memory_space<vmem>>) offsets(%dma_start3A_121 : memref<80xi32, #tpu.memory_space<vmem>>) semaphore(%arg23 : memref<!tpu.dma_semaphore, #tpu.memory_space<semaphore_mem>>)
    %add3A_125 = arith.constant 0 : i32
    %add3A_126 = arith.addi %add3A_125, %mul3A_2 : i32
    %add3A_127 = arith.constant 160 : i32
    %add3A_128 = arith.addi %add3A_126, %add3A_127 : i32
    %dma_start3A_129 = arith.constant 768 : i32
    %dma_start3A_130 = tpu.memref_slice %arg15[%dma_start3A_129] : memref<1152xf32, #tpu.memory_space<vmem>> -> memref<80xf32, #tpu.memory_space<vmem>>
    %dma_start3A_131 = tpu.memref_slice %arg5[%add3A_128] : memref<960000xf32, #tpu.memory_space<hbm>> -> memref<80xf32, #tpu.memory_space<hbm>>
    %dma_start3A_132 = arith.constant 768 : i32
    %dma_start3A_133 = tpu.memref_slice %arg15[%dma_start3A_132] : memref<1152xf32, #tpu.memory_space<vmem>> -> memref<80xf32, #tpu.memory_space<vmem>>
    %dma_start3A_134 = tpu.memref_slice %arg5[%add3A_128] : memref<960000xf32, #tpu.memory_space<hbm>> -> memref<80xf32, #tpu.memory_space<hbm>>
    tpu.enqueue_dma source(%dma_start3A_134 : memref<80xf32, #tpu.memory_space<hbm>>) target(%dma_start3A_133 : memref<80xf32, #tpu.memory_space<vmem>>) target_semaphore(%arg32 : memref<!tpu.dma_semaphore, #tpu.memory_space<semaphore_mem>>)
    %add3A_135 = arith.constant 320000 : i32
    %add3A_136 = arith.addi %add3A_135, %mul3A_2 : i32
    %add3A_137 = arith.constant 160 : i32
    %add3A_138 = arith.addi %add3A_136, %add3A_137 : i32
    %dma_start3A_139 = arith.constant 896 : i32
    %dma_start3A_140 = tpu.memref_slice %arg15[%dma_start3A_139] : memref<1152xf32, #tpu.memory_space<vmem>> -> memref<80xf32, #tpu.memory_space<vmem>>
    %dma_start3A_141 = tpu.memref_slice %arg5[%add3A_138] : memref<960000xf32, #tpu.memory_space<hbm>> -> memref<80xf32, #tpu.memory_space<hbm>>
    %dma_start3A_142 = arith.constant 896 : i32
    %dma_start3A_143 = tpu.memref_slice %arg15[%dma_start3A_142] : memref<1152xf32, #tpu.memory_space<vmem>> -> memref<80xf32, #tpu.memory_space<vmem>>
    %dma_start3A_144 = tpu.memref_slice %arg5[%add3A_138] : memref<960000xf32, #tpu.memory_space<hbm>> -> memref<80xf32, #tpu.memory_space<hbm>>
    tpu.enqueue_dma source(%dma_start3A_144 : memref<80xf32, #tpu.memory_space<hbm>>) target(%dma_start3A_143 : memref<80xf32, #tpu.memory_space<vmem>>) target_semaphore(%arg32 : memref<!tpu.dma_semaphore, #tpu.memory_space<semaphore_mem>>)
    %add3A_145 = arith.constant 640000 : i32
    %add3A_146 = arith.addi %add3A_145, %mul3A_2 : i32
    %add3A_147 = arith.constant 160 : i32
    %add3A_148 = arith.addi %add3A_146, %add3A_147 : i32
    %dma_start3A_149 = arith.constant 1024 : i32
    %dma_start3A_150 = tpu.memref_slice %arg15[%dma_start3A_149] : memref<1152xf32, #tpu.memory_space<vmem>> -> memref<80xf32, #tpu.memory_space<vmem>>
    %dma_start3A_151 = tpu.memref_slice %arg5[%add3A_148] : memref<960000xf32, #tpu.memory_space<hbm>> -> memref<80xf32, #tpu.memory_space<hbm>>
    %dma_start3A_152 = arith.constant 1024 : i32
    %dma_start3A_153 = tpu.memref_slice %arg15[%dma_start3A_152] : memref<1152xf32, #tpu.memory_space<vmem>> -> memref<80xf32, #tpu.memory_space<vmem>>
    %dma_start3A_154 = tpu.memref_slice %arg5[%add3A_148] : memref<960000xf32, #tpu.memory_space<hbm>> -> memref<80xf32, #tpu.memory_space<hbm>>
    tpu.enqueue_dma source(%dma_start3A_154 : memref<80xf32, #tpu.memory_space<hbm>>) target(%dma_start3A_153 : memref<80xf32, #tpu.memory_space<vmem>>) target_semaphore(%arg32 : memref<!tpu.dma_semaphore, #tpu.memory_space<semaphore_mem>>)
    %scan3A_155 = arith.constant 0 : i32
    %scan3A_156 = arith.constant 0 : i32
    %scan3A_157 = arith.constant 41 : i32
    %scan3A_158 = arith.addi %scan3A_156, %scan3A_157 : i32
    %scan3A_159 = arith.constant 1 : i32
    %scan3A_160 = scf.for %scan3A_1145 = %scan3A_156 to %scan3A_158 step %scan3A_159 iter_args(%scan3A_1146 = %scan3A_155) -> (i32)  : i32 {
      %mul3A_1147 = arith.constant 3 : i32
      %mul3A_1148 = arith.muli %scan3A_1145, %mul3A_1147 : i32
      %add3A_1149 = arith.constant 0 : i32
      %add3A_1150 = arith.addi %mul3A_1148, %add3A_1149 : i32
      %mul3A_1151 = arith.constant 80 : i32
      %mul3A_1152 = arith.muli %add3A_1150, %mul3A_1151 : i32
      %dma_wait3A_1153 = arith.constant 0 : i32
      %dma_wait3A_1154 = arith.constant 0 : i32
      %dma_wait3A_1155 = arith.constant 0 : i32
      %dma_wait3A_1156 = tpu.memref_slice %arg14[%dma_wait3A_1153, %dma_wait3A_1154, %dma_wait3A_1155] : memref<3x80x128xf32, #tpu.memory_space<vmem>> -> memref<1x80x128xf32, #tpu.memory_space<vmem>>
      %dma_wait3A_1157 = tpu.memref_squeeze %dma_wait3A_1156 : memref<1x80x128xf32, #tpu.memory_space<vmem>> -> memref<80x128xf32, #tpu.memory_space<vmem>>
      %dma_wait3A_1158 = tpu.memref_slice %arg10[%mul3A_1152] : memref<10000xi32, #tpu.memory_space<vmem>> -> memref<80xi32, #tpu.memory_space<vmem>>
      %dma_wait3A_1159 = arith.constant 0 : i32
      %dma_wait3A_1160 = arith.constant 0 : i32
      %dma_wait3A_1161 = tpu.memref_slice %arg2[%dma_wait3A_1159, %dma_wait3A_1160] : memref<10000x128xf32, #tpu.memory_space<hbm>> -> memref<10000x128xf32, #tpu.memory_space<hbm>>
      tpu.wait_indirect_dma semaphore(%arg21 : memref<!tpu.dma_semaphore, #tpu.memory_space<semaphore_mem>>) src(%dma_wait3A_1161 : memref<10000x128xf32, #tpu.memory_space<hbm>>) dst(%dma_wait3A_1157 : memref<80x128xf32, #tpu.memory_space<vmem>>)
      %add3A_1162 = arith.constant 0 : i32
      %add3A_1163 = arith.addi %add3A_1162, %mul3A_2 : i32
      %mul3A_1164 = arith.constant 80 : i32
      %mul3A_1165 = arith.muli %add3A_1150, %mul3A_1164 : i32
      %add3A_1166 = arith.addi %add3A_1163, %mul3A_1165 : i32
      %dma_wait3A_1167 = arith.constant 0 : i32
      %dma_wait3A_1168 = tpu.memref_slice %arg15[%dma_wait3A_1167] : memref<1152xf32, #tpu.memory_space<vmem>> -> memref<80xf32, #tpu.memory_space<vmem>>
      %dma_wait3A_1169 = tpu.memref_slice %arg5[%add3A_1166] : memref<960000xf32, #tpu.memory_space<hbm>> -> memref<80xf32, #tpu.memory_space<hbm>>
      %dma_wait3A_1170 = arith.constant 0 : i32
      %dma_wait3A_1171 = tpu.memref_slice %arg15[%dma_wait3A_1170] : memref<1152xf32, #tpu.memory_space<vmem>> -> memref<80xf32, #tpu.memory_space<vmem>>
      %dma_wait3A_1172 = tpu.memref_slice %arg5[%add3A_1166] : memref<960000xf32, #tpu.memory_space<hbm>> -> memref<80xf32, #tpu.memory_space<hbm>>
      tpu.wait_dma2 semaphore(%arg30 : memref<!tpu.dma_semaphore, #tpu.memory_space<semaphore_mem>>) src(%dma_wait3A_1172 : memref<80xf32, #tpu.memory_space<hbm>>) dst(%dma_wait3A_1171 : memref<80xf32, #tpu.memory_space<vmem>>)
      %add3A_1173 = arith.constant 320000 : i32
      %add3A_1174 = arith.addi %add3A_1173, %mul3A_2 : i32
      %mul3A_1175 = arith.constant 80 : i32
      %mul3A_1176 = arith.muli %add3A_1150, %mul3A_1175 : i32
      %add3A_1177 = arith.addi %add3A_1174, %mul3A_1176 : i32
      %dma_wait3A_1178 = arith.constant 128 : i32
      %dma_wait3A_1179 = tpu.memref_slice %arg15[%dma_wait3A_1178] : memref<1152xf32, #tpu.memory_space<vmem>> -> memref<80xf32, #tpu.memory_space<vmem>>
      %dma_wait3A_1180 = tpu.memref_slice %arg5[%add3A_1177] : memref<960000xf32, #tpu.memory_space<hbm>> -> memref<80xf32, #tpu.memory_space<hbm>>
      %dma_wait3A_1181 = arith.constant 128 : i32
      %dma_wait3A_1182 = tpu.memref_slice %arg15[%dma_wait3A_1181] : memref<1152xf32, #tpu.memory_space<vmem>> -> memref<80xf32, #tpu.memory_space<vmem>>
      %dma_wait3A_1183 = tpu.memref_slice %arg5[%add3A_1177] : memref<960000xf32, #tpu.memory_space<hbm>> -> memref<80xf32, #tpu.memory_space<hbm>>
      tpu.wait_dma2 semaphore(%arg30 : memref<!tpu.dma_semaphore, #tpu.memory_space<semaphore_mem>>) src(%dma_wait3A_1183 : memref<80xf32, #tpu.memory_space<hbm>>) dst(%dma_wait3A_1182 : memref<80xf32, #tpu.memory_space<vmem>>)
      %add3A_1184 = arith.constant 640000 : i32
      %add3A_1185 = arith.addi %add3A_1184, %mul3A_2 : i32
      %mul3A_1186 = arith.constant 80 : i32
      %mul3A_1187 = arith.muli %add3A_1150, %mul3A_1186 : i32
      %add3A_1188 = arith.addi %add3A_1185, %mul3A_1187 : i32
      %dma_wait3A_1189 = arith.constant 256 : i32
      %dma_wait3A_1190 = tpu.memref_slice %arg15[%dma_wait3A_1189] : memref<1152xf32, #tpu.memory_space<vmem>> -> memref<80xf32, #tpu.memory_space<vmem>>
      %dma_wait3A_1191 = tpu.memref_slice %arg5[%add3A_1188] : memref<960000xf32, #tpu.memory_space<hbm>> -> memref<80xf32, #tpu.memory_space<hbm>>
      %dma_wait3A_1192 = arith.constant 256 : i32
      %dma_wait3A_1193 = tpu.memref_slice %arg15[%dma_wait3A_1192] : memref<1152xf32, #tpu.memory_space<vmem>> -> memref<80xf32, #tpu.memory_space<vmem>>
      %dma_wait3A_1194 = tpu.memref_slice %arg5[%add3A_1188] : memref<960000xf32, #tpu.memory_space<hbm>> -> memref<80xf32, #tpu.memory_space<hbm>>
      tpu.wait_dma2 semaphore(%arg30 : memref<!tpu.dma_semaphore, #tpu.memory_space<semaphore_mem>>) src(%dma_wait3A_1194 : memref<80xf32, #tpu.memory_space<hbm>>) dst(%dma_wait3A_1193 : memref<80xf32, #tpu.memory_space<vmem>>)
      %mul3A_1195 = arith.constant 80 : i32
      %mul3A_1196 = arith.muli %add3A_1150, %mul3A_1195 : i32
      %add3A_1197 = arith.constant 0 : i32
      %add3A_1198 = arith.addi %mul3A_1196, %add3A_1197 : i32
      %get3A_1199 = arith.index_cast %add3A_1198 : i32 to index
      %get3A_1200 = tpu.vector_load %arg11[%get3A_1199] {strides = array<i32>} : memref<10000xi32, #tpu.memory_space<vmem>>, vector<16xi32>,
      %shift_right_logical3A_1201 = arith.constant 1 : i32
      %shift_right_logical3A_1202 = vector.broadcast %shift_right_logical3A_1201 : i32 to vector<16xi32>
      %shift_right_logical3A_1203 = arith.shrui %get3A_1200, %shift_right_logical3A_1202 : vector<16xi32>
      %swap3A_1204 = arith.constant 0 : i32
      %swap3A_1205 = arith.constant 0 : i32
      %swap3A_1206 = arith.index_cast %swap3A_1204 : i32 to index
      %swap3A_1207 = arith.index_cast %swap3A_1205 : i32 to index
      %swap3A_1208 = arith.constant 0 : index
      %swap3A_1209 = tpu.vector_load %arg12[%swap3A_1206, %swap3A_1207, %swap3A_1208] {strides = array<i32>} : memref<3x1x80xi32, #tpu.memory_space<vmem>>, vector<16xi32>,
      tpu.vector_store %arg12[%swap3A_1206, %swap3A_1207, %swap3A_1208], %shift_right_logical3A_1203 {strides = array<i32>} : memref<3x1x80xi32, #tpu.memory_space<vmem>>, vector<16xi32>,
      %mul3A_1210 = arith.constant 80 : i32
      %mul3A_1211 = arith.muli %add3A_1150, %mul3A_1210 : i32
      %add3A_1212 = arith.constant 16 : i32
      %add3A_1213 = arith.addi %mul3A_1211, %add3A_1212 : i32
      %get3A_1214 = arith.index_cast %add3A_1213 : i32 to index
      %get3A_1215 = tpu.vector_load %arg11[%get3A_1214] {strides = array<i32>} : memref<10000xi32, #tpu.memory_space<vmem>>, vector<16xi32>,
      %shift_right_logical3A_1216 = arith.constant 1 : i32
      %shift_right_logical3A_1217 = vector.broadcast %shift_right_logical3A_1216 : i32 to vector<16xi32>
      %shift_right_logical3A_1218 = arith.shrui %get3A_1215, %shift_right_logical3A_1217 : vector<16xi32>
      %swap3A_1219 = arith.constant 0 : i32
      %swap3A_1220 = arith.constant 0 : i32
      %swap3A_1221 = arith.index_cast %swap3A_1219 : i32 to index
      %swap3A_1222 = arith.index_cast %swap3A_1220 : i32 to index
      %swap3A_1223 = arith.constant 16 : index
      %swap3A_1224 = tpu.vector_load %arg12[%swap3A_1221, %swap3A_1222, %swap3A_1223] {strides = array<i32>} : memref<3x1x80xi32, #tpu.memory_space<vmem>>, vector<16xi32>,
      tpu.vector_store %arg12[%swap3A_1221, %swap3A_1222, %swap3A_1223], %shift_right_logical3A_1218 {strides = array<i32>} : memref<3x1x80xi32, #tpu.memory_space<vmem>>, vector<16xi32>,
      %mul3A_1225 = arith.constant 80 : i32
      %mul3A_1226 = arith.muli %add3A_1150, %mul3A_1225 : i32
      %add3A_1227 = arith.constant 32 : i32
      %add3A_1228 = arith.addi %mul3A_1226, %add3A_1227 : i32
      %get3A_1229 = arith.index_cast %add3A_1228 : i32 to index
      %get3A_1230 = tpu.vector_load %arg11[%get3A_1229] {strides = array<i32>} : memref<10000xi32, #tpu.memory_space<vmem>>, vector<16xi32>,
      %shift_right_logical3A_1231 = arith.constant 1 : i32
      %shift_right_logical3A_1232 = vector.broadcast %shift_right_logical3A_1231 : i32 to vector<16xi32>
      %shift_right_logical3A_1233 = arith.shrui %get3A_1230, %shift_right_logical3A_1232 : vector<16xi32>
      %swap3A_1234 = arith.constant 0 : i32
      %swap3A_1235 = arith.constant 0 : i32
      %swap3A_1236 = arith.index_cast %swap3A_1234 : i32 to index
      %swap3A_1237 = arith.index_cast %swap3A_1235 : i32 to index
      %swap3A_1238 = arith.constant 32 : index
      %swap3A_1239 = tpu.vector_load %arg12[%swap3A_1236, %swap3A_1237, %swap3A_1238] {strides = array<i32>} : memref<3x1x80xi32, #tpu.memory_space<vmem>>, vector<16xi32>,
      tpu.vector_store %arg12[%swap3A_1236, %swap3A_1237, %swap3A_1238], %shift_right_logical3A_1233 {strides = array<i32>} : memref<3x1x80xi32, #tpu.memory_space<vmem>>, vector<16xi32>,
      %mul3A_1240 = arith.constant 80 : i32
      %mul3A_1241 = arith.muli %add3A_1150, %mul3A_1240 : i32
      %add3A_1242 = arith.constant 48 : i32
      %add3A_1243 = arith.addi %mul3A_1241, %add3A_1242 : i32
      %get3A_1244 = arith.index_cast %add3A_1243 : i32 to index
      %get3A_1245 = tpu.vector_load %arg11[%get3A_1244] {strides = array<i32>} : memref<10000xi32, #tpu.memory_space<vmem>>, vector<16xi32>,
      %shift_right_logical3A_1246 = arith.constant 1 : i32
      %shift_right_logical3A_1247 = vector.broadcast %shift_right_logical3A_1246 : i32 to vector<16xi32>
      %shift_right_logical3A_1248 = arith.shrui %get3A_1245, %shift_right_logical3A_1247 : vector<16xi32>
      %swap3A_1249 = arith.constant 0 : i32
      %swap3A_1250 = arith.constant 0 : i32
      %swap3A_1251 = arith.index_cast %swap3A_1249 : i32 to index
      %swap3A_1252 = arith.index_cast %swap3A_1250 : i32 to index
      %swap3A_1253 = arith.constant 48 : index
      %swap3A_1254 = tpu.vector_load %arg12[%swap3A_1251, %swap3A_1252, %swap3A_1253] {strides = array<i32>} : memref<3x1x80xi32, #tpu.memory_space<vmem>>, vector<16xi32>,
      tpu.vector_store %arg12[%swap3A_1251, %swap3A_1252, %swap3A_1253], %shift_right_logical3A_1248 {strides = array<i32>} : memref<3x1x80xi32, #tpu.memory_space<vmem>>, vector<16xi32>,
      %mul3A_1255 = arith.constant 80 : i32
      %mul3A_1256 = arith.muli %add3A_1150, %mul3A_1255 : i32
      %add3A_1257 = arith.constant 64 : i32
      %add3A_1258 = arith.addi %mul3A_1256, %add3A_1257 : i32
      %get3A_1259 = arith.index_cast %add3A_1258 : i32 to index
      %get3A_1260 = tpu.vector_load %arg11[%get3A_1259] {strides = array<i32>} : memref<10000xi32, #tpu.memory_space<vmem>>, vector<16xi32>,
      %shift_right_logical3A_1261 = arith.constant 1 : i32
      %shift_right_logical3A_1262 = vector.broadcast %shift_right_logical3A_1261 : i32 to vector<16xi32>
      %shift_right_logical3A_1263 = arith.shrui %get3A_1260, %shift_right_logical3A_1262 : vector<16xi32>
      %swap3A_1264 = arith.constant 0 : i32
      %swap3A_1265 = arith.constant 0 : i32
      %swap3A_1266 = arith.index_cast %swap3A_1264 : i32 to index
      %swap3A_1267 = arith.index_cast %swap3A_1265 : i32 to index
      %swap3A_1268 = arith.constant 64 : index
      %swap3A_1269 = tpu.vector_load %arg12[%swap3A_1266, %swap3A_1267, %swap3A_1268] {strides = array<i32>} : memref<3x1x80xi32, #tpu.memory_space<vmem>>, vector<16xi32>,
      tpu.vector_store %arg12[%swap3A_1266, %swap3A_1267, %swap3A_1268], %shift_right_logical3A_1263 {strides = array<i32>} : memref<3x1x80xi32, #tpu.memory_space<vmem>>, vector<16xi32>,
      %dma_start3A_1270 = arith.constant 0 : i32
      %dma_start3A_1271 = arith.constant 0 : i32
      %dma_start3A_1272 = arith.constant 0 : i32
      %dma_start3A_1273 = arith.constant 0 : i32
      %dma_start3A_1274 = arith.constant 0 : i32
      %dma_start3A_1275 = tpu.memref_slice %arg14[%dma_start3A_1270, %dma_start3A_1273, %dma_start3A_1274] : memref<3x80x128xf32, #tpu.memory_space<vmem>> -> memref<1x80x128xf32, #tpu.memory_space<vmem>>
      %dma_start3A_1276 = tpu.memref_squeeze %dma_start3A_1275 : memref<1x80x128xf32, #tpu.memory_space<vmem>> -> memref<80x128xf32, #tpu.memory_space<vmem>>
      %dma_start3A_1277 = arith.constant 0 : i32
      %dma_start3A_1278 = tpu.memref_slice %arg12[%dma_start3A_1271, %dma_start3A_1272, %dma_start3A_1277] : memref<3x1x80xi32, #tpu.memory_space<vmem>> -> memref<1x1x80xi32, #tpu.memory_space<vmem>>
      %dma_start3A_1279 = tpu.memref_squeeze %dma_start3A_1278 : memref<1x1x80xi32, #tpu.memory_space<vmem>> -> memref<80xi32, #tpu.memory_space<vmem>>
      %dma_start3A_1280 = arith.constant 0 : i32
      %dma_start3A_1281 = arith.constant 0 : i32
      %dma_start3A_1282 = tpu.memref_slice %arg20[%dma_start3A_1280, %dma_start3A_1281] : memref<5120x128xf32, #tpu.memory_space<vmem_shared>> -> memref<5120x128xf32, #tpu.memory_space<vmem_shared>>
      tpu.enqueue_indirect_dma source(%dma_start3A_1276 : memref<80x128xf32, #tpu.memory_space<vmem>>) target(%dma_start3A_1282 : memref<5120x128xf32, #tpu.memory_space<vmem_shared>>) offsets(%dma_start3A_1279 : memref<80xi32, #tpu.memory_space<vmem>>) semaphore(%arg24 : memref<!tpu.dma_semaphore, #tpu.memory_space<semaphore_mem>>) {add = true}
      %ge3A = arith.constant 3 : i32
      %ge3A_1283 = arith.cmpi sge, %add3A_1150, %ge3A : i32
      %convert_element_type3A = arith.extui %ge3A_1283 : i1 to i32
      %cond3A = arith.constant 0 : i32
      %cond3A_1284 = arith.cmpi ne, %convert_element_type3A, %cond3A : i32
      scf.if %cond3A_1284 {
        %add3A_2536 = arith.constant 0 : i32
        %add3A_2537 = arith.addi %add3A_2536, %mul3A_2 : i32
        %mul3A_2538 = arith.constant 80 : i32
        %mul3A_2539 = arith.muli %add3A_1150, %mul3A_2538 : i32
        %add3A_2540 = arith.addi %add3A_2537, %mul3A_2539 : i32
        %dma_wait3A_2541 = arith.constant 0 : i32
        %dma_wait3A_2542 = tpu.memref_slice %arg16[%dma_wait3A_2541] : memref<1152xf32, #tpu.memory_space<vmem>> -> memref<80xf32, #tpu.memory_space<vmem>>
        %dma_wait3A_2543 = tpu.memref_slice %arg9[%add3A_2540] : memref<960000xf32, #tpu.memory_space<hbm>> -> memref<80xf32, #tpu.memory_space<hbm>>
        %dma_wait3A_2544 = tpu.memref_slice %arg9[%add3A_2540] : memref<960000xf32, #tpu.memory_space<hbm>> -> memref<80xf32, #tpu.memory_space<hbm>>
        %dma_wait3A_2545 = arith.constant 0 : i32
        %dma_wait3A_2546 = tpu.memref_slice %arg16[%dma_wait3A_2545] : memref<1152xf32, #tpu.memory_space<vmem>> -> memref<80xf32, #tpu.memory_space<vmem>>
        tpu.wait_dma2 semaphore(%arg27 : memref<!tpu.dma_semaphore, #tpu.memory_space<semaphore_mem>>) src(%dma_wait3A_2546 : memref<80xf32, #tpu.memory_space<vmem>>) dst(%dma_wait3A_2544 : memref<80xf32, #tpu.memory_space<hbm>>)
        %add3A_2547 = arith.constant 320000 : i32
        %add3A_2548 = arith.addi %add3A_2547, %mul3A_2 : i32
        %mul3A_2549 = arith.constant 80 : i32
        %mul3A_2550 = arith.muli %add3A_1150, %mul3A_2549 : i32
        %add3A_2551 = arith.addi %add3A_2548, %mul3A_2550 : i32
        %dma_wait3A_2552 = arith.constant 128 : i32
        %dma_wait3A_2553 = tpu.memref_slice %arg16[%dma_wait3A_2552] : memref<1152xf32, #tpu.memory_space<vmem>> -> memref<80xf32, #tpu.memory_space<vmem>>
        %dma_wait3A_2554 = tpu.memref_slice %arg9[%add3A_2551] : memref<960000xf32, #tpu.memory_space<hbm>> -> memref<80xf32, #tpu.memory_space<hbm>>
        %dma_wait3A_2555 = tpu.memref_slice %arg9[%add3A_2551] : memref<960000xf32, #tpu.memory_space<hbm>> -> memref<80xf32, #tpu.memory_space<hbm>>
        %dma_wait3A_2556 = arith.constant 128 : i32
        %dma_wait3A_2557 = tpu.memref_slice %arg16[%dma_wait3A_2556] : memref<1152xf32, #tpu.memory_space<vmem>> -> memref<80xf32, #tpu.memory_space<vmem>>
        tpu.wait_dma2 semaphore(%arg27 : memref<!tpu.dma_semaphore, #tpu.memory_space<semaphore_mem>>) src(%dma_wait3A_2557 : memref<80xf32, #tpu.memory_space<vmem>>) dst(%dma_wait3A_2555 : memref<80xf32, #tpu.memory_space<hbm>>)
        %add3A_2558 = arith.constant 640000 : i32
        %add3A_2559 = arith.addi %add3A_2558, %mul3A_2 : i32
        %mul3A_2560 = arith.constant 80 : i32
        %mul3A_2561 = arith.muli %add3A_1150, %mul3A_2560 : i32
        %add3A_2562 = arith.addi %add3A_2559, %mul3A_2561 : i32
        %dma_wait3A_2563 = arith.constant 256 : i32
        %dma_wait3A_2564 = tpu.memref_slice %arg16[%dma_wait3A_2563] : memref<1152xf32, #tpu.memory_space<vmem>> -> memref<80xf32, #tpu.memory_space<vmem>>
        %dma_wait3A_2565 = tpu.memref_slice %arg9[%add3A_2562] : memref<960000xf32, #tpu.memory_space<hbm>> -> memref<80xf32, #tpu.memory_space<hbm>>
        %dma_wait3A_2566 = tpu.memref_slice %arg9[%add3A_2562] : memref<960000xf32, #tpu.memory_space<hbm>> -> memref<80xf32, #tpu.memory_space<hbm>>
        %dma_wait3A_2567 = arith.constant 256 : i32
        %dma_wait3A_2568 = tpu.memref_slice %arg16[%dma_wait3A_2567] : memref<1152xf32, #tpu.memory_space<vmem>> -> memref<80xf32, #tpu.memory_space<vmem>>
        tpu.wait_dma2 semaphore(%arg27 : memref<!tpu.dma_semaphore, #tpu.memory_space<semaphore_mem>>) src(%dma_wait3A_2568 : memref<80xf32, #tpu.memory_space<vmem>>) dst(%dma_wait3A_2566 : memref<80xf32, #tpu.memory_space<hbm>>)
      } else {
      }
      %mul3A_1285 = arith.constant 80 : i32
      %mul3A_1286 = arith.muli %add3A_1150, %mul3A_1285 : i32
      %add3A_1287 = arith.constant 0 : i32
      %add3A_1288 = arith.addi %mul3A_1286, %add3A_1287 : i32
      %get3A_1289 = arith.index_cast %add3A_1288 : i32 to index
      %get3A_1290 = tpu.vector_load %arg10[%get3A_1289] {strides = array<i32>} : memref<10000xi32, #tpu.memory_space<vmem>>, vector<16xi32>,
      %shift_right_logical3A_1291 = arith.constant 1 : i32
      %shift_right_logical3A_1292 = vector.broadcast %shift_right_logical3A_1291 : i32 to vector<16xi32>
      %shift_right_logical3A_1293 = arith.shrui %get3A_1290, %shift_right_logical3A_1292 : vector<16xi32>
      %mul3A_1294 = arith.constant 3 : i32
      %mul3A_1295 = vector.broadcast %mul3A_1294 : i32 to vector<16xi32>
      %mul3A_1296 = arith.muli %shift_right_logical3A_1293, %mul3A_1295 : vector<16xi32>
      %mul3A_1297 = arith.constant 3 : i32
      %mul3A_1298 = vector.broadcast %mul3A_1297 : i32 to vector<16xi32>
      %mul3A_1299 = arith.muli %shift_right_logical3A_1203, %mul3A_1298 : vector<16xi32>
      %get3A_1300 = arith.constant 0 : index
      %get3A_1301 = tpu.vector_load %arg15[%get3A_1300] {strides = array<i32>} : memref<1152xf32, #tpu.memory_space<vmem>>, vector<16xf32>,
      tpu.vector_store_idx %arg17[%shift_right_logical3A_1203], %get3A_1301 {add = true} : memref<5120xf32, #tpu.memory_space<vmem>>[vector<16xi32>], vector<16xf32>,
      %add3A_1302 = arith.constant 0 : i32
      %add3A_1303 = vector.broadcast %add3A_1302 : i32 to vector<16xi32>
      %add3A_1304 = arith.addi %mul3A_1299, %add3A_1303 : vector<16xi32>
      %gather3A_1305 = tpu.vector_load_idx %arg13[%add3A_1304] : memref<15104xf32, #tpu.memory_space<vmem>>[vector<16xi32>], vector<16xf32>,
      %add3A_1306 = arith.constant 0 : i32
      %add3A_1307 = vector.broadcast %add3A_1306 : i32 to vector<16xi32>
      %add3A_1308 = arith.addi %mul3A_1296, %add3A_1307 : vector<16xi32>
      %gather3A_1309 = tpu.vector_load_idx %arg13[%add3A_1308] : memref<15104xf32, #tpu.memory_space<vmem>>[vector<16xi32>], vector<16xf32>,
      %sub3A_1310 = arith.subf %gather3A_1305, %gather3A_1309 : vector<16xf32>
      %swap3A_1311 = arith.constant 0 : index
      %swap3A_1312 = tpu.vector_load %arg16[%swap3A_1311] {strides = array<i32>} : memref<1152xf32, #tpu.memory_space<vmem>>, vector<16xf32>,
      tpu.vector_store %arg16[%swap3A_1311], %sub3A_1310 {strides = array<i32>} : memref<1152xf32, #tpu.memory_space<vmem>>, vector<16xf32>,
      %get3A_1313 = arith.constant 128 : index
      %get3A_1314 = tpu.vector_load %arg15[%get3A_1313] {strides = array<i32>} : memref<1152xf32, #tpu.memory_space<vmem>>, vector<16xf32>,
      tpu.vector_store_idx %arg18[%shift_right_logical3A_1203], %get3A_1314 {add = true} : memref<5120xf32, #tpu.memory_space<vmem>>[vector<16xi32>], vector<16xf32>,
      %add3A_1315 = arith.constant 1 : i32
      %add3A_1316 = vector.broadcast %add3A_1315 : i32 to vector<16xi32>
      %add3A_1317 = arith.addi %mul3A_1299, %add3A_1316 : vector<16xi32>
      %gather3A_1318 = tpu.vector_load_idx %arg13[%add3A_1317] : memref<15104xf32, #tpu.memory_space<vmem>>[vector<16xi32>], vector<16xf32>,
      %add3A_1319 = arith.constant 1 : i32
      %add3A_1320 = vector.broadcast %add3A_1319 : i32 to vector<16xi32>
      %add3A_1321 = arith.addi %mul3A_1296, %add3A_1320 : vector<16xi32>
      %gather3A_1322 = tpu.vector_load_idx %arg13[%add3A_1321] : memref<15104xf32, #tpu.memory_space<vmem>>[vector<16xi32>], vector<16xf32>,
      %sub3A_1323 = arith.subf %gather3A_1318, %gather3A_1322 : vector<16xf32>
      %swap3A_1324 = arith.constant 128 : index
      %swap3A_1325 = tpu.vector_load %arg16[%swap3A_1324] {strides = array<i32>} : memref<1152xf32, #tpu.memory_space<vmem>>, vector<16xf32>,
      tpu.vector_store %arg16[%swap3A_1324], %sub3A_1323 {strides = array<i32>} : memref<1152xf32, #tpu.memory_space<vmem>>, vector<16xf32>,
      %get3A_1326 = arith.constant 256 : index
      %get3A_1327 = tpu.vector_load %arg15[%get3A_1326] {strides = array<i32>} : memref<1152xf32, #tpu.memory_space<vmem>>, vector<16xf32>,
      tpu.vector_store_idx %arg19[%shift_right_logical3A_1203], %get3A_1327 {add = true} : memref<5120xf32, #tpu.memory_space<vmem>>[vector<16xi32>], vector<16xf32>,
      %add3A_1328 = arith.constant 2 : i32
      %add3A_1329 = vector.broadcast %add3A_1328 : i32 to vector<16xi32>
      %add3A_1330 = arith.addi %mul3A_1299, %add3A_1329 : vector<16xi32>
      %gather3A_1331 = tpu.vector_load_idx %arg13[%add3A_1330] : memref<15104xf32, #tpu.memory_space<vmem>>[vector<16xi32>], vector<16xf32>,
      %add3A_1332 = arith.constant 2 : i32
      %add3A_1333 = vector.broadcast %add3A_1332 : i32 to vector<16xi32>
      %add3A_1334 = arith.addi %mul3A_1296, %add3A_1333 : vector<16xi32>
      %gather3A_1335 = tpu.vector_load_idx %arg13[%add3A_1334] : memref<15104xf32, #tpu.memory_space<vmem>>[vector<16xi32>], vector<16xf32>,
      %sub3A_1336 = arith.subf %gather3A_1331, %gather3A_1335 : vector<16xf32>
      %swap3A_1337 = arith.constant 256 : index
      %swap3A_1338 = tpu.vector_load %arg16[%swap3A_1337] {strides = array<i32>} : memref<1152xf32, #tpu.memory_space<vmem>>, vector<16xf32>,
      tpu.vector_store %arg16[%swap3A_1337], %sub3A_1336 {strides = array<i32>} : memref<1152xf32, #tpu.memory_space<vmem>>, vector<16xf32>,
      %mul3A_1339 = arith.constant 80 : i32
      %mul3A_1340 = arith.muli %add3A_1150, %mul3A_1339 : i32
      %add3A_1341 = arith.constant 16 : i32
      %add3A_1342 = arith.addi %mul3A_1340, %add3A_1341 : i32
      %get3A_1343 = arith.index_cast %add3A_1342 : i32 to index
      %get3A_1344 = tpu.vector_load %arg10[%get3A_1343] {strides = array<i32>} : memref<10000xi32, #tpu.memory_space<vmem>>, vector<16xi32>,
      %shift_right_logical3A_1345 = arith.constant 1 : i32
      %shift_right_logical3A_1346 = vector.broadcast %shift_right_logical3A_1345 : i32 to vector<16xi32>
      %shift_right_logical3A_1347 = arith.shrui %get3A_1344, %shift_right_logical3A_1346 : vector<16xi32>
      %mul3A_1348 = arith.constant 3 : i32
      %mul3A_1349 = vector.broadcast %mul3A_1348 : i32 to vector<16xi32>
      %mul3A_1350 = arith.muli %shift_right_logical3A_1347, %mul3A_1349 : vector<16xi32>
      %mul3A_1351 = arith.constant 3 : i32
      %mul3A_1352 = vector.broadcast %mul3A_1351 : i32 to vector<16xi32>
      %mul3A_1353 = arith.muli %shift_right_logical3A_1218, %mul3A_1352 : vector<16xi32>
      %get3A_1354 = arith.constant 16 : index
      %get3A_1355 = tpu.vector_load %arg15[%get3A_1354] {strides = array<i32>} : memref<1152xf32, #tpu.memory_space<vmem>>, vector<16xf32>,
      tpu.vector_store_idx %arg17[%shift_right_logical3A_1218], %get3A_1355 {add = true} : memref<5120xf32, #tpu.memory_space<vmem>>[vector<16xi32>], vector<16xf32>,
      %add3A_1356 = arith.constant 0 : i32
      %add3A_1357 = vector.broadcast %add3A_1356 : i32 to vector<16xi32>
      %add3A_1358 = arith.addi %mul3A_1353, %add3A_1357 : vector<16xi32>
      %gather3A_1359 = tpu.vector_load_idx %arg13[%add3A_1358] : memref<15104xf32, #tpu.memory_space<vmem>>[vector<16xi32>], vector<16xf32>,
      %add3A_1360 = arith.constant 0 : i32
      %add3A_1361 = vector.broadcast %add3A_1360 : i32 to vector<16xi32>
      %add3A_1362 = arith.addi %mul3A_1350, %add3A_1361 : vector<16xi32>
      %gather3A_1363 = tpu.vector_load_idx %arg13[%add3A_1362] : memref<15104xf32, #tpu.memory_space<vmem>>[vector<16xi32>], vector<16xf32>,
      %sub3A_1364 = arith.subf %gather3A_1359, %gather3A_1363 : vector<16xf32>
      %swap3A_1365 = arith.constant 16 : index
      %swap3A_1366 = tpu.vector_load %arg16[%swap3A_1365] {strides = array<i32>} : memref<1152xf32, #tpu.memory_space<vmem>>, vector<16xf32>,
      tpu.vector_store %arg16[%swap3A_1365], %sub3A_1364 {strides = array<i32>} : memref<1152xf32, #tpu.memory_space<vmem>>, vector<16xf32>,
      %get3A_1367 = arith.constant 144 : index
      %get3A_1368 = tpu.vector_load %arg15[%get3A_1367] {strides = array<i32>} : memref<1152xf32, #tpu.memory_space<vmem>>, vector<16xf32>,
      tpu.vector_store_idx %arg18[%shift_right_logical3A_1218], %get3A_1368 {add = true} : memref<5120xf32, #tpu.memory_space<vmem>>[vector<16xi32>], vector<16xf32>,
      %add3A_1369 = arith.constant 1 : i32
      %add3A_1370 = vector.broadcast %add3A_1369 : i32 to vector<16xi32>
      %add3A_1371 = arith.addi %mul3A_1353, %add3A_1370 : vector<16xi32>
      %gather3A_1372 = tpu.vector_load_idx %arg13[%add3A_1371] : memref<15104xf32, #tpu.memory_space<vmem>>[vector<16xi32>], vector<16xf32>,
      %add3A_1373 = arith.constant 1 : i32
      %add3A_1374 = vector.broadcast %add3A_1373 : i32 to vector<16xi32>
      %add3A_1375 = arith.addi %mul3A_1350, %add3A_1374 : vector<16xi32>
      %gather3A_1376 = tpu.vector_load_idx %arg13[%add3A_1375] : memref<15104xf32, #tpu.memory_space<vmem>>[vector<16xi32>], vector<16xf32>,
      %sub3A_1377 = arith.subf %gather3A_1372, %gather3A_1376 : vector<16xf32>
      %swap3A_1378 = arith.constant 144 : index
      %swap3A_1379 = tpu.vector_load %arg16[%swap3A_1378] {strides = array<i32>} : memref<1152xf32, #tpu.memory_space<vmem>>, vector<16xf32>,
      tpu.vector_store %arg16[%swap3A_1378], %sub3A_1377 {strides = array<i32>} : memref<1152xf32, #tpu.memory_space<vmem>>, vector<16xf32>,
      %get3A_1380 = arith.constant 272 : index
      %get3A_1381 = tpu.vector_load %arg15[%get3A_1380] {strides = array<i32>} : memref<1152xf32, #tpu.memory_space<vmem>>, vector<16xf32>,
      tpu.vector_store_idx %arg19[%shift_right_logical3A_1218], %get3A_1381 {add = true} : memref<5120xf32, #tpu.memory_space<vmem>>[vector<16xi32>], vector<16xf32>,
      %add3A_1382 = arith.constant 2 : i32
      %add3A_1383 = vector.broadcast %add3A_1382 : i32 to vector<16xi32>
      %add3A_1384 = arith.addi %mul3A_1353, %add3A_1383 : vector<16xi32>
      %gather3A_1385 = tpu.vector_load_idx %arg13[%add3A_1384] : memref<15104xf32, #tpu.memory_space<vmem>>[vector<16xi32>], vector<16xf32>,
      %add3A_1386 = arith.constant 2 : i32
      %add3A_1387 = vector.broadcast %add3A_1386 : i32 to vector<16xi32>
      %add3A_1388 = arith.addi %mul3A_1350, %add3A_1387 : vector<16xi32>
      %gather3A_1389 = tpu.vector_load_idx %arg13[%add3A_1388] : memref<15104xf32, #tpu.memory_space<vmem>>[vector<16xi32>], vector<16xf32>,
      %sub3A_1390 = arith.subf %gather3A_1385, %gather3A_1389 : vector<16xf32>
      %swap3A_1391 = arith.constant 272 : index
      %swap3A_1392 = tpu.vector_load %arg16[%swap3A_1391] {strides = array<i32>} : memref<1152xf32, #tpu.memory_space<vmem>>, vector<16xf32>,
      tpu.vector_store %arg16[%swap3A_1391], %sub3A_1390 {strides = array<i32>} : memref<1152xf32, #tpu.memory_space<vmem>>, vector<16xf32>,
      %mul3A_1393 = arith.constant 80 : i32
      %mul3A_1394 = arith.muli %add3A_1150, %mul3A_1393 : i32
      %add3A_1395 = arith.constant 32 : i32
      %add3A_1396 = arith.addi %mul3A_1394, %add3A_1395 : i32
      %get3A_1397 = arith.index_cast %add3A_1396 : i32 to index
      %get3A_1398 = tpu.vector_load %arg10[%get3A_1397] {strides = array<i32>} : memref<10000xi32, #tpu.memory_space<vmem>>, vector<16xi32>,
      %shift_right_logical3A_1399 = arith.constant 1 : i32
      %shift_right_logical3A_1400 = vector.broadcast %shift_right_logical3A_1399 : i32 to vector<16xi32>
      %shift_right_logical3A_1401 = arith.shrui %get3A_1398, %shift_right_logical3A_1400 : vector<16xi32>
      %mul3A_1402 = arith.constant 3 : i32
      %mul3A_1403 = vector.broadcast %mul3A_1402 : i32 to vector<16xi32>
      %mul3A_1404 = arith.muli %shift_right_logical3A_1401, %mul3A_1403 : vector<16xi32>
      %mul3A_1405 = arith.constant 3 : i32
      %mul3A_1406 = vector.broadcast %mul3A_1405 : i32 to vector<16xi32>
      %mul3A_1407 = arith.muli %shift_right_logical3A_1233, %mul3A_1406 : vector<16xi32>
      %get3A_1408 = arith.constant 32 : index
      %get3A_1409 = tpu.vector_load %arg15[%get3A_1408] {strides = array<i32>} : memref<1152xf32, #tpu.memory_space<vmem>>, vector<16xf32>,
      tpu.vector_store_idx %arg17[%shift_right_logical3A_1233], %get3A_1409 {add = true} : memref<5120xf32, #tpu.memory_space<vmem>>[vector<16xi32>], vector<16xf32>,
      %add3A_1410 = arith.constant 0 : i32
      %add3A_1411 = vector.broadcast %add3A_1410 : i32 to vector<16xi32>
      %add3A_1412 = arith.addi %mul3A_1407, %add3A_1411 : vector<16xi32>
      %gather3A_1413 = tpu.vector_load_idx %arg13[%add3A_1412] : memref<15104xf32, #tpu.memory_space<vmem>>[vector<16xi32>], vector<16xf32>,
      %add3A_1414 = arith.constant 0 : i32
      %add3A_1415 = vector.broadcast %add3A_1414 : i32 to vector<16xi32>
      %add3A_1416 = arith.addi %mul3A_1404, %add3A_1415 : vector<16xi32>
      %gather3A_1417 = tpu.vector_load_idx %arg13[%add3A_1416] : memref<15104xf32, #tpu.memory_space<vmem>>[vector<16xi32>], vector<16xf32>,
      %sub3A_1418 = arith.subf %gather3A_1413, %gather3A_1417 : vector<16xf32>
      %swap3A_1419 = arith.constant 32 : index
      %swap3A_1420 = tpu.vector_load %arg16[%swap3A_1419] {strides = array<i32>} : memref<1152xf32, #tpu.memory_space<vmem>>, vector<16xf32>,
      tpu.vector_store %arg16[%swap3A_1419], %sub3A_1418 {strides = array<i32>} : memref<1152xf32, #tpu.memory_space<vmem>>, vector<16xf32>,
      %get3A_1421 = arith.constant 160 : index
      %get3A_1422 = tpu.vector_load %arg15[%get3A_1421] {strides = array<i32>} : memref<1152xf32, #tpu.memory_space<vmem>>, vector<16xf32>,
      tpu.vector_store_idx %arg18[%shift_right_logical3A_1233], %get3A_1422 {add = true} : memref<5120xf32, #tpu.memory_space<vmem>>[vector<16xi32>], vector<16xf32>,
      %add3A_1423 = arith.constant 1 : i32
      %add3A_1424 = vector.broadcast %add3A_1423 : i32 to vector<16xi32>
      %add3A_1425 = arith.addi %mul3A_1407, %add3A_1424 : vector<16xi32>
      %gather3A_1426 = tpu.vector_load_idx %arg13[%add3A_1425] : memref<15104xf32, #tpu.memory_space<vmem>>[vector<16xi32>], vector<16xf32>,
      %add3A_1427 = arith.constant 1 : i32
      %add3A_1428 = vector.broadcast %add3A_1427 : i32 to vector<16xi32>
      %add3A_1429 = arith.addi %mul3A_1404, %add3A_1428 : vector<16xi32>
      %gather3A_1430 = tpu.vector_load_idx %arg13[%add3A_1429] : memref<15104xf32, #tpu.memory_space<vmem>>[vector<16xi32>], vector<16xf32>,
      %sub3A_1431 = arith.subf %gather3A_1426, %gather3A_1430 : vector<16xf32>
      %swap3A_1432 = arith.constant 160 : index
      %swap3A_1433 = tpu.vector_load %arg16[%swap3A_1432] {strides = array<i32>} : memref<1152xf32, #tpu.memory_space<vmem>>, vector<16xf32>,
      tpu.vector_store %arg16[%swap3A_1432], %sub3A_1431 {strides = array<i32>} : memref<1152xf32, #tpu.memory_space<vmem>>, vector<16xf32>,
      %get3A_1434 = arith.constant 288 : index
      %get3A_1435 = tpu.vector_load %arg15[%get3A_1434] {strides = array<i32>} : memref<1152xf32, #tpu.memory_space<vmem>>, vector<16xf32>,
      tpu.vector_store_idx %arg19[%shift_right_logical3A_1233], %get3A_1435 {add = true} : memref<5120xf32, #tpu.memory_space<vmem>>[vector<16xi32>], vector<16xf32>,
      %add3A_1436 = arith.constant 2 : i32
      %add3A_1437 = vector.broadcast %add3A_1436 : i32 to vector<16xi32>
      %add3A_1438 = arith.addi %mul3A_1407, %add3A_1437 : vector<16xi32>
      %gather3A_1439 = tpu.vector_load_idx %arg13[%add3A_1438] : memref<15104xf32, #tpu.memory_space<vmem>>[vector<16xi32>], vector<16xf32>,
      %add3A_1440 = arith.constant 2 : i32
      %add3A_1441 = vector.broadcast %add3A_1440 : i32 to vector<16xi32>
      %add3A_1442 = arith.addi %mul3A_1404, %add3A_1441 : vector<16xi32>
      %gather3A_1443 = tpu.vector_load_idx %arg13[%add3A_1442] : memref<15104xf32, #tpu.memory_space<vmem>>[vector<16xi32>], vector<16xf32>,
      %sub3A_1444 = arith.subf %gather3A_1439, %gather3A_1443 : vector<16xf32>
      %swap3A_1445 = arith.constant 288 : index
      %swap3A_1446 = tpu.vector_load %arg16[%swap3A_1445] {strides = array<i32>} : memref<1152xf32, #tpu.memory_space<vmem>>, vector<16xf32>,
      tpu.vector_store %arg16[%swap3A_1445], %sub3A_1444 {strides = array<i32>} : memref<1152xf32, #tpu.memory_space<vmem>>, vector<16xf32>,
      %mul3A_1447 = arith.constant 80 : i32
      %mul3A_1448 = arith.muli %add3A_1150, %mul3A_1447 : i32
      %add3A_1449 = arith.constant 48 : i32
      %add3A_1450 = arith.addi %mul3A_1448, %add3A_1449 : i32
      %get3A_1451 = arith.index_cast %add3A_1450 : i32 to index
      %get3A_1452 = tpu.vector_load %arg10[%get3A_1451] {strides = array<i32>} : memref<10000xi32, #tpu.memory_space<vmem>>, vector<16xi32>,
      %shift_right_logical3A_1453 = arith.constant 1 : i32
      %shift_right_logical3A_1454 = vector.broadcast %shift_right_logical3A_1453 : i32 to vector<16xi32>
      %shift_right_logical3A_1455 = arith.shrui %get3A_1452, %shift_right_logical3A_1454 : vector<16xi32>
      %mul3A_1456 = arith.constant 3 : i32
      %mul3A_1457 = vector.broadcast %mul3A_1456 : i32 to vector<16xi32>
      %mul3A_1458 = arith.muli %shift_right_logical3A_1455, %mul3A_1457 : vector<16xi32>
      %mul3A_1459 = arith.constant 3 : i32
      %mul3A_1460 = vector.broadcast %mul3A_1459 : i32 to vector<16xi32>
      %mul3A_1461 = arith.muli %shift_right_logical3A_1248, %mul3A_1460 : vector<16xi32>
      %get3A_1462 = arith.constant 48 : index
      %get3A_1463 = tpu.vector_load %arg15[%get3A_1462] {strides = array<i32>} : memref<1152xf32, #tpu.memory_space<vmem>>, vector<16xf32>,
      tpu.vector_store_idx %arg17[%shift_right_logical3A_1248], %get3A_1463 {add = true} : memref<5120xf32, #tpu.memory_space<vmem>>[vector<16xi32>], vector<16xf32>,
      %add3A_1464 = arith.constant 0 : i32
      %add3A_1465 = vector.broadcast %add3A_1464 : i32 to vector<16xi32>
      %add3A_1466 = arith.addi %mul3A_1461, %add3A_1465 : vector<16xi32>
      %gather3A_1467 = tpu.vector_load_idx %arg13[%add3A_1466] : memref<15104xf32, #tpu.memory_space<vmem>>[vector<16xi32>], vector<16xf32>,
      %add3A_1468 = arith.constant 0 : i32
      %add3A_1469 = vector.broadcast %add3A_1468 : i32 to vector<16xi32>
      %add3A_1470 = arith.addi %mul3A_1458, %add3A_1469 : vector<16xi32>
      %gather3A_1471 = tpu.vector_load_idx %arg13[%add3A_1470] : memref<15104xf32, #tpu.memory_space<vmem>>[vector<16xi32>], vector<16xf32>,
      %sub3A_1472 = arith.subf %gather3A_1467, %gather3A_1471 : vector<16xf32>
      %swap3A_1473 = arith.constant 48 : index
      %swap3A_1474 = tpu.vector_load %arg16[%swap3A_1473] {strides = array<i32>} : memref<1152xf32, #tpu.memory_space<vmem>>, vector<16xf32>,
      tpu.vector_store %arg16[%swap3A_1473], %sub3A_1472 {strides = array<i32>} : memref<1152xf32, #tpu.memory_space<vmem>>, vector<16xf32>,
      %get3A_1475 = arith.constant 176 : index
      %get3A_1476 = tpu.vector_load %arg15[%get3A_1475] {strides = array<i32>} : memref<1152xf32, #tpu.memory_space<vmem>>, vector<16xf32>,
      tpu.vector_store_idx %arg18[%shift_right_logical3A_1248], %get3A_1476 {add = true} : memref<5120xf32, #tpu.memory_space<vmem>>[vector<16xi32>], vector<16xf32>,
      %add3A_1477 = arith.constant 1 : i32
      %add3A_1478 = vector.broadcast %add3A_1477 : i32 to vector<16xi32>
      %add3A_1479 = arith.addi %mul3A_1461, %add3A_1478 : vector<16xi32>
      %gather3A_1480 = tpu.vector_load_idx %arg13[%add3A_1479] : memref<15104xf32, #tpu.memory_space<vmem>>[vector<16xi32>], vector<16xf32>,
      %add3A_1481 = arith.constant 1 : i32
      %add3A_1482 = vector.broadcast %add3A_1481 : i32 to vector<16xi32>
      %add3A_1483 = arith.addi %mul3A_1458, %add3A_1482 : vector<16xi32>
      %gather3A_1484 = tpu.vector_load_idx %arg13[%add3A_1483] : memref<15104xf32, #tpu.memory_space<vmem>>[vector<16xi32>], vector<16xf32>,
      %sub3A_1485 = arith.subf %gather3A_1480, %gather3A_1484 : vector<16xf32>
      %swap3A_1486 = arith.constant 176 : index
      %swap3A_1487 = tpu.vector_load %arg16[%swap3A_1486] {strides = array<i32>} : memref<1152xf32, #tpu.memory_space<vmem>>, vector<16xf32>,
      tpu.vector_store %arg16[%swap3A_1486], %sub3A_1485 {strides = array<i32>} : memref<1152xf32, #tpu.memory_space<vmem>>, vector<16xf32>,
      %get3A_1488 = arith.constant 304 : index
      %get3A_1489 = tpu.vector_load %arg15[%get3A_1488] {strides = array<i32>} : memref<1152xf32, #tpu.memory_space<vmem>>, vector<16xf32>,
      tpu.vector_store_idx %arg19[%shift_right_logical3A_1248], %get3A_1489 {add = true} : memref<5120xf32, #tpu.memory_space<vmem>>[vector<16xi32>], vector<16xf32>,
      %add3A_1490 = arith.constant 2 : i32
      %add3A_1491 = vector.broadcast %add3A_1490 : i32 to vector<16xi32>
      %add3A_1492 = arith.addi %mul3A_1461, %add3A_1491 : vector<16xi32>
      %gather3A_1493 = tpu.vector_load_idx %arg13[%add3A_1492] : memref<15104xf32, #tpu.memory_space<vmem>>[vector<16xi32>], vector<16xf32>,
      %add3A_1494 = arith.constant 2 : i32
      %add3A_1495 = vector.broadcast %add3A_1494 : i32 to vector<16xi32>
      %add3A_1496 = arith.addi %mul3A_1458, %add3A_1495 : vector<16xi32>
      %gather3A_1497 = tpu.vector_load_idx %arg13[%add3A_1496] : memref<15104xf32, #tpu.memory_space<vmem>>[vector<16xi32>], vector<16xf32>,
      %sub3A_1498 = arith.subf %gather3A_1493, %gather3A_1497 : vector<16xf32>
      %swap3A_1499 = arith.constant 304 : index
      %swap3A_1500 = tpu.vector_load %arg16[%swap3A_1499] {strides = array<i32>} : memref<1152xf32, #tpu.memory_space<vmem>>, vector<16xf32>,
      tpu.vector_store %arg16[%swap3A_1499], %sub3A_1498 {strides = array<i32>} : memref<1152xf32, #tpu.memory_space<vmem>>, vector<16xf32>,
      %mul3A_1501 = arith.constant 80 : i32
      %mul3A_1502 = arith.muli %add3A_1150, %mul3A_1501 : i32
      %add3A_1503 = arith.constant 64 : i32
      %add3A_1504 = arith.addi %mul3A_1502, %add3A_1503 : i32
      %get3A_1505 = arith.index_cast %add3A_1504 : i32 to index
      %get3A_1506 = tpu.vector_load %arg10[%get3A_1505] {strides = array<i32>} : memref<10000xi32, #tpu.memory_space<vmem>>, vector<16xi32>,
      %shift_right_logical3A_1507 = arith.constant 1 : i32
      %shift_right_logical3A_1508 = vector.broadcast %shift_right_logical3A_1507 : i32 to vector<16xi32>
      %shift_right_logical3A_1509 = arith.shrui %get3A_1506, %shift_right_logical3A_1508 : vector<16xi32>
      %mul3A_1510 = arith.constant 3 : i32
      %mul3A_1511 = vector.broadcast %mul3A_1510 : i32 to vector<16xi32>
      %mul3A_1512 = arith.muli %shift_right_logical3A_1509, %mul3A_1511 : vector<16xi32>
      %mul3A_1513 = arith.constant 3 : i32
      %mul3A_1514 = vector.broadcast %mul3A_1513 : i32 to vector<16xi32>
      %mul3A_1515 = arith.muli %shift_right_logical3A_1263, %mul3A_1514 : vector<16xi32>
      %get3A_1516 = arith.constant 64 : index
      %get3A_1517 = tpu.vector_load %arg15[%get3A_1516] {strides = array<i32>} : memref<1152xf32, #tpu.memory_space<vmem>>, vector<16xf32>,
      tpu.vector_store_idx %arg17[%shift_right_logical3A_1263], %get3A_1517 {add = true} : memref<5120xf32, #tpu.memory_space<vmem>>[vector<16xi32>], vector<16xf32>,
      %add3A_1518 = arith.constant 0 : i32
      %add3A_1519 = vector.broadcast %add3A_1518 : i32 to vector<16xi32>
      %add3A_1520 = arith.addi %mul3A_1515, %add3A_1519 : vector<16xi32>
      %gather3A_1521 = tpu.vector_load_idx %arg13[%add3A_1520] : memref<15104xf32, #tpu.memory_space<vmem>>[vector<16xi32>], vector<16xf32>,
      %add3A_1522 = arith.constant 0 : i32
      %add3A_1523 = vector.broadcast %add3A_1522 : i32 to vector<16xi32>
      %add3A_1524 = arith.addi %mul3A_1512, %add3A_1523 : vector<16xi32>
      %gather3A_1525 = tpu.vector_load_idx %arg13[%add3A_1524] : memref<15104xf32, #tpu.memory_space<vmem>>[vector<16xi32>], vector<16xf32>,
      %sub3A_1526 = arith.subf %gather3A_1521, %gather3A_1525 : vector<16xf32>
      %swap3A_1527 = arith.constant 64 : index
      %swap3A_1528 = tpu.vector_load %arg16[%swap3A_1527] {strides = array<i32>} : memref<1152xf32, #tpu.memory_space<vmem>>, vector<16xf32>,
      tpu.vector_store %arg16[%swap3A_1527], %sub3A_1526 {strides = array<i32>} : memref<1152xf32, #tpu.memory_space<vmem>>, vector<16xf32>,
      %get3A_1529 = arith.constant 192 : index
      %get3A_1530 = tpu.vector_load %arg15[%get3A_1529] {strides = array<i32>} : memref<1152xf32, #tpu.memory_space<vmem>>, vector<16xf32>,
      tpu.vector_store_idx %arg18[%shift_right_logical3A_1263], %get3A_1530 {add = true} : memref<5120xf32, #tpu.memory_space<vmem>>[vector<16xi32>], vector<16xf32>,
      %add3A_1531 = arith.constant 1 : i32
      %add3A_1532 = vector.broadcast %add3A_1531 : i32 to vector<16xi32>
      %add3A_1533 = arith.addi %mul3A_1515, %add3A_1532 : vector<16xi32>
      %gather3A_1534 = tpu.vector_load_idx %arg13[%add3A_1533] : memref<15104xf32, #tpu.memory_space<vmem>>[vector<16xi32>], vector<16xf32>,
      %add3A_1535 = arith.constant 1 : i32
      %add3A_1536 = vector.broadcast %add3A_1535 : i32 to vector<16xi32>
      %add3A_1537 = arith.addi %mul3A_1512, %add3A_1536 : vector<16xi32>
      %gather3A_1538 = tpu.vector_load_idx %arg13[%add3A_1537] : memref<15104xf32, #tpu.memory_space<vmem>>[vector<16xi32>], vector<16xf32>,
      %sub3A_1539 = arith.subf %gather3A_1534, %gather3A_1538 : vector<16xf32>
      %swap3A_1540 = arith.constant 192 : index
      %swap3A_1541 = tpu.vector_load %arg16[%swap3A_1540] {strides = array<i32>} : memref<1152xf32, #tpu.memory_space<vmem>>, vector<16xf32>,
      tpu.vector_store %arg16[%swap3A_1540], %sub3A_1539 {strides = array<i32>} : memref<1152xf32, #tpu.memory_space<vmem>>, vector<16xf32>,
      %get3A_1542 = arith.constant 320 : index
      %get3A_1543 = tpu.vector_load %arg15[%get3A_1542] {strides = array<i32>} : memref<1152xf32, #tpu.memory_space<vmem>>, vector<16xf32>,
      tpu.vector_store_idx %arg19[%shift_right_logical3A_1263], %get3A_1543 {add = true} : memref<5120xf32, #tpu.memory_space<vmem>>[vector<16xi32>], vector<16xf32>,
      %add3A_1544 = arith.constant 2 : i32
      %add3A_1545 = vector.broadcast %add3A_1544 : i32 to vector<16xi32>
      %add3A_1546 = arith.addi %mul3A_1515, %add3A_1545 : vector<16xi32>
      %gather3A_1547 = tpu.vector_load_idx %arg13[%add3A_1546] : memref<15104xf32, #tpu.memory_space<vmem>>[vector<16xi32>], vector<16xf32>,
      %add3A_1548 = arith.constant 2 : i32
      %add3A_1549 = vector.broadcast %add3A_1548 : i32 to vector<16xi32>
      %add3A_1550 = arith.addi %mul3A_1512, %add3A_1549 : vector<16xi32>
      %gather3A_1551 = tpu.vector_load_idx %arg13[%add3A_1550] : memref<15104xf32, #tpu.memory_space<vmem>>[vector<16xi32>], vector<16xf32>,
      %sub3A_1552 = arith.subf %gather3A_1547, %gather3A_1551 : vector<16xf32>
      %swap3A_1553 = arith.constant 320 : index
      %swap3A_1554 = tpu.vector_load %arg16[%swap3A_1553] {strides = array<i32>} : memref<1152xf32, #tpu.memory_space<vmem>>, vector<16xf32>,
      tpu.vector_store %arg16[%swap3A_1553], %sub3A_1552 {strides = array<i32>} : memref<1152xf32, #tpu.memory_space<vmem>>, vector<16xf32>,
      %add3A_1555 = arith.constant 0 : i32
      %add3A_1556 = arith.addi %add3A_1555, %mul3A_2 : i32
      %mul3A_1557 = arith.constant 80 : i32
      %mul3A_1558 = arith.muli %add3A_1150, %mul3A_1557 : i32
      %add3A_1559 = arith.addi %add3A_1556, %mul3A_1558 : i32
      %dma_start3A_1560 = arith.constant 0 : i32
      %dma_start3A_1561 = tpu.memref_slice %arg16[%dma_start3A_1560] : memref<1152xf32, #tpu.memory_space<vmem>> -> memref<80xf32, #tpu.memory_space<vmem>>
      %dma_start3A_1562 = tpu.memref_slice %arg9[%add3A_1559] : memref<960000xf32, #tpu.memory_space<hbm>> -> memref<80xf32, #tpu.memory_space<hbm>>
      %dma_start3A_1563 = tpu.memref_slice %arg9[%add3A_1559] : memref<960000xf32, #tpu.memory_space<hbm>> -> memref<80xf32, #tpu.memory_space<hbm>>
      %dma_start3A_1564 = arith.constant 0 : i32
      %dma_start3A_1565 = tpu.memref_slice %arg16[%dma_start3A_1564] : memref<1152xf32, #tpu.memory_space<vmem>> -> memref<80xf32, #tpu.memory_space<vmem>>
      tpu.enqueue_dma source(%dma_start3A_1565 : memref<80xf32, #tpu.memory_space<vmem>>) target(%dma_start3A_1563 : memref<80xf32, #tpu.memory_space<hbm>>) target_semaphore(%arg27 : memref<!tpu.dma_semaphore, #tpu.memory_space<semaphore_mem>>)
      %add3A_1566 = arith.constant 320000 : i32
      %add3A_1567 = arith.addi %add3A_1566, %mul3A_2 : i32
      %mul3A_1568 = arith.constant 80 : i32
      %mul3A_1569 = arith.muli %add3A_1150, %mul3A_1568 : i32
      %add3A_1570 = arith.addi %add3A_1567, %mul3A_1569 : i32
      %dma_start3A_1571 = arith.constant 128 : i32
      %dma_start3A_1572 = tpu.memref_slice %arg16[%dma_start3A_1571] : memref<1152xf32, #tpu.memory_space<vmem>> -> memref<80xf32, #tpu.memory_space<vmem>>
      %dma_start3A_1573 = tpu.memref_slice %arg9[%add3A_1570] : memref<960000xf32, #tpu.memory_space<hbm>> -> memref<80xf32, #tpu.memory_space<hbm>>
      %dma_start3A_1574 = tpu.memref_slice %arg9[%add3A_1570] : memref<960000xf32, #tpu.memory_space<hbm>> -> memref<80xf32, #tpu.memory_space<hbm>>
      %dma_start3A_1575 = arith.constant 128 : i32
      %dma_start3A_1576 = tpu.memref_slice %arg16[%dma_start3A_1575] : memref<1152xf32, #tpu.memory_space<vmem>> -> memref<80xf32, #tpu.memory_space<vmem>>
      tpu.enqueue_dma source(%dma_start3A_1576 : memref<80xf32, #tpu.memory_space<vmem>>) target(%dma_start3A_1574 : memref<80xf32, #tpu.memory_space<hbm>>) target_semaphore(%arg27 : memref<!tpu.dma_semaphore, #tpu.memory_space<semaphore_mem>>)
      %add3A_1577 = arith.constant 640000 : i32
      %add3A_1578 = arith.addi %add3A_1577, %mul3A_2 : i32
      %mul3A_1579 = arith.constant 80 : i32
      %mul3A_1580 = arith.muli %add3A_1150, %mul3A_1579 : i32
      %add3A_1581 = arith.addi %add3A_1578, %mul3A_1580 : i32
      %dma_start3A_1582 = arith.constant 256 : i32
      %dma_start3A_1583 = tpu.memref_slice %arg16[%dma_start3A_1582] : memref<1152xf32, #tpu.memory_space<vmem>> -> memref<80xf32, #tpu.memory_space<vmem>>
      %dma_start3A_1584 = tpu.memref_slice %arg9[%add3A_1581] : memref<960000xf32, #tpu.memory_space<hbm>> -> memref<80xf32, #tpu.memory_space<hbm>>
      %dma_start3A_1585 = tpu.memref_slice %arg9[%add3A_1581] : memref<960000xf32, #tpu.memory_space<hbm>> -> memref<80xf32, #tpu.memory_space<hbm>>
      %dma_start3A_1586 = arith.constant 256 : i32
      %dma_start3A_1587 = tpu.memref_slice %arg16[%dma_start3A_1586] : memref<1152xf32, #tpu.memory_space<vmem>> -> memref<80xf32, #tpu.memory_space<vmem>>
      tpu.enqueue_dma source(%dma_start3A_1587 : memref<80xf32, #tpu.memory_space<vmem>>) target(%dma_start3A_1585 : memref<80xf32, #tpu.memory_space<hbm>>) target_semaphore(%arg27 : memref<!tpu.dma_semaphore, #tpu.memory_space<semaphore_mem>>)
      %dma_wait3A_1588 = arith.constant 0 : i32
      %dma_wait3A_1589 = arith.constant 0 : i32
      %dma_wait3A_1590 = arith.constant 0 : i32
      %dma_wait3A_1591 = arith.constant 0 : i32
      %dma_wait3A_1592 = arith.constant 0 : i32
      %dma_wait3A_1593 = tpu.memref_slice %arg14[%dma_wait3A_1588, %dma_wait3A_1591, %dma_wait3A_1592] : memref<3x80x128xf32, #tpu.memory_space<vmem>> -> memref<1x80x128xf32, #tpu.memory_space<vmem>>
      %dma_wait3A_1594 = tpu.memref_squeeze %dma_wait3A_1593 : memref<1x80x128xf32, #tpu.memory_space<vmem>> -> memref<80x128xf32, #tpu.memory_space<vmem>>
      %dma_wait3A_1595 = arith.constant 0 : i32
      %dma_wait3A_1596 = tpu.memref_slice %arg12[%dma_wait3A_1589, %dma_wait3A_1590, %dma_wait3A_1595] : memref<3x1x80xi32, #tpu.memory_space<vmem>> -> memref<1x1x80xi32, #tpu.memory_space<vmem>>
      %dma_wait3A_1597 = tpu.memref_squeeze %dma_wait3A_1596 : memref<1x1x80xi32, #tpu.memory_space<vmem>> -> memref<80xi32, #tpu.memory_space<vmem>>
      %dma_wait3A_1598 = arith.constant 0 : i32
      %dma_wait3A_1599 = arith.constant 0 : i32
      %dma_wait3A_1600 = tpu.memref_slice %arg20[%dma_wait3A_1598, %dma_wait3A_1599] : memref<5120x128xf32, #tpu.memory_space<vmem_shared>> -> memref<5120x128xf32, #tpu.memory_space<vmem_shared>>
      tpu.wait_indirect_dma semaphore(%arg24 : memref<!tpu.dma_semaphore, #tpu.memory_space<semaphore_mem>>) src(%dma_wait3A_1594 : memref<80x128xf32, #tpu.memory_space<vmem>>) dst(%dma_wait3A_1600 : memref<5120x128xf32, #tpu.memory_space<vmem_shared>>)
      %add3A_1601 = arith.constant 3 : i32
      %add3A_1602 = arith.addi %add3A_1150, %add3A_1601 : i32
      %lt3A = arith.constant 125 : i32
      %lt3A_1603 = arith.cmpi slt, %add3A_1602, %lt3A : i32
      %convert_element_type3A_1604 = arith.extui %lt3A_1603 : i1 to i32
      %cond3A_1605 = arith.constant 0 : i32
      %cond3A_1606 = arith.cmpi ne, %convert_element_type3A_1604, %cond3A_1605 : i32
      scf.if %cond3A_1606 {
        %add3A_2536 = arith.constant 3 : i32
        %add3A_2537 = arith.addi %add3A_1150, %add3A_2536 : i32
        %mul3A_2538 = arith.constant 80 : i32
        %mul3A_2539 = arith.muli %add3A_2537, %mul3A_2538 : i32
        %dma_start3A_2540 = arith.constant 0 : i32
        %dma_start3A_2541 = arith.constant 0 : i32
        %dma_start3A_2542 = arith.constant 0 : i32
        %dma_start3A_2543 = tpu.memref_slice %arg14[%dma_start3A_2540, %dma_start3A_2541, %dma_start3A_2542] : memref<3x80x128xf32, #tpu.memory_space<vmem>> -> memref<1x80x128xf32, #tpu.memory_space<vmem>>
        %dma_start3A_2544 = tpu.memref_squeeze %dma_start3A_2543 : memref<1x80x128xf32, #tpu.memory_space<vmem>> -> memref<80x128xf32, #tpu.memory_space<vmem>>
        %dma_start3A_2545 = tpu.memref_slice %arg10[%mul3A_2539] : memref<10000xi32, #tpu.memory_space<vmem>> -> memref<80xi32, #tpu.memory_space<vmem>>
        %dma_start3A_2546 = arith.constant 0 : i32
        %dma_start3A_2547 = arith.constant 0 : i32
        %dma_start3A_2548 = tpu.memref_slice %arg2[%dma_start3A_2546, %dma_start3A_2547] : memref<10000x128xf32, #tpu.memory_space<hbm>> -> memref<10000x128xf32, #tpu.memory_space<hbm>>
        tpu.enqueue_indirect_dma source(%dma_start3A_2548 : memref<10000x128xf32, #tpu.memory_space<hbm>>) target(%dma_start3A_2544 : memref<80x128xf32, #tpu.memory_space<vmem>>) offsets(%dma_start3A_2545 : memref<80xi32, #tpu.memory_space<vmem>>) semaphore(%arg21 : memref<!tpu.dma_semaphore, #tpu.memory_space<semaphore_mem>>)
        %add3A_2549 = arith.constant 3 : i32
        %add3A_2550 = arith.addi %add3A_1150, %add3A_2549 : i32
        %add3A_2551 = arith.constant 0 : i32
        %add3A_2552 = arith.addi %add3A_2551, %mul3A_2 : i32
        %mul3A_2553 = arith.constant 80 : i32
        %mul3A_2554 = arith.muli %add3A_2550, %mul3A_2553 : i32
        %add3A_2555 = arith.addi %add3A_2552, %mul3A_2554 : i32
        %dma_start3A_2556 = arith.constant 0 : i32
        %dma_start3A_2557 = tpu.memref_slice %arg15[%dma_start3A_2556] : memref<1152xf32, #tpu.memory_space<vmem>> -> memref<80xf32, #tpu.memory_space<vmem>>
        %dma_start3A_2558 = tpu.memref_slice %arg5[%add3A_2555] : memref<960000xf32, #tpu.memory_space<hbm>> -> memref<80xf32, #tpu.memory_space<hbm>>
        %dma_start3A_2559 = arith.constant 0 : i32
        %dma_start3A_2560 = tpu.memref_slice %arg15[%dma_start3A_2559] : memref<1152xf32, #tpu.memory_space<vmem>> -> memref<80xf32, #tpu.memory_space<vmem>>
        %dma_start3A_2561 = tpu.memref_slice %arg5[%add3A_2555] : memref<960000xf32, #tpu.memory_space<hbm>> -> memref<80xf32, #tpu.memory_space<hbm>>
        tpu.enqueue_dma source(%dma_start3A_2561 : memref<80xf32, #tpu.memory_space<hbm>>) target(%dma_start3A_2560 : memref<80xf32, #tpu.memory_space<vmem>>) target_semaphore(%arg30 : memref<!tpu.dma_semaphore, #tpu.memory_space<semaphore_mem>>)
        %add3A_2562 = arith.constant 320000 : i32
        %add3A_2563 = arith.addi %add3A_2562, %mul3A_2 : i32
        %mul3A_2564 = arith.constant 80 : i32
        %mul3A_2565 = arith.muli %add3A_2550, %mul3A_2564 : i32
        %add3A_2566 = arith.addi %add3A_2563, %mul3A_2565 : i32
        %dma_start3A_2567 = arith.constant 128 : i32
        %dma_start3A_2568 = tpu.memref_slice %arg15[%dma_start3A_2567] : memref<1152xf32, #tpu.memory_space<vmem>> -> memref<80xf32, #tpu.memory_space<vmem>>
        %dma_start3A_2569 = tpu.memref_slice %arg5[%add3A_2566] : memref<960000xf32, #tpu.memory_space<hbm>> -> memref<80xf32, #tpu.memory_space<hbm>>
        %dma_start3A_2570 = arith.constant 128 : i32
        %dma_start3A_2571 = tpu.memref_slice %arg15[%dma_start3A_2570] : memref<1152xf32, #tpu.memory_space<vmem>> -> memref<80xf32, #tpu.memory_space<vmem>>
        %dma_start3A_2572 = tpu.memref_slice %arg5[%add3A_2566] : memref<960000xf32, #tpu.memory_space<hbm>> -> memref<80xf32, #tpu.memory_space<hbm>>
        tpu.enqueue_dma source(%dma_start3A_2572 : memref<80xf32, #tpu.memory_space<hbm>>) target(%dma_start3A_2571 : memref<80xf32, #tpu.memory_space<vmem>>) target_semaphore(%arg30 : memref<!tpu.dma_semaphore, #tpu.memory_space<semaphore_mem>>)
        %add3A_2573 = arith.constant 640000 : i32
        %add3A_2574 = arith.addi %add3A_2573, %mul3A_2 : i32
        %mul3A_2575 = arith.constant 80 : i32
        %mul3A_2576 = arith.muli %add3A_2550, %mul3A_2575 : i32
        %add3A_2577 = arith.addi %add3A_2574, %mul3A_2576 : i32
        %dma_start3A_2578 = arith.constant 256 : i32
        %dma_start3A_2579 = tpu.memref_slice %arg15[%dma_start3A_2578] : memref<1152xf32, #tpu.memory_space<vmem>> -> memref<80xf32, #tpu.memory_space<vmem>>
        %dma_start3A_2580 = tpu.memref_slice %arg5[%add3A_2577] : memref<960000xf32, #tpu.memory_space<hbm>> -> memref<80xf32, #tpu.memory_space<hbm>>
        %dma_start3A_2581 = arith.constant 256 : i32
        %dma_start3A_2582 = tpu.memref_slice %arg15[%dma_start3A_2581] : memref<1152xf32, #tpu.memory_space<vmem>> -> memref<80xf32, #tpu.memory_space<vmem>>
        %dma_start3A_2583 = tpu.memref_slice %arg5[%add3A_2577] : memref<960000xf32, #tpu.memory_space<hbm>> -> memref<80xf32, #tpu.memory_space<hbm>>
        tpu.enqueue_dma source(%dma_start3A_2583 : memref<80xf32, #tpu.memory_space<hbm>>) target(%dma_start3A_2582 : memref<80xf32, #tpu.memory_space<vmem>>) target_semaphore(%arg30 : memref<!tpu.dma_semaphore, #tpu.memory_space<semaphore_mem>>)
      } else {
      }
      %mul3A_1607 = arith.constant 3 : i32
      %mul3A_1608 = arith.muli %scan3A_1145, %mul3A_1607 : i32
      %add3A_1609 = arith.constant 1 : i32
      %add3A_1610 = arith.addi %mul3A_1608, %add3A_1609 : i32
      %mul3A_1611 = arith.constant 80 : i32
      %mul3A_1612 = arith.muli %add3A_1610, %mul3A_1611 : i32
      %dma_wait3A_1613 = arith.constant 1 : i32
      %dma_wait3A_1614 = arith.constant 0 : i32
      %dma_wait3A_1615 = arith.constant 0 : i32
      %dma_wait3A_1616 = tpu.memref_slice %arg14[%dma_wait3A_1613, %dma_wait3A_1614, %dma_wait3A_1615] : memref<3x80x128xf32, #tpu.memory_space<vmem>> -> memref<1x80x128xf32, #tpu.memory_space<vmem>>
      %dma_wait3A_1617 = tpu.memref_squeeze %dma_wait3A_1616 : memref<1x80x128xf32, #tpu.memory_space<vmem>> -> memref<80x128xf32, #tpu.memory_space<vmem>>
      %dma_wait3A_1618 = tpu.memref_slice %arg10[%mul3A_1612] : memref<10000xi32, #tpu.memory_space<vmem>> -> memref<80xi32, #tpu.memory_space<vmem>>
      %dma_wait3A_1619 = arith.constant 0 : i32
      %dma_wait3A_1620 = arith.constant 0 : i32
      %dma_wait3A_1621 = tpu.memref_slice %arg2[%dma_wait3A_1619, %dma_wait3A_1620] : memref<10000x128xf32, #tpu.memory_space<hbm>> -> memref<10000x128xf32, #tpu.memory_space<hbm>>
      tpu.wait_indirect_dma semaphore(%arg22 : memref<!tpu.dma_semaphore, #tpu.memory_space<semaphore_mem>>) src(%dma_wait3A_1621 : memref<10000x128xf32, #tpu.memory_space<hbm>>) dst(%dma_wait3A_1617 : memref<80x128xf32, #tpu.memory_space<vmem>>)
      %add3A_1622 = arith.constant 0 : i32
      %add3A_1623 = arith.addi %add3A_1622, %mul3A_2 : i32
      %mul3A_1624 = arith.constant 80 : i32
      %mul3A_1625 = arith.muli %add3A_1610, %mul3A_1624 : i32
      %add3A_1626 = arith.addi %add3A_1623, %mul3A_1625 : i32
      %dma_wait3A_1627 = arith.constant 384 : i32
      %dma_wait3A_1628 = tpu.memref_slice %arg15[%dma_wait3A_1627] : memref<1152xf32, #tpu.memory_space<vmem>> -> memref<80xf32, #tpu.memory_space<vmem>>
      %dma_wait3A_1629 = tpu.memref_slice %arg5[%add3A_1626] : memref<960000xf32, #tpu.memory_space<hbm>> -> memref<80xf32, #tpu.memory_space<hbm>>
      %dma_wait3A_1630 = arith.constant 384 : i32
      %dma_wait3A_1631 = tpu.memref_slice %arg15[%dma_wait3A_1630] : memref<1152xf32, #tpu.memory_space<vmem>> -> memref<80xf32, #tpu.memory_space<vmem>>
      %dma_wait3A_1632 = tpu.memref_slice %arg5[%add3A_1626] : memref<960000xf32, #tpu.memory_space<hbm>> -> memref<80xf32, #tpu.memory_space<hbm>>
      tpu.wait_dma2 semaphore(%arg31 : memref<!tpu.dma_semaphore, #tpu.memory_space<semaphore_mem>>) src(%dma_wait3A_1632 : memref<80xf32, #tpu.memory_space<hbm>>) dst(%dma_wait3A_1631 : memref<80xf32, #tpu.memory_space<vmem>>)
      %add3A_1633 = arith.constant 320000 : i32
      %add3A_1634 = arith.addi %add3A_1633, %mul3A_2 : i32
      %mul3A_1635 = arith.constant 80 : i32
      %mul3A_1636 = arith.muli %add3A_1610, %mul3A_1635 : i32
      %add3A_1637 = arith.addi %add3A_1634, %mul3A_1636 : i32
      %dma_wait3A_1638 = arith.constant 512 : i32
      %dma_wait3A_1639 = tpu.memref_slice %arg15[%dma_wait3A_1638] : memref<1152xf32, #tpu.memory_space<vmem>> -> memref<80xf32, #tpu.memory_space<vmem>>
      %dma_wait3A_1640 = tpu.memref_slice %arg5[%add3A_1637] : memref<960000xf32, #tpu.memory_space<hbm>> -> memref<80xf32, #tpu.memory_space<hbm>>
      %dma_wait3A_1641 = arith.constant 512 : i32
      %dma_wait3A_1642 = tpu.memref_slice %arg15[%dma_wait3A_1641] : memref<1152xf32, #tpu.memory_space<vmem>> -> memref<80xf32, #tpu.memory_space<vmem>>
      %dma_wait3A_1643 = tpu.memref_slice %arg5[%add3A_1637] : memref<960000xf32, #tpu.memory_space<hbm>> -> memref<80xf32, #tpu.memory_space<hbm>>
      tpu.wait_dma2 semaphore(%arg31 : memref<!tpu.dma_semaphore, #tpu.memory_space<semaphore_mem>>) src(%dma_wait3A_1643 : memref<80xf32, #tpu.memory_space<hbm>>) dst(%dma_wait3A_1642 : memref<80xf32, #tpu.memory_space<vmem>>)
      %add3A_1644 = arith.constant 640000 : i32
      %add3A_1645 = arith.addi %add3A_1644, %mul3A_2 : i32
      %mul3A_1646 = arith.constant 80 : i32
      %mul3A_1647 = arith.muli %add3A_1610, %mul3A_1646 : i32
      %add3A_1648 = arith.addi %add3A_1645, %mul3A_1647 : i32
      %dma_wait3A_1649 = arith.constant 640 : i32
      %dma_wait3A_1650 = tpu.memref_slice %arg15[%dma_wait3A_1649] : memref<1152xf32, #tpu.memory_space<vmem>> -> memref<80xf32, #tpu.memory_space<vmem>>
      %dma_wait3A_1651 = tpu.memref_slice %arg5[%add3A_1648] : memref<960000xf32, #tpu.memory_space<hbm>> -> memref<80xf32, #tpu.memory_space<hbm>>
      %dma_wait3A_1652 = arith.constant 640 : i32
      %dma_wait3A_1653 = tpu.memref_slice %arg15[%dma_wait3A_1652] : memref<1152xf32, #tpu.memory_space<vmem>> -> memref<80xf32, #tpu.memory_space<vmem>>
      %dma_wait3A_1654 = tpu.memref_slice %arg5[%add3A_1648] : memref<960000xf32, #tpu.memory_space<hbm>> -> memref<80xf32, #tpu.memory_space<hbm>>
      tpu.wait_dma2 semaphore(%arg31 : memref<!tpu.dma_semaphore, #tpu.memory_space<semaphore_mem>>) src(%dma_wait3A_1654 : memref<80xf32, #tpu.memory_space<hbm>>) dst(%dma_wait3A_1653 : memref<80xf32, #tpu.memory_space<vmem>>)
      %mul3A_1655 = arith.constant 80 : i32
      %mul3A_1656 = arith.muli %add3A_1610, %mul3A_1655 : i32
      %add3A_1657 = arith.constant 0 : i32
      %add3A_1658 = arith.addi %mul3A_1656, %add3A_1657 : i32
      %get3A_1659 = arith.index_cast %add3A_1658 : i32 to index
      %get3A_1660 = tpu.vector_load %arg11[%get3A_1659] {strides = array<i32>} : memref<10000xi32, #tpu.memory_space<vmem>>, vector<16xi32>,
      %shift_right_logical3A_1661 = arith.constant 1 : i32
      %shift_right_logical3A_1662 = vector.broadcast %shift_right_logical3A_1661 : i32 to vector<16xi32>
      %shift_right_logical3A_1663 = arith.shrui %get3A_1660, %shift_right_logical3A_1662 : vector<16xi32>
      %swap3A_1664 = arith.constant 1 : i32
      %swap3A_1665 = arith.constant 0 : i32
      %swap3A_1666 = arith.index_cast %swap3A_1664 : i32 to index
      %swap3A_1667 = arith.index_cast %swap3A_1665 : i32 to index
      %swap3A_1668 = arith.constant 0 : index
      %swap3A_1669 = tpu.vector_load %arg12[%swap3A_1666, %swap3A_1667, %swap3A_1668] {strides = array<i32>} : memref<3x1x80xi32, #tpu.memory_space<vmem>>, vector<16xi32>,
      tpu.vector_store %arg12[%swap3A_1666, %swap3A_1667, %swap3A_1668], %shift_right_logical3A_1663 {strides = array<i32>} : memref<3x1x80xi32, #tpu.memory_space<vmem>>, vector<16xi32>,
      %mul3A_1670 = arith.constant 80 : i32
      %mul3A_1671 = arith.muli %add3A_1610, %mul3A_1670 : i32
      %add3A_1672 = arith.constant 16 : i32
      %add3A_1673 = arith.addi %mul3A_1671, %add3A_1672 : i32
      %get3A_1674 = arith.index_cast %add3A_1673 : i32 to index
      %get3A_1675 = tpu.vector_load %arg11[%get3A_1674] {strides = array<i32>} : memref<10000xi32, #tpu.memory_space<vmem>>, vector<16xi32>,
      %shift_right_logical3A_1676 = arith.constant 1 : i32
      %shift_right_logical3A_1677 = vector.broadcast %shift_right_logical3A_1676 : i32 to vector<16xi32>
      %shift_right_logical3A_1678 = arith.shrui %get3A_1675, %shift_right_logical3A_1677 : vector<16xi32>
      %swap3A_1679 = arith.constant 1 : i32
      %swap3A_1680 = arith.constant 0 : i32
      %swap3A_1681 = arith.index_cast %swap3A_1679 : i32 to index
      %swap3A_1682 = arith.index_cast %swap3A_1680 : i32 to index
      %swap3A_1683 = arith.constant 16 : index
      %swap3A_1684 = tpu.vector_load %arg12[%swap3A_1681, %swap3A_1682, %swap3A_1683] {strides = array<i32>} : memref<3x1x80xi32, #tpu.memory_space<vmem>>, vector<16xi32>,
      tpu.vector_store %arg12[%swap3A_1681, %swap3A_1682, %swap3A_1683], %shift_right_logical3A_1678 {strides = array<i32>} : memref<3x1x80xi32, #tpu.memory_space<vmem>>, vector<16xi32>,
      %mul3A_1685 = arith.constant 80 : i32
      %mul3A_1686 = arith.muli %add3A_1610, %mul3A_1685 : i32
      %add3A_1687 = arith.constant 32 : i32
      %add3A_1688 = arith.addi %mul3A_1686, %add3A_1687 : i32
      %get3A_1689 = arith.index_cast %add3A_1688 : i32 to index
      %get3A_1690 = tpu.vector_load %arg11[%get3A_1689] {strides = array<i32>} : memref<10000xi32, #tpu.memory_space<vmem>>, vector<16xi32>,
      %shift_right_logical3A_1691 = arith.constant 1 : i32
      %shift_right_logical3A_1692 = vector.broadcast %shift_right_logical3A_1691 : i32 to vector<16xi32>
      %shift_right_logical3A_1693 = arith.shrui %get3A_1690, %shift_right_logical3A_1692 : vector<16xi32>
      %swap3A_1694 = arith.constant 1 : i32
      %swap3A_1695 = arith.constant 0 : i32
      %swap3A_1696 = arith.index_cast %swap3A_1694 : i32 to index
      %swap3A_1697 = arith.index_cast %swap3A_1695 : i32 to index
      %swap3A_1698 = arith.constant 32 : index
      %swap3A_1699 = tpu.vector_load %arg12[%swap3A_1696, %swap3A_1697, %swap3A_1698] {strides = array<i32>} : memref<3x1x80xi32, #tpu.memory_space<vmem>>, vector<16xi32>,
      tpu.vector_store %arg12[%swap3A_1696, %swap3A_1697, %swap3A_1698], %shift_right_logical3A_1693 {strides = array<i32>} : memref<3x1x80xi32, #tpu.memory_space<vmem>>, vector<16xi32>,
      %mul3A_1700 = arith.constant 80 : i32
      %mul3A_1701 = arith.muli %add3A_1610, %mul3A_1700 : i32
      %add3A_1702 = arith.constant 48 : i32
      %add3A_1703 = arith.addi %mul3A_1701, %add3A_1702 : i32
      %get3A_1704 = arith.index_cast %add3A_1703 : i32 to index
      %get3A_1705 = tpu.vector_load %arg11[%get3A_1704] {strides = array<i32>} : memref<10000xi32, #tpu.memory_space<vmem>>, vector<16xi32>,
      %shift_right_logical3A_1706 = arith.constant 1 : i32
      %shift_right_logical3A_1707 = vector.broadcast %shift_right_logical3A_1706 : i32 to vector<16xi32>
      %shift_right_logical3A_1708 = arith.shrui %get3A_1705, %shift_right_logical3A_1707 : vector<16xi32>
      %swap3A_1709 = arith.constant 1 : i32
      %swap3A_1710 = arith.constant 0 : i32
      %swap3A_1711 = arith.index_cast %swap3A_1709 : i32 to index
      %swap3A_1712 = arith.index_cast %swap3A_1710 : i32 to index
      %swap3A_1713 = arith.constant 48 : index
      %swap3A_1714 = tpu.vector_load %arg12[%swap3A_1711, %swap3A_1712, %swap3A_1713] {strides = array<i32>} : memref<3x1x80xi32, #tpu.memory_space<vmem>>, vector<16xi32>,
      tpu.vector_store %arg12[%swap3A_1711, %swap3A_1712, %swap3A_1713], %shift_right_logical3A_1708 {strides = array<i32>} : memref<3x1x80xi32, #tpu.memory_space<vmem>>, vector<16xi32>,
      %mul3A_1715 = arith.constant 80 : i32
      %mul3A_1716 = arith.muli %add3A_1610, %mul3A_1715 : i32
      %add3A_1717 = arith.constant 64 : i32
      %add3A_1718 = arith.addi %mul3A_1716, %add3A_1717 : i32
      %get3A_1719 = arith.index_cast %add3A_1718 : i32 to index
      %get3A_1720 = tpu.vector_load %arg11[%get3A_1719] {strides = array<i32>} : memref<10000xi32, #tpu.memory_space<vmem>>, vector<16xi32>,
      %shift_right_logical3A_1721 = arith.constant 1 : i32
      %shift_right_logical3A_1722 = vector.broadcast %shift_right_logical3A_1721 : i32 to vector<16xi32>
      %shift_right_logical3A_1723 = arith.shrui %get3A_1720, %shift_right_logical3A_1722 : vector<16xi32>
      %swap3A_1724 = arith.constant 1 : i32
      %swap3A_1725 = arith.constant 0 : i32
      %swap3A_1726 = arith.index_cast %swap3A_1724 : i32 to index
      %swap3A_1727 = arith.index_cast %swap3A_1725 : i32 to index
      %swap3A_1728 = arith.constant 64 : index
      %swap3A_1729 = tpu.vector_load %arg12[%swap3A_1726, %swap3A_1727, %swap3A_1728] {strides = array<i32>} : memref<3x1x80xi32, #tpu.memory_space<vmem>>, vector<16xi32>,
      tpu.vector_store %arg12[%swap3A_1726, %swap3A_1727, %swap3A_1728], %shift_right_logical3A_1723 {strides = array<i32>} : memref<3x1x80xi32, #tpu.memory_space<vmem>>, vector<16xi32>,
      %dma_start3A_1730 = arith.constant 1 : i32
      %dma_start3A_1731 = arith.constant 1 : i32
      %dma_start3A_1732 = arith.constant 0 : i32
      %dma_start3A_1733 = arith.constant 0 : i32
      %dma_start3A_1734 = arith.constant 0 : i32
      %dma_start3A_1735 = tpu.memref_slice %arg14[%dma_start3A_1730, %dma_start3A_1733, %dma_start3A_1734] : memref<3x80x128xf32, #tpu.memory_space<vmem>> -> memref<1x80x128xf32, #tpu.memory_space<vmem>>
      %dma_start3A_1736 = tpu.memref_squeeze %dma_start3A_1735 : memref<1x80x128xf32, #tpu.memory_space<vmem>> -> memref<80x128xf32, #tpu.memory_space<vmem>>
      %dma_start3A_1737 = arith.constant 0 : i32
      %dma_start3A_1738 = tpu.memref_slice %arg12[%dma_start3A_1731, %dma_start3A_1732, %dma_start3A_1737] : memref<3x1x80xi32, #tpu.memory_space<vmem>> -> memref<1x1x80xi32, #tpu.memory_space<vmem>>
      %dma_start3A_1739 = tpu.memref_squeeze %dma_start3A_1738 : memref<1x1x80xi32, #tpu.memory_space<vmem>> -> memref<80xi32, #tpu.memory_space<vmem>>
      %dma_start3A_1740 = arith.constant 0 : i32
      %dma_start3A_1741 = arith.constant 0 : i32
      %dma_start3A_1742 = tpu.memref_slice %arg20[%dma_start3A_1740, %dma_start3A_1741] : memref<5120x128xf32, #tpu.memory_space<vmem_shared>> -> memref<5120x128xf32, #tpu.memory_space<vmem_shared>>
      tpu.enqueue_indirect_dma source(%dma_start3A_1736 : memref<80x128xf32, #tpu.memory_space<vmem>>) target(%dma_start3A_1742 : memref<5120x128xf32, #tpu.memory_space<vmem_shared>>) offsets(%dma_start3A_1739 : memref<80xi32, #tpu.memory_space<vmem>>) semaphore(%arg25 : memref<!tpu.dma_semaphore, #tpu.memory_space<semaphore_mem>>) {add = true}
      %ge3A_1743 = arith.constant 3 : i32
      %ge3A_1744 = arith.cmpi sge, %add3A_1610, %ge3A_1743 : i32
      %convert_element_type3A_1745 = arith.extui %ge3A_1744 : i1 to i32
      %cond3A_1746 = arith.constant 0 : i32
      %cond3A_1747 = arith.cmpi ne, %convert_element_type3A_1745, %cond3A_1746 : i32
      scf.if %cond3A_1747 {
        %add3A_2536 = arith.constant 0 : i32
        %add3A_2537 = arith.addi %add3A_2536, %mul3A_2 : i32
        %mul3A_2538 = arith.constant 80 : i32
        %mul3A_2539 = arith.muli %add3A_1610, %mul3A_2538 : i32
        %add3A_2540 = arith.addi %add3A_2537, %mul3A_2539 : i32
        %dma_wait3A_2541 = arith.constant 384 : i32
        %dma_wait3A_2542 = tpu.memref_slice %arg16[%dma_wait3A_2541] : memref<1152xf32, #tpu.memory_space<vmem>> -> memref<80xf32, #tpu.memory_space<vmem>>
        %dma_wait3A_2543 = tpu.memref_slice %arg9[%add3A_2540] : memref<960000xf32, #tpu.memory_space<hbm>> -> memref<80xf32, #tpu.memory_space<hbm>>
        %dma_wait3A_2544 = tpu.memref_slice %arg9[%add3A_2540] : memref<960000xf32, #tpu.memory_space<hbm>> -> memref<80xf32, #tpu.memory_space<hbm>>
        %dma_wait3A_2545 = arith.constant 384 : i32
        %dma_wait3A_2546 = tpu.memref_slice %arg16[%dma_wait3A_2545] : memref<1152xf32, #tpu.memory_space<vmem>> -> memref<80xf32, #tpu.memory_space<vmem>>
        tpu.wait_dma2 semaphore(%arg28 : memref<!tpu.dma_semaphore, #tpu.memory_space<semaphore_mem>>) src(%dma_wait3A_2546 : memref<80xf32, #tpu.memory_space<vmem>>) dst(%dma_wait3A_2544 : memref<80xf32, #tpu.memory_space<hbm>>)
        %add3A_2547 = arith.constant 320000 : i32
        %add3A_2548 = arith.addi %add3A_2547, %mul3A_2 : i32
        %mul3A_2549 = arith.constant 80 : i32
        %mul3A_2550 = arith.muli %add3A_1610, %mul3A_2549 : i32
        %add3A_2551 = arith.addi %add3A_2548, %mul3A_2550 : i32
        %dma_wait3A_2552 = arith.constant 512 : i32
        %dma_wait3A_2553 = tpu.memref_slice %arg16[%dma_wait3A_2552] : memref<1152xf32, #tpu.memory_space<vmem>> -> memref<80xf32, #tpu.memory_space<vmem>>
        %dma_wait3A_2554 = tpu.memref_slice %arg9[%add3A_2551] : memref<960000xf32, #tpu.memory_space<hbm>> -> memref<80xf32, #tpu.memory_space<hbm>>
        %dma_wait3A_2555 = tpu.memref_slice %arg9[%add3A_2551] : memref<960000xf32, #tpu.memory_space<hbm>> -> memref<80xf32, #tpu.memory_space<hbm>>
        %dma_wait3A_2556 = arith.constant 512 : i32
        %dma_wait3A_2557 = tpu.memref_slice %arg16[%dma_wait3A_2556] : memref<1152xf32, #tpu.memory_space<vmem>> -> memref<80xf32, #tpu.memory_space<vmem>>
        tpu.wait_dma2 semaphore(%arg28 : memref<!tpu.dma_semaphore, #tpu.memory_space<semaphore_mem>>) src(%dma_wait3A_2557 : memref<80xf32, #tpu.memory_space<vmem>>) dst(%dma_wait3A_2555 : memref<80xf32, #tpu.memory_space<hbm>>)
        %add3A_2558 = arith.constant 640000 : i32
        %add3A_2559 = arith.addi %add3A_2558, %mul3A_2 : i32
        %mul3A_2560 = arith.constant 80 : i32
        %mul3A_2561 = arith.muli %add3A_1610, %mul3A_2560 : i32
        %add3A_2562 = arith.addi %add3A_2559, %mul3A_2561 : i32
        %dma_wait3A_2563 = arith.constant 640 : i32
        %dma_wait3A_2564 = tpu.memref_slice %arg16[%dma_wait3A_2563] : memref<1152xf32, #tpu.memory_space<vmem>> -> memref<80xf32, #tpu.memory_space<vmem>>
        %dma_wait3A_2565 = tpu.memref_slice %arg9[%add3A_2562] : memref<960000xf32, #tpu.memory_space<hbm>> -> memref<80xf32, #tpu.memory_space<hbm>>
        %dma_wait3A_2566 = tpu.memref_slice %arg9[%add3A_2562] : memref<960000xf32, #tpu.memory_space<hbm>> -> memref<80xf32, #tpu.memory_space<hbm>>
        %dma_wait3A_2567 = arith.constant 640 : i32
        %dma_wait3A_2568 = tpu.memref_slice %arg16[%dma_wait3A_2567] : memref<1152xf32, #tpu.memory_space<vmem>> -> memref<80xf32, #tpu.memory_space<vmem>>
        tpu.wait_dma2 semaphore(%arg28 : memref<!tpu.dma_semaphore, #tpu.memory_space<semaphore_mem>>) src(%dma_wait3A_2568 : memref<80xf32, #tpu.memory_space<vmem>>) dst(%dma_wait3A_2566 : memref<80xf32, #tpu.memory_space<hbm>>)
      } else {
      }
      %mul3A_1748 = arith.constant 80 : i32
      %mul3A_1749 = arith.muli %add3A_1610, %mul3A_1748 : i32
      %add3A_1750 = arith.constant 0 : i32
      %add3A_1751 = arith.addi %mul3A_1749, %add3A_1750 : i32
      %get3A_1752 = arith.index_cast %add3A_1751 : i32 to index
      %get3A_1753 = tpu.vector_load %arg10[%get3A_1752] {strides = array<i32>} : memref<10000xi32, #tpu.memory_space<vmem>>, vector<16xi32>,
      %shift_right_logical3A_1754 = arith.constant 1 : i32
      %shift_right_logical3A_1755 = vector.broadcast %shift_right_logical3A_1754 : i32 to vector<16xi32>
      %shift_right_logical3A_1756 = arith.shrui %get3A_1753, %shift_right_logical3A_1755 : vector<16xi32>
      %mul3A_1757 = arith.constant 3 : i32
      %mul3A_1758 = vector.broadcast %mul3A_1757 : i32 to vector<16xi32>
      %mul3A_1759 = arith.muli %shift_right_logical3A_1756, %mul3A_1758 : vector<16xi32>
      %mul3A_1760 = arith.constant 3 : i32
      %mul3A_1761 = vector.broadcast %mul3A_1760 : i32 to vector<16xi32>
      %mul3A_1762 = arith.muli %shift_right_logical3A_1663, %mul3A_1761 : vector<16xi32>
      %get3A_1763 = arith.constant 384 : index
      %get3A_1764 = tpu.vector_load %arg15[%get3A_1763] {strides = array<i32>} : memref<1152xf32, #tpu.memory_space<vmem>>, vector<16xf32>,
      tpu.vector_store_idx %arg17[%shift_right_logical3A_1663], %get3A_1764 {add = true} : memref<5120xf32, #tpu.memory_space<vmem>>[vector<16xi32>], vector<16xf32>,
      %add3A_1765 = arith.constant 0 : i32
      %add3A_1766 = vector.broadcast %add3A_1765 : i32 to vector<16xi32>
      %add3A_1767 = arith.addi %mul3A_1762, %add3A_1766 : vector<16xi32>
      %gather3A_1768 = tpu.vector_load_idx %arg13[%add3A_1767] : memref<15104xf32, #tpu.memory_space<vmem>>[vector<16xi32>], vector<16xf32>,
      %add3A_1769 = arith.constant 0 : i32
      %add3A_1770 = vector.broadcast %add3A_1769 : i32 to vector<16xi32>
      %add3A_1771 = arith.addi %mul3A_1759, %add3A_1770 : vector<16xi32>
      %gather3A_1772 = tpu.vector_load_idx %arg13[%add3A_1771] : memref<15104xf32, #tpu.memory_space<vmem>>[vector<16xi32>], vector<16xf32>,
      %sub3A_1773 = arith.subf %gather3A_1768, %gather3A_1772 : vector<16xf32>
      %swap3A_1774 = arith.constant 384 : index
      %swap3A_1775 = tpu.vector_load %arg16[%swap3A_1774] {strides = array<i32>} : memref<1152xf32, #tpu.memory_space<vmem>>, vector<16xf32>,
      tpu.vector_store %arg16[%swap3A_1774], %sub3A_1773 {strides = array<i32>} : memref<1152xf32, #tpu.memory_space<vmem>>, vector<16xf32>,
      %get3A_1776 = arith.constant 512 : index
      %get3A_1777 = tpu.vector_load %arg15[%get3A_1776] {strides = array<i32>} : memref<1152xf32, #tpu.memory_space<vmem>>, vector<16xf32>,
      tpu.vector_store_idx %arg18[%shift_right_logical3A_1663], %get3A_1777 {add = true} : memref<5120xf32, #tpu.memory_space<vmem>>[vector<16xi32>], vector<16xf32>,
      %add3A_1778 = arith.constant 1 : i32
      %add3A_1779 = vector.broadcast %add3A_1778 : i32 to vector<16xi32>
      %add3A_1780 = arith.addi %mul3A_1762, %add3A_1779 : vector<16xi32>
      %gather3A_1781 = tpu.vector_load_idx %arg13[%add3A_1780] : memref<15104xf32, #tpu.memory_space<vmem>>[vector<16xi32>], vector<16xf32>,
      %add3A_1782 = arith.constant 1 : i32
      %add3A_1783 = vector.broadcast %add3A_1782 : i32 to vector<16xi32>
      %add3A_1784 = arith.addi %mul3A_1759, %add3A_1783 : vector<16xi32>
      %gather3A_1785 = tpu.vector_load_idx %arg13[%add3A_1784] : memref<15104xf32, #tpu.memory_space<vmem>>[vector<16xi32>], vector<16xf32>,
      %sub3A_1786 = arith.subf %gather3A_1781, %gather3A_1785 : vector<16xf32>
      %swap3A_1787 = arith.constant 512 : index
      %swap3A_1788 = tpu.vector_load %arg16[%swap3A_1787] {strides = array<i32>} : memref<1152xf32, #tpu.memory_space<vmem>>, vector<16xf32>,
      tpu.vector_store %arg16[%swap3A_1787], %sub3A_1786 {strides = array<i32>} : memref<1152xf32, #tpu.memory_space<vmem>>, vector<16xf32>,
      %get3A_1789 = arith.constant 640 : index
      %get3A_1790 = tpu.vector_load %arg15[%get3A_1789] {strides = array<i32>} : memref<1152xf32, #tpu.memory_space<vmem>>, vector<16xf32>,
      tpu.vector_store_idx %arg19[%shift_right_logical3A_1663], %get3A_1790 {add = true} : memref<5120xf32, #tpu.memory_space<vmem>>[vector<16xi32>], vector<16xf32>,
      %add3A_1791 = arith.constant 2 : i32
      %add3A_1792 = vector.broadcast %add3A_1791 : i32 to vector<16xi32>
      %add3A_1793 = arith.addi %mul3A_1762, %add3A_1792 : vector<16xi32>
      %gather3A_1794 = tpu.vector_load_idx %arg13[%add3A_1793] : memref<15104xf32, #tpu.memory_space<vmem>>[vector<16xi32>], vector<16xf32>,
      %add3A_1795 = arith.constant 2 : i32
      %add3A_1796 = vector.broadcast %add3A_1795 : i32 to vector<16xi32>
      %add3A_1797 = arith.addi %mul3A_1759, %add3A_1796 : vector<16xi32>
      %gather3A_1798 = tpu.vector_load_idx %arg13[%add3A_1797] : memref<15104xf32, #tpu.memory_space<vmem>>[vector<16xi32>], vector<16xf32>,
      %sub3A_1799 = arith.subf %gather3A_1794, %gather3A_1798 : vector<16xf32>
      %swap3A_1800 = arith.constant 640 : index
      %swap3A_1801 = tpu.vector_load %arg16[%swap3A_1800] {strides = array<i32>} : memref<1152xf32, #tpu.memory_space<vmem>>, vector<16xf32>,
      tpu.vector_store %arg16[%swap3A_1800], %sub3A_1799 {strides = array<i32>} : memref<1152xf32, #tpu.memory_space<vmem>>, vector<16xf32>,
      %mul3A_1802 = arith.constant 80 : i32
      %mul3A_1803 = arith.muli %add3A_1610, %mul3A_1802 : i32
      %add3A_1804 = arith.constant 16 : i32
      %add3A_1805 = arith.addi %mul3A_1803, %add3A_1804 : i32
      %get3A_1806 = arith.index_cast %add3A_1805 : i32 to index
      %get3A_1807 = tpu.vector_load %arg10[%get3A_1806] {strides = array<i32>} : memref<10000xi32, #tpu.memory_space<vmem>>, vector<16xi32>,
      %shift_right_logical3A_1808 = arith.constant 1 : i32
      %shift_right_logical3A_1809 = vector.broadcast %shift_right_logical3A_1808 : i32 to vector<16xi32>
      %shift_right_logical3A_1810 = arith.shrui %get3A_1807, %shift_right_logical3A_1809 : vector<16xi32>
      %mul3A_1811 = arith.constant 3 : i32
      %mul3A_1812 = vector.broadcast %mul3A_1811 : i32 to vector<16xi32>
      %mul3A_1813 = arith.muli %shift_right_logical3A_1810, %mul3A_1812 : vector<16xi32>
      %mul3A_1814 = arith.constant 3 : i32
      %mul3A_1815 = vector.broadcast %mul3A_1814 : i32 to vector<16xi32>
      %mul3A_1816 = arith.muli %shift_right_logical3A_1678, %mul3A_1815 : vector<16xi32>
      %get3A_1817 = arith.constant 400 : index
      %get3A_1818 = tpu.vector_load %arg15[%get3A_1817] {strides = array<i32>} : memref<1152xf32, #tpu.memory_space<vmem>>, vector<16xf32>,
      tpu.vector_store_idx %arg17[%shift_right_logical3A_1678], %get3A_1818 {add = true} : memref<5120xf32, #tpu.memory_space<vmem>>[vector<16xi32>], vector<16xf32>,
      %add3A_1819 = arith.constant 0 : i32
      %add3A_1820 = vector.broadcast %add3A_1819 : i32 to vector<16xi32>
      %add3A_1821 = arith.addi %mul3A_1816, %add3A_1820 : vector<16xi32>
      %gather3A_1822 = tpu.vector_load_idx %arg13[%add3A_1821] : memref<15104xf32, #tpu.memory_space<vmem>>[vector<16xi32>], vector<16xf32>,
      %add3A_1823 = arith.constant 0 : i32
      %add3A_1824 = vector.broadcast %add3A_1823 : i32 to vector<16xi32>
      %add3A_1825 = arith.addi %mul3A_1813, %add3A_1824 : vector<16xi32>
      %gather3A_1826 = tpu.vector_load_idx %arg13[%add3A_1825] : memref<15104xf32, #tpu.memory_space<vmem>>[vector<16xi32>], vector<16xf32>,
      %sub3A_1827 = arith.subf %gather3A_1822, %gather3A_1826 : vector<16xf32>
      %swap3A_1828 = arith.constant 400 : index
      %swap3A_1829 = tpu.vector_load %arg16[%swap3A_1828] {strides = array<i32>} : memref<1152xf32, #tpu.memory_space<vmem>>, vector<16xf32>,
      tpu.vector_store %arg16[%swap3A_1828], %sub3A_1827 {strides = array<i32>} : memref<1152xf32, #tpu.memory_space<vmem>>, vector<16xf32>,
      %get3A_1830 = arith.constant 528 : index
      %get3A_1831 = tpu.vector_load %arg15[%get3A_1830] {strides = array<i32>} : memref<1152xf32, #tpu.memory_space<vmem>>, vector<16xf32>,
      tpu.vector_store_idx %arg18[%shift_right_logical3A_1678], %get3A_1831 {add = true} : memref<5120xf32, #tpu.memory_space<vmem>>[vector<16xi32>], vector<16xf32>,
      %add3A_1832 = arith.constant 1 : i32
      %add3A_1833 = vector.broadcast %add3A_1832 : i32 to vector<16xi32>
      %add3A_1834 = arith.addi %mul3A_1816, %add3A_1833 : vector<16xi32>
      %gather3A_1835 = tpu.vector_load_idx %arg13[%add3A_1834] : memref<15104xf32, #tpu.memory_space<vmem>>[vector<16xi32>], vector<16xf32>,
      %add3A_1836 = arith.constant 1 : i32
      %add3A_1837 = vector.broadcast %add3A_1836 : i32 to vector<16xi32>
      %add3A_1838 = arith.addi %mul3A_1813, %add3A_1837 : vector<16xi32>
      %gather3A_1839 = tpu.vector_load_idx %arg13[%add3A_1838] : memref<15104xf32, #tpu.memory_space<vmem>>[vector<16xi32>], vector<16xf32>,
      %sub3A_1840 = arith.subf %gather3A_1835, %gather3A_1839 : vector<16xf32>
      %swap3A_1841 = arith.constant 528 : index
      %swap3A_1842 = tpu.vector_load %arg16[%swap3A_1841] {strides = array<i32>} : memref<1152xf32, #tpu.memory_space<vmem>>, vector<16xf32>,
      tpu.vector_store %arg16[%swap3A_1841], %sub3A_1840 {strides = array<i32>} : memref<1152xf32, #tpu.memory_space<vmem>>, vector<16xf32>,
      %get3A_1843 = arith.constant 656 : index
      %get3A_1844 = tpu.vector_load %arg15[%get3A_1843] {strides = array<i32>} : memref<1152xf32, #tpu.memory_space<vmem>>, vector<16xf32>,
      tpu.vector_store_idx %arg19[%shift_right_logical3A_1678], %get3A_1844 {add = true} : memref<5120xf32, #tpu.memory_space<vmem>>[vector<16xi32>], vector<16xf32>,
      %add3A_1845 = arith.constant 2 : i32
      %add3A_1846 = vector.broadcast %add3A_1845 : i32 to vector<16xi32>
      %add3A_1847 = arith.addi %mul3A_1816, %add3A_1846 : vector<16xi32>
      %gather3A_1848 = tpu.vector_load_idx %arg13[%add3A_1847] : memref<15104xf32, #tpu.memory_space<vmem>>[vector<16xi32>], vector<16xf32>,
      %add3A_1849 = arith.constant 2 : i32
      %add3A_1850 = vector.broadcast %add3A_1849 : i32 to vector<16xi32>
      %add3A_1851 = arith.addi %mul3A_1813, %add3A_1850 : vector<16xi32>
      %gather3A_1852 = tpu.vector_load_idx %arg13[%add3A_1851] : memref<15104xf32, #tpu.memory_space<vmem>>[vector<16xi32>], vector<16xf32>,
      %sub3A_1853 = arith.subf %gather3A_1848, %gather3A_1852 : vector<16xf32>
      %swap3A_1854 = arith.constant 656 : index
      %swap3A_1855 = tpu.vector_load %arg16[%swap3A_1854] {strides = array<i32>} : memref<1152xf32, #tpu.memory_space<vmem>>, vector<16xf32>,
      tpu.vector_store %arg16[%swap3A_1854], %sub3A_1853 {strides = array<i32>} : memref<1152xf32, #tpu.memory_space<vmem>>, vector<16xf32>,
      %mul3A_1856 = arith.constant 80 : i32
      %mul3A_1857 = arith.muli %add3A_1610, %mul3A_1856 : i32
      %add3A_1858 = arith.constant 32 : i32
      %add3A_1859 = arith.addi %mul3A_1857, %add3A_1858 : i32
      %get3A_1860 = arith.index_cast %add3A_1859 : i32 to index
      %get3A_1861 = tpu.vector_load %arg10[%get3A_1860] {strides = array<i32>} : memref<10000xi32, #tpu.memory_space<vmem>>, vector<16xi32>,
      %shift_right_logical3A_1862 = arith.constant 1 : i32
      %shift_right_logical3A_1863 = vector.broadcast %shift_right_logical3A_1862 : i32 to vector<16xi32>
      %shift_right_logical3A_1864 = arith.shrui %get3A_1861, %shift_right_logical3A_1863 : vector<16xi32>
      %mul3A_1865 = arith.constant 3 : i32
      %mul3A_1866 = vector.broadcast %mul3A_1865 : i32 to vector<16xi32>
      %mul3A_1867 = arith.muli %shift_right_logical3A_1864, %mul3A_1866 : vector<16xi32>
      %mul3A_1868 = arith.constant 3 : i32
      %mul3A_1869 = vector.broadcast %mul3A_1868 : i32 to vector<16xi32>
      %mul3A_1870 = arith.muli %shift_right_logical3A_1693, %mul3A_1869 : vector<16xi32>
      %get3A_1871 = arith.constant 416 : index
      %get3A_1872 = tpu.vector_load %arg15[%get3A_1871] {strides = array<i32>} : memref<1152xf32, #tpu.memory_space<vmem>>, vector<16xf32>,
      tpu.vector_store_idx %arg17[%shift_right_logical3A_1693], %get3A_1872 {add = true} : memref<5120xf32, #tpu.memory_space<vmem>>[vector<16xi32>], vector<16xf32>,
      %add3A_1873 = arith.constant 0 : i32
      %add3A_1874 = vector.broadcast %add3A_1873 : i32 to vector<16xi32>
      %add3A_1875 = arith.addi %mul3A_1870, %add3A_1874 : vector<16xi32>
      %gather3A_1876 = tpu.vector_load_idx %arg13[%add3A_1875] : memref<15104xf32, #tpu.memory_space<vmem>>[vector<16xi32>], vector<16xf32>,
      %add3A_1877 = arith.constant 0 : i32
      %add3A_1878 = vector.broadcast %add3A_1877 : i32 to vector<16xi32>
      %add3A_1879 = arith.addi %mul3A_1867, %add3A_1878 : vector<16xi32>
      %gather3A_1880 = tpu.vector_load_idx %arg13[%add3A_1879] : memref<15104xf32, #tpu.memory_space<vmem>>[vector<16xi32>], vector<16xf32>,
      %sub3A_1881 = arith.subf %gather3A_1876, %gather3A_1880 : vector<16xf32>
      %swap3A_1882 = arith.constant 416 : index
      %swap3A_1883 = tpu.vector_load %arg16[%swap3A_1882] {strides = array<i32>} : memref<1152xf32, #tpu.memory_space<vmem>>, vector<16xf32>,
      tpu.vector_store %arg16[%swap3A_1882], %sub3A_1881 {strides = array<i32>} : memref<1152xf32, #tpu.memory_space<vmem>>, vector<16xf32>,
      %get3A_1884 = arith.constant 544 : index
      %get3A_1885 = tpu.vector_load %arg15[%get3A_1884] {strides = array<i32>} : memref<1152xf32, #tpu.memory_space<vmem>>, vector<16xf32>,
      tpu.vector_store_idx %arg18[%shift_right_logical3A_1693], %get3A_1885 {add = true} : memref<5120xf32, #tpu.memory_space<vmem>>[vector<16xi32>], vector<16xf32>,
      %add3A_1886 = arith.constant 1 : i32
      %add3A_1887 = vector.broadcast %add3A_1886 : i32 to vector<16xi32>
      %add3A_1888 = arith.addi %mul3A_1870, %add3A_1887 : vector<16xi32>
      %gather3A_1889 = tpu.vector_load_idx %arg13[%add3A_1888] : memref<15104xf32, #tpu.memory_space<vmem>>[vector<16xi32>], vector<16xf32>,
      %add3A_1890 = arith.constant 1 : i32
      %add3A_1891 = vector.broadcast %add3A_1890 : i32 to vector<16xi32>
      %add3A_1892 = arith.addi %mul3A_1867, %add3A_1891 : vector<16xi32>
      %gather3A_1893 = tpu.vector_load_idx %arg13[%add3A_1892] : memref<15104xf32, #tpu.memory_space<vmem>>[vector<16xi32>], vector<16xf32>,
      %sub3A_1894 = arith.subf %gather3A_1889, %gather3A_1893 : vector<16xf32>
      %swap3A_1895 = arith.constant 544 : index
      %swap3A_1896 = tpu.vector_load %arg16[%swap3A_1895] {strides = array<i32>} : memref<1152xf32, #tpu.memory_space<vmem>>, vector<16xf32>,
      tpu.vector_store %arg16[%swap3A_1895], %sub3A_1894 {strides = array<i32>} : memref<1152xf32, #tpu.memory_space<vmem>>, vector<16xf32>,
      %get3A_1897 = arith.constant 672 : index
      %get3A_1898 = tpu.vector_load %arg15[%get3A_1897] {strides = array<i32>} : memref<1152xf32, #tpu.memory_space<vmem>>, vector<16xf32>,
      tpu.vector_store_idx %arg19[%shift_right_logical3A_1693], %get3A_1898 {add = true} : memref<5120xf32, #tpu.memory_space<vmem>>[vector<16xi32>], vector<16xf32>,
      %add3A_1899 = arith.constant 2 : i32
      %add3A_1900 = vector.broadcast %add3A_1899 : i32 to vector<16xi32>
      %add3A_1901 = arith.addi %mul3A_1870, %add3A_1900 : vector<16xi32>
      %gather3A_1902 = tpu.vector_load_idx %arg13[%add3A_1901] : memref<15104xf32, #tpu.memory_space<vmem>>[vector<16xi32>], vector<16xf32>,
      %add3A_1903 = arith.constant 2 : i32
      %add3A_1904 = vector.broadcast %add3A_1903 : i32 to vector<16xi32>
      %add3A_1905 = arith.addi %mul3A_1867, %add3A_1904 : vector<16xi32>
      %gather3A_1906 = tpu.vector_load_idx %arg13[%add3A_1905] : memref<15104xf32, #tpu.memory_space<vmem>>[vector<16xi32>], vector<16xf32>,
      %sub3A_1907 = arith.subf %gather3A_1902, %gather3A_1906 : vector<16xf32>
      %swap3A_1908 = arith.constant 672 : index
      %swap3A_1909 = tpu.vector_load %arg16[%swap3A_1908] {strides = array<i32>} : memref<1152xf32, #tpu.memory_space<vmem>>, vector<16xf32>,
      tpu.vector_store %arg16[%swap3A_1908], %sub3A_1907 {strides = array<i32>} : memref<1152xf32, #tpu.memory_space<vmem>>, vector<16xf32>,
      %mul3A_1910 = arith.constant 80 : i32
      %mul3A_1911 = arith.muli %add3A_1610, %mul3A_1910 : i32
      %add3A_1912 = arith.constant 48 : i32
      %add3A_1913 = arith.addi %mul3A_1911, %add3A_1912 : i32
      %get3A_1914 = arith.index_cast %add3A_1913 : i32 to index
      %get3A_1915 = tpu.vector_load %arg10[%get3A_1914] {strides = array<i32>} : memref<10000xi32, #tpu.memory_space<vmem>>, vector<16xi32>,
      %shift_right_logical3A_1916 = arith.constant 1 : i32
      %shift_right_logical3A_1917 = vector.broadcast %shift_right_logical3A_1916 : i32 to vector<16xi32>
      %shift_right_logical3A_1918 = arith.shrui %get3A_1915, %shift_right_logical3A_1917 : vector<16xi32>
      %mul3A_1919 = arith.constant 3 : i32
      %mul3A_1920 = vector.broadcast %mul3A_1919 : i32 to vector<16xi32>
      %mul3A_1921 = arith.muli %shift_right_logical3A_1918, %mul3A_1920 : vector<16xi32>
      %mul3A_1922 = arith.constant 3 : i32
      %mul3A_1923 = vector.broadcast %mul3A_1922 : i32 to vector<16xi32>
      %mul3A_1924 = arith.muli %shift_right_logical3A_1708, %mul3A_1923 : vector<16xi32>
      %get3A_1925 = arith.constant 432 : index
      %get3A_1926 = tpu.vector_load %arg15[%get3A_1925] {strides = array<i32>} : memref<1152xf32, #tpu.memory_space<vmem>>, vector<16xf32>,
      tpu.vector_store_idx %arg17[%shift_right_logical3A_1708], %get3A_1926 {add = true} : memref<5120xf32, #tpu.memory_space<vmem>>[vector<16xi32>], vector<16xf32>,
      %add3A_1927 = arith.constant 0 : i32
      %add3A_1928 = vector.broadcast %add3A_1927 : i32 to vector<16xi32>
      %add3A_1929 = arith.addi %mul3A_1924, %add3A_1928 : vector<16xi32>
      %gather3A_1930 = tpu.vector_load_idx %arg13[%add3A_1929] : memref<15104xf32, #tpu.memory_space<vmem>>[vector<16xi32>], vector<16xf32>,
      %add3A_1931 = arith.constant 0 : i32
      %add3A_1932 = vector.broadcast %add3A_1931 : i32 to vector<16xi32>
      %add3A_1933 = arith.addi %mul3A_1921, %add3A_1932 : vector<16xi32>
      %gather3A_1934 = tpu.vector_load_idx %arg13[%add3A_1933] : memref<15104xf32, #tpu.memory_space<vmem>>[vector<16xi32>], vector<16xf32>,
      %sub3A_1935 = arith.subf %gather3A_1930, %gather3A_1934 : vector<16xf32>
      %swap3A_1936 = arith.constant 432 : index
      %swap3A_1937 = tpu.vector_load %arg16[%swap3A_1936] {strides = array<i32>} : memref<1152xf32, #tpu.memory_space<vmem>>, vector<16xf32>,
      tpu.vector_store %arg16[%swap3A_1936], %sub3A_1935 {strides = array<i32>} : memref<1152xf32, #tpu.memory_space<vmem>>, vector<16xf32>,
      %get3A_1938 = arith.constant 560 : index
      %get3A_1939 = tpu.vector_load %arg15[%get3A_1938] {strides = array<i32>} : memref<1152xf32, #tpu.memory_space<vmem>>, vector<16xf32>,
      tpu.vector_store_idx %arg18[%shift_right_logical3A_1708], %get3A_1939 {add = true} : memref<5120xf32, #tpu.memory_space<vmem>>[vector<16xi32>], vector<16xf32>,
      %add3A_1940 = arith.constant 1 : i32
      %add3A_1941 = vector.broadcast %add3A_1940 : i32 to vector<16xi32>
      %add3A_1942 = arith.addi %mul3A_1924, %add3A_1941 : vector<16xi32>
      %gather3A_1943 = tpu.vector_load_idx %arg13[%add3A_1942] : memref<15104xf32, #tpu.memory_space<vmem>>[vector<16xi32>], vector<16xf32>,
      %add3A_1944 = arith.constant 1 : i32
      %add3A_1945 = vector.broadcast %add3A_1944 : i32 to vector<16xi32>
      %add3A_1946 = arith.addi %mul3A_1921, %add3A_1945 : vector<16xi32>
      %gather3A_1947 = tpu.vector_load_idx %arg13[%add3A_1946] : memref<15104xf32, #tpu.memory_space<vmem>>[vector<16xi32>], vector<16xf32>,
      %sub3A_1948 = arith.subf %gather3A_1943, %gather3A_1947 : vector<16xf32>
      %swap3A_1949 = arith.constant 560 : index
      %swap3A_1950 = tpu.vector_load %arg16[%swap3A_1949] {strides = array<i32>} : memref<1152xf32, #tpu.memory_space<vmem>>, vector<16xf32>,
      tpu.vector_store %arg16[%swap3A_1949], %sub3A_1948 {strides = array<i32>} : memref<1152xf32, #tpu.memory_space<vmem>>, vector<16xf32>,
      %get3A_1951 = arith.constant 688 : index
      %get3A_1952 = tpu.vector_load %arg15[%get3A_1951] {strides = array<i32>} : memref<1152xf32, #tpu.memory_space<vmem>>, vector<16xf32>,
      tpu.vector_store_idx %arg19[%shift_right_logical3A_1708], %get3A_1952 {add = true} : memref<5120xf32, #tpu.memory_space<vmem>>[vector<16xi32>], vector<16xf32>,
      %add3A_1953 = arith.constant 2 : i32
      %add3A_1954 = vector.broadcast %add3A_1953 : i32 to vector<16xi32>
      %add3A_1955 = arith.addi %mul3A_1924, %add3A_1954 : vector<16xi32>
      %gather3A_1956 = tpu.vector_load_idx %arg13[%add3A_1955] : memref<15104xf32, #tpu.memory_space<vmem>>[vector<16xi32>], vector<16xf32>,
      %add3A_1957 = arith.constant 2 : i32
      %add3A_1958 = vector.broadcast %add3A_1957 : i32 to vector<16xi32>
      %add3A_1959 = arith.addi %mul3A_1921, %add3A_1958 : vector<16xi32>
      %gather3A_1960 = tpu.vector_load_idx %arg13[%add3A_1959] : memref<15104xf32, #tpu.memory_space<vmem>>[vector<16xi32>], vector<16xf32>,
      %sub3A_1961 = arith.subf %gather3A_1956, %gather3A_1960 : vector<16xf32>
      %swap3A_1962 = arith.constant 688 : index
      %swap3A_1963 = tpu.vector_load %arg16[%swap3A_1962] {strides = array<i32>} : memref<1152xf32, #tpu.memory_space<vmem>>, vector<16xf32>,
      tpu.vector_store %arg16[%swap3A_1962], %sub3A_1961 {strides = array<i32>} : memref<1152xf32, #tpu.memory_space<vmem>>, vector<16xf32>,
      %mul3A_1964 = arith.constant 80 : i32
      %mul3A_1965 = arith.muli %add3A_1610, %mul3A_1964 : i32
      %add3A_1966 = arith.constant 64 : i32
      %add3A_1967 = arith.addi %mul3A_1965, %add3A_1966 : i32
      %get3A_1968 = arith.index_cast %add3A_1967 : i32 to index
      %get3A_1969 = tpu.vector_load %arg10[%get3A_1968] {strides = array<i32>} : memref<10000xi32, #tpu.memory_space<vmem>>, vector<16xi32>,
      %shift_right_logical3A_1970 = arith.constant 1 : i32
      %shift_right_logical3A_1971 = vector.broadcast %shift_right_logical3A_1970 : i32 to vector<16xi32>
      %shift_right_logical3A_1972 = arith.shrui %get3A_1969, %shift_right_logical3A_1971 : vector<16xi32>
      %mul3A_1973 = arith.constant 3 : i32
      %mul3A_1974 = vector.broadcast %mul3A_1973 : i32 to vector<16xi32>
      %mul3A_1975 = arith.muli %shift_right_logical3A_1972, %mul3A_1974 : vector<16xi32>
      %mul3A_1976 = arith.constant 3 : i32
      %mul3A_1977 = vector.broadcast %mul3A_1976 : i32 to vector<16xi32>
      %mul3A_1978 = arith.muli %shift_right_logical3A_1723, %mul3A_1977 : vector<16xi32>
      %get3A_1979 = arith.constant 448 : index
      %get3A_1980 = tpu.vector_load %arg15[%get3A_1979] {strides = array<i32>} : memref<1152xf32, #tpu.memory_space<vmem>>, vector<16xf32>,
      tpu.vector_store_idx %arg17[%shift_right_logical3A_1723], %get3A_1980 {add = true} : memref<5120xf32, #tpu.memory_space<vmem>>[vector<16xi32>], vector<16xf32>,
      %add3A_1981 = arith.constant 0 : i32
      %add3A_1982 = vector.broadcast %add3A_1981 : i32 to vector<16xi32>
      %add3A_1983 = arith.addi %mul3A_1978, %add3A_1982 : vector<16xi32>
      %gather3A_1984 = tpu.vector_load_idx %arg13[%add3A_1983] : memref<15104xf32, #tpu.memory_space<vmem>>[vector<16xi32>], vector<16xf32>,
      %add3A_1985 = arith.constant 0 : i32
      %add3A_1986 = vector.broadcast %add3A_1985 : i32 to vector<16xi32>
      %add3A_1987 = arith.addi %mul3A_1975, %add3A_1986 : vector<16xi32>
      %gather3A_1988 = tpu.vector_load_idx %arg13[%add3A_1987] : memref<15104xf32, #tpu.memory_space<vmem>>[vector<16xi32>], vector<16xf32>,
      %sub3A_1989 = arith.subf %gather3A_1984, %gather3A_1988 : vector<16xf32>
      %swap3A_1990 = arith.constant 448 : index
      %swap3A_1991 = tpu.vector_load %arg16[%swap3A_1990] {strides = array<i32>} : memref<1152xf32, #tpu.memory_space<vmem>>, vector<16xf32>,
      tpu.vector_store %arg16[%swap3A_1990], %sub3A_1989 {strides = array<i32>} : memref<1152xf32, #tpu.memory_space<vmem>>, vector<16xf32>,
      %get3A_1992 = arith.constant 576 : index
      %get3A_1993 = tpu.vector_load %arg15[%get3A_1992] {strides = array<i32>} : memref<1152xf32, #tpu.memory_space<vmem>>, vector<16xf32>,
      tpu.vector_store_idx %arg18[%shift_right_logical3A_1723], %get3A_1993 {add = true} : memref<5120xf32, #tpu.memory_space<vmem>>[vector<16xi32>], vector<16xf32>,
      %add3A_1994 = arith.constant 1 : i32
      %add3A_1995 = vector.broadcast %add3A_1994 : i32 to vector<16xi32>
      %add3A_1996 = arith.addi %mul3A_1978, %add3A_1995 : vector<16xi32>
      %gather3A_1997 = tpu.vector_load_idx %arg13[%add3A_1996] : memref<15104xf32, #tpu.memory_space<vmem>>[vector<16xi32>], vector<16xf32>,
      %add3A_1998 = arith.constant 1 : i32
      %add3A_1999 = vector.broadcast %add3A_1998 : i32 to vector<16xi32>
      %add3A_2000 = arith.addi %mul3A_1975, %add3A_1999 : vector<16xi32>
      %gather3A_2001 = tpu.vector_load_idx %arg13[%add3A_2000] : memref<15104xf32, #tpu.memory_space<vmem>>[vector<16xi32>], vector<16xf32>,
      %sub3A_2002 = arith.subf %gather3A_1997, %gather3A_2001 : vector<16xf32>
      %swap3A_2003 = arith.constant 576 : index
      %swap3A_2004 = tpu.vector_load %arg16[%swap3A_2003] {strides = array<i32>} : memref<1152xf32, #tpu.memory_space<vmem>>, vector<16xf32>,
      tpu.vector_store %arg16[%swap3A_2003], %sub3A_2002 {strides = array<i32>} : memref<1152xf32, #tpu.memory_space<vmem>>, vector<16xf32>,
      %get3A_2005 = arith.constant 704 : index
      %get3A_2006 = tpu.vector_load %arg15[%get3A_2005] {strides = array<i32>} : memref<1152xf32, #tpu.memory_space<vmem>>, vector<16xf32>,
      tpu.vector_store_idx %arg19[%shift_right_logical3A_1723], %get3A_2006 {add = true} : memref<5120xf32, #tpu.memory_space<vmem>>[vector<16xi32>], vector<16xf32>,
      %add3A_2007 = arith.constant 2 : i32
      %add3A_2008 = vector.broadcast %add3A_2007 : i32 to vector<16xi32>
      %add3A_2009 = arith.addi %mul3A_1978, %add3A_2008 : vector<16xi32>
      %gather3A_2010 = tpu.vector_load_idx %arg13[%add3A_2009] : memref<15104xf32, #tpu.memory_space<vmem>>[vector<16xi32>], vector<16xf32>,
      %add3A_2011 = arith.constant 2 : i32
      %add3A_2012 = vector.broadcast %add3A_2011 : i32 to vector<16xi32>
      %add3A_2013 = arith.addi %mul3A_1975, %add3A_2012 : vector<16xi32>
      %gather3A_2014 = tpu.vector_load_idx %arg13[%add3A_2013] : memref<15104xf32, #tpu.memory_space<vmem>>[vector<16xi32>], vector<16xf32>,
      %sub3A_2015 = arith.subf %gather3A_2010, %gather3A_2014 : vector<16xf32>
      %swap3A_2016 = arith.constant 704 : index
      %swap3A_2017 = tpu.vector_load %arg16[%swap3A_2016] {strides = array<i32>} : memref<1152xf32, #tpu.memory_space<vmem>>, vector<16xf32>,
      tpu.vector_store %arg16[%swap3A_2016], %sub3A_2015 {strides = array<i32>} : memref<1152xf32, #tpu.memory_space<vmem>>, vector<16xf32>,
      %add3A_2018 = arith.constant 0 : i32
      %add3A_2019 = arith.addi %add3A_2018, %mul3A_2 : i32
      %mul3A_2020 = arith.constant 80 : i32
      %mul3A_2021 = arith.muli %add3A_1610, %mul3A_2020 : i32
      %add3A_2022 = arith.addi %add3A_2019, %mul3A_2021 : i32
      %dma_start3A_2023 = arith.constant 384 : i32
      %dma_start3A_2024 = tpu.memref_slice %arg16[%dma_start3A_2023] : memref<1152xf32, #tpu.memory_space<vmem>> -> memref<80xf32, #tpu.memory_space<vmem>>
      %dma_start3A_2025 = tpu.memref_slice %arg9[%add3A_2022] : memref<960000xf32, #tpu.memory_space<hbm>> -> memref<80xf32, #tpu.memory_space<hbm>>
      %dma_start3A_2026 = tpu.memref_slice %arg9[%add3A_2022] : memref<960000xf32, #tpu.memory_space<hbm>> -> memref<80xf32, #tpu.memory_space<hbm>>
      %dma_start3A_2027 = arith.constant 384 : i32
      %dma_start3A_2028 = tpu.memref_slice %arg16[%dma_start3A_2027] : memref<1152xf32, #tpu.memory_space<vmem>> -> memref<80xf32, #tpu.memory_space<vmem>>
      tpu.enqueue_dma source(%dma_start3A_2028 : memref<80xf32, #tpu.memory_space<vmem>>) target(%dma_start3A_2026 : memref<80xf32, #tpu.memory_space<hbm>>) target_semaphore(%arg28 : memref<!tpu.dma_semaphore, #tpu.memory_space<semaphore_mem>>)
      %add3A_2029 = arith.constant 320000 : i32
      %add3A_2030 = arith.addi %add3A_2029, %mul3A_2 : i32
      %mul3A_2031 = arith.constant 80 : i32
      %mul3A_2032 = arith.muli %add3A_1610, %mul3A_2031 : i32
      %add3A_2033 = arith.addi %add3A_2030, %mul3A_2032 : i32
      %dma_start3A_2034 = arith.constant 512 : i32
      %dma_start3A_2035 = tpu.memref_slice %arg16[%dma_start3A_2034] : memref<1152xf32, #tpu.memory_space<vmem>> -> memref<80xf32, #tpu.memory_space<vmem>>
      %dma_start3A_2036 = tpu.memref_slice %arg9[%add3A_2033] : memref<960000xf32, #tpu.memory_space<hbm>> -> memref<80xf32, #tpu.memory_space<hbm>>
      %dma_start3A_2037 = tpu.memref_slice %arg9[%add3A_2033] : memref<960000xf32, #tpu.memory_space<hbm>> -> memref<80xf32, #tpu.memory_space<hbm>>
      %dma_start3A_2038 = arith.constant 512 : i32
      %dma_start3A_2039 = tpu.memref_slice %arg16[%dma_start3A_2038] : memref<1152xf32, #tpu.memory_space<vmem>> -> memref<80xf32, #tpu.memory_space<vmem>>
      tpu.enqueue_dma source(%dma_start3A_2039 : memref<80xf32, #tpu.memory_space<vmem>>) target(%dma_start3A_2037 : memref<80xf32, #tpu.memory_space<hbm>>) target_semaphore(%arg28 : memref<!tpu.dma_semaphore, #tpu.memory_space<semaphore_mem>>)
      %add3A_2040 = arith.constant 640000 : i32
      %add3A_2041 = arith.addi %add3A_2040, %mul3A_2 : i32
      %mul3A_2042 = arith.constant 80 : i32
      %mul3A_2043 = arith.muli %add3A_1610, %mul3A_2042 : i32
      %add3A_2044 = arith.addi %add3A_2041, %mul3A_2043 : i32
      %dma_start3A_2045 = arith.constant 640 : i32
      %dma_start3A_2046 = tpu.memref_slice %arg16[%dma_start3A_2045] : memref<1152xf32, #tpu.memory_space<vmem>> -> memref<80xf32, #tpu.memory_space<vmem>>
      %dma_start3A_2047 = tpu.memref_slice %arg9[%add3A_2044] : memref<960000xf32, #tpu.memory_space<hbm>> -> memref<80xf32, #tpu.memory_space<hbm>>
      %dma_start3A_2048 = tpu.memref_slice %arg9[%add3A_2044] : memref<960000xf32, #tpu.memory_space<hbm>> -> memref<80xf32, #tpu.memory_space<hbm>>
      %dma_start3A_2049 = arith.constant 640 : i32
      %dma_start3A_2050 = tpu.memref_slice %arg16[%dma_start3A_2049] : memref<1152xf32, #tpu.memory_space<vmem>> -> memref<80xf32, #tpu.memory_space<vmem>>
      tpu.enqueue_dma source(%dma_start3A_2050 : memref<80xf32, #tpu.memory_space<vmem>>) target(%dma_start3A_2048 : memref<80xf32, #tpu.memory_space<hbm>>) target_semaphore(%arg28 : memref<!tpu.dma_semaphore, #tpu.memory_space<semaphore_mem>>)
      %dma_wait3A_2051 = arith.constant 1 : i32
      %dma_wait3A_2052 = arith.constant 1 : i32
      %dma_wait3A_2053 = arith.constant 0 : i32
      %dma_wait3A_2054 = arith.constant 0 : i32
      %dma_wait3A_2055 = arith.constant 0 : i32
      %dma_wait3A_2056 = tpu.memref_slice %arg14[%dma_wait3A_2051, %dma_wait3A_2054, %dma_wait3A_2055] : memref<3x80x128xf32, #tpu.memory_space<vmem>> -> memref<1x80x128xf32, #tpu.memory_space<vmem>>
      %dma_wait3A_2057 = tpu.memref_squeeze %dma_wait3A_2056 : memref<1x80x128xf32, #tpu.memory_space<vmem>> -> memref<80x128xf32, #tpu.memory_space<vmem>>
      %dma_wait3A_2058 = arith.constant 0 : i32
      %dma_wait3A_2059 = tpu.memref_slice %arg12[%dma_wait3A_2052, %dma_wait3A_2053, %dma_wait3A_2058] : memref<3x1x80xi32, #tpu.memory_space<vmem>> -> memref<1x1x80xi32, #tpu.memory_space<vmem>>
      %dma_wait3A_2060 = tpu.memref_squeeze %dma_wait3A_2059 : memref<1x1x80xi32, #tpu.memory_space<vmem>> -> memref<80xi32, #tpu.memory_space<vmem>>
      %dma_wait3A_2061 = arith.constant 0 : i32
      %dma_wait3A_2062 = arith.constant 0 : i32
      %dma_wait3A_2063 = tpu.memref_slice %arg20[%dma_wait3A_2061, %dma_wait3A_2062] : memref<5120x128xf32, #tpu.memory_space<vmem_shared>> -> memref<5120x128xf32, #tpu.memory_space<vmem_shared>>
      tpu.wait_indirect_dma semaphore(%arg25 : memref<!tpu.dma_semaphore, #tpu.memory_space<semaphore_mem>>) src(%dma_wait3A_2057 : memref<80x128xf32, #tpu.memory_space<vmem>>) dst(%dma_wait3A_2063 : memref<5120x128xf32, #tpu.memory_space<vmem_shared>>)
      %add3A_2064 = arith.constant 3 : i32
      %add3A_2065 = arith.addi %add3A_1610, %add3A_2064 : i32
      %lt3A_2066 = arith.constant 125 : i32
      %lt3A_2067 = arith.cmpi slt, %add3A_2065, %lt3A_2066 : i32
      %convert_element_type3A_2068 = arith.extui %lt3A_2067 : i1 to i32
      %cond3A_2069 = arith.constant 0 : i32
      %cond3A_2070 = arith.cmpi ne, %convert_element_type3A_2068, %cond3A_2069 : i32
      scf.if %cond3A_2070 {
        %add3A_2536 = arith.constant 3 : i32
        %add3A_2537 = arith.addi %add3A_1610, %add3A_2536 : i32
        %mul3A_2538 = arith.constant 80 : i32
        %mul3A_2539 = arith.muli %add3A_2537, %mul3A_2538 : i32
        %dma_start3A_2540 = arith.constant 1 : i32
        %dma_start3A_2541 = arith.constant 0 : i32
        %dma_start3A_2542 = arith.constant 0 : i32
        %dma_start3A_2543 = tpu.memref_slice %arg14[%dma_start3A_2540, %dma_start3A_2541, %dma_start3A_2542] : memref<3x80x128xf32, #tpu.memory_space<vmem>> -> memref<1x80x128xf32, #tpu.memory_space<vmem>>
        %dma_start3A_2544 = tpu.memref_squeeze %dma_start3A_2543 : memref<1x80x128xf32, #tpu.memory_space<vmem>> -> memref<80x128xf32, #tpu.memory_space<vmem>>
        %dma_start3A_2545 = tpu.memref_slice %arg10[%mul3A_2539] : memref<10000xi32, #tpu.memory_space<vmem>> -> memref<80xi32, #tpu.memory_space<vmem>>
        %dma_start3A_2546 = arith.constant 0 : i32
        %dma_start3A_2547 = arith.constant 0 : i32
        %dma_start3A_2548 = tpu.memref_slice %arg2[%dma_start3A_2546, %dma_start3A_2547] : memref<10000x128xf32, #tpu.memory_space<hbm>> -> memref<10000x128xf32, #tpu.memory_space<hbm>>
        tpu.enqueue_indirect_dma source(%dma_start3A_2548 : memref<10000x128xf32, #tpu.memory_space<hbm>>) target(%dma_start3A_2544 : memref<80x128xf32, #tpu.memory_space<vmem>>) offsets(%dma_start3A_2545 : memref<80xi32, #tpu.memory_space<vmem>>) semaphore(%arg22 : memref<!tpu.dma_semaphore, #tpu.memory_space<semaphore_mem>>)
        %add3A_2549 = arith.constant 3 : i32
        %add3A_2550 = arith.addi %add3A_1610, %add3A_2549 : i32
        %add3A_2551 = arith.constant 0 : i32
        %add3A_2552 = arith.addi %add3A_2551, %mul3A_2 : i32
        %mul3A_2553 = arith.constant 80 : i32
        %mul3A_2554 = arith.muli %add3A_2550, %mul3A_2553 : i32
        %add3A_2555 = arith.addi %add3A_2552, %mul3A_2554 : i32
        %dma_start3A_2556 = arith.constant 384 : i32
        %dma_start3A_2557 = tpu.memref_slice %arg15[%dma_start3A_2556] : memref<1152xf32, #tpu.memory_space<vmem>> -> memref<80xf32, #tpu.memory_space<vmem>>
        %dma_start3A_2558 = tpu.memref_slice %arg5[%add3A_2555] : memref<960000xf32, #tpu.memory_space<hbm>> -> memref<80xf32, #tpu.memory_space<hbm>>
        %dma_start3A_2559 = arith.constant 384 : i32
        %dma_start3A_2560 = tpu.memref_slice %arg15[%dma_start3A_2559] : memref<1152xf32, #tpu.memory_space<vmem>> -> memref<80xf32, #tpu.memory_space<vmem>>
        %dma_start3A_2561 = tpu.memref_slice %arg5[%add3A_2555] : memref<960000xf32, #tpu.memory_space<hbm>> -> memref<80xf32, #tpu.memory_space<hbm>>
        tpu.enqueue_dma source(%dma_start3A_2561 : memref<80xf32, #tpu.memory_space<hbm>>) target(%dma_start3A_2560 : memref<80xf32, #tpu.memory_space<vmem>>) target_semaphore(%arg31 : memref<!tpu.dma_semaphore, #tpu.memory_space<semaphore_mem>>)
        %add3A_2562 = arith.constant 320000 : i32
        %add3A_2563 = arith.addi %add3A_2562, %mul3A_2 : i32
        %mul3A_2564 = arith.constant 80 : i32
        %mul3A_2565 = arith.muli %add3A_2550, %mul3A_2564 : i32
        %add3A_2566 = arith.addi %add3A_2563, %mul3A_2565 : i32
        %dma_start3A_2567 = arith.constant 512 : i32
        %dma_start3A_2568 = tpu.memref_slice %arg15[%dma_start3A_2567] : memref<1152xf32, #tpu.memory_space<vmem>> -> memref<80xf32, #tpu.memory_space<vmem>>
        %dma_start3A_2569 = tpu.memref_slice %arg5[%add3A_2566] : memref<960000xf32, #tpu.memory_space<hbm>> -> memref<80xf32, #tpu.memory_space<hbm>>
        %dma_start3A_2570 = arith.constant 512 : i32
        %dma_start3A_2571 = tpu.memref_slice %arg15[%dma_start3A_2570] : memref<1152xf32, #tpu.memory_space<vmem>> -> memref<80xf32, #tpu.memory_space<vmem>>
        %dma_start3A_2572 = tpu.memref_slice %arg5[%add3A_2566] : memref<960000xf32, #tpu.memory_space<hbm>> -> memref<80xf32, #tpu.memory_space<hbm>>
        tpu.enqueue_dma source(%dma_start3A_2572 : memref<80xf32, #tpu.memory_space<hbm>>) target(%dma_start3A_2571 : memref<80xf32, #tpu.memory_space<vmem>>) target_semaphore(%arg31 : memref<!tpu.dma_semaphore, #tpu.memory_space<semaphore_mem>>)
        %add3A_2573 = arith.constant 640000 : i32
        %add3A_2574 = arith.addi %add3A_2573, %mul3A_2 : i32
        %mul3A_2575 = arith.constant 80 : i32
        %mul3A_2576 = arith.muli %add3A_2550, %mul3A_2575 : i32
        %add3A_2577 = arith.addi %add3A_2574, %mul3A_2576 : i32
        %dma_start3A_2578 = arith.constant 640 : i32
        %dma_start3A_2579 = tpu.memref_slice %arg15[%dma_start3A_2578] : memref<1152xf32, #tpu.memory_space<vmem>> -> memref<80xf32, #tpu.memory_space<vmem>>
        %dma_start3A_2580 = tpu.memref_slice %arg5[%add3A_2577] : memref<960000xf32, #tpu.memory_space<hbm>> -> memref<80xf32, #tpu.memory_space<hbm>>
        %dma_start3A_2581 = arith.constant 640 : i32
        %dma_start3A_2582 = tpu.memref_slice %arg15[%dma_start3A_2581] : memref<1152xf32, #tpu.memory_space<vmem>> -> memref<80xf32, #tpu.memory_space<vmem>>
        %dma_start3A_2583 = tpu.memref_slice %arg5[%add3A_2577] : memref<960000xf32, #tpu.memory_space<hbm>> -> memref<80xf32, #tpu.memory_space<hbm>>
        tpu.enqueue_dma source(%dma_start3A_2583 : memref<80xf32, #tpu.memory_space<hbm>>) target(%dma_start3A_2582 : memref<80xf32, #tpu.memory_space<vmem>>) target_semaphore(%arg31 : memref<!tpu.dma_semaphore, #tpu.memory_space<semaphore_mem>>)
      } else {
      }
      %mul3A_2071 = arith.constant 3 : i32
      %mul3A_2072 = arith.muli %scan3A_1145, %mul3A_2071 : i32
      %add3A_2073 = arith.constant 2 : i32
      %add3A_2074 = arith.addi %mul3A_2072, %add3A_2073 : i32
      %mul3A_2075 = arith.constant 80 : i32
      %mul3A_2076 = arith.muli %add3A_2074, %mul3A_2075 : i32
      %dma_wait3A_2077 = arith.constant 2 : i32
      %dma_wait3A_2078 = arith.constant 0 : i32
      %dma_wait3A_2079 = arith.constant 0 : i32
      %dma_wait3A_2080 = tpu.memref_slice %arg14[%dma_wait3A_2077, %dma_wait3A_2078, %dma_wait3A_2079] : memref<3x80x128xf32, #tpu.memory_space<vmem>> -> memref<1x80x128xf32, #tpu.memory_space<vmem>>
      %dma_wait3A_2081 = tpu.memref_squeeze %dma_wait3A_2080 : memref<1x80x128xf32, #tpu.memory_space<vmem>> -> memref<80x128xf32, #tpu.memory_space<vmem>>
      %dma_wait3A_2082 = tpu.memref_slice %arg10[%mul3A_2076] : memref<10000xi32, #tpu.memory_space<vmem>> -> memref<80xi32, #tpu.memory_space<vmem>>
      %dma_wait3A_2083 = arith.constant 0 : i32
      %dma_wait3A_2084 = arith.constant 0 : i32
      %dma_wait3A_2085 = tpu.memref_slice %arg2[%dma_wait3A_2083, %dma_wait3A_2084] : memref<10000x128xf32, #tpu.memory_space<hbm>> -> memref<10000x128xf32, #tpu.memory_space<hbm>>
      tpu.wait_indirect_dma semaphore(%arg23 : memref<!tpu.dma_semaphore, #tpu.memory_space<semaphore_mem>>) src(%dma_wait3A_2085 : memref<10000x128xf32, #tpu.memory_space<hbm>>) dst(%dma_wait3A_2081 : memref<80x128xf32, #tpu.memory_space<vmem>>)
      %add3A_2086 = arith.constant 0 : i32
      %add3A_2087 = arith.addi %add3A_2086, %mul3A_2 : i32
      %mul3A_2088 = arith.constant 80 : i32
      %mul3A_2089 = arith.muli %add3A_2074, %mul3A_2088 : i32
      %add3A_2090 = arith.addi %add3A_2087, %mul3A_2089 : i32
      %dma_wait3A_2091 = arith.constant 768 : i32
      %dma_wait3A_2092 = tpu.memref_slice %arg15[%dma_wait3A_2091] : memref<1152xf32, #tpu.memory_space<vmem>> -> memref<80xf32, #tpu.memory_space<vmem>>
      %dma_wait3A_2093 = tpu.memref_slice %arg5[%add3A_2090] : memref<960000xf32, #tpu.memory_space<hbm>> -> memref<80xf32, #tpu.memory_space<hbm>>
      %dma_wait3A_2094 = arith.constant 768 : i32
      %dma_wait3A_2095 = tpu.memref_slice %arg15[%dma_wait3A_2094] : memref<1152xf32, #tpu.memory_space<vmem>> -> memref<80xf32, #tpu.memory_space<vmem>>
      %dma_wait3A_2096 = tpu.memref_slice %arg5[%add3A_2090] : memref<960000xf32, #tpu.memory_space<hbm>> -> memref<80xf32, #tpu.memory_space<hbm>>
      tpu.wait_dma2 semaphore(%arg32 : memref<!tpu.dma_semaphore, #tpu.memory_space<semaphore_mem>>) src(%dma_wait3A_2096 : memref<80xf32, #tpu.memory_space<hbm>>) dst(%dma_wait3A_2095 : memref<80xf32, #tpu.memory_space<vmem>>)
      %add3A_2097 = arith.constant 320000 : i32
      %add3A_2098 = arith.addi %add3A_2097, %mul3A_2 : i32
      %mul3A_2099 = arith.constant 80 : i32
      %mul3A_2100 = arith.muli %add3A_2074, %mul3A_2099 : i32
      %add3A_2101 = arith.addi %add3A_2098, %mul3A_2100 : i32
      %dma_wait3A_2102 = arith.constant 896 : i32
      %dma_wait3A_2103 = tpu.memref_slice %arg15[%dma_wait3A_2102] : memref<1152xf32, #tpu.memory_space<vmem>> -> memref<80xf32, #tpu.memory_space<vmem>>
      %dma_wait3A_2104 = tpu.memref_slice %arg5[%add3A_2101] : memref<960000xf32, #tpu.memory_space<hbm>> -> memref<80xf32, #tpu.memory_space<hbm>>
      %dma_wait3A_2105 = arith.constant 896 : i32
      %dma_wait3A_2106 = tpu.memref_slice %arg15[%dma_wait3A_2105] : memref<1152xf32, #tpu.memory_space<vmem>> -> memref<80xf32, #tpu.memory_space<vmem>>
      %dma_wait3A_2107 = tpu.memref_slice %arg5[%add3A_2101] : memref<960000xf32, #tpu.memory_space<hbm>> -> memref<80xf32, #tpu.memory_space<hbm>>
      tpu.wait_dma2 semaphore(%arg32 : memref<!tpu.dma_semaphore, #tpu.memory_space<semaphore_mem>>) src(%dma_wait3A_2107 : memref<80xf32, #tpu.memory_space<hbm>>) dst(%dma_wait3A_2106 : memref<80xf32, #tpu.memory_space<vmem>>)
      %add3A_2108 = arith.constant 640000 : i32
      %add3A_2109 = arith.addi %add3A_2108, %mul3A_2 : i32
      %mul3A_2110 = arith.constant 80 : i32
      %mul3A_2111 = arith.muli %add3A_2074, %mul3A_2110 : i32
      %add3A_2112 = arith.addi %add3A_2109, %mul3A_2111 : i32
      %dma_wait3A_2113 = arith.constant 1024 : i32
      %dma_wait3A_2114 = tpu.memref_slice %arg15[%dma_wait3A_2113] : memref<1152xf32, #tpu.memory_space<vmem>> -> memref<80xf32, #tpu.memory_space<vmem>>
      %dma_wait3A_2115 = tpu.memref_slice %arg5[%add3A_2112] : memref<960000xf32, #tpu.memory_space<hbm>> -> memref<80xf32, #tpu.memory_space<hbm>>
      %dma_wait3A_2116 = arith.constant 1024 : i32
      %dma_wait3A_2117 = tpu.memref_slice %arg15[%dma_wait3A_2116] : memref<1152xf32, #tpu.memory_space<vmem>> -> memref<80xf32, #tpu.memory_space<vmem>>
      %dma_wait3A_2118 = tpu.memref_slice %arg5[%add3A_2112] : memref<960000xf32, #tpu.memory_space<hbm>> -> memref<80xf32, #tpu.memory_space<hbm>>
      tpu.wait_dma2 semaphore(%arg32 : memref<!tpu.dma_semaphore, #tpu.memory_space<semaphore_mem>>) src(%dma_wait3A_2118 : memref<80xf32, #tpu.memory_space<hbm>>) dst(%dma_wait3A_2117 : memref<80xf32, #tpu.memory_space<vmem>>)
      %mul3A_2119 = arith.constant 80 : i32
      %mul3A_2120 = arith.muli %add3A_2074, %mul3A_2119 : i32
      %add3A_2121 = arith.constant 0 : i32
      %add3A_2122 = arith.addi %mul3A_2120, %add3A_2121 : i32
      %get3A_2123 = arith.index_cast %add3A_2122 : i32 to index
      %get3A_2124 = tpu.vector_load %arg11[%get3A_2123] {strides = array<i32>} : memref<10000xi32, #tpu.memory_space<vmem>>, vector<16xi32>,
      %shift_right_logical3A_2125 = arith.constant 1 : i32
      %shift_right_logical3A_2126 = vector.broadcast %shift_right_logical3A_2125 : i32 to vector<16xi32>
      %shift_right_logical3A_2127 = arith.shrui %get3A_2124, %shift_right_logical3A_2126 : vector<16xi32>
      %swap3A_2128 = arith.constant 2 : i32
      %swap3A_2129 = arith.constant 0 : i32
      %swap3A_2130 = arith.index_cast %swap3A_2128 : i32 to index
      %swap3A_2131 = arith.index_cast %swap3A_2129 : i32 to index
      %swap3A_2132 = arith.constant 0 : index
      %swap3A_2133 = tpu.vector_load %arg12[%swap3A_2130, %swap3A_2131, %swap3A_2132] {strides = array<i32>} : memref<3x1x80xi32, #tpu.memory_space<vmem>>, vector<16xi32>,
      tpu.vector_store %arg12[%swap3A_2130, %swap3A_2131, %swap3A_2132], %shift_right_logical3A_2127 {strides = array<i32>} : memref<3x1x80xi32, #tpu.memory_space<vmem>>, vector<16xi32>,
      %mul3A_2134 = arith.constant 80 : i32
      %mul3A_2135 = arith.muli %add3A_2074, %mul3A_2134 : i32
      %add3A_2136 = arith.constant 16 : i32
      %add3A_2137 = arith.addi %mul3A_2135, %add3A_2136 : i32
      %get3A_2138 = arith.index_cast %add3A_2137 : i32 to index
      %get3A_2139 = tpu.vector_load %arg11[%get3A_2138] {strides = array<i32>} : memref<10000xi32, #tpu.memory_space<vmem>>, vector<16xi32>,
      %shift_right_logical3A_2140 = arith.constant 1 : i32
      %shift_right_logical3A_2141 = vector.broadcast %shift_right_logical3A_2140 : i32 to vector<16xi32>
      %shift_right_logical3A_2142 = arith.shrui %get3A_2139, %shift_right_logical3A_2141 : vector<16xi32>
      %swap3A_2143 = arith.constant 2 : i32
      %swap3A_2144 = arith.constant 0 : i32
      %swap3A_2145 = arith.index_cast %swap3A_2143 : i32 to index
      %swap3A_2146 = arith.index_cast %swap3A_2144 : i32 to index
      %swap3A_2147 = arith.constant 16 : index
      %swap3A_2148 = tpu.vector_load %arg12[%swap3A_2145, %swap3A_2146, %swap3A_2147] {strides = array<i32>} : memref<3x1x80xi32, #tpu.memory_space<vmem>>, vector<16xi32>,
      tpu.vector_store %arg12[%swap3A_2145, %swap3A_2146, %swap3A_2147], %shift_right_logical3A_2142 {strides = array<i32>} : memref<3x1x80xi32, #tpu.memory_space<vmem>>, vector<16xi32>,
      %mul3A_2149 = arith.constant 80 : i32
      %mul3A_2150 = arith.muli %add3A_2074, %mul3A_2149 : i32
      %add3A_2151 = arith.constant 32 : i32
      %add3A_2152 = arith.addi %mul3A_2150, %add3A_2151 : i32
      %get3A_2153 = arith.index_cast %add3A_2152 : i32 to index
      %get3A_2154 = tpu.vector_load %arg11[%get3A_2153] {strides = array<i32>} : memref<10000xi32, #tpu.memory_space<vmem>>, vector<16xi32>,
      %shift_right_logical3A_2155 = arith.constant 1 : i32
      %shift_right_logical3A_2156 = vector.broadcast %shift_right_logical3A_2155 : i32 to vector<16xi32>
      %shift_right_logical3A_2157 = arith.shrui %get3A_2154, %shift_right_logical3A_2156 : vector<16xi32>
      %swap3A_2158 = arith.constant 2 : i32
      %swap3A_2159 = arith.constant 0 : i32
      %swap3A_2160 = arith.index_cast %swap3A_2158 : i32 to index
      %swap3A_2161 = arith.index_cast %swap3A_2159 : i32 to index
      %swap3A_2162 = arith.constant 32 : index
      %swap3A_2163 = tpu.vector_load %arg12[%swap3A_2160, %swap3A_2161, %swap3A_2162] {strides = array<i32>} : memref<3x1x80xi32, #tpu.memory_space<vmem>>, vector<16xi32>,
      tpu.vector_store %arg12[%swap3A_2160, %swap3A_2161, %swap3A_2162], %shift_right_logical3A_2157 {strides = array<i32>} : memref<3x1x80xi32, #tpu.memory_space<vmem>>, vector<16xi32>,
      %mul3A_2164 = arith.constant 80 : i32
      %mul3A_2165 = arith.muli %add3A_2074, %mul3A_2164 : i32
      %add3A_2166 = arith.constant 48 : i32
      %add3A_2167 = arith.addi %mul3A_2165, %add3A_2166 : i32
      %get3A_2168 = arith.index_cast %add3A_2167 : i32 to index
      %get3A_2169 = tpu.vector_load %arg11[%get3A_2168] {strides = array<i32>} : memref<10000xi32, #tpu.memory_space<vmem>>, vector<16xi32>,
      %shift_right_logical3A_2170 = arith.constant 1 : i32
      %shift_right_logical3A_2171 = vector.broadcast %shift_right_logical3A_2170 : i32 to vector<16xi32>
      %shift_right_logical3A_2172 = arith.shrui %get3A_2169, %shift_right_logical3A_2171 : vector<16xi32>
      %swap3A_2173 = arith.constant 2 : i32
      %swap3A_2174 = arith.constant 0 : i32
      %swap3A_2175 = arith.index_cast %swap3A_2173 : i32 to index
      %swap3A_2176 = arith.index_cast %swap3A_2174 : i32 to index
      %swap3A_2177 = arith.constant 48 : index
      %swap3A_2178 = tpu.vector_load %arg12[%swap3A_2175, %swap3A_2176, %swap3A_2177] {strides = array<i32>} : memref<3x1x80xi32, #tpu.memory_space<vmem>>, vector<16xi32>,
      tpu.vector_store %arg12[%swap3A_2175, %swap3A_2176, %swap3A_2177], %shift_right_logical3A_2172 {strides = array<i32>} : memref<3x1x80xi32, #tpu.memory_space<vmem>>, vector<16xi32>,
      %mul3A_2179 = arith.constant 80 : i32
      %mul3A_2180 = arith.muli %add3A_2074, %mul3A_2179 : i32
      %add3A_2181 = arith.constant 64 : i32
      %add3A_2182 = arith.addi %mul3A_2180, %add3A_2181 : i32
      %get3A_2183 = arith.index_cast %add3A_2182 : i32 to index
      %get3A_2184 = tpu.vector_load %arg11[%get3A_2183] {strides = array<i32>} : memref<10000xi32, #tpu.memory_space<vmem>>, vector<16xi32>,
      %shift_right_logical3A_2185 = arith.constant 1 : i32
      %shift_right_logical3A_2186 = vector.broadcast %shift_right_logical3A_2185 : i32 to vector<16xi32>
      %shift_right_logical3A_2187 = arith.shrui %get3A_2184, %shift_right_logical3A_2186 : vector<16xi32>
      %swap3A_2188 = arith.constant 2 : i32
      %swap3A_2189 = arith.constant 0 : i32
      %swap3A_2190 = arith.index_cast %swap3A_2188 : i32 to index
      %swap3A_2191 = arith.index_cast %swap3A_2189 : i32 to index
      %swap3A_2192 = arith.constant 64 : index
      %swap3A_2193 = tpu.vector_load %arg12[%swap3A_2190, %swap3A_2191, %swap3A_2192] {strides = array<i32>} : memref<3x1x80xi32, #tpu.memory_space<vmem>>, vector<16xi32>,
      tpu.vector_store %arg12[%swap3A_2190, %swap3A_2191, %swap3A_2192], %shift_right_logical3A_2187 {strides = array<i32>} : memref<3x1x80xi32, #tpu.memory_space<vmem>>, vector<16xi32>,
      %dma_start3A_2194 = arith.constant 2 : i32
      %dma_start3A_2195 = arith.constant 2 : i32
      %dma_start3A_2196 = arith.constant 0 : i32
      %dma_start3A_2197 = arith.constant 0 : i32
      %dma_start3A_2198 = arith.constant 0 : i32
      %dma_start3A_2199 = tpu.memref_slice %arg14[%dma_start3A_2194, %dma_start3A_2197, %dma_start3A_2198] : memref<3x80x128xf32, #tpu.memory_space<vmem>> -> memref<1x80x128xf32, #tpu.memory_space<vmem>>
      %dma_start3A_2200 = tpu.memref_squeeze %dma_start3A_2199 : memref<1x80x128xf32, #tpu.memory_space<vmem>> -> memref<80x128xf32, #tpu.memory_space<vmem>>
      %dma_start3A_2201 = arith.constant 0 : i32
      %dma_start3A_2202 = tpu.memref_slice %arg12[%dma_start3A_2195, %dma_start3A_2196, %dma_start3A_2201] : memref<3x1x80xi32, #tpu.memory_space<vmem>> -> memref<1x1x80xi32, #tpu.memory_space<vmem>>
      %dma_start3A_2203 = tpu.memref_squeeze %dma_start3A_2202 : memref<1x1x80xi32, #tpu.memory_space<vmem>> -> memref<80xi32, #tpu.memory_space<vmem>>
      %dma_start3A_2204 = arith.constant 0 : i32
      %dma_start3A_2205 = arith.constant 0 : i32
      %dma_start3A_2206 = tpu.memref_slice %arg20[%dma_start3A_2204, %dma_start3A_2205] : memref<5120x128xf32, #tpu.memory_space<vmem_shared>> -> memref<5120x128xf32, #tpu.memory_space<vmem_shared>>
      tpu.enqueue_indirect_dma source(%dma_start3A_2200 : memref<80x128xf32, #tpu.memory_space<vmem>>) target(%dma_start3A_2206 : memref<5120x128xf32, #tpu.memory_space<vmem_shared>>) offsets(%dma_start3A_2203 : memref<80xi32, #tpu.memory_space<vmem>>) semaphore(%arg26 : memref<!tpu.dma_semaphore, #tpu.memory_space<semaphore_mem>>) {add = true}
      %ge3A_2207 = arith.constant 3 : i32
      %ge3A_2208 = arith.cmpi sge, %add3A_2074, %ge3A_2207 : i32
      %convert_element_type3A_2209 = arith.extui %ge3A_2208 : i1 to i32
      %cond3A_2210 = arith.constant 0 : i32
      %cond3A_2211 = arith.cmpi ne, %convert_element_type3A_2209, %cond3A_2210 : i32
      scf.if %cond3A_2211 {
        %add3A_2536 = arith.constant 0 : i32
        %add3A_2537 = arith.addi %add3A_2536, %mul3A_2 : i32
        %mul3A_2538 = arith.constant 80 : i32
        %mul3A_2539 = arith.muli %add3A_2074, %mul3A_2538 : i32
        %add3A_2540 = arith.addi %add3A_2537, %mul3A_2539 : i32
        %dma_wait3A_2541 = arith.constant 768 : i32
        %dma_wait3A_2542 = tpu.memref_slice %arg16[%dma_wait3A_2541] : memref<1152xf32, #tpu.memory_space<vmem>> -> memref<80xf32, #tpu.memory_space<vmem>>
        %dma_wait3A_2543 = tpu.memref_slice %arg9[%add3A_2540] : memref<960000xf32, #tpu.memory_space<hbm>> -> memref<80xf32, #tpu.memory_space<hbm>>
        %dma_wait3A_2544 = tpu.memref_slice %arg9[%add3A_2540] : memref<960000xf32, #tpu.memory_space<hbm>> -> memref<80xf32, #tpu.memory_space<hbm>>
        %dma_wait3A_2545 = arith.constant 768 : i32
        %dma_wait3A_2546 = tpu.memref_slice %arg16[%dma_wait3A_2545] : memref<1152xf32, #tpu.memory_space<vmem>> -> memref<80xf32, #tpu.memory_space<vmem>>
        tpu.wait_dma2 semaphore(%arg29 : memref<!tpu.dma_semaphore, #tpu.memory_space<semaphore_mem>>) src(%dma_wait3A_2546 : memref<80xf32, #tpu.memory_space<vmem>>) dst(%dma_wait3A_2544 : memref<80xf32, #tpu.memory_space<hbm>>)
        %add3A_2547 = arith.constant 320000 : i32
        %add3A_2548 = arith.addi %add3A_2547, %mul3A_2 : i32
        %mul3A_2549 = arith.constant 80 : i32
        %mul3A_2550 = arith.muli %add3A_2074, %mul3A_2549 : i32
        %add3A_2551 = arith.addi %add3A_2548, %mul3A_2550 : i32
        %dma_wait3A_2552 = arith.constant 896 : i32
        %dma_wait3A_2553 = tpu.memref_slice %arg16[%dma_wait3A_2552] : memref<1152xf32, #tpu.memory_space<vmem>> -> memref<80xf32, #tpu.memory_space<vmem>>
        %dma_wait3A_2554 = tpu.memref_slice %arg9[%add3A_2551] : memref<960000xf32, #tpu.memory_space<hbm>> -> memref<80xf32, #tpu.memory_space<hbm>>
        %dma_wait3A_2555 = tpu.memref_slice %arg9[%add3A_2551] : memref<960000xf32, #tpu.memory_space<hbm>> -> memref<80xf32, #tpu.memory_space<hbm>>
        %dma_wait3A_2556 = arith.constant 896 : i32
        %dma_wait3A_2557 = tpu.memref_slice %arg16[%dma_wait3A_2556] : memref<1152xf32, #tpu.memory_space<vmem>> -> memref<80xf32, #tpu.memory_space<vmem>>
        tpu.wait_dma2 semaphore(%arg29 : memref<!tpu.dma_semaphore, #tpu.memory_space<semaphore_mem>>) src(%dma_wait3A_2557 : memref<80xf32, #tpu.memory_space<vmem>>) dst(%dma_wait3A_2555 : memref<80xf32, #tpu.memory_space<hbm>>)
        %add3A_2558 = arith.constant 640000 : i32
        %add3A_2559 = arith.addi %add3A_2558, %mul3A_2 : i32
        %mul3A_2560 = arith.constant 80 : i32
        %mul3A_2561 = arith.muli %add3A_2074, %mul3A_2560 : i32
        %add3A_2562 = arith.addi %add3A_2559, %mul3A_2561 : i32
        %dma_wait3A_2563 = arith.constant 1024 : i32
        %dma_wait3A_2564 = tpu.memref_slice %arg16[%dma_wait3A_2563] : memref<1152xf32, #tpu.memory_space<vmem>> -> memref<80xf32, #tpu.memory_space<vmem>>
        %dma_wait3A_2565 = tpu.memref_slice %arg9[%add3A_2562] : memref<960000xf32, #tpu.memory_space<hbm>> -> memref<80xf32, #tpu.memory_space<hbm>>
        %dma_wait3A_2566 = tpu.memref_slice %arg9[%add3A_2562] : memref<960000xf32, #tpu.memory_space<hbm>> -> memref<80xf32, #tpu.memory_space<hbm>>
        %dma_wait3A_2567 = arith.constant 1024 : i32
        %dma_wait3A_2568 = tpu.memref_slice %arg16[%dma_wait3A_2567] : memref<1152xf32, #tpu.memory_space<vmem>> -> memref<80xf32, #tpu.memory_space<vmem>>
        tpu.wait_dma2 semaphore(%arg29 : memref<!tpu.dma_semaphore, #tpu.memory_space<semaphore_mem>>) src(%dma_wait3A_2568 : memref<80xf32, #tpu.memory_space<vmem>>) dst(%dma_wait3A_2566 : memref<80xf32, #tpu.memory_space<hbm>>)
      } else {
      }
      %mul3A_2212 = arith.constant 80 : i32
      %mul3A_2213 = arith.muli %add3A_2074, %mul3A_2212 : i32
      %add3A_2214 = arith.constant 0 : i32
      %add3A_2215 = arith.addi %mul3A_2213, %add3A_2214 : i32
      %get3A_2216 = arith.index_cast %add3A_2215 : i32 to index
      %get3A_2217 = tpu.vector_load %arg10[%get3A_2216] {strides = array<i32>} : memref<10000xi32, #tpu.memory_space<vmem>>, vector<16xi32>,
      %shift_right_logical3A_2218 = arith.constant 1 : i32
      %shift_right_logical3A_2219 = vector.broadcast %shift_right_logical3A_2218 : i32 to vector<16xi32>
      %shift_right_logical3A_2220 = arith.shrui %get3A_2217, %shift_right_logical3A_2219 : vector<16xi32>
      %mul3A_2221 = arith.constant 3 : i32
      %mul3A_2222 = vector.broadcast %mul3A_2221 : i32 to vector<16xi32>
      %mul3A_2223 = arith.muli %shift_right_logical3A_2220, %mul3A_2222 : vector<16xi32>
      %mul3A_2224 = arith.constant 3 : i32
      %mul3A_2225 = vector.broadcast %mul3A_2224 : i32 to vector<16xi32>
      %mul3A_2226 = arith.muli %shift_right_logical3A_2127, %mul3A_2225 : vector<16xi32>
      %get3A_2227 = arith.constant 768 : index
      %get3A_2228 = tpu.vector_load %arg15[%get3A_2227] {strides = array<i32>} : memref<1152xf32, #tpu.memory_space<vmem>>, vector<16xf32>,
      tpu.vector_store_idx %arg17[%shift_right_logical3A_2127], %get3A_2228 {add = true} : memref<5120xf32, #tpu.memory_space<vmem>>[vector<16xi32>], vector<16xf32>,
      %add3A_2229 = arith.constant 0 : i32
      %add3A_2230 = vector.broadcast %add3A_2229 : i32 to vector<16xi32>
      %add3A_2231 = arith.addi %mul3A_2226, %add3A_2230 : vector<16xi32>
      %gather3A_2232 = tpu.vector_load_idx %arg13[%add3A_2231] : memref<15104xf32, #tpu.memory_space<vmem>>[vector<16xi32>], vector<16xf32>,
      %add3A_2233 = arith.constant 0 : i32
      %add3A_2234 = vector.broadcast %add3A_2233 : i32 to vector<16xi32>
      %add3A_2235 = arith.addi %mul3A_2223, %add3A_2234 : vector<16xi32>
      %gather3A_2236 = tpu.vector_load_idx %arg13[%add3A_2235] : memref<15104xf32, #tpu.memory_space<vmem>>[vector<16xi32>], vector<16xf32>,
      %sub3A_2237 = arith.subf %gather3A_2232, %gather3A_2236 : vector<16xf32>
      %swap3A_2238 = arith.constant 768 : index
      %swap3A_2239 = tpu.vector_load %arg16[%swap3A_2238] {strides = array<i32>} : memref<1152xf32, #tpu.memory_space<vmem>>, vector<16xf32>,
      tpu.vector_store %arg16[%swap3A_2238], %sub3A_2237 {strides = array<i32>} : memref<1152xf32, #tpu.memory_space<vmem>>, vector<16xf32>,
      %get3A_2240 = arith.constant 896 : index
      %get3A_2241 = tpu.vector_load %arg15[%get3A_2240] {strides = array<i32>} : memref<1152xf32, #tpu.memory_space<vmem>>, vector<16xf32>,
      tpu.vector_store_idx %arg18[%shift_right_logical3A_2127], %get3A_2241 {add = true} : memref<5120xf32, #tpu.memory_space<vmem>>[vector<16xi32>], vector<16xf32>,
      %add3A_2242 = arith.constant 1 : i32
      %add3A_2243 = vector.broadcast %add3A_2242 : i32 to vector<16xi32>
      %add3A_2244 = arith.addi %mul3A_2226, %add3A_2243 : vector<16xi32>
      %gather3A_2245 = tpu.vector_load_idx %arg13[%add3A_2244] : memref<15104xf32, #tpu.memory_space<vmem>>[vector<16xi32>], vector<16xf32>,
      %add3A_2246 = arith.constant 1 : i32
      %add3A_2247 = vector.broadcast %add3A_2246 : i32 to vector<16xi32>
      %add3A_2248 = arith.addi %mul3A_2223, %add3A_2247 : vector<16xi32>
      %gather3A_2249 = tpu.vector_load_idx %arg13[%add3A_2248] : memref<15104xf32, #tpu.memory_space<vmem>>[vector<16xi32>], vector<16xf32>,
      %sub3A_2250 = arith.subf %gather3A_2245, %gather3A_2249 : vector<16xf32>
      %swap3A_2251 = arith.constant 896 : index
      %swap3A_2252 = tpu.vector_load %arg16[%swap3A_2251] {strides = array<i32>} : memref<1152xf32, #tpu.memory_space<vmem>>, vector<16xf32>,
      tpu.vector_store %arg16[%swap3A_2251], %sub3A_2250 {strides = array<i32>} : memref<1152xf32, #tpu.memory_space<vmem>>, vector<16xf32>,
      %get3A_2253 = arith.constant 1024 : index
      %get3A_2254 = tpu.vector_load %arg15[%get3A_2253] {strides = array<i32>} : memref<1152xf32, #tpu.memory_space<vmem>>, vector<16xf32>,
      tpu.vector_store_idx %arg19[%shift_right_logical3A_2127], %get3A_2254 {add = true} : memref<5120xf32, #tpu.memory_space<vmem>>[vector<16xi32>], vector<16xf32>,
      %add3A_2255 = arith.constant 2 : i32
      %add3A_2256 = vector.broadcast %add3A_2255 : i32 to vector<16xi32>
      %add3A_2257 = arith.addi %mul3A_2226, %add3A_2256 : vector<16xi32>
      %gather3A_2258 = tpu.vector_load_idx %arg13[%add3A_2257] : memref<15104xf32, #tpu.memory_space<vmem>>[vector<16xi32>], vector<16xf32>,
      %add3A_2259 = arith.constant 2 : i32
      %add3A_2260 = vector.broadcast %add3A_2259 : i32 to vector<16xi32>
      %add3A_2261 = arith.addi %mul3A_2223, %add3A_2260 : vector<16xi32>
      %gather3A_2262 = tpu.vector_load_idx %arg13[%add3A_2261] : memref<15104xf32, #tpu.memory_space<vmem>>[vector<16xi32>], vector<16xf32>,
      %sub3A_2263 = arith.subf %gather3A_2258, %gather3A_2262 : vector<16xf32>
      %swap3A_2264 = arith.constant 1024 : index
      %swap3A_2265 = tpu.vector_load %arg16[%swap3A_2264] {strides = array<i32>} : memref<1152xf32, #tpu.memory_space<vmem>>, vector<16xf32>,
      tpu.vector_store %arg16[%swap3A_2264], %sub3A_2263 {strides = array<i32>} : memref<1152xf32, #tpu.memory_space<vmem>>, vector<16xf32>,
      %mul3A_2266 = arith.constant 80 : i32
      %mul3A_2267 = arith.muli %add3A_2074, %mul3A_2266 : i32
      %add3A_2268 = arith.constant 16 : i32
      %add3A_2269 = arith.addi %mul3A_2267, %add3A_2268 : i32
      %get3A_2270 = arith.index_cast %add3A_2269 : i32 to index
      %get3A_2271 = tpu.vector_load %arg10[%get3A_2270] {strides = array<i32>} : memref<10000xi32, #tpu.memory_space<vmem>>, vector<16xi32>,
      %shift_right_logical3A_2272 = arith.constant 1 : i32
      %shift_right_logical3A_2273 = vector.broadcast %shift_right_logical3A_2272 : i32 to vector<16xi32>
      %shift_right_logical3A_2274 = arith.shrui %get3A_2271, %shift_right_logical3A_2273 : vector<16xi32>
      %mul3A_2275 = arith.constant 3 : i32
      %mul3A_2276 = vector.broadcast %mul3A_2275 : i32 to vector<16xi32>
      %mul3A_2277 = arith.muli %shift_right_logical3A_2274, %mul3A_2276 : vector<16xi32>
      %mul3A_2278 = arith.constant 3 : i32
      %mul3A_2279 = vector.broadcast %mul3A_2278 : i32 to vector<16xi32>
      %mul3A_2280 = arith.muli %shift_right_logical3A_2142, %mul3A_2279 : vector<16xi32>
      %get3A_2281 = arith.constant 784 : index
      %get3A_2282 = tpu.vector_load %arg15[%get3A_2281] {strides = array<i32>} : memref<1152xf32, #tpu.memory_space<vmem>>, vector<16xf32>,
      tpu.vector_store_idx %arg17[%shift_right_logical3A_2142], %get3A_2282 {add = true} : memref<5120xf32, #tpu.memory_space<vmem>>[vector<16xi32>], vector<16xf32>,
      %add3A_2283 = arith.constant 0 : i32
      %add3A_2284 = vector.broadcast %add3A_2283 : i32 to vector<16xi32>
      %add3A_2285 = arith.addi %mul3A_2280, %add3A_2284 : vector<16xi32>
      %gather3A_2286 = tpu.vector_load_idx %arg13[%add3A_2285] : memref<15104xf32, #tpu.memory_space<vmem>>[vector<16xi32>], vector<16xf32>,
      %add3A_2287 = arith.constant 0 : i32
      %add3A_2288 = vector.broadcast %add3A_2287 : i32 to vector<16xi32>
      %add3A_2289 = arith.addi %mul3A_2277, %add3A_2288 : vector<16xi32>
      %gather3A_2290 = tpu.vector_load_idx %arg13[%add3A_2289] : memref<15104xf32, #tpu.memory_space<vmem>>[vector<16xi32>], vector<16xf32>,
      %sub3A_2291 = arith.subf %gather3A_2286, %gather3A_2290 : vector<16xf32>
      %swap3A_2292 = arith.constant 784 : index
      %swap3A_2293 = tpu.vector_load %arg16[%swap3A_2292] {strides = array<i32>} : memref<1152xf32, #tpu.memory_space<vmem>>, vector<16xf32>,
      tpu.vector_store %arg16[%swap3A_2292], %sub3A_2291 {strides = array<i32>} : memref<1152xf32, #tpu.memory_space<vmem>>, vector<16xf32>,
      %get3A_2294 = arith.constant 912 : index
      %get3A_2295 = tpu.vector_load %arg15[%get3A_2294] {strides = array<i32>} : memref<1152xf32, #tpu.memory_space<vmem>>, vector<16xf32>,
      tpu.vector_store_idx %arg18[%shift_right_logical3A_2142], %get3A_2295 {add = true} : memref<5120xf32, #tpu.memory_space<vmem>>[vector<16xi32>], vector<16xf32>,
      %add3A_2296 = arith.constant 1 : i32
      %add3A_2297 = vector.broadcast %add3A_2296 : i32 to vector<16xi32>
      %add3A_2298 = arith.addi %mul3A_2280, %add3A_2297 : vector<16xi32>
      %gather3A_2299 = tpu.vector_load_idx %arg13[%add3A_2298] : memref<15104xf32, #tpu.memory_space<vmem>>[vector<16xi32>], vector<16xf32>,
      %add3A_2300 = arith.constant 1 : i32
      %add3A_2301 = vector.broadcast %add3A_2300 : i32 to vector<16xi32>
      %add3A_2302 = arith.addi %mul3A_2277, %add3A_2301 : vector<16xi32>
      %gather3A_2303 = tpu.vector_load_idx %arg13[%add3A_2302] : memref<15104xf32, #tpu.memory_space<vmem>>[vector<16xi32>], vector<16xf32>,
      %sub3A_2304 = arith.subf %gather3A_2299, %gather3A_2303 : vector<16xf32>
      %swap3A_2305 = arith.constant 912 : index
      %swap3A_2306 = tpu.vector_load %arg16[%swap3A_2305] {strides = array<i32>} : memref<1152xf32, #tpu.memory_space<vmem>>, vector<16xf32>,
      tpu.vector_store %arg16[%swap3A_2305], %sub3A_2304 {strides = array<i32>} : memref<1152xf32, #tpu.memory_space<vmem>>, vector<16xf32>,
      %get3A_2307 = arith.constant 1040 : index
      %get3A_2308 = tpu.vector_load %arg15[%get3A_2307] {strides = array<i32>} : memref<1152xf32, #tpu.memory_space<vmem>>, vector<16xf32>,
      tpu.vector_store_idx %arg19[%shift_right_logical3A_2142], %get3A_2308 {add = true} : memref<5120xf32, #tpu.memory_space<vmem>>[vector<16xi32>], vector<16xf32>,
      %add3A_2309 = arith.constant 2 : i32
      %add3A_2310 = vector.broadcast %add3A_2309 : i32 to vector<16xi32>
      %add3A_2311 = arith.addi %mul3A_2280, %add3A_2310 : vector<16xi32>
      %gather3A_2312 = tpu.vector_load_idx %arg13[%add3A_2311] : memref<15104xf32, #tpu.memory_space<vmem>>[vector<16xi32>], vector<16xf32>,
      %add3A_2313 = arith.constant 2 : i32
      %add3A_2314 = vector.broadcast %add3A_2313 : i32 to vector<16xi32>
      %add3A_2315 = arith.addi %mul3A_2277, %add3A_2314 : vector<16xi32>
      %gather3A_2316 = tpu.vector_load_idx %arg13[%add3A_2315] : memref<15104xf32, #tpu.memory_space<vmem>>[vector<16xi32>], vector<16xf32>,
      %sub3A_2317 = arith.subf %gather3A_2312, %gather3A_2316 : vector<16xf32>
      %swap3A_2318 = arith.constant 1040 : index
      %swap3A_2319 = tpu.vector_load %arg16[%swap3A_2318] {strides = array<i32>} : memref<1152xf32, #tpu.memory_space<vmem>>, vector<16xf32>,
      tpu.vector_store %arg16[%swap3A_2318], %sub3A_2317 {strides = array<i32>} : memref<1152xf32, #tpu.memory_space<vmem>>, vector<16xf32>,
      %mul3A_2320 = arith.constant 80 : i32
      %mul3A_2321 = arith.muli %add3A_2074, %mul3A_2320 : i32
      %add3A_2322 = arith.constant 32 : i32
      %add3A_2323 = arith.addi %mul3A_2321, %add3A_2322 : i32
      %get3A_2324 = arith.index_cast %add3A_2323 : i32 to index
      %get3A_2325 = tpu.vector_load %arg10[%get3A_2324] {strides = array<i32>} : memref<10000xi32, #tpu.memory_space<vmem>>, vector<16xi32>,
      %shift_right_logical3A_2326 = arith.constant 1 : i32
      %shift_right_logical3A_2327 = vector.broadcast %shift_right_logical3A_2326 : i32 to vector<16xi32>
      %shift_right_logical3A_2328 = arith.shrui %get3A_2325, %shift_right_logical3A_2327 : vector<16xi32>
      %mul3A_2329 = arith.constant 3 : i32
      %mul3A_2330 = vector.broadcast %mul3A_2329 : i32 to vector<16xi32>
      %mul3A_2331 = arith.muli %shift_right_logical3A_2328, %mul3A_2330 : vector<16xi32>
      %mul3A_2332 = arith.constant 3 : i32
      %mul3A_2333 = vector.broadcast %mul3A_2332 : i32 to vector<16xi32>
      %mul3A_2334 = arith.muli %shift_right_logical3A_2157, %mul3A_2333 : vector<16xi32>
      %get3A_2335 = arith.constant 800 : index
      %get3A_2336 = tpu.vector_load %arg15[%get3A_2335] {strides = array<i32>} : memref<1152xf32, #tpu.memory_space<vmem>>, vector<16xf32>,
      tpu.vector_store_idx %arg17[%shift_right_logical3A_2157], %get3A_2336 {add = true} : memref<5120xf32, #tpu.memory_space<vmem>>[vector<16xi32>], vector<16xf32>,
      %add3A_2337 = arith.constant 0 : i32
      %add3A_2338 = vector.broadcast %add3A_2337 : i32 to vector<16xi32>
      %add3A_2339 = arith.addi %mul3A_2334, %add3A_2338 : vector<16xi32>
      %gather3A_2340 = tpu.vector_load_idx %arg13[%add3A_2339] : memref<15104xf32, #tpu.memory_space<vmem>>[vector<16xi32>], vector<16xf32>,
      %add3A_2341 = arith.constant 0 : i32
      %add3A_2342 = vector.broadcast %add3A_2341 : i32 to vector<16xi32>
      %add3A_2343 = arith.addi %mul3A_2331, %add3A_2342 : vector<16xi32>
      %gather3A_2344 = tpu.vector_load_idx %arg13[%add3A_2343] : memref<15104xf32, #tpu.memory_space<vmem>>[vector<16xi32>], vector<16xf32>,
      %sub3A_2345 = arith.subf %gather3A_2340, %gather3A_2344 : vector<16xf32>
      %swap3A_2346 = arith.constant 800 : index
      %swap3A_2347 = tpu.vector_load %arg16[%swap3A_2346] {strides = array<i32>} : memref<1152xf32, #tpu.memory_space<vmem>>, vector<16xf32>,
      tpu.vector_store %arg16[%swap3A_2346], %sub3A_2345 {strides = array<i32>} : memref<1152xf32, #tpu.memory_space<vmem>>, vector<16xf32>,
      %get3A_2348 = arith.constant 928 : index
      %get3A_2349 = tpu.vector_load %arg15[%get3A_2348] {strides = array<i32>} : memref<1152xf32, #tpu.memory_space<vmem>>, vector<16xf32>,
      tpu.vector_store_idx %arg18[%shift_right_logical3A_2157], %get3A_2349 {add = true} : memref<5120xf32, #tpu.memory_space<vmem>>[vector<16xi32>], vector<16xf32>,
      %add3A_2350 = arith.constant 1 : i32
      %add3A_2351 = vector.broadcast %add3A_2350 : i32 to vector<16xi32>
      %add3A_2352 = arith.addi %mul3A_2334, %add3A_2351 : vector<16xi32>
      %gather3A_2353 = tpu.vector_load_idx %arg13[%add3A_2352] : memref<15104xf32, #tpu.memory_space<vmem>>[vector<16xi32>], vector<16xf32>,
      %add3A_2354 = arith.constant 1 : i32
      %add3A_2355 = vector.broadcast %add3A_2354 : i32 to vector<16xi32>
      %add3A_2356 = arith.addi %mul3A_2331, %add3A_2355 : vector<16xi32>
      %gather3A_2357 = tpu.vector_load_idx %arg13[%add3A_2356] : memref<15104xf32, #tpu.memory_space<vmem>>[vector<16xi32>], vector<16xf32>,
      %sub3A_2358 = arith.subf %gather3A_2353, %gather3A_2357 : vector<16xf32>
      %swap3A_2359 = arith.constant 928 : index
      %swap3A_2360 = tpu.vector_load %arg16[%swap3A_2359] {strides = array<i32>} : memref<1152xf32, #tpu.memory_space<vmem>>, vector<16xf32>,
      tpu.vector_store %arg16[%swap3A_2359], %sub3A_2358 {strides = array<i32>} : memref<1152xf32, #tpu.memory_space<vmem>>, vector<16xf32>,
      %get3A_2361 = arith.constant 1056 : index
      %get3A_2362 = tpu.vector_load %arg15[%get3A_2361] {strides = array<i32>} : memref<1152xf32, #tpu.memory_space<vmem>>, vector<16xf32>,
      tpu.vector_store_idx %arg19[%shift_right_logical3A_2157], %get3A_2362 {add = true} : memref<5120xf32, #tpu.memory_space<vmem>>[vector<16xi32>], vector<16xf32>,
      %add3A_2363 = arith.constant 2 : i32
      %add3A_2364 = vector.broadcast %add3A_2363 : i32 to vector<16xi32>
      %add3A_2365 = arith.addi %mul3A_2334, %add3A_2364 : vector<16xi32>
      %gather3A_2366 = tpu.vector_load_idx %arg13[%add3A_2365] : memref<15104xf32, #tpu.memory_space<vmem>>[vector<16xi32>], vector<16xf32>,
      %add3A_2367 = arith.constant 2 : i32
      %add3A_2368 = vector.broadcast %add3A_2367 : i32 to vector<16xi32>
      %add3A_2369 = arith.addi %mul3A_2331, %add3A_2368 : vector<16xi32>
      %gather3A_2370 = tpu.vector_load_idx %arg13[%add3A_2369] : memref<15104xf32, #tpu.memory_space<vmem>>[vector<16xi32>], vector<16xf32>,
      %sub3A_2371 = arith.subf %gather3A_2366, %gather3A_2370 : vector<16xf32>
      %swap3A_2372 = arith.constant 1056 : index
      %swap3A_2373 = tpu.vector_load %arg16[%swap3A_2372] {strides = array<i32>} : memref<1152xf32, #tpu.memory_space<vmem>>, vector<16xf32>,
      tpu.vector_store %arg16[%swap3A_2372], %sub3A_2371 {strides = array<i32>} : memref<1152xf32, #tpu.memory_space<vmem>>, vector<16xf32>,
      %mul3A_2374 = arith.constant 80 : i32
      %mul3A_2375 = arith.muli %add3A_2074, %mul3A_2374 : i32
      %add3A_2376 = arith.constant 48 : i32
      %add3A_2377 = arith.addi %mul3A_2375, %add3A_2376 : i32
      %get3A_2378 = arith.index_cast %add3A_2377 : i32 to index
      %get3A_2379 = tpu.vector_load %arg10[%get3A_2378] {strides = array<i32>} : memref<10000xi32, #tpu.memory_space<vmem>>, vector<16xi32>,
      %shift_right_logical3A_2380 = arith.constant 1 : i32
      %shift_right_logical3A_2381 = vector.broadcast %shift_right_logical3A_2380 : i32 to vector<16xi32>
      %shift_right_logical3A_2382 = arith.shrui %get3A_2379, %shift_right_logical3A_2381 : vector<16xi32>
      %mul3A_2383 = arith.constant 3 : i32
      %mul3A_2384 = vector.broadcast %mul3A_2383 : i32 to vector<16xi32>
      %mul3A_2385 = arith.muli %shift_right_logical3A_2382, %mul3A_2384 : vector<16xi32>
      %mul3A_2386 = arith.constant 3 : i32
      %mul3A_2387 = vector.broadcast %mul3A_2386 : i32 to vector<16xi32>
      %mul3A_2388 = arith.muli %shift_right_logical3A_2172, %mul3A_2387 : vector<16xi32>
      %get3A_2389 = arith.constant 816 : index
      %get3A_2390 = tpu.vector_load %arg15[%get3A_2389] {strides = array<i32>} : memref<1152xf32, #tpu.memory_space<vmem>>, vector<16xf32>,
      tpu.vector_store_idx %arg17[%shift_right_logical3A_2172], %get3A_2390 {add = true} : memref<5120xf32, #tpu.memory_space<vmem>>[vector<16xi32>], vector<16xf32>,
      %add3A_2391 = arith.constant 0 : i32
      %add3A_2392 = vector.broadcast %add3A_2391 : i32 to vector<16xi32>
      %add3A_2393 = arith.addi %mul3A_2388, %add3A_2392 : vector<16xi32>
      %gather3A_2394 = tpu.vector_load_idx %arg13[%add3A_2393] : memref<15104xf32, #tpu.memory_space<vmem>>[vector<16xi32>], vector<16xf32>,
      %add3A_2395 = arith.constant 0 : i32
      %add3A_2396 = vector.broadcast %add3A_2395 : i32 to vector<16xi32>
      %add3A_2397 = arith.addi %mul3A_2385, %add3A_2396 : vector<16xi32>
      %gather3A_2398 = tpu.vector_load_idx %arg13[%add3A_2397] : memref<15104xf32, #tpu.memory_space<vmem>>[vector<16xi32>], vector<16xf32>,
      %sub3A_2399 = arith.subf %gather3A_2394, %gather3A_2398 : vector<16xf32>
      %swap3A_2400 = arith.constant 816 : index
      %swap3A_2401 = tpu.vector_load %arg16[%swap3A_2400] {strides = array<i32>} : memref<1152xf32, #tpu.memory_space<vmem>>, vector<16xf32>,
      tpu.vector_store %arg16[%swap3A_2400], %sub3A_2399 {strides = array<i32>} : memref<1152xf32, #tpu.memory_space<vmem>>, vector<16xf32>,
      %get3A_2402 = arith.constant 944 : index
      %get3A_2403 = tpu.vector_load %arg15[%get3A_2402] {strides = array<i32>} : memref<1152xf32, #tpu.memory_space<vmem>>, vector<16xf32>,
      tpu.vector_store_idx %arg18[%shift_right_logical3A_2172], %get3A_2403 {add = true} : memref<5120xf32, #tpu.memory_space<vmem>>[vector<16xi32>], vector<16xf32>,
      %add3A_2404 = arith.constant 1 : i32
      %add3A_2405 = vector.broadcast %add3A_2404 : i32 to vector<16xi32>
      %add3A_2406 = arith.addi %mul3A_2388, %add3A_2405 : vector<16xi32>
      %gather3A_2407 = tpu.vector_load_idx %arg13[%add3A_2406] : memref<15104xf32, #tpu.memory_space<vmem>>[vector<16xi32>], vector<16xf32>,
      %add3A_2408 = arith.constant 1 : i32
      %add3A_2409 = vector.broadcast %add3A_2408 : i32 to vector<16xi32>
      %add3A_2410 = arith.addi %mul3A_2385, %add3A_2409 : vector<16xi32>
      %gather3A_2411 = tpu.vector_load_idx %arg13[%add3A_2410] : memref<15104xf32, #tpu.memory_space<vmem>>[vector<16xi32>], vector<16xf32>,
      %sub3A_2412 = arith.subf %gather3A_2407, %gather3A_2411 : vector<16xf32>
      %swap3A_2413 = arith.constant 944 : index
      %swap3A_2414 = tpu.vector_load %arg16[%swap3A_2413] {strides = array<i32>} : memref<1152xf32, #tpu.memory_space<vmem>>, vector<16xf32>,
      tpu.vector_store %arg16[%swap3A_2413], %sub3A_2412 {strides = array<i32>} : memref<1152xf32, #tpu.memory_space<vmem>>, vector<16xf32>,
      %get3A_2415 = arith.constant 1072 : index
      %get3A_2416 = tpu.vector_load %arg15[%get3A_2415] {strides = array<i32>} : memref<1152xf32, #tpu.memory_space<vmem>>, vector<16xf32>,
      tpu.vector_store_idx %arg19[%shift_right_logical3A_2172], %get3A_2416 {add = true} : memref<5120xf32, #tpu.memory_space<vmem>>[vector<16xi32>], vector<16xf32>,
      %add3A_2417 = arith.constant 2 : i32
      %add3A_2418 = vector.broadcast %add3A_2417 : i32 to vector<16xi32>
      %add3A_2419 = arith.addi %mul3A_2388, %add3A_2418 : vector<16xi32>
      %gather3A_2420 = tpu.vector_load_idx %arg13[%add3A_2419] : memref<15104xf32, #tpu.memory_space<vmem>>[vector<16xi32>], vector<16xf32>,
      %add3A_2421 = arith.constant 2 : i32
      %add3A_2422 = vector.broadcast %add3A_2421 : i32 to vector<16xi32>
      %add3A_2423 = arith.addi %mul3A_2385, %add3A_2422 : vector<16xi32>
      %gather3A_2424 = tpu.vector_load_idx %arg13[%add3A_2423] : memref<15104xf32, #tpu.memory_space<vmem>>[vector<16xi32>], vector<16xf32>,
      %sub3A_2425 = arith.subf %gather3A_2420, %gather3A_2424 : vector<16xf32>
      %swap3A_2426 = arith.constant 1072 : index
      %swap3A_2427 = tpu.vector_load %arg16[%swap3A_2426] {strides = array<i32>} : memref<1152xf32, #tpu.memory_space<vmem>>, vector<16xf32>,
      tpu.vector_store %arg16[%swap3A_2426], %sub3A_2425 {strides = array<i32>} : memref<1152xf32, #tpu.memory_space<vmem>>, vector<16xf32>,
      %mul3A_2428 = arith.constant 80 : i32
      %mul3A_2429 = arith.muli %add3A_2074, %mul3A_2428 : i32
      %add3A_2430 = arith.constant 64 : i32
      %add3A_2431 = arith.addi %mul3A_2429, %add3A_2430 : i32
      %get3A_2432 = arith.index_cast %add3A_2431 : i32 to index
      %get3A_2433 = tpu.vector_load %arg10[%get3A_2432] {strides = array<i32>} : memref<10000xi32, #tpu.memory_space<vmem>>, vector<16xi32>,
      %shift_right_logical3A_2434 = arith.constant 1 : i32
      %shift_right_logical3A_2435 = vector.broadcast %shift_right_logical3A_2434 : i32 to vector<16xi32>
      %shift_right_logical3A_2436 = arith.shrui %get3A_2433, %shift_right_logical3A_2435 : vector<16xi32>
      %mul3A_2437 = arith.constant 3 : i32
      %mul3A_2438 = vector.broadcast %mul3A_2437 : i32 to vector<16xi32>
      %mul3A_2439 = arith.muli %shift_right_logical3A_2436, %mul3A_2438 : vector<16xi32>
      %mul3A_2440 = arith.constant 3 : i32
      %mul3A_2441 = vector.broadcast %mul3A_2440 : i32 to vector<16xi32>
      %mul3A_2442 = arith.muli %shift_right_logical3A_2187, %mul3A_2441 : vector<16xi32>
      %get3A_2443 = arith.constant 832 : index
      %get3A_2444 = tpu.vector_load %arg15[%get3A_2443] {strides = array<i32>} : memref<1152xf32, #tpu.memory_space<vmem>>, vector<16xf32>,
      tpu.vector_store_idx %arg17[%shift_right_logical3A_2187], %get3A_2444 {add = true} : memref<5120xf32, #tpu.memory_space<vmem>>[vector<16xi32>], vector<16xf32>,
      %add3A_2445 = arith.constant 0 : i32
      %add3A_2446 = vector.broadcast %add3A_2445 : i32 to vector<16xi32>
      %add3A_2447 = arith.addi %mul3A_2442, %add3A_2446 : vector<16xi32>
      %gather3A_2448 = tpu.vector_load_idx %arg13[%add3A_2447] : memref<15104xf32, #tpu.memory_space<vmem>>[vector<16xi32>], vector<16xf32>,
      %add3A_2449 = arith.constant 0 : i32
      %add3A_2450 = vector.broadcast %add3A_2449 : i32 to vector<16xi32>
      %add3A_2451 = arith.addi %mul3A_2439, %add3A_2450 : vector<16xi32>
      %gather3A_2452 = tpu.vector_load_idx %arg13[%add3A_2451] : memref<15104xf32, #tpu.memory_space<vmem>>[vector<16xi32>], vector<16xf32>,
      %sub3A_2453 = arith.subf %gather3A_2448, %gather3A_2452 : vector<16xf32>
      %swap3A_2454 = arith.constant 832 : index
      %swap3A_2455 = tpu.vector_load %arg16[%swap3A_2454] {strides = array<i32>} : memref<1152xf32, #tpu.memory_space<vmem>>, vector<16xf32>,
      tpu.vector_store %arg16[%swap3A_2454], %sub3A_2453 {strides = array<i32>} : memref<1152xf32, #tpu.memory_space<vmem>>, vector<16xf32>,
      %get3A_2456 = arith.constant 960 : index
      %get3A_2457 = tpu.vector_load %arg15[%get3A_2456] {strides = array<i32>} : memref<1152xf32, #tpu.memory_space<vmem>>, vector<16xf32>,
      tpu.vector_store_idx %arg18[%shift_right_logical3A_2187], %get3A_2457 {add = true} : memref<5120xf32, #tpu.memory_space<vmem>>[vector<16xi32>], vector<16xf32>,
      %add3A_2458 = arith.constant 1 : i32
      %add3A_2459 = vector.broadcast %add3A_2458 : i32 to vector<16xi32>
      %add3A_2460 = arith.addi %mul3A_2442, %add3A_2459 : vector<16xi32>
      %gather3A_2461 = tpu.vector_load_idx %arg13[%add3A_2460] : memref<15104xf32, #tpu.memory_space<vmem>>[vector<16xi32>], vector<16xf32>,
      %add3A_2462 = arith.constant 1 : i32
      %add3A_2463 = vector.broadcast %add3A_2462 : i32 to vector<16xi32>
      %add3A_2464 = arith.addi %mul3A_2439, %add3A_2463 : vector<16xi32>
      %gather3A_2465 = tpu.vector_load_idx %arg13[%add3A_2464] : memref<15104xf32, #tpu.memory_space<vmem>>[vector<16xi32>], vector<16xf32>,
      %sub3A_2466 = arith.subf %gather3A_2461, %gather3A_2465 : vector<16xf32>
      %swap3A_2467 = arith.constant 960 : index
      %swap3A_2468 = tpu.vector_load %arg16[%swap3A_2467] {strides = array<i32>} : memref<1152xf32, #tpu.memory_space<vmem>>, vector<16xf32>,
      tpu.vector_store %arg16[%swap3A_2467], %sub3A_2466 {strides = array<i32>} : memref<1152xf32, #tpu.memory_space<vmem>>, vector<16xf32>,
      %get3A_2469 = arith.constant 1088 : index
      %get3A_2470 = tpu.vector_load %arg15[%get3A_2469] {strides = array<i32>} : memref<1152xf32, #tpu.memory_space<vmem>>, vector<16xf32>,
      tpu.vector_store_idx %arg19[%shift_right_logical3A_2187], %get3A_2470 {add = true} : memref<5120xf32, #tpu.memory_space<vmem>>[vector<16xi32>], vector<16xf32>,
      %add3A_2471 = arith.constant 2 : i32
      %add3A_2472 = vector.broadcast %add3A_2471 : i32 to vector<16xi32>
      %add3A_2473 = arith.addi %mul3A_2442, %add3A_2472 : vector<16xi32>
      %gather3A_2474 = tpu.vector_load_idx %arg13[%add3A_2473] : memref<15104xf32, #tpu.memory_space<vmem>>[vector<16xi32>], vector<16xf32>,
      %add3A_2475 = arith.constant 2 : i32
      %add3A_2476 = vector.broadcast %add3A_2475 : i32 to vector<16xi32>
      %add3A_2477 = arith.addi %mul3A_2439, %add3A_2476 : vector<16xi32>
      %gather3A_2478 = tpu.vector_load_idx %arg13[%add3A_2477] : memref<15104xf32, #tpu.memory_space<vmem>>[vector<16xi32>], vector<16xf32>,
      %sub3A_2479 = arith.subf %gather3A_2474, %gather3A_2478 : vector<16xf32>
      %swap3A_2480 = arith.constant 1088 : index
      %swap3A_2481 = tpu.vector_load %arg16[%swap3A_2480] {strides = array<i32>} : memref<1152xf32, #tpu.memory_space<vmem>>, vector<16xf32>,
      tpu.vector_store %arg16[%swap3A_2480], %sub3A_2479 {strides = array<i32>} : memref<1152xf32, #tpu.memory_space<vmem>>, vector<16xf32>,
      %add3A_2482 = arith.constant 0 : i32
      %add3A_2483 = arith.addi %add3A_2482, %mul3A_2 : i32
      %mul3A_2484 = arith.constant 80 : i32
      %mul3A_2485 = arith.muli %add3A_2074, %mul3A_2484 : i32
      %add3A_2486 = arith.addi %add3A_2483, %mul3A_2485 : i32
      %dma_start3A_2487 = arith.constant 768 : i32
      %dma_start3A_2488 = tpu.memref_slice %arg16[%dma_start3A_2487] : memref<1152xf32, #tpu.memory_space<vmem>> -> memref<80xf32, #tpu.memory_space<vmem>>
      %dma_start3A_2489 = tpu.memref_slice %arg9[%add3A_2486] : memref<960000xf32, #tpu.memory_space<hbm>> -> memref<80xf32, #tpu.memory_space<hbm>>
      %dma_start3A_2490 = tpu.memref_slice %arg9[%add3A_2486] : memref<960000xf32, #tpu.memory_space<hbm>> -> memref<80xf32, #tpu.memory_space<hbm>>
      %dma_start3A_2491 = arith.constant 768 : i32
      %dma_start3A_2492 = tpu.memref_slice %arg16[%dma_start3A_2491] : memref<1152xf32, #tpu.memory_space<vmem>> -> memref<80xf32, #tpu.memory_space<vmem>>
      tpu.enqueue_dma source(%dma_start3A_2492 : memref<80xf32, #tpu.memory_space<vmem>>) target(%dma_start3A_2490 : memref<80xf32, #tpu.memory_space<hbm>>) target_semaphore(%arg29 : memref<!tpu.dma_semaphore, #tpu.memory_space<semaphore_mem>>)
      %add3A_2493 = arith.constant 320000 : i32
      %add3A_2494 = arith.addi %add3A_2493, %mul3A_2 : i32
      %mul3A_2495 = arith.constant 80 : i32
      %mul3A_2496 = arith.muli %add3A_2074, %mul3A_2495 : i32
      %add3A_2497 = arith.addi %add3A_2494, %mul3A_2496 : i32
      %dma_start3A_2498 = arith.constant 896 : i32
      %dma_start3A_2499 = tpu.memref_slice %arg16[%dma_start3A_2498] : memref<1152xf32, #tpu.memory_space<vmem>> -> memref<80xf32, #tpu.memory_space<vmem>>
      %dma_start3A_2500 = tpu.memref_slice %arg9[%add3A_2497] : memref<960000xf32, #tpu.memory_space<hbm>> -> memref<80xf32, #tpu.memory_space<hbm>>
      %dma_start3A_2501 = tpu.memref_slice %arg9[%add3A_2497] : memref<960000xf32, #tpu.memory_space<hbm>> -> memref<80xf32, #tpu.memory_space<hbm>>
      %dma_start3A_2502 = arith.constant 896 : i32
      %dma_start3A_2503 = tpu.memref_slice %arg16[%dma_start3A_2502] : memref<1152xf32, #tpu.memory_space<vmem>> -> memref<80xf32, #tpu.memory_space<vmem>>
      tpu.enqueue_dma source(%dma_start3A_2503 : memref<80xf32, #tpu.memory_space<vmem>>) target(%dma_start3A_2501 : memref<80xf32, #tpu.memory_space<hbm>>) target_semaphore(%arg29 : memref<!tpu.dma_semaphore, #tpu.memory_space<semaphore_mem>>)
      %add3A_2504 = arith.constant 640000 : i32
      %add3A_2505 = arith.addi %add3A_2504, %mul3A_2 : i32
      %mul3A_2506 = arith.constant 80 : i32
      %mul3A_2507 = arith.muli %add3A_2074, %mul3A_2506 : i32
      %add3A_2508 = arith.addi %add3A_2505, %mul3A_2507 : i32
      %dma_start3A_2509 = arith.constant 1024 : i32
      %dma_start3A_2510 = tpu.memref_slice %arg16[%dma_start3A_2509] : memref<1152xf32, #tpu.memory_space<vmem>> -> memref<80xf32, #tpu.memory_space<vmem>>
      %dma_start3A_2511 = tpu.memref_slice %arg9[%add3A_2508] : memref<960000xf32, #tpu.memory_space<hbm>> -> memref<80xf32, #tpu.memory_space<hbm>>
      %dma_start3A_2512 = tpu.memref_slice %arg9[%add3A_2508] : memref<960000xf32, #tpu.memory_space<hbm>> -> memref<80xf32, #tpu.memory_space<hbm>>
      %dma_start3A_2513 = arith.constant 1024 : i32
      %dma_start3A_2514 = tpu.memref_slice %arg16[%dma_start3A_2513] : memref<1152xf32, #tpu.memory_space<vmem>> -> memref<80xf32, #tpu.memory_space<vmem>>
      tpu.enqueue_dma source(%dma_start3A_2514 : memref<80xf32, #tpu.memory_space<vmem>>) target(%dma_start3A_2512 : memref<80xf32, #tpu.memory_space<hbm>>) target_semaphore(%arg29 : memref<!tpu.dma_semaphore, #tpu.memory_space<semaphore_mem>>)
      %dma_wait3A_2515 = arith.constant 2 : i32
      %dma_wait3A_2516 = arith.constant 2 : i32
      %dma_wait3A_2517 = arith.constant 0 : i32
      %dma_wait3A_2518 = arith.constant 0 : i32
      %dma_wait3A_2519 = arith.constant 0 : i32
      %dma_wait3A_2520 = tpu.memref_slice %arg14[%dma_wait3A_2515, %dma_wait3A_2518, %dma_wait3A_2519] : memref<3x80x128xf32, #tpu.memory_space<vmem>> -> memref<1x80x128xf32, #tpu.memory_space<vmem>>
      %dma_wait3A_2521 = tpu.memref_squeeze %dma_wait3A_2520 : memref<1x80x128xf32, #tpu.memory_space<vmem>> -> memref<80x128xf32, #tpu.memory_space<vmem>>
      %dma_wait3A_2522 = arith.constant 0 : i32
      %dma_wait3A_2523 = tpu.memref_slice %arg12[%dma_wait3A_2516, %dma_wait3A_2517, %dma_wait3A_2522] : memref<3x1x80xi32, #tpu.memory_space<vmem>> -> memref<1x1x80xi32, #tpu.memory_space<vmem>>
      %dma_wait3A_2524 = tpu.memref_squeeze %dma_wait3A_2523 : memref<1x1x80xi32, #tpu.memory_space<vmem>> -> memref<80xi32, #tpu.memory_space<vmem>>
      %dma_wait3A_2525 = arith.constant 0 : i32
      %dma_wait3A_2526 = arith.constant 0 : i32
      %dma_wait3A_2527 = tpu.memref_slice %arg20[%dma_wait3A_2525, %dma_wait3A_2526] : memref<5120x128xf32, #tpu.memory_space<vmem_shared>> -> memref<5120x128xf32, #tpu.memory_space<vmem_shared>>
      tpu.wait_indirect_dma semaphore(%arg26 : memref<!tpu.dma_semaphore, #tpu.memory_space<semaphore_mem>>) src(%dma_wait3A_2521 : memref<80x128xf32, #tpu.memory_space<vmem>>) dst(%dma_wait3A_2527 : memref<5120x128xf32, #tpu.memory_space<vmem_shared>>)
      %add3A_2528 = arith.constant 3 : i32
      %add3A_2529 = arith.addi %add3A_2074, %add3A_2528 : i32
      %lt3A_2530 = arith.constant 125 : i32
      %lt3A_2531 = arith.cmpi slt, %add3A_2529, %lt3A_2530 : i32
      %convert_element_type3A_2532 = arith.extui %lt3A_2531 : i1 to i32
      %cond3A_2533 = arith.constant 0 : i32
      %cond3A_2534 = arith.cmpi ne, %convert_element_type3A_2532, %cond3A_2533 : i32
      scf.if %cond3A_2534 {
        %add3A_2536 = arith.constant 3 : i32
        %add3A_2537 = arith.addi %add3A_2074, %add3A_2536 : i32
        %mul3A_2538 = arith.constant 80 : i32
        %mul3A_2539 = arith.muli %add3A_2537, %mul3A_2538 : i32
        %dma_start3A_2540 = arith.constant 2 : i32
        %dma_start3A_2541 = arith.constant 0 : i32
        %dma_start3A_2542 = arith.constant 0 : i32
        %dma_start3A_2543 = tpu.memref_slice %arg14[%dma_start3A_2540, %dma_start3A_2541, %dma_start3A_2542] : memref<3x80x128xf32, #tpu.memory_space<vmem>> -> memref<1x80x128xf32, #tpu.memory_space<vmem>>
        %dma_start3A_2544 = tpu.memref_squeeze %dma_start3A_2543 : memref<1x80x128xf32, #tpu.memory_space<vmem>> -> memref<80x128xf32, #tpu.memory_space<vmem>>
        %dma_start3A_2545 = tpu.memref_slice %arg10[%mul3A_2539] : memref<10000xi32, #tpu.memory_space<vmem>> -> memref<80xi32, #tpu.memory_space<vmem>>
        %dma_start3A_2546 = arith.constant 0 : i32
        %dma_start3A_2547 = arith.constant 0 : i32
        %dma_start3A_2548 = tpu.memref_slice %arg2[%dma_start3A_2546, %dma_start3A_2547] : memref<10000x128xf32, #tpu.memory_space<hbm>> -> memref<10000x128xf32, #tpu.memory_space<hbm>>
        tpu.enqueue_indirect_dma source(%dma_start3A_2548 : memref<10000x128xf32, #tpu.memory_space<hbm>>) target(%dma_start3A_2544 : memref<80x128xf32, #tpu.memory_space<vmem>>) offsets(%dma_start3A_2545 : memref<80xi32, #tpu.memory_space<vmem>>) semaphore(%arg23 : memref<!tpu.dma_semaphore, #tpu.memory_space<semaphore_mem>>)
        %add3A_2549 = arith.constant 3 : i32
        %add3A_2550 = arith.addi %add3A_2074, %add3A_2549 : i32
        %add3A_2551 = arith.constant 0 : i32
        %add3A_2552 = arith.addi %add3A_2551, %mul3A_2 : i32
        %mul3A_2553 = arith.constant 80 : i32
        %mul3A_2554 = arith.muli %add3A_2550, %mul3A_2553 : i32
        %add3A_2555 = arith.addi %add3A_2552, %mul3A_2554 : i32
        %dma_start3A_2556 = arith.constant 768 : i32
        %dma_start3A_2557 = tpu.memref_slice %arg15[%dma_start3A_2556] : memref<1152xf32, #tpu.memory_space<vmem>> -> memref<80xf32, #tpu.memory_space<vmem>>
        %dma_start3A_2558 = tpu.memref_slice %arg5[%add3A_2555] : memref<960000xf32, #tpu.memory_space<hbm>> -> memref<80xf32, #tpu.memory_space<hbm>>
        %dma_start3A_2559 = arith.constant 768 : i32
        %dma_start3A_2560 = tpu.memref_slice %arg15[%dma_start3A_2559] : memref<1152xf32, #tpu.memory_space<vmem>> -> memref<80xf32, #tpu.memory_space<vmem>>
        %dma_start3A_2561 = tpu.memref_slice %arg5[%add3A_2555] : memref<960000xf32, #tpu.memory_space<hbm>> -> memref<80xf32, #tpu.memory_space<hbm>>
        tpu.enqueue_dma source(%dma_start3A_2561 : memref<80xf32, #tpu.memory_space<hbm>>) target(%dma_start3A_2560 : memref<80xf32, #tpu.memory_space<vmem>>) target_semaphore(%arg32 : memref<!tpu.dma_semaphore, #tpu.memory_space<semaphore_mem>>)
        %add3A_2562 = arith.constant 320000 : i32
        %add3A_2563 = arith.addi %add3A_2562, %mul3A_2 : i32
        %mul3A_2564 = arith.constant 80 : i32
        %mul3A_2565 = arith.muli %add3A_2550, %mul3A_2564 : i32
        %add3A_2566 = arith.addi %add3A_2563, %mul3A_2565 : i32
        %dma_start3A_2567 = arith.constant 896 : i32
        %dma_start3A_2568 = tpu.memref_slice %arg15[%dma_start3A_2567] : memref<1152xf32, #tpu.memory_space<vmem>> -> memref<80xf32, #tpu.memory_space<vmem>>
        %dma_start3A_2569 = tpu.memref_slice %arg5[%add3A_2566] : memref<960000xf32, #tpu.memory_space<hbm>> -> memref<80xf32, #tpu.memory_space<hbm>>
        %dma_start3A_2570 = arith.constant 896 : i32
        %dma_start3A_2571 = tpu.memref_slice %arg15[%dma_start3A_2570] : memref<1152xf32, #tpu.memory_space<vmem>> -> memref<80xf32, #tpu.memory_space<vmem>>
        %dma_start3A_2572 = tpu.memref_slice %arg5[%add3A_2566] : memref<960000xf32, #tpu.memory_space<hbm>> -> memref<80xf32, #tpu.memory_space<hbm>>
        tpu.enqueue_dma source(%dma_start3A_2572 : memref<80xf32, #tpu.memory_space<hbm>>) target(%dma_start3A_2571 : memref<80xf32, #tpu.memory_space<vmem>>) target_semaphore(%arg32 : memref<!tpu.dma_semaphore, #tpu.memory_space<semaphore_mem>>)
        %add3A_2573 = arith.constant 640000 : i32
        %add3A_2574 = arith.addi %add3A_2573, %mul3A_2 : i32
        %mul3A_2575 = arith.constant 80 : i32
        %mul3A_2576 = arith.muli %add3A_2550, %mul3A_2575 : i32
        %add3A_2577 = arith.addi %add3A_2574, %mul3A_2576 : i32
        %dma_start3A_2578 = arith.constant 1024 : i32
        %dma_start3A_2579 = tpu.memref_slice %arg15[%dma_start3A_2578] : memref<1152xf32, #tpu.memory_space<vmem>> -> memref<80xf32, #tpu.memory_space<vmem>>
        %dma_start3A_2580 = tpu.memref_slice %arg5[%add3A_2577] : memref<960000xf32, #tpu.memory_space<hbm>> -> memref<80xf32, #tpu.memory_space<hbm>>
        %dma_start3A_2581 = arith.constant 1024 : i32
        %dma_start3A_2582 = tpu.memref_slice %arg15[%dma_start3A_2581] : memref<1152xf32, #tpu.memory_space<vmem>> -> memref<80xf32, #tpu.memory_space<vmem>>
        %dma_start3A_2583 = tpu.memref_slice %arg5[%add3A_2577] : memref<960000xf32, #tpu.memory_space<hbm>> -> memref<80xf32, #tpu.memory_space<hbm>>
        tpu.enqueue_dma source(%dma_start3A_2583 : memref<80xf32, #tpu.memory_space<hbm>>) target(%dma_start3A_2582 : memref<80xf32, #tpu.memory_space<vmem>>) target_semaphore(%arg32 : memref<!tpu.dma_semaphore, #tpu.memory_space<semaphore_mem>>)
      } else {
      }
      %scan3A_2535 = arith.constant 0 : i32
      scf.yield %scan3A_2535 : i32
    }
    %scan3A_161 = arith.constant 41 : i32
    %dma_wait3A = arith.constant 0 : i32
    %dma_wait3A_162 = arith.constant 0 : i32
    %dma_wait3A_163 = arith.constant 0 : i32
    %dma_wait3A_164 = tpu.memref_slice %arg14[%dma_wait3A, %dma_wait3A_162, %dma_wait3A_163] : memref<3x80x128xf32, #tpu.memory_space<vmem>> -> memref<1x80x128xf32, #tpu.memory_space<vmem>>
    %dma_wait3A_165 = tpu.memref_squeeze %dma_wait3A_164 : memref<1x80x128xf32, #tpu.memory_space<vmem>> -> memref<80x128xf32, #tpu.memory_space<vmem>>
    %dma_wait3A_166 = arith.constant 9840 : i32
    %dma_wait3A_167 = tpu.memref_slice %arg10[%dma_wait3A_166] : memref<10000xi32, #tpu.memory_space<vmem>> -> memref<80xi32, #tpu.memory_space<vmem>>
    %dma_wait3A_168 = arith.constant 0 : i32
    %dma_wait3A_169 = arith.constant 0 : i32
    %dma_wait3A_170 = tpu.memref_slice %arg2[%dma_wait3A_168, %dma_wait3A_169] : memref<10000x128xf32, #tpu.memory_space<hbm>> -> memref<10000x128xf32, #tpu.memory_space<hbm>>
    tpu.wait_indirect_dma semaphore(%arg21 : memref<!tpu.dma_semaphore, #tpu.memory_space<semaphore_mem>>) src(%dma_wait3A_170 : memref<10000x128xf32, #tpu.memory_space<hbm>>) dst(%dma_wait3A_165 : memref<80x128xf32, #tpu.memory_space<vmem>>)
    %add3A_171 = arith.constant 0 : i32
    %add3A_172 = arith.addi %add3A_171, %mul3A_2 : i32
    %add3A_173 = arith.constant 9840 : i32
    %add3A_174 = arith.addi %add3A_172, %add3A_173 : i32
    %dma_wait3A_175 = arith.constant 0 : i32
    %dma_wait3A_176 = tpu.memref_slice %arg15[%dma_wait3A_175] : memref<1152xf32, #tpu.memory_space<vmem>> -> memref<80xf32, #tpu.memory_space<vmem>>
    %dma_wait3A_177 = tpu.memref_slice %arg5[%add3A_174] : memref<960000xf32, #tpu.memory_space<hbm>> -> memref<80xf32, #tpu.memory_space<hbm>>
    %dma_wait3A_178 = arith.constant 0 : i32
    %dma_wait3A_179 = tpu.memref_slice %arg15[%dma_wait3A_178] : memref<1152xf32, #tpu.memory_space<vmem>> -> memref<80xf32, #tpu.memory_space<vmem>>
    %dma_wait3A_180 = tpu.memref_slice %arg5[%add3A_174] : memref<960000xf32, #tpu.memory_space<hbm>> -> memref<80xf32, #tpu.memory_space<hbm>>
    tpu.wait_dma2 semaphore(%arg30 : memref<!tpu.dma_semaphore, #tpu.memory_space<semaphore_mem>>) src(%dma_wait3A_180 : memref<80xf32, #tpu.memory_space<hbm>>) dst(%dma_wait3A_179 : memref<80xf32, #tpu.memory_space<vmem>>)
    %add3A_181 = arith.constant 320000 : i32
    %add3A_182 = arith.addi %add3A_181, %mul3A_2 : i32
    %add3A_183 = arith.constant 9840 : i32
    %add3A_184 = arith.addi %add3A_182, %add3A_183 : i32
    %dma_wait3A_185 = arith.constant 128 : i32
    %dma_wait3A_186 = tpu.memref_slice %arg15[%dma_wait3A_185] : memref<1152xf32, #tpu.memory_space<vmem>> -> memref<80xf32, #tpu.memory_space<vmem>>
    %dma_wait3A_187 = tpu.memref_slice %arg5[%add3A_184] : memref<960000xf32, #tpu.memory_space<hbm>> -> memref<80xf32, #tpu.memory_space<hbm>>
    %dma_wait3A_188 = arith.constant 128 : i32
    %dma_wait3A_189 = tpu.memref_slice %arg15[%dma_wait3A_188] : memref<1152xf32, #tpu.memory_space<vmem>> -> memref<80xf32, #tpu.memory_space<vmem>>
    %dma_wait3A_190 = tpu.memref_slice %arg5[%add3A_184] : memref<960000xf32, #tpu.memory_space<hbm>> -> memref<80xf32, #tpu.memory_space<hbm>>
    tpu.wait_dma2 semaphore(%arg30 : memref<!tpu.dma_semaphore, #tpu.memory_space<semaphore_mem>>) src(%dma_wait3A_190 : memref<80xf32, #tpu.memory_space<hbm>>) dst(%dma_wait3A_189 : memref<80xf32, #tpu.memory_space<vmem>>)
    %add3A_191 = arith.constant 640000 : i32
    %add3A_192 = arith.addi %add3A_191, %mul3A_2 : i32
    %add3A_193 = arith.constant 9840 : i32
    %add3A_194 = arith.addi %add3A_192, %add3A_193 : i32
    %dma_wait3A_195 = arith.constant 256 : i32
    %dma_wait3A_196 = tpu.memref_slice %arg15[%dma_wait3A_195] : memref<1152xf32, #tpu.memory_space<vmem>> -> memref<80xf32, #tpu.memory_space<vmem>>
    %dma_wait3A_197 = tpu.memref_slice %arg5[%add3A_194] : memref<960000xf32, #tpu.memory_space<hbm>> -> memref<80xf32, #tpu.memory_space<hbm>>
    %dma_wait3A_198 = arith.constant 256 : i32
    %dma_wait3A_199 = tpu.memref_slice %arg15[%dma_wait3A_198] : memref<1152xf32, #tpu.memory_space<vmem>> -> memref<80xf32, #tpu.memory_space<vmem>>
    %dma_wait3A_200 = tpu.memref_slice %arg5[%add3A_194] : memref<960000xf32, #tpu.memory_space<hbm>> -> memref<80xf32, #tpu.memory_space<hbm>>
    tpu.wait_dma2 semaphore(%arg30 : memref<!tpu.dma_semaphore, #tpu.memory_space<semaphore_mem>>) src(%dma_wait3A_200 : memref<80xf32, #tpu.memory_space<hbm>>) dst(%dma_wait3A_199 : memref<80xf32, #tpu.memory_space<vmem>>)
    %get3A = arith.constant 9840 : index
    %get3A_201 = tpu.vector_load %arg11[%get3A] {strides = array<i32>} : memref<10000xi32, #tpu.memory_space<vmem>>, vector<16xi32>,
    %shift_right_logical3A = arith.constant 1 : i32
    %shift_right_logical3A_202 = vector.broadcast %shift_right_logical3A : i32 to vector<16xi32>
    %shift_right_logical3A_203 = arith.shrui %get3A_201, %shift_right_logical3A_202 : vector<16xi32>
    %swap3A = arith.constant 0 : i32
    %swap3A_204 = arith.constant 0 : i32
    %swap3A_205 = arith.index_cast %swap3A : i32 to index
    %swap3A_206 = arith.index_cast %swap3A_204 : i32 to index
    %swap3A_207 = arith.constant 0 : index
    %swap3A_208 = tpu.vector_load %arg12[%swap3A_205, %swap3A_206, %swap3A_207] {strides = array<i32>} : memref<3x1x80xi32, #tpu.memory_space<vmem>>, vector<16xi32>,
    tpu.vector_store %arg12[%swap3A_205, %swap3A_206, %swap3A_207], %shift_right_logical3A_203 {strides = array<i32>} : memref<3x1x80xi32, #tpu.memory_space<vmem>>, vector<16xi32>,
    %get3A_209 = arith.constant 9856 : index
    %get3A_210 = tpu.vector_load %arg11[%get3A_209] {strides = array<i32>} : memref<10000xi32, #tpu.memory_space<vmem>>, vector<16xi32>,
    %shift_right_logical3A_211 = arith.constant 1 : i32
    %shift_right_logical3A_212 = vector.broadcast %shift_right_logical3A_211 : i32 to vector<16xi32>
    %shift_right_logical3A_213 = arith.shrui %get3A_210, %shift_right_logical3A_212 : vector<16xi32>
    %swap3A_214 = arith.constant 0 : i32
    %swap3A_215 = arith.constant 0 : i32
    %swap3A_216 = arith.index_cast %swap3A_214 : i32 to index
    %swap3A_217 = arith.index_cast %swap3A_215 : i32 to index
    %swap3A_218 = arith.constant 16 : index
    %swap3A_219 = tpu.vector_load %arg12[%swap3A_216, %swap3A_217, %swap3A_218] {strides = array<i32>} : memref<3x1x80xi32, #tpu.memory_space<vmem>>, vector<16xi32>,
    tpu.vector_store %arg12[%swap3A_216, %swap3A_217, %swap3A_218], %shift_right_logical3A_213 {strides = array<i32>} : memref<3x1x80xi32, #tpu.memory_space<vmem>>, vector<16xi32>,
    %get3A_220 = arith.constant 9872 : index
    %get3A_221 = tpu.vector_load %arg11[%get3A_220] {strides = array<i32>} : memref<10000xi32, #tpu.memory_space<vmem>>, vector<16xi32>,
    %shift_right_logical3A_222 = arith.constant 1 : i32
    %shift_right_logical3A_223 = vector.broadcast %shift_right_logical3A_222 : i32 to vector<16xi32>
    %shift_right_logical3A_224 = arith.shrui %get3A_221, %shift_right_logical3A_223 : vector<16xi32>
    %swap3A_225 = arith.constant 0 : i32
    %swap3A_226 = arith.constant 0 : i32
    %swap3A_227 = arith.index_cast %swap3A_225 : i32 to index
    %swap3A_228 = arith.index_cast %swap3A_226 : i32 to index
    %swap3A_229 = arith.constant 32 : index
    %swap3A_230 = tpu.vector_load %arg12[%swap3A_227, %swap3A_228, %swap3A_229] {strides = array<i32>} : memref<3x1x80xi32, #tpu.memory_space<vmem>>, vector<16xi32>,
    tpu.vector_store %arg12[%swap3A_227, %swap3A_228, %swap3A_229], %shift_right_logical3A_224 {strides = array<i32>} : memref<3x1x80xi32, #tpu.memory_space<vmem>>, vector<16xi32>,
    %get3A_231 = arith.constant 9888 : index
    %get3A_232 = tpu.vector_load %arg11[%get3A_231] {strides = array<i32>} : memref<10000xi32, #tpu.memory_space<vmem>>, vector<16xi32>,
    %shift_right_logical3A_233 = arith.constant 1 : i32
    %shift_right_logical3A_234 = vector.broadcast %shift_right_logical3A_233 : i32 to vector<16xi32>
    %shift_right_logical3A_235 = arith.shrui %get3A_232, %shift_right_logical3A_234 : vector<16xi32>
    %swap3A_236 = arith.constant 0 : i32
    %swap3A_237 = arith.constant 0 : i32
    %swap3A_238 = arith.index_cast %swap3A_236 : i32 to index
    %swap3A_239 = arith.index_cast %swap3A_237 : i32 to index
    %swap3A_240 = arith.constant 48 : index
    %swap3A_241 = tpu.vector_load %arg12[%swap3A_238, %swap3A_239, %swap3A_240] {strides = array<i32>} : memref<3x1x80xi32, #tpu.memory_space<vmem>>, vector<16xi32>,
    tpu.vector_store %arg12[%swap3A_238, %swap3A_239, %swap3A_240], %shift_right_logical3A_235 {strides = array<i32>} : memref<3x1x80xi32, #tpu.memory_space<vmem>>, vector<16xi32>,
    %get3A_242 = arith.constant 9904 : index
    %get3A_243 = tpu.vector_load %arg11[%get3A_242] {strides = array<i32>} : memref<10000xi32, #tpu.memory_space<vmem>>, vector<16xi32>,
    %shift_right_logical3A_244 = arith.constant 1 : i32
    %shift_right_logical3A_245 = vector.broadcast %shift_right_logical3A_244 : i32 to vector<16xi32>
    %shift_right_logical3A_246 = arith.shrui %get3A_243, %shift_right_logical3A_245 : vector<16xi32>
    %swap3A_247 = arith.constant 0 : i32
    %swap3A_248 = arith.constant 0 : i32
    %swap3A_249 = arith.index_cast %swap3A_247 : i32 to index
    %swap3A_250 = arith.index_cast %swap3A_248 : i32 to index
    %swap3A_251 = arith.constant 64 : index
    %swap3A_252 = tpu.vector_load %arg12[%swap3A_249, %swap3A_250, %swap3A_251] {strides = array<i32>} : memref<3x1x80xi32, #tpu.memory_space<vmem>>, vector<16xi32>,
    tpu.vector_store %arg12[%swap3A_249, %swap3A_250, %swap3A_251], %shift_right_logical3A_246 {strides = array<i32>} : memref<3x1x80xi32, #tpu.memory_space<vmem>>, vector<16xi32>,
    %dma_start3A_253 = arith.constant 0 : i32
    %dma_start3A_254 = arith.constant 0 : i32
    %dma_start3A_255 = arith.constant 0 : i32
    %dma_start3A_256 = arith.constant 0 : i32
    %dma_start3A_257 = arith.constant 0 : i32
    %dma_start3A_258 = tpu.memref_slice %arg14[%dma_start3A_253, %dma_start3A_256, %dma_start3A_257] : memref<3x80x128xf32, #tpu.memory_space<vmem>> -> memref<1x80x128xf32, #tpu.memory_space<vmem>>
    %dma_start3A_259 = tpu.memref_squeeze %dma_start3A_258 : memref<1x80x128xf32, #tpu.memory_space<vmem>> -> memref<80x128xf32, #tpu.memory_space<vmem>>
    %dma_start3A_260 = arith.constant 0 : i32
    %dma_start3A_261 = tpu.memref_slice %arg12[%dma_start3A_254, %dma_start3A_255, %dma_start3A_260] : memref<3x1x80xi32, #tpu.memory_space<vmem>> -> memref<1x1x80xi32, #tpu.memory_space<vmem>>
    %dma_start3A_262 = tpu.memref_squeeze %dma_start3A_261 : memref<1x1x80xi32, #tpu.memory_space<vmem>> -> memref<80xi32, #tpu.memory_space<vmem>>
    %dma_start3A_263 = arith.constant 0 : i32
    %dma_start3A_264 = arith.constant 0 : i32
    %dma_start3A_265 = tpu.memref_slice %arg20[%dma_start3A_263, %dma_start3A_264] : memref<5120x128xf32, #tpu.memory_space<vmem_shared>> -> memref<5120x128xf32, #tpu.memory_space<vmem_shared>>
    tpu.enqueue_indirect_dma source(%dma_start3A_259 : memref<80x128xf32, #tpu.memory_space<vmem>>) target(%dma_start3A_265 : memref<5120x128xf32, #tpu.memory_space<vmem_shared>>) offsets(%dma_start3A_262 : memref<80xi32, #tpu.memory_space<vmem>>) semaphore(%arg24 : memref<!tpu.dma_semaphore, #tpu.memory_space<semaphore_mem>>) {add = true}
    %add3A_266 = arith.constant 0 : i32
    %add3A_267 = arith.addi %add3A_266, %mul3A_2 : i32
    %add3A_268 = arith.constant 9840 : i32
    %add3A_269 = arith.addi %add3A_267, %add3A_268 : i32
    %dma_wait3A_270 = arith.constant 0 : i32
    %dma_wait3A_271 = tpu.memref_slice %arg16[%dma_wait3A_270] : memref<1152xf32, #tpu.memory_space<vmem>> -> memref<80xf32, #tpu.memory_space<vmem>>
    %dma_wait3A_272 = tpu.memref_slice %arg9[%add3A_269] : memref<960000xf32, #tpu.memory_space<hbm>> -> memref<80xf32, #tpu.memory_space<hbm>>
    %dma_wait3A_273 = tpu.memref_slice %arg9[%add3A_269] : memref<960000xf32, #tpu.memory_space<hbm>> -> memref<80xf32, #tpu.memory_space<hbm>>
    %dma_wait3A_274 = arith.constant 0 : i32
    %dma_wait3A_275 = tpu.memref_slice %arg16[%dma_wait3A_274] : memref<1152xf32, #tpu.memory_space<vmem>> -> memref<80xf32, #tpu.memory_space<vmem>>
    tpu.wait_dma2 semaphore(%arg27 : memref<!tpu.dma_semaphore, #tpu.memory_space<semaphore_mem>>) src(%dma_wait3A_275 : memref<80xf32, #tpu.memory_space<vmem>>) dst(%dma_wait3A_273 : memref<80xf32, #tpu.memory_space<hbm>>)
    %add3A_276 = arith.constant 320000 : i32
    %add3A_277 = arith.addi %add3A_276, %mul3A_2 : i32
    %add3A_278 = arith.constant 9840 : i32
    %add3A_279 = arith.addi %add3A_277, %add3A_278 : i32
    %dma_wait3A_280 = arith.constant 128 : i32
    %dma_wait3A_281 = tpu.memref_slice %arg16[%dma_wait3A_280] : memref<1152xf32, #tpu.memory_space<vmem>> -> memref<80xf32, #tpu.memory_space<vmem>>
    %dma_wait3A_282 = tpu.memref_slice %arg9[%add3A_279] : memref<960000xf32, #tpu.memory_space<hbm>> -> memref<80xf32, #tpu.memory_space<hbm>>
    %dma_wait3A_283 = tpu.memref_slice %arg9[%add3A_279] : memref<960000xf32, #tpu.memory_space<hbm>> -> memref<80xf32, #tpu.memory_space<hbm>>
    %dma_wait3A_284 = arith.constant 128 : i32
    %dma_wait3A_285 = tpu.memref_slice %arg16[%dma_wait3A_284] : memref<1152xf32, #tpu.memory_space<vmem>> -> memref<80xf32, #tpu.memory_space<vmem>>
    tpu.wait_dma2 semaphore(%arg27 : memref<!tpu.dma_semaphore, #tpu.memory_space<semaphore_mem>>) src(%dma_wait3A_285 : memref<80xf32, #tpu.memory_space<vmem>>) dst(%dma_wait3A_283 : memref<80xf32, #tpu.memory_space<hbm>>)
    %add3A_286 = arith.constant 640000 : i32
    %add3A_287 = arith.addi %add3A_286, %mul3A_2 : i32
    %add3A_288 = arith.constant 9840 : i32
    %add3A_289 = arith.addi %add3A_287, %add3A_288 : i32
    %dma_wait3A_290 = arith.constant 256 : i32
    %dma_wait3A_291 = tpu.memref_slice %arg16[%dma_wait3A_290] : memref<1152xf32, #tpu.memory_space<vmem>> -> memref<80xf32, #tpu.memory_space<vmem>>
    %dma_wait3A_292 = tpu.memref_slice %arg9[%add3A_289] : memref<960000xf32, #tpu.memory_space<hbm>> -> memref<80xf32, #tpu.memory_space<hbm>>
    %dma_wait3A_293 = tpu.memref_slice %arg9[%add3A_289] : memref<960000xf32, #tpu.memory_space<hbm>> -> memref<80xf32, #tpu.memory_space<hbm>>
    %dma_wait3A_294 = arith.constant 256 : i32
    %dma_wait3A_295 = tpu.memref_slice %arg16[%dma_wait3A_294] : memref<1152xf32, #tpu.memory_space<vmem>> -> memref<80xf32, #tpu.memory_space<vmem>>
    tpu.wait_dma2 semaphore(%arg27 : memref<!tpu.dma_semaphore, #tpu.memory_space<semaphore_mem>>) src(%dma_wait3A_295 : memref<80xf32, #tpu.memory_space<vmem>>) dst(%dma_wait3A_293 : memref<80xf32, #tpu.memory_space<hbm>>)
    %get3A_296 = arith.constant 9840 : index
    %get3A_297 = tpu.vector_load %arg10[%get3A_296] {strides = array<i32>} : memref<10000xi32, #tpu.memory_space<vmem>>, vector<16xi32>,
    %shift_right_logical3A_298 = arith.constant 1 : i32
    %shift_right_logical3A_299 = vector.broadcast %shift_right_logical3A_298 : i32 to vector<16xi32>
    %shift_right_logical3A_300 = arith.shrui %get3A_297, %shift_right_logical3A_299 : vector<16xi32>
    %mul3A_301 = arith.constant 3 : i32
    %mul3A_302 = vector.broadcast %mul3A_301 : i32 to vector<16xi32>
    %mul3A_303 = arith.muli %shift_right_logical3A_300, %mul3A_302 : vector<16xi32>
    %mul3A_304 = arith.constant 3 : i32
    %mul3A_305 = vector.broadcast %mul3A_304 : i32 to vector<16xi32>
    %mul3A_306 = arith.muli %shift_right_logical3A_203, %mul3A_305 : vector<16xi32>
    %get3A_307 = arith.constant 0 : index
    %get3A_308 = tpu.vector_load %arg15[%get3A_307] {strides = array<i32>} : memref<1152xf32, #tpu.memory_space<vmem>>, vector<16xf32>,
    tpu.vector_store_idx %arg17[%shift_right_logical3A_203], %get3A_308 {add = true} : memref<5120xf32, #tpu.memory_space<vmem>>[vector<16xi32>], vector<16xf32>,
    %add3A_309 = arith.constant 0 : i32
    %add3A_310 = vector.broadcast %add3A_309 : i32 to vector<16xi32>
    %add3A_311 = arith.addi %mul3A_306, %add3A_310 : vector<16xi32>
    %gather3A = tpu.vector_load_idx %arg13[%add3A_311] : memref<15104xf32, #tpu.memory_space<vmem>>[vector<16xi32>], vector<16xf32>,
    %add3A_312 = arith.constant 0 : i32
    %add3A_313 = vector.broadcast %add3A_312 : i32 to vector<16xi32>
    %add3A_314 = arith.addi %mul3A_303, %add3A_313 : vector<16xi32>
    %gather3A_315 = tpu.vector_load_idx %arg13[%add3A_314] : memref<15104xf32, #tpu.memory_space<vmem>>[vector<16xi32>], vector<16xf32>,
    %sub3A = arith.subf %gather3A, %gather3A_315 : vector<16xf32>
    %swap3A_316 = arith.constant 0 : index
    %swap3A_317 = tpu.vector_load %arg16[%swap3A_316] {strides = array<i32>} : memref<1152xf32, #tpu.memory_space<vmem>>, vector<16xf32>,
    tpu.vector_store %arg16[%swap3A_316], %sub3A {strides = array<i32>} : memref<1152xf32, #tpu.memory_space<vmem>>, vector<16xf32>,
    %get3A_318 = arith.constant 128 : index
    %get3A_319 = tpu.vector_load %arg15[%get3A_318] {strides = array<i32>} : memref<1152xf32, #tpu.memory_space<vmem>>, vector<16xf32>,
    tpu.vector_store_idx %arg18[%shift_right_logical3A_203], %get3A_319 {add = true} : memref<5120xf32, #tpu.memory_space<vmem>>[vector<16xi32>], vector<16xf32>,
    %add3A_320 = arith.constant 1 : i32
    %add3A_321 = vector.broadcast %add3A_320 : i32 to vector<16xi32>
    %add3A_322 = arith.addi %mul3A_306, %add3A_321 : vector<16xi32>
    %gather3A_323 = tpu.vector_load_idx %arg13[%add3A_322] : memref<15104xf32, #tpu.memory_space<vmem>>[vector<16xi32>], vector<16xf32>,
    %add3A_324 = arith.constant 1 : i32
    %add3A_325 = vector.broadcast %add3A_324 : i32 to vector<16xi32>
    %add3A_326 = arith.addi %mul3A_303, %add3A_325 : vector<16xi32>
    %gather3A_327 = tpu.vector_load_idx %arg13[%add3A_326] : memref<15104xf32, #tpu.memory_space<vmem>>[vector<16xi32>], vector<16xf32>,
    %sub3A_328 = arith.subf %gather3A_323, %gather3A_327 : vector<16xf32>
    %swap3A_329 = arith.constant 128 : index
    %swap3A_330 = tpu.vector_load %arg16[%swap3A_329] {strides = array<i32>} : memref<1152xf32, #tpu.memory_space<vmem>>, vector<16xf32>,
    tpu.vector_store %arg16[%swap3A_329], %sub3A_328 {strides = array<i32>} : memref<1152xf32, #tpu.memory_space<vmem>>, vector<16xf32>,
    %get3A_331 = arith.constant 256 : index
    %get3A_332 = tpu.vector_load %arg15[%get3A_331] {strides = array<i32>} : memref<1152xf32, #tpu.memory_space<vmem>>, vector<16xf32>,
    tpu.vector_store_idx %arg19[%shift_right_logical3A_203], %get3A_332 {add = true} : memref<5120xf32, #tpu.memory_space<vmem>>[vector<16xi32>], vector<16xf32>,
    %add3A_333 = arith.constant 2 : i32
    %add3A_334 = vector.broadcast %add3A_333 : i32 to vector<16xi32>
    %add3A_335 = arith.addi %mul3A_306, %add3A_334 : vector<16xi32>
    %gather3A_336 = tpu.vector_load_idx %arg13[%add3A_335] : memref<15104xf32, #tpu.memory_space<vmem>>[vector<16xi32>], vector<16xf32>,
    %add3A_337 = arith.constant 2 : i32
    %add3A_338 = vector.broadcast %add3A_337 : i32 to vector<16xi32>
    %add3A_339 = arith.addi %mul3A_303, %add3A_338 : vector<16xi32>
    %gather3A_340 = tpu.vector_load_idx %arg13[%add3A_339] : memref<15104xf32, #tpu.memory_space<vmem>>[vector<16xi32>], vector<16xf32>,
    %sub3A_341 = arith.subf %gather3A_336, %gather3A_340 : vector<16xf32>
    %swap3A_342 = arith.constant 256 : index
    %swap3A_343 = tpu.vector_load %arg16[%swap3A_342] {strides = array<i32>} : memref<1152xf32, #tpu.memory_space<vmem>>, vector<16xf32>,
    tpu.vector_store %arg16[%swap3A_342], %sub3A_341 {strides = array<i32>} : memref<1152xf32, #tpu.memory_space<vmem>>, vector<16xf32>,
    %get3A_344 = arith.constant 9856 : index
    %get3A_345 = tpu.vector_load %arg10[%get3A_344] {strides = array<i32>} : memref<10000xi32, #tpu.memory_space<vmem>>, vector<16xi32>,
    %shift_right_logical3A_346 = arith.constant 1 : i32
    %shift_right_logical3A_347 = vector.broadcast %shift_right_logical3A_346 : i32 to vector<16xi32>
    %shift_right_logical3A_348 = arith.shrui %get3A_345, %shift_right_logical3A_347 : vector<16xi32>
    %mul3A_349 = arith.constant 3 : i32
    %mul3A_350 = vector.broadcast %mul3A_349 : i32 to vector<16xi32>
    %mul3A_351 = arith.muli %shift_right_logical3A_348, %mul3A_350 : vector<16xi32>
    %mul3A_352 = arith.constant 3 : i32
    %mul3A_353 = vector.broadcast %mul3A_352 : i32 to vector<16xi32>
    %mul3A_354 = arith.muli %shift_right_logical3A_213, %mul3A_353 : vector<16xi32>
    %get3A_355 = arith.constant 16 : index
    %get3A_356 = tpu.vector_load %arg15[%get3A_355] {strides = array<i32>} : memref<1152xf32, #tpu.memory_space<vmem>>, vector<16xf32>,
    tpu.vector_store_idx %arg17[%shift_right_logical3A_213], %get3A_356 {add = true} : memref<5120xf32, #tpu.memory_space<vmem>>[vector<16xi32>], vector<16xf32>,
    %add3A_357 = arith.constant 0 : i32
    %add3A_358 = vector.broadcast %add3A_357 : i32 to vector<16xi32>
    %add3A_359 = arith.addi %mul3A_354, %add3A_358 : vector<16xi32>
    %gather3A_360 = tpu.vector_load_idx %arg13[%add3A_359] : memref<15104xf32, #tpu.memory_space<vmem>>[vector<16xi32>], vector<16xf32>,
    %add3A_361 = arith.constant 0 : i32
    %add3A_362 = vector.broadcast %add3A_361 : i32 to vector<16xi32>
    %add3A_363 = arith.addi %mul3A_351, %add3A_362 : vector<16xi32>
    %gather3A_364 = tpu.vector_load_idx %arg13[%add3A_363] : memref<15104xf32, #tpu.memory_space<vmem>>[vector<16xi32>], vector<16xf32>,
    %sub3A_365 = arith.subf %gather3A_360, %gather3A_364 : vector<16xf32>
    %swap3A_366 = arith.constant 16 : index
    %swap3A_367 = tpu.vector_load %arg16[%swap3A_366] {strides = array<i32>} : memref<1152xf32, #tpu.memory_space<vmem>>, vector<16xf32>,
    tpu.vector_store %arg16[%swap3A_366], %sub3A_365 {strides = array<i32>} : memref<1152xf32, #tpu.memory_space<vmem>>, vector<16xf32>,
    %get3A_368 = arith.constant 144 : index
    %get3A_369 = tpu.vector_load %arg15[%get3A_368] {strides = array<i32>} : memref<1152xf32, #tpu.memory_space<vmem>>, vector<16xf32>,
    tpu.vector_store_idx %arg18[%shift_right_logical3A_213], %get3A_369 {add = true} : memref<5120xf32, #tpu.memory_space<vmem>>[vector<16xi32>], vector<16xf32>,
    %add3A_370 = arith.constant 1 : i32
    %add3A_371 = vector.broadcast %add3A_370 : i32 to vector<16xi32>
    %add3A_372 = arith.addi %mul3A_354, %add3A_371 : vector<16xi32>
    %gather3A_373 = tpu.vector_load_idx %arg13[%add3A_372] : memref<15104xf32, #tpu.memory_space<vmem>>[vector<16xi32>], vector<16xf32>,
    %add3A_374 = arith.constant 1 : i32
    %add3A_375 = vector.broadcast %add3A_374 : i32 to vector<16xi32>
    %add3A_376 = arith.addi %mul3A_351, %add3A_375 : vector<16xi32>
    %gather3A_377 = tpu.vector_load_idx %arg13[%add3A_376] : memref<15104xf32, #tpu.memory_space<vmem>>[vector<16xi32>], vector<16xf32>,
    %sub3A_378 = arith.subf %gather3A_373, %gather3A_377 : vector<16xf32>
    %swap3A_379 = arith.constant 144 : index
    %swap3A_380 = tpu.vector_load %arg16[%swap3A_379] {strides = array<i32>} : memref<1152xf32, #tpu.memory_space<vmem>>, vector<16xf32>,
    tpu.vector_store %arg16[%swap3A_379], %sub3A_378 {strides = array<i32>} : memref<1152xf32, #tpu.memory_space<vmem>>, vector<16xf32>,
    %get3A_381 = arith.constant 272 : index
    %get3A_382 = tpu.vector_load %arg15[%get3A_381] {strides = array<i32>} : memref<1152xf32, #tpu.memory_space<vmem>>, vector<16xf32>,
    tpu.vector_store_idx %arg19[%shift_right_logical3A_213], %get3A_382 {add = true} : memref<5120xf32, #tpu.memory_space<vmem>>[vector<16xi32>], vector<16xf32>,
    %add3A_383 = arith.constant 2 : i32
    %add3A_384 = vector.broadcast %add3A_383 : i32 to vector<16xi32>
    %add3A_385 = arith.addi %mul3A_354, %add3A_384 : vector<16xi32>
    %gather3A_386 = tpu.vector_load_idx %arg13[%add3A_385] : memref<15104xf32, #tpu.memory_space<vmem>>[vector<16xi32>], vector<16xf32>,
    %add3A_387 = arith.constant 2 : i32
    %add3A_388 = vector.broadcast %add3A_387 : i32 to vector<16xi32>
    %add3A_389 = arith.addi %mul3A_351, %add3A_388 : vector<16xi32>
    %gather3A_390 = tpu.vector_load_idx %arg13[%add3A_389] : memref<15104xf32, #tpu.memory_space<vmem>>[vector<16xi32>], vector<16xf32>,
    %sub3A_391 = arith.subf %gather3A_386, %gather3A_390 : vector<16xf32>
    %swap3A_392 = arith.constant 272 : index
    %swap3A_393 = tpu.vector_load %arg16[%swap3A_392] {strides = array<i32>} : memref<1152xf32, #tpu.memory_space<vmem>>, vector<16xf32>,
    tpu.vector_store %arg16[%swap3A_392], %sub3A_391 {strides = array<i32>} : memref<1152xf32, #tpu.memory_space<vmem>>, vector<16xf32>,
    %get3A_394 = arith.constant 9872 : index
    %get3A_395 = tpu.vector_load %arg10[%get3A_394] {strides = array<i32>} : memref<10000xi32, #tpu.memory_space<vmem>>, vector<16xi32>,
    %shift_right_logical3A_396 = arith.constant 1 : i32
    %shift_right_logical3A_397 = vector.broadcast %shift_right_logical3A_396 : i32 to vector<16xi32>
    %shift_right_logical3A_398 = arith.shrui %get3A_395, %shift_right_logical3A_397 : vector<16xi32>
    %mul3A_399 = arith.constant 3 : i32
    %mul3A_400 = vector.broadcast %mul3A_399 : i32 to vector<16xi32>
    %mul3A_401 = arith.muli %shift_right_logical3A_398, %mul3A_400 : vector<16xi32>
    %mul3A_402 = arith.constant 3 : i32
    %mul3A_403 = vector.broadcast %mul3A_402 : i32 to vector<16xi32>
    %mul3A_404 = arith.muli %shift_right_logical3A_224, %mul3A_403 : vector<16xi32>
    %get3A_405 = arith.constant 32 : index
    %get3A_406 = tpu.vector_load %arg15[%get3A_405] {strides = array<i32>} : memref<1152xf32, #tpu.memory_space<vmem>>, vector<16xf32>,
    tpu.vector_store_idx %arg17[%shift_right_logical3A_224], %get3A_406 {add = true} : memref<5120xf32, #tpu.memory_space<vmem>>[vector<16xi32>], vector<16xf32>,
    %add3A_407 = arith.constant 0 : i32
    %add3A_408 = vector.broadcast %add3A_407 : i32 to vector<16xi32>
    %add3A_409 = arith.addi %mul3A_404, %add3A_408 : vector<16xi32>
    %gather3A_410 = tpu.vector_load_idx %arg13[%add3A_409] : memref<15104xf32, #tpu.memory_space<vmem>>[vector<16xi32>], vector<16xf32>,
    %add3A_411 = arith.constant 0 : i32
    %add3A_412 = vector.broadcast %add3A_411 : i32 to vector<16xi32>
    %add3A_413 = arith.addi %mul3A_401, %add3A_412 : vector<16xi32>
    %gather3A_414 = tpu.vector_load_idx %arg13[%add3A_413] : memref<15104xf32, #tpu.memory_space<vmem>>[vector<16xi32>], vector<16xf32>,
    %sub3A_415 = arith.subf %gather3A_410, %gather3A_414 : vector<16xf32>
    %swap3A_416 = arith.constant 32 : index
    %swap3A_417 = tpu.vector_load %arg16[%swap3A_416] {strides = array<i32>} : memref<1152xf32, #tpu.memory_space<vmem>>, vector<16xf32>,
    tpu.vector_store %arg16[%swap3A_416], %sub3A_415 {strides = array<i32>} : memref<1152xf32, #tpu.memory_space<vmem>>, vector<16xf32>,
    %get3A_418 = arith.constant 160 : index
    %get3A_419 = tpu.vector_load %arg15[%get3A_418] {strides = array<i32>} : memref<1152xf32, #tpu.memory_space<vmem>>, vector<16xf32>,
    tpu.vector_store_idx %arg18[%shift_right_logical3A_224], %get3A_419 {add = true} : memref<5120xf32, #tpu.memory_space<vmem>>[vector<16xi32>], vector<16xf32>,
    %add3A_420 = arith.constant 1 : i32
    %add3A_421 = vector.broadcast %add3A_420 : i32 to vector<16xi32>
    %add3A_422 = arith.addi %mul3A_404, %add3A_421 : vector<16xi32>
    %gather3A_423 = tpu.vector_load_idx %arg13[%add3A_422] : memref<15104xf32, #tpu.memory_space<vmem>>[vector<16xi32>], vector<16xf32>,
    %add3A_424 = arith.constant 1 : i32
    %add3A_425 = vector.broadcast %add3A_424 : i32 to vector<16xi32>
    %add3A_426 = arith.addi %mul3A_401, %add3A_425 : vector<16xi32>
    %gather3A_427 = tpu.vector_load_idx %arg13[%add3A_426] : memref<15104xf32, #tpu.memory_space<vmem>>[vector<16xi32>], vector<16xf32>,
    %sub3A_428 = arith.subf %gather3A_423, %gather3A_427 : vector<16xf32>
    %swap3A_429 = arith.constant 160 : index
    %swap3A_430 = tpu.vector_load %arg16[%swap3A_429] {strides = array<i32>} : memref<1152xf32, #tpu.memory_space<vmem>>, vector<16xf32>,
    tpu.vector_store %arg16[%swap3A_429], %sub3A_428 {strides = array<i32>} : memref<1152xf32, #tpu.memory_space<vmem>>, vector<16xf32>,
    %get3A_431 = arith.constant 288 : index
    %get3A_432 = tpu.vector_load %arg15[%get3A_431] {strides = array<i32>} : memref<1152xf32, #tpu.memory_space<vmem>>, vector<16xf32>,
    tpu.vector_store_idx %arg19[%shift_right_logical3A_224], %get3A_432 {add = true} : memref<5120xf32, #tpu.memory_space<vmem>>[vector<16xi32>], vector<16xf32>,
    %add3A_433 = arith.constant 2 : i32
    %add3A_434 = vector.broadcast %add3A_433 : i32 to vector<16xi32>
    %add3A_435 = arith.addi %mul3A_404, %add3A_434 : vector<16xi32>
    %gather3A_436 = tpu.vector_load_idx %arg13[%add3A_435] : memref<15104xf32, #tpu.memory_space<vmem>>[vector<16xi32>], vector<16xf32>,
    %add3A_437 = arith.constant 2 : i32
    %add3A_438 = vector.broadcast %add3A_437 : i32 to vector<16xi32>
    %add3A_439 = arith.addi %mul3A_401, %add3A_438 : vector<16xi32>
    %gather3A_440 = tpu.vector_load_idx %arg13[%add3A_439] : memref<15104xf32, #tpu.memory_space<vmem>>[vector<16xi32>], vector<16xf32>,
    %sub3A_441 = arith.subf %gather3A_436, %gather3A_440 : vector<16xf32>
    %swap3A_442 = arith.constant 288 : index
    %swap3A_443 = tpu.vector_load %arg16[%swap3A_442] {strides = array<i32>} : memref<1152xf32, #tpu.memory_space<vmem>>, vector<16xf32>,
    tpu.vector_store %arg16[%swap3A_442], %sub3A_441 {strides = array<i32>} : memref<1152xf32, #tpu.memory_space<vmem>>, vector<16xf32>,
    %get3A_444 = arith.constant 9888 : index
    %get3A_445 = tpu.vector_load %arg10[%get3A_444] {strides = array<i32>} : memref<10000xi32, #tpu.memory_space<vmem>>, vector<16xi32>,
    %shift_right_logical3A_446 = arith.constant 1 : i32
    %shift_right_logical3A_447 = vector.broadcast %shift_right_logical3A_446 : i32 to vector<16xi32>
    %shift_right_logical3A_448 = arith.shrui %get3A_445, %shift_right_logical3A_447 : vector<16xi32>
    %mul3A_449 = arith.constant 3 : i32
    %mul3A_450 = vector.broadcast %mul3A_449 : i32 to vector<16xi32>
    %mul3A_451 = arith.muli %shift_right_logical3A_448, %mul3A_450 : vector<16xi32>
    %mul3A_452 = arith.constant 3 : i32
    %mul3A_453 = vector.broadcast %mul3A_452 : i32 to vector<16xi32>
    %mul3A_454 = arith.muli %shift_right_logical3A_235, %mul3A_453 : vector<16xi32>
    %get3A_455 = arith.constant 48 : index
    %get3A_456 = tpu.vector_load %arg15[%get3A_455] {strides = array<i32>} : memref<1152xf32, #tpu.memory_space<vmem>>, vector<16xf32>,
    tpu.vector_store_idx %arg17[%shift_right_logical3A_235], %get3A_456 {add = true} : memref<5120xf32, #tpu.memory_space<vmem>>[vector<16xi32>], vector<16xf32>,
    %add3A_457 = arith.constant 0 : i32
    %add3A_458 = vector.broadcast %add3A_457 : i32 to vector<16xi32>
    %add3A_459 = arith.addi %mul3A_454, %add3A_458 : vector<16xi32>
    %gather3A_460 = tpu.vector_load_idx %arg13[%add3A_459] : memref<15104xf32, #tpu.memory_space<vmem>>[vector<16xi32>], vector<16xf32>,
    %add3A_461 = arith.constant 0 : i32
    %add3A_462 = vector.broadcast %add3A_461 : i32 to vector<16xi32>
    %add3A_463 = arith.addi %mul3A_451, %add3A_462 : vector<16xi32>
    %gather3A_464 = tpu.vector_load_idx %arg13[%add3A_463] : memref<15104xf32, #tpu.memory_space<vmem>>[vector<16xi32>], vector<16xf32>,
    %sub3A_465 = arith.subf %gather3A_460, %gather3A_464 : vector<16xf32>
    %swap3A_466 = arith.constant 48 : index
    %swap3A_467 = tpu.vector_load %arg16[%swap3A_466] {strides = array<i32>} : memref<1152xf32, #tpu.memory_space<vmem>>, vector<16xf32>,
    tpu.vector_store %arg16[%swap3A_466], %sub3A_465 {strides = array<i32>} : memref<1152xf32, #tpu.memory_space<vmem>>, vector<16xf32>,
    %get3A_468 = arith.constant 176 : index
    %get3A_469 = tpu.vector_load %arg15[%get3A_468] {strides = array<i32>} : memref<1152xf32, #tpu.memory_space<vmem>>, vector<16xf32>,
    tpu.vector_store_idx %arg18[%shift_right_logical3A_235], %get3A_469 {add = true} : memref<5120xf32, #tpu.memory_space<vmem>>[vector<16xi32>], vector<16xf32>,
    %add3A_470 = arith.constant 1 : i32
    %add3A_471 = vector.broadcast %add3A_470 : i32 to vector<16xi32>
    %add3A_472 = arith.addi %mul3A_454, %add3A_471 : vector<16xi32>
    %gather3A_473 = tpu.vector_load_idx %arg13[%add3A_472] : memref<15104xf32, #tpu.memory_space<vmem>>[vector<16xi32>], vector<16xf32>,
    %add3A_474 = arith.constant 1 : i32
    %add3A_475 = vector.broadcast %add3A_474 : i32 to vector<16xi32>
    %add3A_476 = arith.addi %mul3A_451, %add3A_475 : vector<16xi32>
    %gather3A_477 = tpu.vector_load_idx %arg13[%add3A_476] : memref<15104xf32, #tpu.memory_space<vmem>>[vector<16xi32>], vector<16xf32>,
    %sub3A_478 = arith.subf %gather3A_473, %gather3A_477 : vector<16xf32>
    %swap3A_479 = arith.constant 176 : index
    %swap3A_480 = tpu.vector_load %arg16[%swap3A_479] {strides = array<i32>} : memref<1152xf32, #tpu.memory_space<vmem>>, vector<16xf32>,
    tpu.vector_store %arg16[%swap3A_479], %sub3A_478 {strides = array<i32>} : memref<1152xf32, #tpu.memory_space<vmem>>, vector<16xf32>,
    %get3A_481 = arith.constant 304 : index
    %get3A_482 = tpu.vector_load %arg15[%get3A_481] {strides = array<i32>} : memref<1152xf32, #tpu.memory_space<vmem>>, vector<16xf32>,
    tpu.vector_store_idx %arg19[%shift_right_logical3A_235], %get3A_482 {add = true} : memref<5120xf32, #tpu.memory_space<vmem>>[vector<16xi32>], vector<16xf32>,
    %add3A_483 = arith.constant 2 : i32
    %add3A_484 = vector.broadcast %add3A_483 : i32 to vector<16xi32>
    %add3A_485 = arith.addi %mul3A_454, %add3A_484 : vector<16xi32>
    %gather3A_486 = tpu.vector_load_idx %arg13[%add3A_485] : memref<15104xf32, #tpu.memory_space<vmem>>[vector<16xi32>], vector<16xf32>,
    %add3A_487 = arith.constant 2 : i32
    %add3A_488 = vector.broadcast %add3A_487 : i32 to vector<16xi32>
    %add3A_489 = arith.addi %mul3A_451, %add3A_488 : vector<16xi32>
    %gather3A_490 = tpu.vector_load_idx %arg13[%add3A_489] : memref<15104xf32, #tpu.memory_space<vmem>>[vector<16xi32>], vector<16xf32>,
    %sub3A_491 = arith.subf %gather3A_486, %gather3A_490 : vector<16xf32>
    %swap3A_492 = arith.constant 304 : index
    %swap3A_493 = tpu.vector_load %arg16[%swap3A_492] {strides = array<i32>} : memref<1152xf32, #tpu.memory_space<vmem>>, vector<16xf32>,
    tpu.vector_store %arg16[%swap3A_492], %sub3A_491 {strides = array<i32>} : memref<1152xf32, #tpu.memory_space<vmem>>, vector<16xf32>,
    %get3A_494 = arith.constant 9904 : index
    %get3A_495 = tpu.vector_load %arg10[%get3A_494] {strides = array<i32>} : memref<10000xi32, #tpu.memory_space<vmem>>, vector<16xi32>,
    %shift_right_logical3A_496 = arith.constant 1 : i32
    %shift_right_logical3A_497 = vector.broadcast %shift_right_logical3A_496 : i32 to vector<16xi32>
    %shift_right_logical3A_498 = arith.shrui %get3A_495, %shift_right_logical3A_497 : vector<16xi32>
    %mul3A_499 = arith.constant 3 : i32
    %mul3A_500 = vector.broadcast %mul3A_499 : i32 to vector<16xi32>
    %mul3A_501 = arith.muli %shift_right_logical3A_498, %mul3A_500 : vector<16xi32>
    %mul3A_502 = arith.constant 3 : i32
    %mul3A_503 = vector.broadcast %mul3A_502 : i32 to vector<16xi32>
    %mul3A_504 = arith.muli %shift_right_logical3A_246, %mul3A_503 : vector<16xi32>
    %get3A_505 = arith.constant 64 : index
    %get3A_506 = tpu.vector_load %arg15[%get3A_505] {strides = array<i32>} : memref<1152xf32, #tpu.memory_space<vmem>>, vector<16xf32>,
    tpu.vector_store_idx %arg17[%shift_right_logical3A_246], %get3A_506 {add = true} : memref<5120xf32, #tpu.memory_space<vmem>>[vector<16xi32>], vector<16xf32>,
    %add3A_507 = arith.constant 0 : i32
    %add3A_508 = vector.broadcast %add3A_507 : i32 to vector<16xi32>
    %add3A_509 = arith.addi %mul3A_504, %add3A_508 : vector<16xi32>
    %gather3A_510 = tpu.vector_load_idx %arg13[%add3A_509] : memref<15104xf32, #tpu.memory_space<vmem>>[vector<16xi32>], vector<16xf32>,
    %add3A_511 = arith.constant 0 : i32
    %add3A_512 = vector.broadcast %add3A_511 : i32 to vector<16xi32>
    %add3A_513 = arith.addi %mul3A_501, %add3A_512 : vector<16xi32>
    %gather3A_514 = tpu.vector_load_idx %arg13[%add3A_513] : memref<15104xf32, #tpu.memory_space<vmem>>[vector<16xi32>], vector<16xf32>,
    %sub3A_515 = arith.subf %gather3A_510, %gather3A_514 : vector<16xf32>
    %swap3A_516 = arith.constant 64 : index
    %swap3A_517 = tpu.vector_load %arg16[%swap3A_516] {strides = array<i32>} : memref<1152xf32, #tpu.memory_space<vmem>>, vector<16xf32>,
    tpu.vector_store %arg16[%swap3A_516], %sub3A_515 {strides = array<i32>} : memref<1152xf32, #tpu.memory_space<vmem>>, vector<16xf32>,
    %get3A_518 = arith.constant 192 : index
    %get3A_519 = tpu.vector_load %arg15[%get3A_518] {strides = array<i32>} : memref<1152xf32, #tpu.memory_space<vmem>>, vector<16xf32>,
    tpu.vector_store_idx %arg18[%shift_right_logical3A_246], %get3A_519 {add = true} : memref<5120xf32, #tpu.memory_space<vmem>>[vector<16xi32>], vector<16xf32>,
    %add3A_520 = arith.constant 1 : i32
    %add3A_521 = vector.broadcast %add3A_520 : i32 to vector<16xi32>
    %add3A_522 = arith.addi %mul3A_504, %add3A_521 : vector<16xi32>
    %gather3A_523 = tpu.vector_load_idx %arg13[%add3A_522] : memref<15104xf32, #tpu.memory_space<vmem>>[vector<16xi32>], vector<16xf32>,
    %add3A_524 = arith.constant 1 : i32
    %add3A_525 = vector.broadcast %add3A_524 : i32 to vector<16xi32>
    %add3A_526 = arith.addi %mul3A_501, %add3A_525 : vector<16xi32>
    %gather3A_527 = tpu.vector_load_idx %arg13[%add3A_526] : memref<15104xf32, #tpu.memory_space<vmem>>[vector<16xi32>], vector<16xf32>,
    %sub3A_528 = arith.subf %gather3A_523, %gather3A_527 : vector<16xf32>
    %swap3A_529 = arith.constant 192 : index
    %swap3A_530 = tpu.vector_load %arg16[%swap3A_529] {strides = array<i32>} : memref<1152xf32, #tpu.memory_space<vmem>>, vector<16xf32>,
    tpu.vector_store %arg16[%swap3A_529], %sub3A_528 {strides = array<i32>} : memref<1152xf32, #tpu.memory_space<vmem>>, vector<16xf32>,
    %get3A_531 = arith.constant 320 : index
    %get3A_532 = tpu.vector_load %arg15[%get3A_531] {strides = array<i32>} : memref<1152xf32, #tpu.memory_space<vmem>>, vector<16xf32>,
    tpu.vector_store_idx %arg19[%shift_right_logical3A_246], %get3A_532 {add = true} : memref<5120xf32, #tpu.memory_space<vmem>>[vector<16xi32>], vector<16xf32>,
    %add3A_533 = arith.constant 2 : i32
    %add3A_534 = vector.broadcast %add3A_533 : i32 to vector<16xi32>
    %add3A_535 = arith.addi %mul3A_504, %add3A_534 : vector<16xi32>
    %gather3A_536 = tpu.vector_load_idx %arg13[%add3A_535] : memref<15104xf32, #tpu.memory_space<vmem>>[vector<16xi32>], vector<16xf32>,
    %add3A_537 = arith.constant 2 : i32
    %add3A_538 = vector.broadcast %add3A_537 : i32 to vector<16xi32>
    %add3A_539 = arith.addi %mul3A_501, %add3A_538 : vector<16xi32>
    %gather3A_540 = tpu.vector_load_idx %arg13[%add3A_539] : memref<15104xf32, #tpu.memory_space<vmem>>[vector<16xi32>], vector<16xf32>,
    %sub3A_541 = arith.subf %gather3A_536, %gather3A_540 : vector<16xf32>
    %swap3A_542 = arith.constant 320 : index
    %swap3A_543 = tpu.vector_load %arg16[%swap3A_542] {strides = array<i32>} : memref<1152xf32, #tpu.memory_space<vmem>>, vector<16xf32>,
    tpu.vector_store %arg16[%swap3A_542], %sub3A_541 {strides = array<i32>} : memref<1152xf32, #tpu.memory_space<vmem>>, vector<16xf32>,
    %add3A_544 = arith.constant 0 : i32
    %add3A_545 = arith.addi %add3A_544, %mul3A_2 : i32
    %add3A_546 = arith.constant 9840 : i32
    %add3A_547 = arith.addi %add3A_545, %add3A_546 : i32
    %dma_start3A_548 = arith.constant 0 : i32
    %dma_start3A_549 = tpu.memref_slice %arg16[%dma_start3A_548] : memref<1152xf32, #tpu.memory_space<vmem>> -> memref<80xf32, #tpu.memory_space<vmem>>
    %dma_start3A_550 = tpu.memref_slice %arg9[%add3A_547] : memref<960000xf32, #tpu.memory_space<hbm>> -> memref<80xf32, #tpu.memory_space<hbm>>
    %dma_start3A_551 = tpu.memref_slice %arg9[%add3A_547] : memref<960000xf32, #tpu.memory_space<hbm>> -> memref<80xf32, #tpu.memory_space<hbm>>
    %dma_start3A_552 = arith.constant 0 : i32
    %dma_start3A_553 = tpu.memref_slice %arg16[%dma_start3A_552] : memref<1152xf32, #tpu.memory_space<vmem>> -> memref<80xf32, #tpu.memory_space<vmem>>
    tpu.enqueue_dma source(%dma_start3A_553 : memref<80xf32, #tpu.memory_space<vmem>>) target(%dma_start3A_551 : memref<80xf32, #tpu.memory_space<hbm>>) target_semaphore(%arg27 : memref<!tpu.dma_semaphore, #tpu.memory_space<semaphore_mem>>)
    %add3A_554 = arith.constant 320000 : i32
    %add3A_555 = arith.addi %add3A_554, %mul3A_2 : i32
    %add3A_556 = arith.constant 9840 : i32
    %add3A_557 = arith.addi %add3A_555, %add3A_556 : i32
    %dma_start3A_558 = arith.constant 128 : i32
    %dma_start3A_559 = tpu.memref_slice %arg16[%dma_start3A_558] : memref<1152xf32, #tpu.memory_space<vmem>> -> memref<80xf32, #tpu.memory_space<vmem>>
    %dma_start3A_560 = tpu.memref_slice %arg9[%add3A_557] : memref<960000xf32, #tpu.memory_space<hbm>> -> memref<80xf32, #tpu.memory_space<hbm>>
    %dma_start3A_561 = tpu.memref_slice %arg9[%add3A_557] : memref<960000xf32, #tpu.memory_space<hbm>> -> memref<80xf32, #tpu.memory_space<hbm>>
    %dma_start3A_562 = arith.constant 128 : i32
    %dma_start3A_563 = tpu.memref_slice %arg16[%dma_start3A_562] : memref<1152xf32, #tpu.memory_space<vmem>> -> memref<80xf32, #tpu.memory_space<vmem>>
    tpu.enqueue_dma source(%dma_start3A_563 : memref<80xf32, #tpu.memory_space<vmem>>) target(%dma_start3A_561 : memref<80xf32, #tpu.memory_space<hbm>>) target_semaphore(%arg27 : memref<!tpu.dma_semaphore, #tpu.memory_space<semaphore_mem>>)
    %add3A_564 = arith.constant 640000 : i32
    %add3A_565 = arith.addi %add3A_564, %mul3A_2 : i32
    %add3A_566 = arith.constant 9840 : i32
    %add3A_567 = arith.addi %add3A_565, %add3A_566 : i32
    %dma_start3A_568 = arith.constant 256 : i32
    %dma_start3A_569 = tpu.memref_slice %arg16[%dma_start3A_568] : memref<1152xf32, #tpu.memory_space<vmem>> -> memref<80xf32, #tpu.memory_space<vmem>>
    %dma_start3A_570 = tpu.memref_slice %arg9[%add3A_567] : memref<960000xf32, #tpu.memory_space<hbm>> -> memref<80xf32, #tpu.memory_space<hbm>>
    %dma_start3A_571 = tpu.memref_slice %arg9[%add3A_567] : memref<960000xf32, #tpu.memory_space<hbm>> -> memref<80xf32, #tpu.memory_space<hbm>>
    %dma_start3A_572 = arith.constant 256 : i32
    %dma_start3A_573 = tpu.memref_slice %arg16[%dma_start3A_572] : memref<1152xf32, #tpu.memory_space<vmem>> -> memref<80xf32, #tpu.memory_space<vmem>>
    tpu.enqueue_dma source(%dma_start3A_573 : memref<80xf32, #tpu.memory_space<vmem>>) target(%dma_start3A_571 : memref<80xf32, #tpu.memory_space<hbm>>) target_semaphore(%arg27 : memref<!tpu.dma_semaphore, #tpu.memory_space<semaphore_mem>>)
    %dma_wait3A_574 = arith.constant 0 : i32
    %dma_wait3A_575 = arith.constant 0 : i32
    %dma_wait3A_576 = arith.constant 0 : i32
    %dma_wait3A_577 = arith.constant 0 : i32
    %dma_wait3A_578 = arith.constant 0 : i32
    %dma_wait3A_579 = tpu.memref_slice %arg14[%dma_wait3A_574, %dma_wait3A_577, %dma_wait3A_578] : memref<3x80x128xf32, #tpu.memory_space<vmem>> -> memref<1x80x128xf32, #tpu.memory_space<vmem>>
    %dma_wait3A_580 = tpu.memref_squeeze %dma_wait3A_579 : memref<1x80x128xf32, #tpu.memory_space<vmem>> -> memref<80x128xf32, #tpu.memory_space<vmem>>
    %dma_wait3A_581 = arith.constant 0 : i32
    %dma_wait3A_582 = tpu.memref_slice %arg12[%dma_wait3A_575, %dma_wait3A_576, %dma_wait3A_581] : memref<3x1x80xi32, #tpu.memory_space<vmem>> -> memref<1x1x80xi32, #tpu.memory_space<vmem>>
    %dma_wait3A_583 = tpu.memref_squeeze %dma_wait3A_582 : memref<1x1x80xi32, #tpu.memory_space<vmem>> -> memref<80xi32, #tpu.memory_space<vmem>>
    %dma_wait3A_584 = arith.constant 0 : i32
    %dma_wait3A_585 = arith.constant 0 : i32
    %dma_wait3A_586 = tpu.memref_slice %arg20[%dma_wait3A_584, %dma_wait3A_585] : memref<5120x128xf32, #tpu.memory_space<vmem_shared>> -> memref<5120x128xf32, #tpu.memory_space<vmem_shared>>
    tpu.wait_indirect_dma semaphore(%arg24 : memref<!tpu.dma_semaphore, #tpu.memory_space<semaphore_mem>>) src(%dma_wait3A_580 : memref<80x128xf32, #tpu.memory_space<vmem>>) dst(%dma_wait3A_586 : memref<5120x128xf32, #tpu.memory_space<vmem_shared>>)
    %dma_wait3A_587 = arith.constant 1 : i32
    %dma_wait3A_588 = arith.constant 0 : i32
    %dma_wait3A_589 = arith.constant 0 : i32
    %dma_wait3A_590 = tpu.memref_slice %arg14[%dma_wait3A_587, %dma_wait3A_588, %dma_wait3A_589] : memref<3x80x128xf32, #tpu.memory_space<vmem>> -> memref<1x80x128xf32, #tpu.memory_space<vmem>>
    %dma_wait3A_591 = tpu.memref_squeeze %dma_wait3A_590 : memref<1x80x128xf32, #tpu.memory_space<vmem>> -> memref<80x128xf32, #tpu.memory_space<vmem>>
    %dma_wait3A_592 = arith.constant 9920 : i32
    %dma_wait3A_593 = tpu.memref_slice %arg10[%dma_wait3A_592] : memref<10000xi32, #tpu.memory_space<vmem>> -> memref<80xi32, #tpu.memory_space<vmem>>
    %dma_wait3A_594 = arith.constant 0 : i32
    %dma_wait3A_595 = arith.constant 0 : i32
    %dma_wait3A_596 = tpu.memref_slice %arg2[%dma_wait3A_594, %dma_wait3A_595] : memref<10000x128xf32, #tpu.memory_space<hbm>> -> memref<10000x128xf32, #tpu.memory_space<hbm>>
    tpu.wait_indirect_dma semaphore(%arg22 : memref<!tpu.dma_semaphore, #tpu.memory_space<semaphore_mem>>) src(%dma_wait3A_596 : memref<10000x128xf32, #tpu.memory_space<hbm>>) dst(%dma_wait3A_591 : memref<80x128xf32, #tpu.memory_space<vmem>>)
    %add3A_597 = arith.constant 0 : i32
    %add3A_598 = arith.addi %add3A_597, %mul3A_2 : i32
    %add3A_599 = arith.constant 9920 : i32
    %add3A_600 = arith.addi %add3A_598, %add3A_599 : i32
    %dma_wait3A_601 = arith.constant 384 : i32
    %dma_wait3A_602 = tpu.memref_slice %arg15[%dma_wait3A_601] : memref<1152xf32, #tpu.memory_space<vmem>> -> memref<80xf32, #tpu.memory_space<vmem>>
    %dma_wait3A_603 = tpu.memref_slice %arg5[%add3A_600] : memref<960000xf32, #tpu.memory_space<hbm>> -> memref<80xf32, #tpu.memory_space<hbm>>
    %dma_wait3A_604 = arith.constant 384 : i32
    %dma_wait3A_605 = tpu.memref_slice %arg15[%dma_wait3A_604] : memref<1152xf32, #tpu.memory_space<vmem>> -> memref<80xf32, #tpu.memory_space<vmem>>
    %dma_wait3A_606 = tpu.memref_slice %arg5[%add3A_600] : memref<960000xf32, #tpu.memory_space<hbm>> -> memref<80xf32, #tpu.memory_space<hbm>>
    tpu.wait_dma2 semaphore(%arg31 : memref<!tpu.dma_semaphore, #tpu.memory_space<semaphore_mem>>) src(%dma_wait3A_606 : memref<80xf32, #tpu.memory_space<hbm>>) dst(%dma_wait3A_605 : memref<80xf32, #tpu.memory_space<vmem>>)
    %add3A_607 = arith.constant 320000 : i32
    %add3A_608 = arith.addi %add3A_607, %mul3A_2 : i32
    %add3A_609 = arith.constant 9920 : i32
    %add3A_610 = arith.addi %add3A_608, %add3A_609 : i32
    %dma_wait3A_611 = arith.constant 512 : i32
    %dma_wait3A_612 = tpu.memref_slice %arg15[%dma_wait3A_611] : memref<1152xf32, #tpu.memory_space<vmem>> -> memref<80xf32, #tpu.memory_space<vmem>>
    %dma_wait3A_613 = tpu.memref_slice %arg5[%add3A_610] : memref<960000xf32, #tpu.memory_space<hbm>> -> memref<80xf32, #tpu.memory_space<hbm>>
    %dma_wait3A_614 = arith.constant 512 : i32
    %dma_wait3A_615 = tpu.memref_slice %arg15[%dma_wait3A_614] : memref<1152xf32, #tpu.memory_space<vmem>> -> memref<80xf32, #tpu.memory_space<vmem>>
    %dma_wait3A_616 = tpu.memref_slice %arg5[%add3A_610] : memref<960000xf32, #tpu.memory_space<hbm>> -> memref<80xf32, #tpu.memory_space<hbm>>
    tpu.wait_dma2 semaphore(%arg31 : memref<!tpu.dma_semaphore, #tpu.memory_space<semaphore_mem>>) src(%dma_wait3A_616 : memref<80xf32, #tpu.memory_space<hbm>>) dst(%dma_wait3A_615 : memref<80xf32, #tpu.memory_space<vmem>>)
    %add3A_617 = arith.constant 640000 : i32
    %add3A_618 = arith.addi %add3A_617, %mul3A_2 : i32
    %add3A_619 = arith.constant 9920 : i32
    %add3A_620 = arith.addi %add3A_618, %add3A_619 : i32
    %dma_wait3A_621 = arith.constant 640 : i32
    %dma_wait3A_622 = tpu.memref_slice %arg15[%dma_wait3A_621] : memref<1152xf32, #tpu.memory_space<vmem>> -> memref<80xf32, #tpu.memory_space<vmem>>
    %dma_wait3A_623 = tpu.memref_slice %arg5[%add3A_620] : memref<960000xf32, #tpu.memory_space<hbm>> -> memref<80xf32, #tpu.memory_space<hbm>>
    %dma_wait3A_624 = arith.constant 640 : i32
    %dma_wait3A_625 = tpu.memref_slice %arg15[%dma_wait3A_624] : memref<1152xf32, #tpu.memory_space<vmem>> -> memref<80xf32, #tpu.memory_space<vmem>>
    %dma_wait3A_626 = tpu.memref_slice %arg5[%add3A_620] : memref<960000xf32, #tpu.memory_space<hbm>> -> memref<80xf32, #tpu.memory_space<hbm>>
    tpu.wait_dma2 semaphore(%arg31 : memref<!tpu.dma_semaphore, #tpu.memory_space<semaphore_mem>>) src(%dma_wait3A_626 : memref<80xf32, #tpu.memory_space<hbm>>) dst(%dma_wait3A_625 : memref<80xf32, #tpu.memory_space<vmem>>)
    %get3A_627 = arith.constant 9920 : index
    %get3A_628 = tpu.vector_load %arg11[%get3A_627] {strides = array<i32>} : memref<10000xi32, #tpu.memory_space<vmem>>, vector<16xi32>,
    %shift_right_logical3A_629 = arith.constant 1 : i32
    %shift_right_logical3A_630 = vector.broadcast %shift_right_logical3A_629 : i32 to vector<16xi32>
    %shift_right_logical3A_631 = arith.shrui %get3A_628, %shift_right_logical3A_630 : vector<16xi32>
    %swap3A_632 = arith.constant 1 : i32
    %swap3A_633 = arith.constant 0 : i32
    %swap3A_634 = arith.index_cast %swap3A_632 : i32 to index
    %swap3A_635 = arith.index_cast %swap3A_633 : i32 to index
    %swap3A_636 = arith.constant 0 : index
    %swap3A_637 = tpu.vector_load %arg12[%swap3A_634, %swap3A_635, %swap3A_636] {strides = array<i32>} : memref<3x1x80xi32, #tpu.memory_space<vmem>>, vector<16xi32>,
    tpu.vector_store %arg12[%swap3A_634, %swap3A_635, %swap3A_636], %shift_right_logical3A_631 {strides = array<i32>} : memref<3x1x80xi32, #tpu.memory_space<vmem>>, vector<16xi32>,
    %get3A_638 = arith.constant 9936 : index
    %get3A_639 = tpu.vector_load %arg11[%get3A_638] {strides = array<i32>} : memref<10000xi32, #tpu.memory_space<vmem>>, vector<16xi32>,
    %shift_right_logical3A_640 = arith.constant 1 : i32
    %shift_right_logical3A_641 = vector.broadcast %shift_right_logical3A_640 : i32 to vector<16xi32>
    %shift_right_logical3A_642 = arith.shrui %get3A_639, %shift_right_logical3A_641 : vector<16xi32>
    %swap3A_643 = arith.constant 1 : i32
    %swap3A_644 = arith.constant 0 : i32
    %swap3A_645 = arith.index_cast %swap3A_643 : i32 to index
    %swap3A_646 = arith.index_cast %swap3A_644 : i32 to index
    %swap3A_647 = arith.constant 16 : index
    %swap3A_648 = tpu.vector_load %arg12[%swap3A_645, %swap3A_646, %swap3A_647] {strides = array<i32>} : memref<3x1x80xi32, #tpu.memory_space<vmem>>, vector<16xi32>,
    tpu.vector_store %arg12[%swap3A_645, %swap3A_646, %swap3A_647], %shift_right_logical3A_642 {strides = array<i32>} : memref<3x1x80xi32, #tpu.memory_space<vmem>>, vector<16xi32>,
    %get3A_649 = arith.constant 9952 : index
    %get3A_650 = tpu.vector_load %arg11[%get3A_649] {strides = array<i32>} : memref<10000xi32, #tpu.memory_space<vmem>>, vector<16xi32>,
    %shift_right_logical3A_651 = arith.constant 1 : i32
    %shift_right_logical3A_652 = vector.broadcast %shift_right_logical3A_651 : i32 to vector<16xi32>
    %shift_right_logical3A_653 = arith.shrui %get3A_650, %shift_right_logical3A_652 : vector<16xi32>
    %swap3A_654 = arith.constant 1 : i32
    %swap3A_655 = arith.constant 0 : i32
    %swap3A_656 = arith.index_cast %swap3A_654 : i32 to index
    %swap3A_657 = arith.index_cast %swap3A_655 : i32 to index
    %swap3A_658 = arith.constant 32 : index
    %swap3A_659 = tpu.vector_load %arg12[%swap3A_656, %swap3A_657, %swap3A_658] {strides = array<i32>} : memref<3x1x80xi32, #tpu.memory_space<vmem>>, vector<16xi32>,
    tpu.vector_store %arg12[%swap3A_656, %swap3A_657, %swap3A_658], %shift_right_logical3A_653 {strides = array<i32>} : memref<3x1x80xi32, #tpu.memory_space<vmem>>, vector<16xi32>,
    %get3A_660 = arith.constant 9968 : index
    %get3A_661 = tpu.vector_load %arg11[%get3A_660] {strides = array<i32>} : memref<10000xi32, #tpu.memory_space<vmem>>, vector<16xi32>,
    %shift_right_logical3A_662 = arith.constant 1 : i32
    %shift_right_logical3A_663 = vector.broadcast %shift_right_logical3A_662 : i32 to vector<16xi32>
    %shift_right_logical3A_664 = arith.shrui %get3A_661, %shift_right_logical3A_663 : vector<16xi32>
    %swap3A_665 = arith.constant 1 : i32
    %swap3A_666 = arith.constant 0 : i32
    %swap3A_667 = arith.index_cast %swap3A_665 : i32 to index
    %swap3A_668 = arith.index_cast %swap3A_666 : i32 to index
    %swap3A_669 = arith.constant 48 : index
    %swap3A_670 = tpu.vector_load %arg12[%swap3A_667, %swap3A_668, %swap3A_669] {strides = array<i32>} : memref<3x1x80xi32, #tpu.memory_space<vmem>>, vector<16xi32>,
    tpu.vector_store %arg12[%swap3A_667, %swap3A_668, %swap3A_669], %shift_right_logical3A_664 {strides = array<i32>} : memref<3x1x80xi32, #tpu.memory_space<vmem>>, vector<16xi32>,
    %get3A_671 = arith.constant 9984 : index
    %get3A_672 = tpu.vector_load %arg11[%get3A_671] {strides = array<i32>} : memref<10000xi32, #tpu.memory_space<vmem>>, vector<16xi32>,
    %shift_right_logical3A_673 = arith.constant 1 : i32
    %shift_right_logical3A_674 = vector.broadcast %shift_right_logical3A_673 : i32 to vector<16xi32>
    %shift_right_logical3A_675 = arith.shrui %get3A_672, %shift_right_logical3A_674 : vector<16xi32>
    %swap3A_676 = arith.constant 1 : i32
    %swap3A_677 = arith.constant 0 : i32
    %swap3A_678 = arith.index_cast %swap3A_676 : i32 to index
    %swap3A_679 = arith.index_cast %swap3A_677 : i32 to index
    %swap3A_680 = arith.constant 64 : index
    %swap3A_681 = tpu.vector_load %arg12[%swap3A_678, %swap3A_679, %swap3A_680] {strides = array<i32>} : memref<3x1x80xi32, #tpu.memory_space<vmem>>, vector<16xi32>,
    tpu.vector_store %arg12[%swap3A_678, %swap3A_679, %swap3A_680], %shift_right_logical3A_675 {strides = array<i32>} : memref<3x1x80xi32, #tpu.memory_space<vmem>>, vector<16xi32>,
    %dma_start3A_682 = arith.constant 1 : i32
    %dma_start3A_683 = arith.constant 1 : i32
    %dma_start3A_684 = arith.constant 0 : i32
    %dma_start3A_685 = arith.constant 0 : i32
    %dma_start3A_686 = arith.constant 0 : i32
    %dma_start3A_687 = tpu.memref_slice %arg14[%dma_start3A_682, %dma_start3A_685, %dma_start3A_686] : memref<3x80x128xf32, #tpu.memory_space<vmem>> -> memref<1x80x128xf32, #tpu.memory_space<vmem>>
    %dma_start3A_688 = tpu.memref_squeeze %dma_start3A_687 : memref<1x80x128xf32, #tpu.memory_space<vmem>> -> memref<80x128xf32, #tpu.memory_space<vmem>>
    %dma_start3A_689 = arith.constant 0 : i32
    %dma_start3A_690 = tpu.memref_slice %arg12[%dma_start3A_683, %dma_start3A_684, %dma_start3A_689] : memref<3x1x80xi32, #tpu.memory_space<vmem>> -> memref<1x1x80xi32, #tpu.memory_space<vmem>>
    %dma_start3A_691 = tpu.memref_squeeze %dma_start3A_690 : memref<1x1x80xi32, #tpu.memory_space<vmem>> -> memref<80xi32, #tpu.memory_space<vmem>>
    %dma_start3A_692 = arith.constant 0 : i32
    %dma_start3A_693 = arith.constant 0 : i32
    %dma_start3A_694 = tpu.memref_slice %arg20[%dma_start3A_692, %dma_start3A_693] : memref<5120x128xf32, #tpu.memory_space<vmem_shared>> -> memref<5120x128xf32, #tpu.memory_space<vmem_shared>>
    tpu.enqueue_indirect_dma source(%dma_start3A_688 : memref<80x128xf32, #tpu.memory_space<vmem>>) target(%dma_start3A_694 : memref<5120x128xf32, #tpu.memory_space<vmem_shared>>) offsets(%dma_start3A_691 : memref<80xi32, #tpu.memory_space<vmem>>) semaphore(%arg25 : memref<!tpu.dma_semaphore, #tpu.memory_space<semaphore_mem>>) {add = true}
    %add3A_695 = arith.constant 0 : i32
    %add3A_696 = arith.addi %add3A_695, %mul3A_2 : i32
    %add3A_697 = arith.constant 9920 : i32
    %add3A_698 = arith.addi %add3A_696, %add3A_697 : i32
    %dma_wait3A_699 = arith.constant 384 : i32
    %dma_wait3A_700 = tpu.memref_slice %arg16[%dma_wait3A_699] : memref<1152xf32, #tpu.memory_space<vmem>> -> memref<80xf32, #tpu.memory_space<vmem>>
    %dma_wait3A_701 = tpu.memref_slice %arg9[%add3A_698] : memref<960000xf32, #tpu.memory_space<hbm>> -> memref<80xf32, #tpu.memory_space<hbm>>
    %dma_wait3A_702 = tpu.memref_slice %arg9[%add3A_698] : memref<960000xf32, #tpu.memory_space<hbm>> -> memref<80xf32, #tpu.memory_space<hbm>>
    %dma_wait3A_703 = arith.constant 384 : i32
    %dma_wait3A_704 = tpu.memref_slice %arg16[%dma_wait3A_703] : memref<1152xf32, #tpu.memory_space<vmem>> -> memref<80xf32, #tpu.memory_space<vmem>>
    tpu.wait_dma2 semaphore(%arg28 : memref<!tpu.dma_semaphore, #tpu.memory_space<semaphore_mem>>) src(%dma_wait3A_704 : memref<80xf32, #tpu.memory_space<vmem>>) dst(%dma_wait3A_702 : memref<80xf32, #tpu.memory_space<hbm>>)
    %add3A_705 = arith.constant 320000 : i32
    %add3A_706 = arith.addi %add3A_705, %mul3A_2 : i32
    %add3A_707 = arith.constant 9920 : i32
    %add3A_708 = arith.addi %add3A_706, %add3A_707 : i32
    %dma_wait3A_709 = arith.constant 512 : i32
    %dma_wait3A_710 = tpu.memref_slice %arg16[%dma_wait3A_709] : memref<1152xf32, #tpu.memory_space<vmem>> -> memref<80xf32, #tpu.memory_space<vmem>>
    %dma_wait3A_711 = tpu.memref_slice %arg9[%add3A_708] : memref<960000xf32, #tpu.memory_space<hbm>> -> memref<80xf32, #tpu.memory_space<hbm>>
    %dma_wait3A_712 = tpu.memref_slice %arg9[%add3A_708] : memref<960000xf32, #tpu.memory_space<hbm>> -> memref<80xf32, #tpu.memory_space<hbm>>
    %dma_wait3A_713 = arith.constant 512 : i32
    %dma_wait3A_714 = tpu.memref_slice %arg16[%dma_wait3A_713] : memref<1152xf32, #tpu.memory_space<vmem>> -> memref<80xf32, #tpu.memory_space<vmem>>
    tpu.wait_dma2 semaphore(%arg28 : memref<!tpu.dma_semaphore, #tpu.memory_space<semaphore_mem>>) src(%dma_wait3A_714 : memref<80xf32, #tpu.memory_space<vmem>>) dst(%dma_wait3A_712 : memref<80xf32, #tpu.memory_space<hbm>>)
    %add3A_715 = arith.constant 640000 : i32
    %add3A_716 = arith.addi %add3A_715, %mul3A_2 : i32
    %add3A_717 = arith.constant 9920 : i32
    %add3A_718 = arith.addi %add3A_716, %add3A_717 : i32
    %dma_wait3A_719 = arith.constant 640 : i32
    %dma_wait3A_720 = tpu.memref_slice %arg16[%dma_wait3A_719] : memref<1152xf32, #tpu.memory_space<vmem>> -> memref<80xf32, #tpu.memory_space<vmem>>
    %dma_wait3A_721 = tpu.memref_slice %arg9[%add3A_718] : memref<960000xf32, #tpu.memory_space<hbm>> -> memref<80xf32, #tpu.memory_space<hbm>>
    %dma_wait3A_722 = tpu.memref_slice %arg9[%add3A_718] : memref<960000xf32, #tpu.memory_space<hbm>> -> memref<80xf32, #tpu.memory_space<hbm>>
    %dma_wait3A_723 = arith.constant 640 : i32
    %dma_wait3A_724 = tpu.memref_slice %arg16[%dma_wait3A_723] : memref<1152xf32, #tpu.memory_space<vmem>> -> memref<80xf32, #tpu.memory_space<vmem>>
    tpu.wait_dma2 semaphore(%arg28 : memref<!tpu.dma_semaphore, #tpu.memory_space<semaphore_mem>>) src(%dma_wait3A_724 : memref<80xf32, #tpu.memory_space<vmem>>) dst(%dma_wait3A_722 : memref<80xf32, #tpu.memory_space<hbm>>)
    %get3A_725 = arith.constant 9920 : index
    %get3A_726 = tpu.vector_load %arg10[%get3A_725] {strides = array<i32>} : memref<10000xi32, #tpu.memory_space<vmem>>, vector<16xi32>,
    %shift_right_logical3A_727 = arith.constant 1 : i32
    %shift_right_logical3A_728 = vector.broadcast %shift_right_logical3A_727 : i32 to vector<16xi32>
    %shift_right_logical3A_729 = arith.shrui %get3A_726, %shift_right_logical3A_728 : vector<16xi32>
    %mul3A_730 = arith.constant 3 : i32
    %mul3A_731 = vector.broadcast %mul3A_730 : i32 to vector<16xi32>
    %mul3A_732 = arith.muli %shift_right_logical3A_729, %mul3A_731 : vector<16xi32>
    %mul3A_733 = arith.constant 3 : i32
    %mul3A_734 = vector.broadcast %mul3A_733 : i32 to vector<16xi32>
    %mul3A_735 = arith.muli %shift_right_logical3A_631, %mul3A_734 : vector<16xi32>
    %get3A_736 = arith.constant 384 : index
    %get3A_737 = tpu.vector_load %arg15[%get3A_736] {strides = array<i32>} : memref<1152xf32, #tpu.memory_space<vmem>>, vector<16xf32>,
    tpu.vector_store_idx %arg17[%shift_right_logical3A_631], %get3A_737 {add = true} : memref<5120xf32, #tpu.memory_space<vmem>>[vector<16xi32>], vector<16xf32>,
    %add3A_738 = arith.constant 0 : i32
    %add3A_739 = vector.broadcast %add3A_738 : i32 to vector<16xi32>
    %add3A_740 = arith.addi %mul3A_735, %add3A_739 : vector<16xi32>
    %gather3A_741 = tpu.vector_load_idx %arg13[%add3A_740] : memref<15104xf32, #tpu.memory_space<vmem>>[vector<16xi32>], vector<16xf32>,
    %add3A_742 = arith.constant 0 : i32
    %add3A_743 = vector.broadcast %add3A_742 : i32 to vector<16xi32>
    %add3A_744 = arith.addi %mul3A_732, %add3A_743 : vector<16xi32>
    %gather3A_745 = tpu.vector_load_idx %arg13[%add3A_744] : memref<15104xf32, #tpu.memory_space<vmem>>[vector<16xi32>], vector<16xf32>,
    %sub3A_746 = arith.subf %gather3A_741, %gather3A_745 : vector<16xf32>
    %swap3A_747 = arith.constant 384 : index
    %swap3A_748 = tpu.vector_load %arg16[%swap3A_747] {strides = array<i32>} : memref<1152xf32, #tpu.memory_space<vmem>>, vector<16xf32>,
    tpu.vector_store %arg16[%swap3A_747], %sub3A_746 {strides = array<i32>} : memref<1152xf32, #tpu.memory_space<vmem>>, vector<16xf32>,
    %get3A_749 = arith.constant 512 : index
    %get3A_750 = tpu.vector_load %arg15[%get3A_749] {strides = array<i32>} : memref<1152xf32, #tpu.memory_space<vmem>>, vector<16xf32>,
    tpu.vector_store_idx %arg18[%shift_right_logical3A_631], %get3A_750 {add = true} : memref<5120xf32, #tpu.memory_space<vmem>>[vector<16xi32>], vector<16xf32>,
    %add3A_751 = arith.constant 1 : i32
    %add3A_752 = vector.broadcast %add3A_751 : i32 to vector<16xi32>
    %add3A_753 = arith.addi %mul3A_735, %add3A_752 : vector<16xi32>
    %gather3A_754 = tpu.vector_load_idx %arg13[%add3A_753] : memref<15104xf32, #tpu.memory_space<vmem>>[vector<16xi32>], vector<16xf32>,
    %add3A_755 = arith.constant 1 : i32
    %add3A_756 = vector.broadcast %add3A_755 : i32 to vector<16xi32>
    %add3A_757 = arith.addi %mul3A_732, %add3A_756 : vector<16xi32>
    %gather3A_758 = tpu.vector_load_idx %arg13[%add3A_757] : memref<15104xf32, #tpu.memory_space<vmem>>[vector<16xi32>], vector<16xf32>,
    %sub3A_759 = arith.subf %gather3A_754, %gather3A_758 : vector<16xf32>
    %swap3A_760 = arith.constant 512 : index
    %swap3A_761 = tpu.vector_load %arg16[%swap3A_760] {strides = array<i32>} : memref<1152xf32, #tpu.memory_space<vmem>>, vector<16xf32>,
    tpu.vector_store %arg16[%swap3A_760], %sub3A_759 {strides = array<i32>} : memref<1152xf32, #tpu.memory_space<vmem>>, vector<16xf32>,
    %get3A_762 = arith.constant 640 : index
    %get3A_763 = tpu.vector_load %arg15[%get3A_762] {strides = array<i32>} : memref<1152xf32, #tpu.memory_space<vmem>>, vector<16xf32>,
    tpu.vector_store_idx %arg19[%shift_right_logical3A_631], %get3A_763 {add = true} : memref<5120xf32, #tpu.memory_space<vmem>>[vector<16xi32>], vector<16xf32>,
    %add3A_764 = arith.constant 2 : i32
    %add3A_765 = vector.broadcast %add3A_764 : i32 to vector<16xi32>
    %add3A_766 = arith.addi %mul3A_735, %add3A_765 : vector<16xi32>
    %gather3A_767 = tpu.vector_load_idx %arg13[%add3A_766] : memref<15104xf32, #tpu.memory_space<vmem>>[vector<16xi32>], vector<16xf32>,
    %add3A_768 = arith.constant 2 : i32
    %add3A_769 = vector.broadcast %add3A_768 : i32 to vector<16xi32>
    %add3A_770 = arith.addi %mul3A_732, %add3A_769 : vector<16xi32>
    %gather3A_771 = tpu.vector_load_idx %arg13[%add3A_770] : memref<15104xf32, #tpu.memory_space<vmem>>[vector<16xi32>], vector<16xf32>,
    %sub3A_772 = arith.subf %gather3A_767, %gather3A_771 : vector<16xf32>
    %swap3A_773 = arith.constant 640 : index
    %swap3A_774 = tpu.vector_load %arg16[%swap3A_773] {strides = array<i32>} : memref<1152xf32, #tpu.memory_space<vmem>>, vector<16xf32>,
    tpu.vector_store %arg16[%swap3A_773], %sub3A_772 {strides = array<i32>} : memref<1152xf32, #tpu.memory_space<vmem>>, vector<16xf32>,
    %get3A_775 = arith.constant 9936 : index
    %get3A_776 = tpu.vector_load %arg10[%get3A_775] {strides = array<i32>} : memref<10000xi32, #tpu.memory_space<vmem>>, vector<16xi32>,
    %shift_right_logical3A_777 = arith.constant 1 : i32
    %shift_right_logical3A_778 = vector.broadcast %shift_right_logical3A_777 : i32 to vector<16xi32>
    %shift_right_logical3A_779 = arith.shrui %get3A_776, %shift_right_logical3A_778 : vector<16xi32>
    %mul3A_780 = arith.constant 3 : i32
    %mul3A_781 = vector.broadcast %mul3A_780 : i32 to vector<16xi32>
    %mul3A_782 = arith.muli %shift_right_logical3A_779, %mul3A_781 : vector<16xi32>
    %mul3A_783 = arith.constant 3 : i32
    %mul3A_784 = vector.broadcast %mul3A_783 : i32 to vector<16xi32>
    %mul3A_785 = arith.muli %shift_right_logical3A_642, %mul3A_784 : vector<16xi32>
    %get3A_786 = arith.constant 400 : index
    %get3A_787 = tpu.vector_load %arg15[%get3A_786] {strides = array<i32>} : memref<1152xf32, #tpu.memory_space<vmem>>, vector<16xf32>,
    tpu.vector_store_idx %arg17[%shift_right_logical3A_642], %get3A_787 {add = true} : memref<5120xf32, #tpu.memory_space<vmem>>[vector<16xi32>], vector<16xf32>,
    %add3A_788 = arith.constant 0 : i32
    %add3A_789 = vector.broadcast %add3A_788 : i32 to vector<16xi32>
    %add3A_790 = arith.addi %mul3A_785, %add3A_789 : vector<16xi32>
    %gather3A_791 = tpu.vector_load_idx %arg13[%add3A_790] : memref<15104xf32, #tpu.memory_space<vmem>>[vector<16xi32>], vector<16xf32>,
    %add3A_792 = arith.constant 0 : i32
    %add3A_793 = vector.broadcast %add3A_792 : i32 to vector<16xi32>
    %add3A_794 = arith.addi %mul3A_782, %add3A_793 : vector<16xi32>
    %gather3A_795 = tpu.vector_load_idx %arg13[%add3A_794] : memref<15104xf32, #tpu.memory_space<vmem>>[vector<16xi32>], vector<16xf32>,
    %sub3A_796 = arith.subf %gather3A_791, %gather3A_795 : vector<16xf32>
    %swap3A_797 = arith.constant 400 : index
    %swap3A_798 = tpu.vector_load %arg16[%swap3A_797] {strides = array<i32>} : memref<1152xf32, #tpu.memory_space<vmem>>, vector<16xf32>,
    tpu.vector_store %arg16[%swap3A_797], %sub3A_796 {strides = array<i32>} : memref<1152xf32, #tpu.memory_space<vmem>>, vector<16xf32>,
    %get3A_799 = arith.constant 528 : index
    %get3A_800 = tpu.vector_load %arg15[%get3A_799] {strides = array<i32>} : memref<1152xf32, #tpu.memory_space<vmem>>, vector<16xf32>,
    tpu.vector_store_idx %arg18[%shift_right_logical3A_642], %get3A_800 {add = true} : memref<5120xf32, #tpu.memory_space<vmem>>[vector<16xi32>], vector<16xf32>,
    %add3A_801 = arith.constant 1 : i32
    %add3A_802 = vector.broadcast %add3A_801 : i32 to vector<16xi32>
    %add3A_803 = arith.addi %mul3A_785, %add3A_802 : vector<16xi32>
    %gather3A_804 = tpu.vector_load_idx %arg13[%add3A_803] : memref<15104xf32, #tpu.memory_space<vmem>>[vector<16xi32>], vector<16xf32>,
    %add3A_805 = arith.constant 1 : i32
    %add3A_806 = vector.broadcast %add3A_805 : i32 to vector<16xi32>
    %add3A_807 = arith.addi %mul3A_782, %add3A_806 : vector<16xi32>
    %gather3A_808 = tpu.vector_load_idx %arg13[%add3A_807] : memref<15104xf32, #tpu.memory_space<vmem>>[vector<16xi32>], vector<16xf32>,
    %sub3A_809 = arith.subf %gather3A_804, %gather3A_808 : vector<16xf32>
    %swap3A_810 = arith.constant 528 : index
    %swap3A_811 = tpu.vector_load %arg16[%swap3A_810] {strides = array<i32>} : memref<1152xf32, #tpu.memory_space<vmem>>, vector<16xf32>,
    tpu.vector_store %arg16[%swap3A_810], %sub3A_809 {strides = array<i32>} : memref<1152xf32, #tpu.memory_space<vmem>>, vector<16xf32>,
    %get3A_812 = arith.constant 656 : index
    %get3A_813 = tpu.vector_load %arg15[%get3A_812] {strides = array<i32>} : memref<1152xf32, #tpu.memory_space<vmem>>, vector<16xf32>,
    tpu.vector_store_idx %arg19[%shift_right_logical3A_642], %get3A_813 {add = true} : memref<5120xf32, #tpu.memory_space<vmem>>[vector<16xi32>], vector<16xf32>,
    %add3A_814 = arith.constant 2 : i32
    %add3A_815 = vector.broadcast %add3A_814 : i32 to vector<16xi32>
    %add3A_816 = arith.addi %mul3A_785, %add3A_815 : vector<16xi32>
    %gather3A_817 = tpu.vector_load_idx %arg13[%add3A_816] : memref<15104xf32, #tpu.memory_space<vmem>>[vector<16xi32>], vector<16xf32>,
    %add3A_818 = arith.constant 2 : i32
    %add3A_819 = vector.broadcast %add3A_818 : i32 to vector<16xi32>
    %add3A_820 = arith.addi %mul3A_782, %add3A_819 : vector<16xi32>
    %gather3A_821 = tpu.vector_load_idx %arg13[%add3A_820] : memref<15104xf32, #tpu.memory_space<vmem>>[vector<16xi32>], vector<16xf32>,
    %sub3A_822 = arith.subf %gather3A_817, %gather3A_821 : vector<16xf32>
    %swap3A_823 = arith.constant 656 : index
    %swap3A_824 = tpu.vector_load %arg16[%swap3A_823] {strides = array<i32>} : memref<1152xf32, #tpu.memory_space<vmem>>, vector<16xf32>,
    tpu.vector_store %arg16[%swap3A_823], %sub3A_822 {strides = array<i32>} : memref<1152xf32, #tpu.memory_space<vmem>>, vector<16xf32>,
    %get3A_825 = arith.constant 9952 : index
    %get3A_826 = tpu.vector_load %arg10[%get3A_825] {strides = array<i32>} : memref<10000xi32, #tpu.memory_space<vmem>>, vector<16xi32>,
    %shift_right_logical3A_827 = arith.constant 1 : i32
    %shift_right_logical3A_828 = vector.broadcast %shift_right_logical3A_827 : i32 to vector<16xi32>
    %shift_right_logical3A_829 = arith.shrui %get3A_826, %shift_right_logical3A_828 : vector<16xi32>
    %mul3A_830 = arith.constant 3 : i32
    %mul3A_831 = vector.broadcast %mul3A_830 : i32 to vector<16xi32>
    %mul3A_832 = arith.muli %shift_right_logical3A_829, %mul3A_831 : vector<16xi32>
    %mul3A_833 = arith.constant 3 : i32
    %mul3A_834 = vector.broadcast %mul3A_833 : i32 to vector<16xi32>
    %mul3A_835 = arith.muli %shift_right_logical3A_653, %mul3A_834 : vector<16xi32>
    %get3A_836 = arith.constant 416 : index
    %get3A_837 = tpu.vector_load %arg15[%get3A_836] {strides = array<i32>} : memref<1152xf32, #tpu.memory_space<vmem>>, vector<16xf32>,
    tpu.vector_store_idx %arg17[%shift_right_logical3A_653], %get3A_837 {add = true} : memref<5120xf32, #tpu.memory_space<vmem>>[vector<16xi32>], vector<16xf32>,
    %add3A_838 = arith.constant 0 : i32
    %add3A_839 = vector.broadcast %add3A_838 : i32 to vector<16xi32>
    %add3A_840 = arith.addi %mul3A_835, %add3A_839 : vector<16xi32>
    %gather3A_841 = tpu.vector_load_idx %arg13[%add3A_840] : memref<15104xf32, #tpu.memory_space<vmem>>[vector<16xi32>], vector<16xf32>,
    %add3A_842 = arith.constant 0 : i32
    %add3A_843 = vector.broadcast %add3A_842 : i32 to vector<16xi32>
    %add3A_844 = arith.addi %mul3A_832, %add3A_843 : vector<16xi32>
    %gather3A_845 = tpu.vector_load_idx %arg13[%add3A_844] : memref<15104xf32, #tpu.memory_space<vmem>>[vector<16xi32>], vector<16xf32>,
    %sub3A_846 = arith.subf %gather3A_841, %gather3A_845 : vector<16xf32>
    %swap3A_847 = arith.constant 416 : index
    %swap3A_848 = tpu.vector_load %arg16[%swap3A_847] {strides = array<i32>} : memref<1152xf32, #tpu.memory_space<vmem>>, vector<16xf32>,
    tpu.vector_store %arg16[%swap3A_847], %sub3A_846 {strides = array<i32>} : memref<1152xf32, #tpu.memory_space<vmem>>, vector<16xf32>,
    %get3A_849 = arith.constant 544 : index
    %get3A_850 = tpu.vector_load %arg15[%get3A_849] {strides = array<i32>} : memref<1152xf32, #tpu.memory_space<vmem>>, vector<16xf32>,
    tpu.vector_store_idx %arg18[%shift_right_logical3A_653], %get3A_850 {add = true} : memref<5120xf32, #tpu.memory_space<vmem>>[vector<16xi32>], vector<16xf32>,
    %add3A_851 = arith.constant 1 : i32
    %add3A_852 = vector.broadcast %add3A_851 : i32 to vector<16xi32>
    %add3A_853 = arith.addi %mul3A_835, %add3A_852 : vector<16xi32>
    %gather3A_854 = tpu.vector_load_idx %arg13[%add3A_853] : memref<15104xf32, #tpu.memory_space<vmem>>[vector<16xi32>], vector<16xf32>,
    %add3A_855 = arith.constant 1 : i32
    %add3A_856 = vector.broadcast %add3A_855 : i32 to vector<16xi32>
    %add3A_857 = arith.addi %mul3A_832, %add3A_856 : vector<16xi32>
    %gather3A_858 = tpu.vector_load_idx %arg13[%add3A_857] : memref<15104xf32, #tpu.memory_space<vmem>>[vector<16xi32>], vector<16xf32>,
    %sub3A_859 = arith.subf %gather3A_854, %gather3A_858 : vector<16xf32>
    %swap3A_860 = arith.constant 544 : index
    %swap3A_861 = tpu.vector_load %arg16[%swap3A_860] {strides = array<i32>} : memref<1152xf32, #tpu.memory_space<vmem>>, vector<16xf32>,
    tpu.vector_store %arg16[%swap3A_860], %sub3A_859 {strides = array<i32>} : memref<1152xf32, #tpu.memory_space<vmem>>, vector<16xf32>,
    %get3A_862 = arith.constant 672 : index
    %get3A_863 = tpu.vector_load %arg15[%get3A_862] {strides = array<i32>} : memref<1152xf32, #tpu.memory_space<vmem>>, vector<16xf32>,
    tpu.vector_store_idx %arg19[%shift_right_logical3A_653], %get3A_863 {add = true} : memref<5120xf32, #tpu.memory_space<vmem>>[vector<16xi32>], vector<16xf32>,
    %add3A_864 = arith.constant 2 : i32
    %add3A_865 = vector.broadcast %add3A_864 : i32 to vector<16xi32>
    %add3A_866 = arith.addi %mul3A_835, %add3A_865 : vector<16xi32>
    %gather3A_867 = tpu.vector_load_idx %arg13[%add3A_866] : memref<15104xf32, #tpu.memory_space<vmem>>[vector<16xi32>], vector<16xf32>,
    %add3A_868 = arith.constant 2 : i32
    %add3A_869 = vector.broadcast %add3A_868 : i32 to vector<16xi32>
    %add3A_870 = arith.addi %mul3A_832, %add3A_869 : vector<16xi32>
    %gather3A_871 = tpu.vector_load_idx %arg13[%add3A_870] : memref<15104xf32, #tpu.memory_space<vmem>>[vector<16xi32>], vector<16xf32>,
    %sub3A_872 = arith.subf %gather3A_867, %gather3A_871 : vector<16xf32>
    %swap3A_873 = arith.constant 672 : index
    %swap3A_874 = tpu.vector_load %arg16[%swap3A_873] {strides = array<i32>} : memref<1152xf32, #tpu.memory_space<vmem>>, vector<16xf32>,
    tpu.vector_store %arg16[%swap3A_873], %sub3A_872 {strides = array<i32>} : memref<1152xf32, #tpu.memory_space<vmem>>, vector<16xf32>,
    %get3A_875 = arith.constant 9968 : index
    %get3A_876 = tpu.vector_load %arg10[%get3A_875] {strides = array<i32>} : memref<10000xi32, #tpu.memory_space<vmem>>, vector<16xi32>,
    %shift_right_logical3A_877 = arith.constant 1 : i32
    %shift_right_logical3A_878 = vector.broadcast %shift_right_logical3A_877 : i32 to vector<16xi32>
    %shift_right_logical3A_879 = arith.shrui %get3A_876, %shift_right_logical3A_878 : vector<16xi32>
    %mul3A_880 = arith.constant 3 : i32
    %mul3A_881 = vector.broadcast %mul3A_880 : i32 to vector<16xi32>
    %mul3A_882 = arith.muli %shift_right_logical3A_879, %mul3A_881 : vector<16xi32>
    %mul3A_883 = arith.constant 3 : i32
    %mul3A_884 = vector.broadcast %mul3A_883 : i32 to vector<16xi32>
    %mul3A_885 = arith.muli %shift_right_logical3A_664, %mul3A_884 : vector<16xi32>
    %get3A_886 = arith.constant 432 : index
    %get3A_887 = tpu.vector_load %arg15[%get3A_886] {strides = array<i32>} : memref<1152xf32, #tpu.memory_space<vmem>>, vector<16xf32>,
    tpu.vector_store_idx %arg17[%shift_right_logical3A_664], %get3A_887 {add = true} : memref<5120xf32, #tpu.memory_space<vmem>>[vector<16xi32>], vector<16xf32>,
    %add3A_888 = arith.constant 0 : i32
    %add3A_889 = vector.broadcast %add3A_888 : i32 to vector<16xi32>
    %add3A_890 = arith.addi %mul3A_885, %add3A_889 : vector<16xi32>
    %gather3A_891 = tpu.vector_load_idx %arg13[%add3A_890] : memref<15104xf32, #tpu.memory_space<vmem>>[vector<16xi32>], vector<16xf32>,
    %add3A_892 = arith.constant 0 : i32
    %add3A_893 = vector.broadcast %add3A_892 : i32 to vector<16xi32>
    %add3A_894 = arith.addi %mul3A_882, %add3A_893 : vector<16xi32>
    %gather3A_895 = tpu.vector_load_idx %arg13[%add3A_894] : memref<15104xf32, #tpu.memory_space<vmem>>[vector<16xi32>], vector<16xf32>,
    %sub3A_896 = arith.subf %gather3A_891, %gather3A_895 : vector<16xf32>
    %swap3A_897 = arith.constant 432 : index
    %swap3A_898 = tpu.vector_load %arg16[%swap3A_897] {strides = array<i32>} : memref<1152xf32, #tpu.memory_space<vmem>>, vector<16xf32>,
    tpu.vector_store %arg16[%swap3A_897], %sub3A_896 {strides = array<i32>} : memref<1152xf32, #tpu.memory_space<vmem>>, vector<16xf32>,
    %get3A_899 = arith.constant 560 : index
    %get3A_900 = tpu.vector_load %arg15[%get3A_899] {strides = array<i32>} : memref<1152xf32, #tpu.memory_space<vmem>>, vector<16xf32>,
    tpu.vector_store_idx %arg18[%shift_right_logical3A_664], %get3A_900 {add = true} : memref<5120xf32, #tpu.memory_space<vmem>>[vector<16xi32>], vector<16xf32>,
    %add3A_901 = arith.constant 1 : i32
    %add3A_902 = vector.broadcast %add3A_901 : i32 to vector<16xi32>
    %add3A_903 = arith.addi %mul3A_885, %add3A_902 : vector<16xi32>
    %gather3A_904 = tpu.vector_load_idx %arg13[%add3A_903] : memref<15104xf32, #tpu.memory_space<vmem>>[vector<16xi32>], vector<16xf32>,
    %add3A_905 = arith.constant 1 : i32
    %add3A_906 = vector.broadcast %add3A_905 : i32 to vector<16xi32>
    %add3A_907 = arith.addi %mul3A_882, %add3A_906 : vector<16xi32>
    %gather3A_908 = tpu.vector_load_idx %arg13[%add3A_907] : memref<15104xf32, #tpu.memory_space<vmem>>[vector<16xi32>], vector<16xf32>,
    %sub3A_909 = arith.subf %gather3A_904, %gather3A_908 : vector<16xf32>
    %swap3A_910 = arith.constant 560 : index
    %swap3A_911 = tpu.vector_load %arg16[%swap3A_910] {strides = array<i32>} : memref<1152xf32, #tpu.memory_space<vmem>>, vector<16xf32>,
    tpu.vector_store %arg16[%swap3A_910], %sub3A_909 {strides = array<i32>} : memref<1152xf32, #tpu.memory_space<vmem>>, vector<16xf32>,
    %get3A_912 = arith.constant 688 : index
    %get3A_913 = tpu.vector_load %arg15[%get3A_912] {strides = array<i32>} : memref<1152xf32, #tpu.memory_space<vmem>>, vector<16xf32>,
    tpu.vector_store_idx %arg19[%shift_right_logical3A_664], %get3A_913 {add = true} : memref<5120xf32, #tpu.memory_space<vmem>>[vector<16xi32>], vector<16xf32>,
    %add3A_914 = arith.constant 2 : i32
    %add3A_915 = vector.broadcast %add3A_914 : i32 to vector<16xi32>
    %add3A_916 = arith.addi %mul3A_885, %add3A_915 : vector<16xi32>
    %gather3A_917 = tpu.vector_load_idx %arg13[%add3A_916] : memref<15104xf32, #tpu.memory_space<vmem>>[vector<16xi32>], vector<16xf32>,
    %add3A_918 = arith.constant 2 : i32
    %add3A_919 = vector.broadcast %add3A_918 : i32 to vector<16xi32>
    %add3A_920 = arith.addi %mul3A_882, %add3A_919 : vector<16xi32>
    %gather3A_921 = tpu.vector_load_idx %arg13[%add3A_920] : memref<15104xf32, #tpu.memory_space<vmem>>[vector<16xi32>], vector<16xf32>,
    %sub3A_922 = arith.subf %gather3A_917, %gather3A_921 : vector<16xf32>
    %swap3A_923 = arith.constant 688 : index
    %swap3A_924 = tpu.vector_load %arg16[%swap3A_923] {strides = array<i32>} : memref<1152xf32, #tpu.memory_space<vmem>>, vector<16xf32>,
    tpu.vector_store %arg16[%swap3A_923], %sub3A_922 {strides = array<i32>} : memref<1152xf32, #tpu.memory_space<vmem>>, vector<16xf32>,
    %get3A_925 = arith.constant 9984 : index
    %get3A_926 = tpu.vector_load %arg10[%get3A_925] {strides = array<i32>} : memref<10000xi32, #tpu.memory_space<vmem>>, vector<16xi32>,
    %shift_right_logical3A_927 = arith.constant 1 : i32
    %shift_right_logical3A_928 = vector.broadcast %shift_right_logical3A_927 : i32 to vector<16xi32>
    %shift_right_logical3A_929 = arith.shrui %get3A_926, %shift_right_logical3A_928 : vector<16xi32>
    %mul3A_930 = arith.constant 3 : i32
    %mul3A_931 = vector.broadcast %mul3A_930 : i32 to vector<16xi32>
    %mul3A_932 = arith.muli %shift_right_logical3A_929, %mul3A_931 : vector<16xi32>
    %mul3A_933 = arith.constant 3 : i32
    %mul3A_934 = vector.broadcast %mul3A_933 : i32 to vector<16xi32>
    %mul3A_935 = arith.muli %shift_right_logical3A_675, %mul3A_934 : vector<16xi32>
    %get3A_936 = arith.constant 448 : index
    %get3A_937 = tpu.vector_load %arg15[%get3A_936] {strides = array<i32>} : memref<1152xf32, #tpu.memory_space<vmem>>, vector<16xf32>,
    tpu.vector_store_idx %arg17[%shift_right_logical3A_675], %get3A_937 {add = true} : memref<5120xf32, #tpu.memory_space<vmem>>[vector<16xi32>], vector<16xf32>,
    %add3A_938 = arith.constant 0 : i32
    %add3A_939 = vector.broadcast %add3A_938 : i32 to vector<16xi32>
    %add3A_940 = arith.addi %mul3A_935, %add3A_939 : vector<16xi32>
    %gather3A_941 = tpu.vector_load_idx %arg13[%add3A_940] : memref<15104xf32, #tpu.memory_space<vmem>>[vector<16xi32>], vector<16xf32>,
    %add3A_942 = arith.constant 0 : i32
    %add3A_943 = vector.broadcast %add3A_942 : i32 to vector<16xi32>
    %add3A_944 = arith.addi %mul3A_932, %add3A_943 : vector<16xi32>
    %gather3A_945 = tpu.vector_load_idx %arg13[%add3A_944] : memref<15104xf32, #tpu.memory_space<vmem>>[vector<16xi32>], vector<16xf32>,
    %sub3A_946 = arith.subf %gather3A_941, %gather3A_945 : vector<16xf32>
    %swap3A_947 = arith.constant 448 : index
    %swap3A_948 = tpu.vector_load %arg16[%swap3A_947] {strides = array<i32>} : memref<1152xf32, #tpu.memory_space<vmem>>, vector<16xf32>,
    tpu.vector_store %arg16[%swap3A_947], %sub3A_946 {strides = array<i32>} : memref<1152xf32, #tpu.memory_space<vmem>>, vector<16xf32>,
    %get3A_949 = arith.constant 576 : index
    %get3A_950 = tpu.vector_load %arg15[%get3A_949] {strides = array<i32>} : memref<1152xf32, #tpu.memory_space<vmem>>, vector<16xf32>,
    tpu.vector_store_idx %arg18[%shift_right_logical3A_675], %get3A_950 {add = true} : memref<5120xf32, #tpu.memory_space<vmem>>[vector<16xi32>], vector<16xf32>,
    %add3A_951 = arith.constant 1 : i32
    %add3A_952 = vector.broadcast %add3A_951 : i32 to vector<16xi32>
    %add3A_953 = arith.addi %mul3A_935, %add3A_952 : vector<16xi32>
    %gather3A_954 = tpu.vector_load_idx %arg13[%add3A_953] : memref<15104xf32, #tpu.memory_space<vmem>>[vector<16xi32>], vector<16xf32>,
    %add3A_955 = arith.constant 1 : i32
    %add3A_956 = vector.broadcast %add3A_955 : i32 to vector<16xi32>
    %add3A_957 = arith.addi %mul3A_932, %add3A_956 : vector<16xi32>
    %gather3A_958 = tpu.vector_load_idx %arg13[%add3A_957] : memref<15104xf32, #tpu.memory_space<vmem>>[vector<16xi32>], vector<16xf32>,
    %sub3A_959 = arith.subf %gather3A_954, %gather3A_958 : vector<16xf32>
    %swap3A_960 = arith.constant 576 : index
    %swap3A_961 = tpu.vector_load %arg16[%swap3A_960] {strides = array<i32>} : memref<1152xf32, #tpu.memory_space<vmem>>, vector<16xf32>,
    tpu.vector_store %arg16[%swap3A_960], %sub3A_959 {strides = array<i32>} : memref<1152xf32, #tpu.memory_space<vmem>>, vector<16xf32>,
    %get3A_962 = arith.constant 704 : index
    %get3A_963 = tpu.vector_load %arg15[%get3A_962] {strides = array<i32>} : memref<1152xf32, #tpu.memory_space<vmem>>, vector<16xf32>,
    tpu.vector_store_idx %arg19[%shift_right_logical3A_675], %get3A_963 {add = true} : memref<5120xf32, #tpu.memory_space<vmem>>[vector<16xi32>], vector<16xf32>,
    %add3A_964 = arith.constant 2 : i32
    %add3A_965 = vector.broadcast %add3A_964 : i32 to vector<16xi32>
    %add3A_966 = arith.addi %mul3A_935, %add3A_965 : vector<16xi32>
    %gather3A_967 = tpu.vector_load_idx %arg13[%add3A_966] : memref<15104xf32, #tpu.memory_space<vmem>>[vector<16xi32>], vector<16xf32>,
    %add3A_968 = arith.constant 2 : i32
    %add3A_969 = vector.broadcast %add3A_968 : i32 to vector<16xi32>
    %add3A_970 = arith.addi %mul3A_932, %add3A_969 : vector<16xi32>
    %gather3A_971 = tpu.vector_load_idx %arg13[%add3A_970] : memref<15104xf32, #tpu.memory_space<vmem>>[vector<16xi32>], vector<16xf32>,
    %sub3A_972 = arith.subf %gather3A_967, %gather3A_971 : vector<16xf32>
    %swap3A_973 = arith.constant 704 : index
    %swap3A_974 = tpu.vector_load %arg16[%swap3A_973] {strides = array<i32>} : memref<1152xf32, #tpu.memory_space<vmem>>, vector<16xf32>,
    tpu.vector_store %arg16[%swap3A_973], %sub3A_972 {strides = array<i32>} : memref<1152xf32, #tpu.memory_space<vmem>>, vector<16xf32>,
    %add3A_975 = arith.constant 0 : i32
    %add3A_976 = arith.addi %add3A_975, %mul3A_2 : i32
    %add3A_977 = arith.constant 9920 : i32
    %add3A_978 = arith.addi %add3A_976, %add3A_977 : i32
    %dma_start3A_979 = arith.constant 384 : i32
    %dma_start3A_980 = tpu.memref_slice %arg16[%dma_start3A_979] : memref<1152xf32, #tpu.memory_space<vmem>> -> memref<80xf32, #tpu.memory_space<vmem>>
    %dma_start3A_981 = tpu.memref_slice %arg9[%add3A_978] : memref<960000xf32, #tpu.memory_space<hbm>> -> memref<80xf32, #tpu.memory_space<hbm>>
    %dma_start3A_982 = tpu.memref_slice %arg9[%add3A_978] : memref<960000xf32, #tpu.memory_space<hbm>> -> memref<80xf32, #tpu.memory_space<hbm>>
    %dma_start3A_983 = arith.constant 384 : i32
    %dma_start3A_984 = tpu.memref_slice %arg16[%dma_start3A_983] : memref<1152xf32, #tpu.memory_space<vmem>> -> memref<80xf32, #tpu.memory_space<vmem>>
    tpu.enqueue_dma source(%dma_start3A_984 : memref<80xf32, #tpu.memory_space<vmem>>) target(%dma_start3A_982 : memref<80xf32, #tpu.memory_space<hbm>>) target_semaphore(%arg28 : memref<!tpu.dma_semaphore, #tpu.memory_space<semaphore_mem>>)
    %add3A_985 = arith.constant 320000 : i32
    %add3A_986 = arith.addi %add3A_985, %mul3A_2 : i32
    %add3A_987 = arith.constant 9920 : i32
    %add3A_988 = arith.addi %add3A_986, %add3A_987 : i32
    %dma_start3A_989 = arith.constant 512 : i32
    %dma_start3A_990 = tpu.memref_slice %arg16[%dma_start3A_989] : memref<1152xf32, #tpu.memory_space<vmem>> -> memref<80xf32, #tpu.memory_space<vmem>>
    %dma_start3A_991 = tpu.memref_slice %arg9[%add3A_988] : memref<960000xf32, #tpu.memory_space<hbm>> -> memref<80xf32, #tpu.memory_space<hbm>>
    %dma_start3A_992 = tpu.memref_slice %arg9[%add3A_988] : memref<960000xf32, #tpu.memory_space<hbm>> -> memref<80xf32, #tpu.memory_space<hbm>>
    %dma_start3A_993 = arith.constant 512 : i32
    %dma_start3A_994 = tpu.memref_slice %arg16[%dma_start3A_993] : memref<1152xf32, #tpu.memory_space<vmem>> -> memref<80xf32, #tpu.memory_space<vmem>>
    tpu.enqueue_dma source(%dma_start3A_994 : memref<80xf32, #tpu.memory_space<vmem>>) target(%dma_start3A_992 : memref<80xf32, #tpu.memory_space<hbm>>) target_semaphore(%arg28 : memref<!tpu.dma_semaphore, #tpu.memory_space<semaphore_mem>>)
    %add3A_995 = arith.constant 640000 : i32
    %add3A_996 = arith.addi %add3A_995, %mul3A_2 : i32
    %add3A_997 = arith.constant 9920 : i32
    %add3A_998 = arith.addi %add3A_996, %add3A_997 : i32
    %dma_start3A_999 = arith.constant 640 : i32
    %dma_start3A_1000 = tpu.memref_slice %arg16[%dma_start3A_999] : memref<1152xf32, #tpu.memory_space<vmem>> -> memref<80xf32, #tpu.memory_space<vmem>>
    %dma_start3A_1001 = tpu.memref_slice %arg9[%add3A_998] : memref<960000xf32, #tpu.memory_space<hbm>> -> memref<80xf32, #tpu.memory_space<hbm>>
    %dma_start3A_1002 = tpu.memref_slice %arg9[%add3A_998] : memref<960000xf32, #tpu.memory_space<hbm>> -> memref<80xf32, #tpu.memory_space<hbm>>
    %dma_start3A_1003 = arith.constant 640 : i32
    %dma_start3A_1004 = tpu.memref_slice %arg16[%dma_start3A_1003] : memref<1152xf32, #tpu.memory_space<vmem>> -> memref<80xf32, #tpu.memory_space<vmem>>
    tpu.enqueue_dma source(%dma_start3A_1004 : memref<80xf32, #tpu.memory_space<vmem>>) target(%dma_start3A_1002 : memref<80xf32, #tpu.memory_space<hbm>>) target_semaphore(%arg28 : memref<!tpu.dma_semaphore, #tpu.memory_space<semaphore_mem>>)
    %dma_wait3A_1005 = arith.constant 1 : i32
    %dma_wait3A_1006 = arith.constant 1 : i32
    %dma_wait3A_1007 = arith.constant 0 : i32
    %dma_wait3A_1008 = arith.constant 0 : i32
    %dma_wait3A_1009 = arith.constant 0 : i32
    %dma_wait3A_1010 = tpu.memref_slice %arg14[%dma_wait3A_1005, %dma_wait3A_1008, %dma_wait3A_1009] : memref<3x80x128xf32, #tpu.memory_space<vmem>> -> memref<1x80x128xf32, #tpu.memory_space<vmem>>
    %dma_wait3A_1011 = tpu.memref_squeeze %dma_wait3A_1010 : memref<1x80x128xf32, #tpu.memory_space<vmem>> -> memref<80x128xf32, #tpu.memory_space<vmem>>
    %dma_wait3A_1012 = arith.constant 0 : i32
    %dma_wait3A_1013 = tpu.memref_slice %arg12[%dma_wait3A_1006, %dma_wait3A_1007, %dma_wait3A_1012] : memref<3x1x80xi32, #tpu.memory_space<vmem>> -> memref<1x1x80xi32, #tpu.memory_space<vmem>>
    %dma_wait3A_1014 = tpu.memref_squeeze %dma_wait3A_1013 : memref<1x1x80xi32, #tpu.memory_space<vmem>> -> memref<80xi32, #tpu.memory_space<vmem>>
    %dma_wait3A_1015 = arith.constant 0 : i32
    %dma_wait3A_1016 = arith.constant 0 : i32
    %dma_wait3A_1017 = tpu.memref_slice %arg20[%dma_wait3A_1015, %dma_wait3A_1016] : memref<5120x128xf32, #tpu.memory_space<vmem_shared>> -> memref<5120x128xf32, #tpu.memory_space<vmem_shared>>
    tpu.wait_indirect_dma semaphore(%arg25 : memref<!tpu.dma_semaphore, #tpu.memory_space<semaphore_mem>>) src(%dma_wait3A_1011 : memref<80x128xf32, #tpu.memory_space<vmem>>) dst(%dma_wait3A_1017 : memref<5120x128xf32, #tpu.memory_space<vmem_shared>>)
    %add3A_1018 = arith.constant 0 : i32
    %add3A_1019 = arith.addi %add3A_1018, %mul3A_2 : i32
    %add3A_1020 = arith.constant 9760 : i32
    %add3A_1021 = arith.addi %add3A_1019, %add3A_1020 : i32
    %dma_wait3A_1022 = arith.constant 768 : i32
    %dma_wait3A_1023 = tpu.memref_slice %arg16[%dma_wait3A_1022] : memref<1152xf32, #tpu.memory_space<vmem>> -> memref<80xf32, #tpu.memory_space<vmem>>
    %dma_wait3A_1024 = tpu.memref_slice %arg9[%add3A_1021] : memref<960000xf32, #tpu.memory_space<hbm>> -> memref<80xf32, #tpu.memory_space<hbm>>
    %dma_wait3A_1025 = tpu.memref_slice %arg9[%add3A_1021] : memref<960000xf32, #tpu.memory_space<hbm>> -> memref<80xf32, #tpu.memory_space<hbm>>
    %dma_wait3A_1026 = arith.constant 768 : i32
    %dma_wait3A_1027 = tpu.memref_slice %arg16[%dma_wait3A_1026] : memref<1152xf32, #tpu.memory_space<vmem>> -> memref<80xf32, #tpu.memory_space<vmem>>
    tpu.wait_dma2 semaphore(%arg29 : memref<!tpu.dma_semaphore, #tpu.memory_space<semaphore_mem>>) src(%dma_wait3A_1027 : memref<80xf32, #tpu.memory_space<vmem>>) dst(%dma_wait3A_1025 : memref<80xf32, #tpu.memory_space<hbm>>)
    %add3A_1028 = arith.constant 320000 : i32
    %add3A_1029 = arith.addi %add3A_1028, %mul3A_2 : i32
    %add3A_1030 = arith.constant 9760 : i32
    %add3A_1031 = arith.addi %add3A_1029, %add3A_1030 : i32
    %dma_wait3A_1032 = arith.constant 896 : i32
    %dma_wait3A_1033 = tpu.memref_slice %arg16[%dma_wait3A_1032] : memref<1152xf32, #tpu.memory_space<vmem>> -> memref<80xf32, #tpu.memory_space<vmem>>
    %dma_wait3A_1034 = tpu.memref_slice %arg9[%add3A_1031] : memref<960000xf32, #tpu.memory_space<hbm>> -> memref<80xf32, #tpu.memory_space<hbm>>
    %dma_wait3A_1035 = tpu.memref_slice %arg9[%add3A_1031] : memref<960000xf32, #tpu.memory_space<hbm>> -> memref<80xf32, #tpu.memory_space<hbm>>
    %dma_wait3A_1036 = arith.constant 896 : i32
    %dma_wait3A_1037 = tpu.memref_slice %arg16[%dma_wait3A_1036] : memref<1152xf32, #tpu.memory_space<vmem>> -> memref<80xf32, #tpu.memory_space<vmem>>
    tpu.wait_dma2 semaphore(%arg29 : memref<!tpu.dma_semaphore, #tpu.memory_space<semaphore_mem>>) src(%dma_wait3A_1037 : memref<80xf32, #tpu.memory_space<vmem>>) dst(%dma_wait3A_1035 : memref<80xf32, #tpu.memory_space<hbm>>)
    %add3A_1038 = arith.constant 640000 : i32
    %add3A_1039 = arith.addi %add3A_1038, %mul3A_2 : i32
    %add3A_1040 = arith.constant 9760 : i32
    %add3A_1041 = arith.addi %add3A_1039, %add3A_1040 : i32
    %dma_wait3A_1042 = arith.constant 1024 : i32
    %dma_wait3A_1043 = tpu.memref_slice %arg16[%dma_wait3A_1042] : memref<1152xf32, #tpu.memory_space<vmem>> -> memref<80xf32, #tpu.memory_space<vmem>>
    %dma_wait3A_1044 = tpu.memref_slice %arg9[%add3A_1041] : memref<960000xf32, #tpu.memory_space<hbm>> -> memref<80xf32, #tpu.memory_space<hbm>>
    %dma_wait3A_1045 = tpu.memref_slice %arg9[%add3A_1041] : memref<960000xf32, #tpu.memory_space<hbm>> -> memref<80xf32, #tpu.memory_space<hbm>>
    %dma_wait3A_1046 = arith.constant 1024 : i32
    %dma_wait3A_1047 = tpu.memref_slice %arg16[%dma_wait3A_1046] : memref<1152xf32, #tpu.memory_space<vmem>> -> memref<80xf32, #tpu.memory_space<vmem>>
    tpu.wait_dma2 semaphore(%arg29 : memref<!tpu.dma_semaphore, #tpu.memory_space<semaphore_mem>>) src(%dma_wait3A_1047 : memref<80xf32, #tpu.memory_space<vmem>>) dst(%dma_wait3A_1045 : memref<80xf32, #tpu.memory_space<hbm>>)
    %add3A_1048 = arith.constant 0 : i32
    %add3A_1049 = arith.addi %add3A_1048, %mul3A_2 : i32
    %add3A_1050 = arith.constant 9840 : i32
    %add3A_1051 = arith.addi %add3A_1049, %add3A_1050 : i32
    %dma_wait3A_1052 = arith.constant 0 : i32
    %dma_wait3A_1053 = tpu.memref_slice %arg16[%dma_wait3A_1052] : memref<1152xf32, #tpu.memory_space<vmem>> -> memref<80xf32, #tpu.memory_space<vmem>>
    %dma_wait3A_1054 = tpu.memref_slice %arg9[%add3A_1051] : memref<960000xf32, #tpu.memory_space<hbm>> -> memref<80xf32, #tpu.memory_space<hbm>>
    %dma_wait3A_1055 = tpu.memref_slice %arg9[%add3A_1051] : memref<960000xf32, #tpu.memory_space<hbm>> -> memref<80xf32, #tpu.memory_space<hbm>>
    %dma_wait3A_1056 = arith.constant 0 : i32
    %dma_wait3A_1057 = tpu.memref_slice %arg16[%dma_wait3A_1056] : memref<1152xf32, #tpu.memory_space<vmem>> -> memref<80xf32, #tpu.memory_space<vmem>>
    tpu.wait_dma2 semaphore(%arg27 : memref<!tpu.dma_semaphore, #tpu.memory_space<semaphore_mem>>) src(%dma_wait3A_1057 : memref<80xf32, #tpu.memory_space<vmem>>) dst(%dma_wait3A_1055 : memref<80xf32, #tpu.memory_space<hbm>>)
    %add3A_1058 = arith.constant 320000 : i32
    %add3A_1059 = arith.addi %add3A_1058, %mul3A_2 : i32
    %add3A_1060 = arith.constant 9840 : i32
    %add3A_1061 = arith.addi %add3A_1059, %add3A_1060 : i32
    %dma_wait3A_1062 = arith.constant 128 : i32
    %dma_wait3A_1063 = tpu.memref_slice %arg16[%dma_wait3A_1062] : memref<1152xf32, #tpu.memory_space<vmem>> -> memref<80xf32, #tpu.memory_space<vmem>>
    %dma_wait3A_1064 = tpu.memref_slice %arg9[%add3A_1061] : memref<960000xf32, #tpu.memory_space<hbm>> -> memref<80xf32, #tpu.memory_space<hbm>>
    %dma_wait3A_1065 = tpu.memref_slice %arg9[%add3A_1061] : memref<960000xf32, #tpu.memory_space<hbm>> -> memref<80xf32, #tpu.memory_space<hbm>>
    %dma_wait3A_1066 = arith.constant 128 : i32
    %dma_wait3A_1067 = tpu.memref_slice %arg16[%dma_wait3A_1066] : memref<1152xf32, #tpu.memory_space<vmem>> -> memref<80xf32, #tpu.memory_space<vmem>>
    tpu.wait_dma2 semaphore(%arg27 : memref<!tpu.dma_semaphore, #tpu.memory_space<semaphore_mem>>) src(%dma_wait3A_1067 : memref<80xf32, #tpu.memory_space<vmem>>) dst(%dma_wait3A_1065 : memref<80xf32, #tpu.memory_space<hbm>>)
    %add3A_1068 = arith.constant 640000 : i32
    %add3A_1069 = arith.addi %add3A_1068, %mul3A_2 : i32
    %add3A_1070 = arith.constant 9840 : i32
    %add3A_1071 = arith.addi %add3A_1069, %add3A_1070 : i32
    %dma_wait3A_1072 = arith.constant 256 : i32
    %dma_wait3A_1073 = tpu.memref_slice %arg16[%dma_wait3A_1072] : memref<1152xf32, #tpu.memory_space<vmem>> -> memref<80xf32, #tpu.memory_space<vmem>>
    %dma_wait3A_1074 = tpu.memref_slice %arg9[%add3A_1071] : memref<960000xf32, #tpu.memory_space<hbm>> -> memref<80xf32, #tpu.memory_space<hbm>>
    %dma_wait3A_1075 = tpu.memref_slice %arg9[%add3A_1071] : memref<960000xf32, #tpu.memory_space<hbm>> -> memref<80xf32, #tpu.memory_space<hbm>>
    %dma_wait3A_1076 = arith.constant 256 : i32
    %dma_wait3A_1077 = tpu.memref_slice %arg16[%dma_wait3A_1076] : memref<1152xf32, #tpu.memory_space<vmem>> -> memref<80xf32, #tpu.memory_space<vmem>>
    tpu.wait_dma2 semaphore(%arg27 : memref<!tpu.dma_semaphore, #tpu.memory_space<semaphore_mem>>) src(%dma_wait3A_1077 : memref<80xf32, #tpu.memory_space<vmem>>) dst(%dma_wait3A_1075 : memref<80xf32, #tpu.memory_space<hbm>>)
    %add3A_1078 = arith.constant 0 : i32
    %add3A_1079 = arith.addi %add3A_1078, %mul3A_2 : i32
    %add3A_1080 = arith.constant 9920 : i32
    %add3A_1081 = arith.addi %add3A_1079, %add3A_1080 : i32
    %dma_wait3A_1082 = arith.constant 384 : i32
    %dma_wait3A_1083 = tpu.memref_slice %arg16[%dma_wait3A_1082] : memref<1152xf32, #tpu.memory_space<vmem>> -> memref<80xf32, #tpu.memory_space<vmem>>
    %dma_wait3A_1084 = tpu.memref_slice %arg9[%add3A_1081] : memref<960000xf32, #tpu.memory_space<hbm>> -> memref<80xf32, #tpu.memory_space<hbm>>
    %dma_wait3A_1085 = tpu.memref_slice %arg9[%add3A_1081] : memref<960000xf32, #tpu.memory_space<hbm>> -> memref<80xf32, #tpu.memory_space<hbm>>
    %dma_wait3A_1086 = arith.constant 384 : i32
    %dma_wait3A_1087 = tpu.memref_slice %arg16[%dma_wait3A_1086] : memref<1152xf32, #tpu.memory_space<vmem>> -> memref<80xf32, #tpu.memory_space<vmem>>
    tpu.wait_dma2 semaphore(%arg28 : memref<!tpu.dma_semaphore, #tpu.memory_space<semaphore_mem>>) src(%dma_wait3A_1087 : memref<80xf32, #tpu.memory_space<vmem>>) dst(%dma_wait3A_1085 : memref<80xf32, #tpu.memory_space<hbm>>)
    %add3A_1088 = arith.constant 320000 : i32
    %add3A_1089 = arith.addi %add3A_1088, %mul3A_2 : i32
    %add3A_1090 = arith.constant 9920 : i32
    %add3A_1091 = arith.addi %add3A_1089, %add3A_1090 : i32
    %dma_wait3A_1092 = arith.constant 512 : i32
    %dma_wait3A_1093 = tpu.memref_slice %arg16[%dma_wait3A_1092] : memref<1152xf32, #tpu.memory_space<vmem>> -> memref<80xf32, #tpu.memory_space<vmem>>
    %dma_wait3A_1094 = tpu.memref_slice %arg9[%add3A_1091] : memref<960000xf32, #tpu.memory_space<hbm>> -> memref<80xf32, #tpu.memory_space<hbm>>
    %dma_wait3A_1095 = tpu.memref_slice %arg9[%add3A_1091] : memref<960000xf32, #tpu.memory_space<hbm>> -> memref<80xf32, #tpu.memory_space<hbm>>
    %dma_wait3A_1096 = arith.constant 512 : i32
    %dma_wait3A_1097 = tpu.memref_slice %arg16[%dma_wait3A_1096] : memref<1152xf32, #tpu.memory_space<vmem>> -> memref<80xf32, #tpu.memory_space<vmem>>
    tpu.wait_dma2 semaphore(%arg28 : memref<!tpu.dma_semaphore, #tpu.memory_space<semaphore_mem>>) src(%dma_wait3A_1097 : memref<80xf32, #tpu.memory_space<vmem>>) dst(%dma_wait3A_1095 : memref<80xf32, #tpu.memory_space<hbm>>)
    %add3A_1098 = arith.constant 640000 : i32
    %add3A_1099 = arith.addi %add3A_1098, %mul3A_2 : i32
    %add3A_1100 = arith.constant 9920 : i32
    %add3A_1101 = arith.addi %add3A_1099, %add3A_1100 : i32
    %dma_wait3A_1102 = arith.constant 640 : i32
    %dma_wait3A_1103 = tpu.memref_slice %arg16[%dma_wait3A_1102] : memref<1152xf32, #tpu.memory_space<vmem>> -> memref<80xf32, #tpu.memory_space<vmem>>
    %dma_wait3A_1104 = tpu.memref_slice %arg9[%add3A_1101] : memref<960000xf32, #tpu.memory_space<hbm>> -> memref<80xf32, #tpu.memory_space<hbm>>
    %dma_wait3A_1105 = tpu.memref_slice %arg9[%add3A_1101] : memref<960000xf32, #tpu.memory_space<hbm>> -> memref<80xf32, #tpu.memory_space<hbm>>
    %dma_wait3A_1106 = arith.constant 640 : i32
    %dma_wait3A_1107 = tpu.memref_slice %arg16[%dma_wait3A_1106] : memref<1152xf32, #tpu.memory_space<vmem>> -> memref<80xf32, #tpu.memory_space<vmem>>
    tpu.wait_dma2 semaphore(%arg28 : memref<!tpu.dma_semaphore, #tpu.memory_space<semaphore_mem>>) src(%dma_wait3A_1107 : memref<80xf32, #tpu.memory_space<vmem>>) dst(%dma_wait3A_1105 : memref<80xf32, #tpu.memory_space<hbm>>)
    %add3A_1108 = arith.constant 0 : i32
    %add3A_1109 = arith.addi %add3A_1108, %add3A : i32
    %mul3A_1110 = arith.constant 5120 : i32
    %mul3A_1111 = arith.muli %add3A_1109, %mul3A_1110 : i32
    "tpu.region"() ({
      %run_scoped3A_1145 = tpu.sem_alloc : memref<!tpu.dma_semaphore, #tpu.memory_space<semaphore_mem>>
      %dma_start3A_1146 = tpu.memref_slice %arg8[%mul3A_1111] : memref<491520xf32, #tpu.memory_space<hbm>> -> memref<5120xf32, #tpu.memory_space<hbm>>
      %dma_start3A_1147 = tpu.memref_slice %arg8[%mul3A_1111] : memref<491520xf32, #tpu.memory_space<hbm>> -> memref<5120xf32, #tpu.memory_space<hbm>>
      tpu.enqueue_dma source(%arg17 : memref<5120xf32, #tpu.memory_space<vmem>>) target(%dma_start3A_1147 : memref<5120xf32, #tpu.memory_space<hbm>>) target_semaphore(%run_scoped3A_1145 : memref<!tpu.dma_semaphore, #tpu.memory_space<semaphore_mem>>)
      %dma_wait3A_1148 = tpu.memref_slice %arg8[%mul3A_1111] : memref<491520xf32, #tpu.memory_space<hbm>> -> memref<5120xf32, #tpu.memory_space<hbm>>
      %dma_wait3A_1149 = tpu.memref_slice %arg8[%mul3A_1111] : memref<491520xf32, #tpu.memory_space<hbm>> -> memref<5120xf32, #tpu.memory_space<hbm>>
      tpu.wait_dma2 semaphore(%run_scoped3A_1145 : memref<!tpu.dma_semaphore, #tpu.memory_space<semaphore_mem>>) src(%arg17 : memref<5120xf32, #tpu.memory_space<vmem>>) dst(%dma_wait3A_1149 : memref<5120xf32, #tpu.memory_space<hbm>>)
      tpu.yield
    }) : () -> ()
    %add3A_1112 = arith.constant 32 : i32
    %add3A_1113 = arith.addi %add3A_1112, %add3A : i32
    %mul3A_1114 = arith.constant 5120 : i32
    %mul3A_1115 = arith.muli %add3A_1113, %mul3A_1114 : i32
    "tpu.region"() ({
      %run_scoped3A_1145 = tpu.sem_alloc : memref<!tpu.dma_semaphore, #tpu.memory_space<semaphore_mem>>
      %dma_start3A_1146 = tpu.memref_slice %arg8[%mul3A_1115] : memref<491520xf32, #tpu.memory_space<hbm>> -> memref<5120xf32, #tpu.memory_space<hbm>>
      %dma_start3A_1147 = tpu.memref_slice %arg8[%mul3A_1115] : memref<491520xf32, #tpu.memory_space<hbm>> -> memref<5120xf32, #tpu.memory_space<hbm>>
      tpu.enqueue_dma source(%arg18 : memref<5120xf32, #tpu.memory_space<vmem>>) target(%dma_start3A_1147 : memref<5120xf32, #tpu.memory_space<hbm>>) target_semaphore(%run_scoped3A_1145 : memref<!tpu.dma_semaphore, #tpu.memory_space<semaphore_mem>>)
      %dma_wait3A_1148 = tpu.memref_slice %arg8[%mul3A_1115] : memref<491520xf32, #tpu.memory_space<hbm>> -> memref<5120xf32, #tpu.memory_space<hbm>>
      %dma_wait3A_1149 = tpu.memref_slice %arg8[%mul3A_1115] : memref<491520xf32, #tpu.memory_space<hbm>> -> memref<5120xf32, #tpu.memory_space<hbm>>
      tpu.wait_dma2 semaphore(%run_scoped3A_1145 : memref<!tpu.dma_semaphore, #tpu.memory_space<semaphore_mem>>) src(%arg18 : memref<5120xf32, #tpu.memory_space<vmem>>) dst(%dma_wait3A_1149 : memref<5120xf32, #tpu.memory_space<hbm>>)
      tpu.yield
    }) : () -> ()
    %add3A_1116 = arith.constant 64 : i32
    %add3A_1117 = arith.addi %add3A_1116, %add3A : i32
    %mul3A_1118 = arith.constant 5120 : i32
    %mul3A_1119 = arith.muli %add3A_1117, %mul3A_1118 : i32
    "tpu.region"() ({
      %run_scoped3A_1145 = tpu.sem_alloc : memref<!tpu.dma_semaphore, #tpu.memory_space<semaphore_mem>>
      %dma_start3A_1146 = tpu.memref_slice %arg8[%mul3A_1119] : memref<491520xf32, #tpu.memory_space<hbm>> -> memref<5120xf32, #tpu.memory_space<hbm>>
      %dma_start3A_1147 = tpu.memref_slice %arg8[%mul3A_1119] : memref<491520xf32, #tpu.memory_space<hbm>> -> memref<5120xf32, #tpu.memory_space<hbm>>
      tpu.enqueue_dma source(%arg19 : memref<5120xf32, #tpu.memory_space<vmem>>) target(%dma_start3A_1147 : memref<5120xf32, #tpu.memory_space<hbm>>) target_semaphore(%run_scoped3A_1145 : memref<!tpu.dma_semaphore, #tpu.memory_space<semaphore_mem>>)
      %dma_wait3A_1148 = tpu.memref_slice %arg8[%mul3A_1119] : memref<491520xf32, #tpu.memory_space<hbm>> -> memref<5120xf32, #tpu.memory_space<hbm>>
      %dma_wait3A_1149 = tpu.memref_slice %arg8[%mul3A_1119] : memref<491520xf32, #tpu.memory_space<hbm>> -> memref<5120xf32, #tpu.memory_space<hbm>>
      tpu.wait_dma2 semaphore(%run_scoped3A_1145 : memref<!tpu.dma_semaphore, #tpu.memory_space<semaphore_mem>>) src(%arg19 : memref<5120xf32, #tpu.memory_space<vmem>>) dst(%dma_wait3A_1149 : memref<5120xf32, #tpu.memory_space<hbm>>)
      tpu.yield
    }) : () -> ()
    %barrier3A_1120 = arith.constant 0 : index
    tpu.barrier barrier_id(%barrier3A_1120)
    %mul3A_1121 = arith.constant 320 : i32
    %mul3A_1122 = arith.muli %arg1, %mul3A_1121 : i32
    %add3A_1123 = arith.constant 0 : i32
    %add3A_1124 = arith.addi %mul3A_1122, %add3A_1123 : i32
    %run_scoped3A_1125 = arith.constant 0 : i32
    "tpu.region"() ({
      %run_scoped3A_1145 = tpu.sem_alloc : memref<!tpu.dma_semaphore, #tpu.memory_space<semaphore_mem>>
      %dma_start3A_1146 = arith.constant 0 : i32
      %dma_start3A_1147 = arith.constant 0 : i32
      %dma_start3A_1148 = tpu.memref_slice %arg14[%run_scoped3A_1125, %dma_start3A_1146, %dma_start3A_1147] : memref<3x80x128xf32, #tpu.memory_space<vmem>> -> memref<1x80x128xf32, #tpu.memory_space<vmem>>
      %dma_start3A_1149 = tpu.memref_squeeze %dma_start3A_1148 : memref<1x80x128xf32, #tpu.memory_space<vmem>> -> memref<80x128xf32, #tpu.memory_space<vmem>>
      %dma_start3A_1150 = arith.constant 0 : i32
      %dma_start3A_1151 = tpu.memref_slice %arg20[%add3A_1124, %dma_start3A_1150] : memref<5120x128xf32, #tpu.memory_space<vmem_shared>> -> memref<80x128xf32, #tpu.memory_space<vmem_shared>>
      %dma_start3A_1152 = arith.constant 0 : i32
      %dma_start3A_1153 = arith.constant 0 : i32
      %dma_start3A_1154 = tpu.memref_slice %arg14[%run_scoped3A_1125, %dma_start3A_1152, %dma_start3A_1153] : memref<3x80x128xf32, #tpu.memory_space<vmem>> -> memref<1x80x128xf32, #tpu.memory_space<vmem>>
      %dma_start3A_1155 = tpu.memref_squeeze %dma_start3A_1154 : memref<1x80x128xf32, #tpu.memory_space<vmem>> -> memref<80x128xf32, #tpu.memory_space<vmem>>
      %dma_start3A_1156 = arith.constant 0 : i32
      %dma_start3A_1157 = tpu.memref_slice %arg20[%add3A_1124, %dma_start3A_1156] : memref<5120x128xf32, #tpu.memory_space<vmem_shared>> -> memref<80x128xf32, #tpu.memory_space<vmem_shared>>
      tpu.enqueue_dma source(%dma_start3A_1157 : memref<80x128xf32, #tpu.memory_space<vmem_shared>>) target(%dma_start3A_1155 : memref<80x128xf32, #tpu.memory_space<vmem>>) target_semaphore(%run_scoped3A_1145 : memref<!tpu.dma_semaphore, #tpu.memory_space<semaphore_mem>>)
      %dma_wait3A_1158 = arith.constant 0 : i32
      %dma_wait3A_1159 = arith.constant 0 : i32
      %dma_wait3A_1160 = tpu.memref_slice %arg14[%run_scoped3A_1125, %dma_wait3A_1158, %dma_wait3A_1159] : memref<3x80x128xf32, #tpu.memory_space<vmem>> -> memref<1x80x128xf32, #tpu.memory_space<vmem>>
      %dma_wait3A_1161 = tpu.memref_squeeze %dma_wait3A_1160 : memref<1x80x128xf32, #tpu.memory_space<vmem>> -> memref<80x128xf32, #tpu.memory_space<vmem>>
      %dma_wait3A_1162 = arith.constant 0 : i32
      %dma_wait3A_1163 = tpu.memref_slice %arg20[%add3A_1124, %dma_wait3A_1162] : memref<5120x128xf32, #tpu.memory_space<vmem_shared>> -> memref<80x128xf32, #tpu.memory_space<vmem_shared>>
      %dma_wait3A_1164 = arith.constant 0 : i32
      %dma_wait3A_1165 = arith.constant 0 : i32
      %dma_wait3A_1166 = tpu.memref_slice %arg14[%run_scoped3A_1125, %dma_wait3A_1164, %dma_wait3A_1165] : memref<3x80x128xf32, #tpu.memory_space<vmem>> -> memref<1x80x128xf32, #tpu.memory_space<vmem>>
      %dma_wait3A_1167 = tpu.memref_squeeze %dma_wait3A_1166 : memref<1x80x128xf32, #tpu.memory_space<vmem>> -> memref<80x128xf32, #tpu.memory_space<vmem>>
      %dma_wait3A_1168 = arith.constant 0 : i32
      %dma_wait3A_1169 = tpu.memref_slice %arg20[%add3A_1124, %dma_wait3A_1168] : memref<5120x128xf32, #tpu.memory_space<vmem_shared>> -> memref<80x128xf32, #tpu.memory_space<vmem_shared>>
      tpu.wait_dma2 semaphore(%run_scoped3A_1145 : memref<!tpu.dma_semaphore, #tpu.memory_space<semaphore_mem>>) src(%dma_wait3A_1169 : memref<80x128xf32, #tpu.memory_space<vmem_shared>>) dst(%dma_wait3A_1167 : memref<80x128xf32, #tpu.memory_space<vmem>>)
      tpu.yield
    }) : () -> ()
    %run_scoped3A_1126 = arith.constant 0 : i32
    "tpu.region"() ({
      %run_scoped3A_1145 = tpu.sem_alloc : memref<!tpu.dma_semaphore, #tpu.memory_space<semaphore_mem>>
      %dma_start3A_1146 = arith.constant 0 : i32
      %dma_start3A_1147 = arith.constant 0 : i32
      %dma_start3A_1148 = tpu.memref_slice %arg14[%run_scoped3A_1126, %dma_start3A_1146, %dma_start3A_1147] : memref<3x80x128xf32, #tpu.memory_space<vmem>> -> memref<1x80x128xf32, #tpu.memory_space<vmem>>
      %dma_start3A_1149 = tpu.memref_squeeze %dma_start3A_1148 : memref<1x80x128xf32, #tpu.memory_space<vmem>> -> memref<80x128xf32, #tpu.memory_space<vmem>>
      %dma_start3A_1150 = arith.constant 0 : i32
      %dma_start3A_1151 = tpu.memref_slice %arg7[%arg0, %add3A_1124, %dma_start3A_1150] : memref<2x5120x128xf32, #tpu.memory_space<hbm>> -> memref<1x80x128xf32, #tpu.memory_space<hbm>>
      %dma_start3A_1152 = tpu.memref_squeeze %dma_start3A_1151 : memref<1x80x128xf32, #tpu.memory_space<hbm>> -> memref<80x128xf32, #tpu.memory_space<hbm>>
      %dma_start3A_1153 = arith.constant 0 : i32
      %dma_start3A_1154 = tpu.memref_slice %arg7[%arg0, %add3A_1124, %dma_start3A_1153] : memref<2x5120x128xf32, #tpu.memory_space<hbm>> -> memref<1x80x128xf32, #tpu.memory_space<hbm>>
      %dma_start3A_1155 = tpu.memref_squeeze %dma_start3A_1154 : memref<1x80x128xf32, #tpu.memory_space<hbm>> -> memref<80x128xf32, #tpu.memory_space<hbm>>
      %dma_start3A_1156 = arith.constant 0 : i32
      %dma_start3A_1157 = arith.constant 0 : i32
      %dma_start3A_1158 = tpu.memref_slice %arg14[%run_scoped3A_1126, %dma_start3A_1156, %dma_start3A_1157] : memref<3x80x128xf32, #tpu.memory_space<vmem>> -> memref<1x80x128xf32, #tpu.memory_space<vmem>>
      %dma_start3A_1159 = tpu.memref_squeeze %dma_start3A_1158 : memref<1x80x128xf32, #tpu.memory_space<vmem>> -> memref<80x128xf32, #tpu.memory_space<vmem>>
      tpu.enqueue_dma source(%dma_start3A_1159 : memref<80x128xf32, #tpu.memory_space<vmem>>) target(%dma_start3A_1155 : memref<80x128xf32, #tpu.memory_space<hbm>>) target_semaphore(%run_scoped3A_1145 : memref<!tpu.dma_semaphore, #tpu.memory_space<semaphore_mem>>)
      %dma_wait3A_1160 = arith.constant 0 : i32
      %dma_wait3A_1161 = arith.constant 0 : i32
      %dma_wait3A_1162 = tpu.memref_slice %arg14[%run_scoped3A_1126, %dma_wait3A_1160, %dma_wait3A_1161] : memref<3x80x128xf32, #tpu.memory_space<vmem>> -> memref<1x80x128xf32, #tpu.memory_space<vmem>>
      %dma_wait3A_1163 = tpu.memref_squeeze %dma_wait3A_1162 : memref<1x80x128xf32, #tpu.memory_space<vmem>> -> memref<80x128xf32, #tpu.memory_space<vmem>>
      %dma_wait3A_1164 = arith.constant 0 : i32
      %dma_wait3A_1165 = tpu.memref_slice %arg7[%arg0, %add3A_1124, %dma_wait3A_1164] : memref<2x5120x128xf32, #tpu.memory_space<hbm>> -> memref<1x80x128xf32, #tpu.memory_space<hbm>>
      %dma_wait3A_1166 = tpu.memref_squeeze %dma_wait3A_1165 : memref<1x80x128xf32, #tpu.memory_space<hbm>> -> memref<80x128xf32, #tpu.memory_space<hbm>>
      %dma_wait3A_1167 = arith.constant 0 : i32
      %dma_wait3A_1168 = tpu.memref_slice %arg7[%arg0, %add3A_1124, %dma_wait3A_1167] : memref<2x5120x128xf32, #tpu.memory_space<hbm>> -> memref<1x80x128xf32, #tpu.memory_space<hbm>>
      %dma_wait3A_1169 = tpu.memref_squeeze %dma_wait3A_1168 : memref<1x80x128xf32, #tpu.memory_space<hbm>> -> memref<80x128xf32, #tpu.memory_space<hbm>>
      %dma_wait3A_1170 = arith.constant 0 : i32
      %dma_wait3A_1171 = arith.constant 0 : i32
      %dma_wait3A_1172 = tpu.memref_slice %arg14[%run_scoped3A_1126, %dma_wait3A_1170, %dma_wait3A_1171] : memref<3x80x128xf32, #tpu.memory_space<vmem>> -> memref<1x80x128xf32, #tpu.memory_space<vmem>>
      %dma_wait3A_1173 = tpu.memref_squeeze %dma_wait3A_1172 : memref<1x80x128xf32, #tpu.memory_space<vmem>> -> memref<80x128xf32, #tpu.memory_space<vmem>>
      tpu.wait_dma2 semaphore(%run_scoped3A_1145 : memref<!tpu.dma_semaphore, #tpu.memory_space<semaphore_mem>>) src(%dma_wait3A_1173 : memref<80x128xf32, #tpu.memory_space<vmem>>) dst(%dma_wait3A_1169 : memref<80x128xf32, #tpu.memory_space<hbm>>)
      tpu.yield
    }) : () -> ()
    %mul3A_1127 = arith.constant 320 : i32
    %mul3A_1128 = arith.muli %arg1, %mul3A_1127 : i32
    %add3A_1129 = arith.constant 80 : i32
    %add3A_1130 = arith.addi %mul3A_1128, %add3A_1129 : i32
    %run_scoped3A_1131 = arith.constant 0 : i32
    "tpu.region"() ({
      %run_scoped3A_1145 = tpu.sem_alloc : memref<!tpu.dma_semaphore, #tpu.memory_space<semaphore_mem>>
      %dma_start3A_1146 = arith.constant 0 : i32
      %dma_start3A_1147 = arith.constant 0 : i32
      %dma_start3A_1148 = tpu.memref_slice %arg14[%run_scoped3A_1131, %dma_start3A_1146, %dma_start3A_1147] : memref<3x80x128xf32, #tpu.memory_space<vmem>> -> memref<1x80x128xf32, #tpu.memory_space<vmem>>
      %dma_start3A_1149 = tpu.memref_squeeze %dma_start3A_1148 : memref<1x80x128xf32, #tpu.memory_space<vmem>> -> memref<80x128xf32, #tpu.memory_space<vmem>>
      %dma_start3A_1150 = arith.constant 0 : i32
      %dma_start3A_1151 = tpu.memref_slice %arg20[%add3A_1130, %dma_start3A_1150] : memref<5120x128xf32, #tpu.memory_space<vmem_shared>> -> memref<80x128xf32, #tpu.memory_space<vmem_shared>>
      %dma_start3A_1152 = arith.constant 0 : i32
      %dma_start3A_1153 = arith.constant 0 : i32
      %dma_start3A_1154 = tpu.memref_slice %arg14[%run_scoped3A_1131, %dma_start3A_1152, %dma_start3A_1153] : memref<3x80x128xf32, #tpu.memory_space<vmem>> -> memref<1x80x128xf32, #tpu.memory_space<vmem>>
      %dma_start3A_1155 = tpu.memref_squeeze %dma_start3A_1154 : memref<1x80x128xf32, #tpu.memory_space<vmem>> -> memref<80x128xf32, #tpu.memory_space<vmem>>
      %dma_start3A_1156 = arith.constant 0 : i32
      %dma_start3A_1157 = tpu.memref_slice %arg20[%add3A_1130, %dma_start3A_1156] : memref<5120x128xf32, #tpu.memory_space<vmem_shared>> -> memref<80x128xf32, #tpu.memory_space<vmem_shared>>
      tpu.enqueue_dma source(%dma_start3A_1157 : memref<80x128xf32, #tpu.memory_space<vmem_shared>>) target(%dma_start3A_1155 : memref<80x128xf32, #tpu.memory_space<vmem>>) target_semaphore(%run_scoped3A_1145 : memref<!tpu.dma_semaphore, #tpu.memory_space<semaphore_mem>>)
      %dma_wait3A_1158 = arith.constant 0 : i32
      %dma_wait3A_1159 = arith.constant 0 : i32
      %dma_wait3A_1160 = tpu.memref_slice %arg14[%run_scoped3A_1131, %dma_wait3A_1158, %dma_wait3A_1159] : memref<3x80x128xf32, #tpu.memory_space<vmem>> -> memref<1x80x128xf32, #tpu.memory_space<vmem>>
      %dma_wait3A_1161 = tpu.memref_squeeze %dma_wait3A_1160 : memref<1x80x128xf32, #tpu.memory_space<vmem>> -> memref<80x128xf32, #tpu.memory_space<vmem>>
      %dma_wait3A_1162 = arith.constant 0 : i32
      %dma_wait3A_1163 = tpu.memref_slice %arg20[%add3A_1130, %dma_wait3A_1162] : memref<5120x128xf32, #tpu.memory_space<vmem_shared>> -> memref<80x128xf32, #tpu.memory_space<vmem_shared>>
      %dma_wait3A_1164 = arith.constant 0 : i32
      %dma_wait3A_1165 = arith.constant 0 : i32
      %dma_wait3A_1166 = tpu.memref_slice %arg14[%run_scoped3A_1131, %dma_wait3A_1164, %dma_wait3A_1165] : memref<3x80x128xf32, #tpu.memory_space<vmem>> -> memref<1x80x128xf32, #tpu.memory_space<vmem>>
      %dma_wait3A_1167 = tpu.memref_squeeze %dma_wait3A_1166 : memref<1x80x128xf32, #tpu.memory_space<vmem>> -> memref<80x128xf32, #tpu.memory_space<vmem>>
      %dma_wait3A_1168 = arith.constant 0 : i32
      %dma_wait3A_1169 = tpu.memref_slice %arg20[%add3A_1130, %dma_wait3A_1168] : memref<5120x128xf32, #tpu.memory_space<vmem_shared>> -> memref<80x128xf32, #tpu.memory_space<vmem_shared>>
      tpu.wait_dma2 semaphore(%run_scoped3A_1145 : memref<!tpu.dma_semaphore, #tpu.memory_space<semaphore_mem>>) src(%dma_wait3A_1169 : memref<80x128xf32, #tpu.memory_space<vmem_shared>>) dst(%dma_wait3A_1167 : memref<80x128xf32, #tpu.memory_space<vmem>>)
      tpu.yield
    }) : () -> ()
    %run_scoped3A_1132 = arith.constant 0 : i32
    "tpu.region"() ({
      %run_scoped3A_1145 = tpu.sem_alloc : memref<!tpu.dma_semaphore, #tpu.memory_space<semaphore_mem>>
      %dma_start3A_1146 = arith.constant 0 : i32
      %dma_start3A_1147 = arith.constant 0 : i32
      %dma_start3A_1148 = tpu.memref_slice %arg14[%run_scoped3A_1132, %dma_start3A_1146, %dma_start3A_1147] : memref<3x80x128xf32, #tpu.memory_space<vmem>> -> memref<1x80x128xf32, #tpu.memory_space<vmem>>
      %dma_start3A_1149 = tpu.memref_squeeze %dma_start3A_1148 : memref<1x80x128xf32, #tpu.memory_space<vmem>> -> memref<80x128xf32, #tpu.memory_space<vmem>>
      %dma_start3A_1150 = arith.constant 0 : i32
      %dma_start3A_1151 = tpu.memref_slice %arg7[%arg0, %add3A_1130, %dma_start3A_1150] : memref<2x5120x128xf32, #tpu.memory_space<hbm>> -> memref<1x80x128xf32, #tpu.memory_space<hbm>>
      %dma_start3A_1152 = tpu.memref_squeeze %dma_start3A_1151 : memref<1x80x128xf32, #tpu.memory_space<hbm>> -> memref<80x128xf32, #tpu.memory_space<hbm>>
      %dma_start3A_1153 = arith.constant 0 : i32
      %dma_start3A_1154 = tpu.memref_slice %arg7[%arg0, %add3A_1130, %dma_start3A_1153] : memref<2x5120x128xf32, #tpu.memory_space<hbm>> -> memref<1x80x128xf32, #tpu.memory_space<hbm>>
      %dma_start3A_1155 = tpu.memref_squeeze %dma_start3A_1154 : memref<1x80x128xf32, #tpu.memory_space<hbm>> -> memref<80x128xf32, #tpu.memory_space<hbm>>
      %dma_start3A_1156 = arith.constant 0 : i32
      %dma_start3A_1157 = arith.constant 0 : i32
      %dma_start3A_1158 = tpu.memref_slice %arg14[%run_scoped3A_1132, %dma_start3A_1156, %dma_start3A_1157] : memref<3x80x128xf32, #tpu.memory_space<vmem>> -> memref<1x80x128xf32, #tpu.memory_space<vmem>>
      %dma_start3A_1159 = tpu.memref_squeeze %dma_start3A_1158 : memref<1x80x128xf32, #tpu.memory_space<vmem>> -> memref<80x128xf32, #tpu.memory_space<vmem>>
      tpu.enqueue_dma source(%dma_start3A_1159 : memref<80x128xf32, #tpu.memory_space<vmem>>) target(%dma_start3A_1155 : memref<80x128xf32, #tpu.memory_space<hbm>>) target_semaphore(%run_scoped3A_1145 : memref<!tpu.dma_semaphore, #tpu.memory_space<semaphore_mem>>)
      %dma_wait3A_1160 = arith.constant 0 : i32
      %dma_wait3A_1161 = arith.constant 0 : i32
      %dma_wait3A_1162 = tpu.memref_slice %arg14[%run_scoped3A_1132, %dma_wait3A_1160, %dma_wait3A_1161] : memref<3x80x128xf32, #tpu.memory_space<vmem>> -> memref<1x80x128xf32, #tpu.memory_space<vmem>>
      %dma_wait3A_1163 = tpu.memref_squeeze %dma_wait3A_1162 : memref<1x80x128xf32, #tpu.memory_space<vmem>> -> memref<80x128xf32, #tpu.memory_space<vmem>>
      %dma_wait3A_1164 = arith.constant 0 : i32
      %dma_wait3A_1165 = tpu.memref_slice %arg7[%arg0, %add3A_1130, %dma_wait3A_1164] : memref<2x5120x128xf32, #tpu.memory_space<hbm>> -> memref<1x80x128xf32, #tpu.memory_space<hbm>>
      %dma_wait3A_1166 = tpu.memref_squeeze %dma_wait3A_1165 : memref<1x80x128xf32, #tpu.memory_space<hbm>> -> memref<80x128xf32, #tpu.memory_space<hbm>>
      %dma_wait3A_1167 = arith.constant 0 : i32
      %dma_wait3A_1168 = tpu.memref_slice %arg7[%arg0, %add3A_1130, %dma_wait3A_1167] : memref<2x5120x128xf32, #tpu.memory_space<hbm>> -> memref<1x80x128xf32, #tpu.memory_space<hbm>>
      %dma_wait3A_1169 = tpu.memref_squeeze %dma_wait3A_1168 : memref<1x80x128xf32, #tpu.memory_space<hbm>> -> memref<80x128xf32, #tpu.memory_space<hbm>>
      %dma_wait3A_1170 = arith.constant 0 : i32
      %dma_wait3A_1171 = arith.constant 0 : i32
      %dma_wait3A_1172 = tpu.memref_slice %arg14[%run_scoped3A_1132, %dma_wait3A_1170, %dma_wait3A_1171] : memref<3x80x128xf32, #tpu.memory_space<vmem>> -> memref<1x80x128xf32, #tpu.memory_space<vmem>>
      %dma_wait3A_1173 = tpu.memref_squeeze %dma_wait3A_1172 : memref<1x80x128xf32, #tpu.memory_space<vmem>> -> memref<80x128xf32, #tpu.memory_space<vmem>>
      tpu.wait_dma2 semaphore(%run_scoped3A_1145 : memref<!tpu.dma_semaphore, #tpu.memory_space<semaphore_mem>>) src(%dma_wait3A_1173 : memref<80x128xf32, #tpu.memory_space<vmem>>) dst(%dma_wait3A_1169 : memref<80x128xf32, #tpu.memory_space<hbm>>)
      tpu.yield
    }) : () -> ()
    %mul3A_1133 = arith.constant 320 : i32
    %mul3A_1134 = arith.muli %arg1, %mul3A_1133 : i32
    %add3A_1135 = arith.constant 160 : i32
    %add3A_1136 = arith.addi %mul3A_1134, %add3A_1135 : i32
    %run_scoped3A_1137 = arith.constant 0 : i32
    "tpu.region"() ({
      %run_scoped3A_1145 = tpu.sem_alloc : memref<!tpu.dma_semaphore, #tpu.memory_space<semaphore_mem>>
      %dma_start3A_1146 = arith.constant 0 : i32
      %dma_start3A_1147 = arith.constant 0 : i32
      %dma_start3A_1148 = tpu.memref_slice %arg14[%run_scoped3A_1137, %dma_start3A_1146, %dma_start3A_1147] : memref<3x80x128xf32, #tpu.memory_space<vmem>> -> memref<1x80x128xf32, #tpu.memory_space<vmem>>
      %dma_start3A_1149 = tpu.memref_squeeze %dma_start3A_1148 : memref<1x80x128xf32, #tpu.memory_space<vmem>> -> memref<80x128xf32, #tpu.memory_space<vmem>>
      %dma_start3A_1150 = arith.constant 0 : i32
      %dma_start3A_1151 = tpu.memref_slice %arg20[%add3A_1136, %dma_start3A_1150] : memref<5120x128xf32, #tpu.memory_space<vmem_shared>> -> memref<80x128xf32, #tpu.memory_space<vmem_shared>>
      %dma_start3A_1152 = arith.constant 0 : i32
      %dma_start3A_1153 = arith.constant 0 : i32
      %dma_start3A_1154 = tpu.memref_slice %arg14[%run_scoped3A_1137, %dma_start3A_1152, %dma_start3A_1153] : memref<3x80x128xf32, #tpu.memory_space<vmem>> -> memref<1x80x128xf32, #tpu.memory_space<vmem>>
      %dma_start3A_1155 = tpu.memref_squeeze %dma_start3A_1154 : memref<1x80x128xf32, #tpu.memory_space<vmem>> -> memref<80x128xf32, #tpu.memory_space<vmem>>
      %dma_start3A_1156 = arith.constant 0 : i32
      %dma_start3A_1157 = tpu.memref_slice %arg20[%add3A_1136, %dma_start3A_1156] : memref<5120x128xf32, #tpu.memory_space<vmem_shared>> -> memref<80x128xf32, #tpu.memory_space<vmem_shared>>
      tpu.enqueue_dma source(%dma_start3A_1157 : memref<80x128xf32, #tpu.memory_space<vmem_shared>>) target(%dma_start3A_1155 : memref<80x128xf32, #tpu.memory_space<vmem>>) target_semaphore(%run_scoped3A_1145 : memref<!tpu.dma_semaphore, #tpu.memory_space<semaphore_mem>>)
      %dma_wait3A_1158 = arith.constant 0 : i32
      %dma_wait3A_1159 = arith.constant 0 : i32
      %dma_wait3A_1160 = tpu.memref_slice %arg14[%run_scoped3A_1137, %dma_wait3A_1158, %dma_wait3A_1159] : memref<3x80x128xf32, #tpu.memory_space<vmem>> -> memref<1x80x128xf32, #tpu.memory_space<vmem>>
      %dma_wait3A_1161 = tpu.memref_squeeze %dma_wait3A_1160 : memref<1x80x128xf32, #tpu.memory_space<vmem>> -> memref<80x128xf32, #tpu.memory_space<vmem>>
      %dma_wait3A_1162 = arith.constant 0 : i32
      %dma_wait3A_1163 = tpu.memref_slice %arg20[%add3A_1136, %dma_wait3A_1162] : memref<5120x128xf32, #tpu.memory_space<vmem_shared>> -> memref<80x128xf32, #tpu.memory_space<vmem_shared>>
      %dma_wait3A_1164 = arith.constant 0 : i32
      %dma_wait3A_1165 = arith.constant 0 : i32
      %dma_wait3A_1166 = tpu.memref_slice %arg14[%run_scoped3A_1137, %dma_wait3A_1164, %dma_wait3A_1165] : memref<3x80x128xf32, #tpu.memory_space<vmem>> -> memref<1x80x128xf32, #tpu.memory_space<vmem>>
      %dma_wait3A_1167 = tpu.memref_squeeze %dma_wait3A_1166 : memref<1x80x128xf32, #tpu.memory_space<vmem>> -> memref<80x128xf32, #tpu.memory_space<vmem>>
      %dma_wait3A_1168 = arith.constant 0 : i32
      %dma_wait3A_1169 = tpu.memref_slice %arg20[%add3A_1136, %dma_wait3A_1168] : memref<5120x128xf32, #tpu.memory_space<vmem_shared>> -> memref<80x128xf32, #tpu.memory_space<vmem_shared>>
      tpu.wait_dma2 semaphore(%run_scoped3A_1145 : memref<!tpu.dma_semaphore, #tpu.memory_space<semaphore_mem>>) src(%dma_wait3A_1169 : memref<80x128xf32, #tpu.memory_space<vmem_shared>>) dst(%dma_wait3A_1167 : memref<80x128xf32, #tpu.memory_space<vmem>>)
      tpu.yield
    }) : () -> ()
    %run_scoped3A_1138 = arith.constant 0 : i32
    "tpu.region"() ({
      %run_scoped3A_1145 = tpu.sem_alloc : memref<!tpu.dma_semaphore, #tpu.memory_space<semaphore_mem>>
      %dma_start3A_1146 = arith.constant 0 : i32
      %dma_start3A_1147 = arith.constant 0 : i32
      %dma_start3A_1148 = tpu.memref_slice %arg14[%run_scoped3A_1138, %dma_start3A_1146, %dma_start3A_1147] : memref<3x80x128xf32, #tpu.memory_space<vmem>> -> memref<1x80x128xf32, #tpu.memory_space<vmem>>
      %dma_start3A_1149 = tpu.memref_squeeze %dma_start3A_1148 : memref<1x80x128xf32, #tpu.memory_space<vmem>> -> memref<80x128xf32, #tpu.memory_space<vmem>>
      %dma_start3A_1150 = arith.constant 0 : i32
      %dma_start3A_1151 = tpu.memref_slice %arg7[%arg0, %add3A_1136, %dma_start3A_1150] : memref<2x5120x128xf32, #tpu.memory_space<hbm>> -> memref<1x80x128xf32, #tpu.memory_space<hbm>>
      %dma_start3A_1152 = tpu.memref_squeeze %dma_start3A_1151 : memref<1x80x128xf32, #tpu.memory_space<hbm>> -> memref<80x128xf32, #tpu.memory_space<hbm>>
      %dma_start3A_1153 = arith.constant 0 : i32
      %dma_start3A_1154 = tpu.memref_slice %arg7[%arg0, %add3A_1136, %dma_start3A_1153] : memref<2x5120x128xf32, #tpu.memory_space<hbm>> -> memref<1x80x128xf32, #tpu.memory_space<hbm>>
      %dma_start3A_1155 = tpu.memref_squeeze %dma_start3A_1154 : memref<1x80x128xf32, #tpu.memory_space<hbm>> -> memref<80x128xf32, #tpu.memory_space<hbm>>
      %dma_start3A_1156 = arith.constant 0 : i32
      %dma_start3A_1157 = arith.constant 0 : i32
      %dma_start3A_1158 = tpu.memref_slice %arg14[%run_scoped3A_1138, %dma_start3A_1156, %dma_start3A_1157] : memref<3x80x128xf32, #tpu.memory_space<vmem>> -> memref<1x80x128xf32, #tpu.memory_space<vmem>>
      %dma_start3A_1159 = tpu.memref_squeeze %dma_start3A_1158 : memref<1x80x128xf32, #tpu.memory_space<vmem>> -> memref<80x128xf32, #tpu.memory_space<vmem>>
      tpu.enqueue_dma source(%dma_start3A_1159 : memref<80x128xf32, #tpu.memory_space<vmem>>) target(%dma_start3A_1155 : memref<80x128xf32, #tpu.memory_space<hbm>>) target_semaphore(%run_scoped3A_1145 : memref<!tpu.dma_semaphore, #tpu.memory_space<semaphore_mem>>)
      %dma_wait3A_1160 = arith.constant 0 : i32
      %dma_wait3A_1161 = arith.constant 0 : i32
      %dma_wait3A_1162 = tpu.memref_slice %arg14[%run_scoped3A_1138, %dma_wait3A_1160, %dma_wait3A_1161] : memref<3x80x128xf32, #tpu.memory_space<vmem>> -> memref<1x80x128xf32, #tpu.memory_space<vmem>>
      %dma_wait3A_1163 = tpu.memref_squeeze %dma_wait3A_1162 : memref<1x80x128xf32, #tpu.memory_space<vmem>> -> memref<80x128xf32, #tpu.memory_space<vmem>>
      %dma_wait3A_1164 = arith.constant 0 : i32
      %dma_wait3A_1165 = tpu.memref_slice %arg7[%arg0, %add3A_1136, %dma_wait3A_1164] : memref<2x5120x128xf32, #tpu.memory_space<hbm>> -> memref<1x80x128xf32, #tpu.memory_space<hbm>>
      %dma_wait3A_1166 = tpu.memref_squeeze %dma_wait3A_1165 : memref<1x80x128xf32, #tpu.memory_space<hbm>> -> memref<80x128xf32, #tpu.memory_space<hbm>>
      %dma_wait3A_1167 = arith.constant 0 : i32
      %dma_wait3A_1168 = tpu.memref_slice %arg7[%arg0, %add3A_1136, %dma_wait3A_1167] : memref<2x5120x128xf32, #tpu.memory_space<hbm>> -> memref<1x80x128xf32, #tpu.memory_space<hbm>>
      %dma_wait3A_1169 = tpu.memref_squeeze %dma_wait3A_1168 : memref<1x80x128xf32, #tpu.memory_space<hbm>> -> memref<80x128xf32, #tpu.memory_space<hbm>>
      %dma_wait3A_1170 = arith.constant 0 : i32
      %dma_wait3A_1171 = arith.constant 0 : i32
      %dma_wait3A_1172 = tpu.memref_slice %arg14[%run_scoped3A_1138, %dma_wait3A_1170, %dma_wait3A_1171] : memref<3x80x128xf32, #tpu.memory_space<vmem>> -> memref<1x80x128xf32, #tpu.memory_space<vmem>>
      %dma_wait3A_1173 = tpu.memref_squeeze %dma_wait3A_1172 : memref<1x80x128xf32, #tpu.memory_space<vmem>> -> memref<80x128xf32, #tpu.memory_space<vmem>>
      tpu.wait_dma2 semaphore(%run_scoped3A_1145 : memref<!tpu.dma_semaphore, #tpu.memory_space<semaphore_mem>>) src(%dma_wait3A_1173 : memref<80x128xf32, #tpu.memory_space<vmem>>) dst(%dma_wait3A_1169 : memref<80x128xf32, #tpu.memory_space<hbm>>)
      tpu.yield
    }) : () -> ()
    %mul3A_1139 = arith.constant 320 : i32
    %mul3A_1140 = arith.muli %arg1, %mul3A_1139 : i32
    %add3A_1141 = arith.constant 240 : i32
    %add3A_1142 = arith.addi %mul3A_1140, %add3A_1141 : i32
    %run_scoped3A_1143 = arith.constant 0 : i32
    "tpu.region"() ({
      %run_scoped3A_1145 = tpu.sem_alloc : memref<!tpu.dma_semaphore, #tpu.memory_space<semaphore_mem>>
      %dma_start3A_1146 = arith.constant 0 : i32
      %dma_start3A_1147 = arith.constant 0 : i32
      %dma_start3A_1148 = tpu.memref_slice %arg14[%run_scoped3A_1143, %dma_start3A_1146, %dma_start3A_1147] : memref<3x80x128xf32, #tpu.memory_space<vmem>> -> memref<1x80x128xf32, #tpu.memory_space<vmem>>
      %dma_start3A_1149 = tpu.memref_squeeze %dma_start3A_1148 : memref<1x80x128xf32, #tpu.memory_space<vmem>> -> memref<80x128xf32, #tpu.memory_space<vmem>>
      %dma_start3A_1150 = arith.constant 0 : i32
      %dma_start3A_1151 = tpu.memref_slice %arg20[%add3A_1142, %dma_start3A_1150] : memref<5120x128xf32, #tpu.memory_space<vmem_shared>> -> memref<80x128xf32, #tpu.memory_space<vmem_shared>>
      %dma_start3A_1152 = arith.constant 0 : i32
      %dma_start3A_1153 = arith.constant 0 : i32
      %dma_start3A_1154 = tpu.memref_slice %arg14[%run_scoped3A_1143, %dma_start3A_1152, %dma_start3A_1153] : memref<3x80x128xf32, #tpu.memory_space<vmem>> -> memref<1x80x128xf32, #tpu.memory_space<vmem>>
      %dma_start3A_1155 = tpu.memref_squeeze %dma_start3A_1154 : memref<1x80x128xf32, #tpu.memory_space<vmem>> -> memref<80x128xf32, #tpu.memory_space<vmem>>
      %dma_start3A_1156 = arith.constant 0 : i32
      %dma_start3A_1157 = tpu.memref_slice %arg20[%add3A_1142, %dma_start3A_1156] : memref<5120x128xf32, #tpu.memory_space<vmem_shared>> -> memref<80x128xf32, #tpu.memory_space<vmem_shared>>
      tpu.enqueue_dma source(%dma_start3A_1157 : memref<80x128xf32, #tpu.memory_space<vmem_shared>>) target(%dma_start3A_1155 : memref<80x128xf32, #tpu.memory_space<vmem>>) target_semaphore(%run_scoped3A_1145 : memref<!tpu.dma_semaphore, #tpu.memory_space<semaphore_mem>>)
      %dma_wait3A_1158 = arith.constant 0 : i32
      %dma_wait3A_1159 = arith.constant 0 : i32
      %dma_wait3A_1160 = tpu.memref_slice %arg14[%run_scoped3A_1143, %dma_wait3A_1158, %dma_wait3A_1159] : memref<3x80x128xf32, #tpu.memory_space<vmem>> -> memref<1x80x128xf32, #tpu.memory_space<vmem>>
      %dma_wait3A_1161 = tpu.memref_squeeze %dma_wait3A_1160 : memref<1x80x128xf32, #tpu.memory_space<vmem>> -> memref<80x128xf32, #tpu.memory_space<vmem>>
      %dma_wait3A_1162 = arith.constant 0 : i32
      %dma_wait3A_1163 = tpu.memref_slice %arg20[%add3A_1142, %dma_wait3A_1162] : memref<5120x128xf32, #tpu.memory_space<vmem_shared>> -> memref<80x128xf32, #tpu.memory_space<vmem_shared>>
      %dma_wait3A_1164 = arith.constant 0 : i32
      %dma_wait3A_1165 = arith.constant 0 : i32
      %dma_wait3A_1166 = tpu.memref_slice %arg14[%run_scoped3A_1143, %dma_wait3A_1164, %dma_wait3A_1165] : memref<3x80x128xf32, #tpu.memory_space<vmem>> -> memref<1x80x128xf32, #tpu.memory_space<vmem>>
      %dma_wait3A_1167 = tpu.memref_squeeze %dma_wait3A_1166 : memref<1x80x128xf32, #tpu.memory_space<vmem>> -> memref<80x128xf32, #tpu.memory_space<vmem>>
      %dma_wait3A_1168 = arith.constant 0 : i32
      %dma_wait3A_1169 = tpu.memref_slice %arg20[%add3A_1142, %dma_wait3A_1168] : memref<5120x128xf32, #tpu.memory_space<vmem_shared>> -> memref<80x128xf32, #tpu.memory_space<vmem_shared>>
      tpu.wait_dma2 semaphore(%run_scoped3A_1145 : memref<!tpu.dma_semaphore, #tpu.memory_space<semaphore_mem>>) src(%dma_wait3A_1169 : memref<80x128xf32, #tpu.memory_space<vmem_shared>>) dst(%dma_wait3A_1167 : memref<80x128xf32, #tpu.memory_space<vmem>>)
      tpu.yield
    }) : () -> ()
    %run_scoped3A_1144 = arith.constant 0 : i32
    "tpu.region"() ({
      %run_scoped3A_1145 = tpu.sem_alloc : memref<!tpu.dma_semaphore, #tpu.memory_space<semaphore_mem>>
      %dma_start3A_1146 = arith.constant 0 : i32
      %dma_start3A_1147 = arith.constant 0 : i32
      %dma_start3A_1148 = tpu.memref_slice %arg14[%run_scoped3A_1144, %dma_start3A_1146, %dma_start3A_1147] : memref<3x80x128xf32, #tpu.memory_space<vmem>> -> memref<1x80x128xf32, #tpu.memory_space<vmem>>
      %dma_start3A_1149 = tpu.memref_squeeze %dma_start3A_1148 : memref<1x80x128xf32, #tpu.memory_space<vmem>> -> memref<80x128xf32, #tpu.memory_space<vmem>>
      %dma_start3A_1150 = arith.constant 0 : i32
      %dma_start3A_1151 = tpu.memref_slice %arg7[%arg0, %add3A_1142, %dma_start3A_1150] : memref<2x5120x128xf32, #tpu.memory_space<hbm>> -> memref<1x80x128xf32, #tpu.memory_space<hbm>>
      %dma_start3A_1152 = tpu.memref_squeeze %dma_start3A_1151 : memref<1x80x128xf32, #tpu.memory_space<hbm>> -> memref<80x128xf32, #tpu.memory_space<hbm>>
      %dma_start3A_1153 = arith.constant 0 : i32
      %dma_start3A_1154 = tpu.memref_slice %arg7[%arg0, %add3A_1142, %dma_start3A_1153] : memref<2x5120x128xf32, #tpu.memory_space<hbm>> -> memref<1x80x128xf32, #tpu.memory_space<hbm>>
      %dma_start3A_1155 = tpu.memref_squeeze %dma_start3A_1154 : memref<1x80x128xf32, #tpu.memory_space<hbm>> -> memref<80x128xf32, #tpu.memory_space<hbm>>
      %dma_start3A_1156 = arith.constant 0 : i32
      %dma_start3A_1157 = arith.constant 0 : i32
      %dma_start3A_1158 = tpu.memref_slice %arg14[%run_scoped3A_1144, %dma_start3A_1156, %dma_start3A_1157] : memref<3x80x128xf32, #tpu.memory_space<vmem>> -> memref<1x80x128xf32, #tpu.memory_space<vmem>>
      %dma_start3A_1159 = tpu.memref_squeeze %dma_start3A_1158 : memref<1x80x128xf32, #tpu.memory_space<vmem>> -> memref<80x128xf32, #tpu.memory_space<vmem>>
      tpu.enqueue_dma source(%dma_start3A_1159 : memref<80x128xf32, #tpu.memory_space<vmem>>) target(%dma_start3A_1155 : memref<80x128xf32, #tpu.memory_space<hbm>>) target_semaphore(%run_scoped3A_1145 : memref<!tpu.dma_semaphore, #tpu.memory_space<semaphore_mem>>)
      %dma_wait3A_1160 = arith.constant 0 : i32
      %dma_wait3A_1161 = arith.constant 0 : i32
      %dma_wait3A_1162 = tpu.memref_slice %arg14[%run_scoped3A_1144, %dma_wait3A_1160, %dma_wait3A_1161] : memref<3x80x128xf32, #tpu.memory_space<vmem>> -> memref<1x80x128xf32, #tpu.memory_space<vmem>>
      %dma_wait3A_1163 = tpu.memref_squeeze %dma_wait3A_1162 : memref<1x80x128xf32, #tpu.memory_space<vmem>> -> memref<80x128xf32, #tpu.memory_space<vmem>>
      %dma_wait3A_1164 = arith.constant 0 : i32
      %dma_wait3A_1165 = tpu.memref_slice %arg7[%arg0, %add3A_1142, %dma_wait3A_1164] : memref<2x5120x128xf32, #tpu.memory_space<hbm>> -> memref<1x80x128xf32, #tpu.memory_space<hbm>>
      %dma_wait3A_1166 = tpu.memref_squeeze %dma_wait3A_1165 : memref<1x80x128xf32, #tpu.memory_space<hbm>> -> memref<80x128xf32, #tpu.memory_space<hbm>>
      %dma_wait3A_1167 = arith.constant 0 : i32
      %dma_wait3A_1168 = tpu.memref_slice %arg7[%arg0, %add3A_1142, %dma_wait3A_1167] : memref<2x5120x128xf32, #tpu.memory_space<hbm>> -> memref<1x80x128xf32, #tpu.memory_space<hbm>>
      %dma_wait3A_1169 = tpu.memref_squeeze %dma_wait3A_1168 : memref<1x80x128xf32, #tpu.memory_space<hbm>> -> memref<80x128xf32, #tpu.memory_space<hbm>>
      %dma_wait3A_1170 = arith.constant 0 : i32
      %dma_wait3A_1171 = arith.constant 0 : i32
      %dma_wait3A_1172 = tpu.memref_slice %arg14[%run_scoped3A_1144, %dma_wait3A_1170, %dma_wait3A_1171] : memref<3x80x128xf32, #tpu.memory_space<vmem>> -> memref<1x80x128xf32, #tpu.memory_space<vmem>>
      %dma_wait3A_1173 = tpu.memref_squeeze %dma_wait3A_1172 : memref<1x80x128xf32, #tpu.memory_space<vmem>> -> memref<80x128xf32, #tpu.memory_space<vmem>>
      tpu.wait_dma2 semaphore(%run_scoped3A_1145 : memref<!tpu.dma_semaphore, #tpu.memory_space<semaphore_mem>>) src(%dma_wait3A_1173 : memref<80x128xf32, #tpu.memory_space<vmem>>) dst(%dma_wait3A_1169 : memref<80x128xf32, #tpu.memory_space<hbm>>)
      tpu.yield
    }) : () -> ()
    return
  }
}

module attributes {stable_mosaic.version = 14 : i64} {
  func.func @_tc_prep(%arg0: memref<5000x3xf32, #tpu.memory_space<vmem>>, %arg1: memref<5000x3xf32, #tpu.memory_space<vmem>>, %arg2: memref<2x2500x128xi32, #tpu.memory_space<vmem>>, %arg3: memref<5000x3xf32, #tpu.memory_space<vmem>>, %arg4: memref<2x2500x128xi32, #tpu.memory_space<vmem>>) attributes {dimension_semantics = [], scalar_prefetch = 0 : i64, scratch_operands = 0 : i64, tpu.core_type = #tpu.core_type<tc>} {
    %get3A = arith.constant 0 : index
    %get3A_0 = arith.constant 0 : index
    %get3A_1 = vector.load %arg0[%get3A, %get3A_0] : memref<5000x3xf32, #tpu.memory_space<vmem>>, vector<5000x3xf32>
    %get3A_2 = arith.constant 0 : index
    %get3A_3 = arith.constant 0 : index
    %get3A_4 = vector.load %arg1[%get3A_2, %get3A_3] : memref<5000x3xf32, #tpu.memory_space<vmem>>, vector<5000x3xf32>
    %add3A = arith.addf %get3A_1, %get3A_4 : vector<5000x3xf32>
    %mul3A = arith.constant 5.000000e-01 : f32
    %mul3A_5 = vector.broadcast %mul3A : f32 to vector<5000x3xf32>
    %mul3A_6 = arith.mulf %add3A, %mul3A_5 : vector<5000x3xf32>
    %swap3A = arith.constant 0 : index
    %swap3A_7 = arith.constant 0 : index
    %swap3A_8 = vector.load %arg3[%swap3A, %swap3A_7] : memref<5000x3xf32, #tpu.memory_space<vmem>>, vector<5000x3xf32>
    tpu.vector_store %arg3[%swap3A, %swap3A_7], %mul3A_6 {strides = array<i32>} : memref<5000x3xf32, #tpu.memory_space<vmem>>, vector<5000x3xf32>,
    %get3A_9 = arith.constant 0 : index
    %get3A_10 = arith.constant 0 : index
    %get3A_11 = arith.constant 0 : index
    %get3A_12 = vector.load %arg2[%get3A_9, %get3A_10, %get3A_11] : memref<2x2500x128xi32, #tpu.memory_space<vmem>>, vector<2x2500x128xi32>
    %shift_right_logical3A = arith.constant 1 : i32
    %shift_right_logical3A_13 = vector.broadcast %shift_right_logical3A : i32 to vector<2x2500x128xi32>
    %shift_right_logical3A_14 = arith.shrui %get3A_12, %shift_right_logical3A_13 : vector<2x2500x128xi32>
    %swap3A_15 = arith.constant 0 : index
    %swap3A_16 = arith.constant 0 : index
    %swap3A_17 = arith.constant 0 : index
    %swap3A_18 = vector.load %arg4[%swap3A_15, %swap3A_16, %swap3A_17] : memref<2x2500x128xi32, #tpu.memory_space<vmem>>, vector<2x2500x128xi32>
    tpu.vector_store %arg4[%swap3A_15, %swap3A_16, %swap3A_17], %shift_right_logical3A_14 {strides = array<i32>} : memref<2x2500x128xi32, #tpu.memory_space<vmem>>, vector<2x2500x128xi32>,
    return
  }
}

module attributes {stable_mosaic.version = 14 : i64} {
  func.func @_tc_combine(%arg0: memref<2x5120x128xf32, #tpu.memory_space<vmem>>, %arg1: memref<96x5120xf32, #tpu.memory_space<vmem>>, %arg2: memref<128x128xf32, #tpu.memory_space<vmem>>, %arg3: memref<3x128xf32, #tpu.memory_space<vmem>>, %arg4: memref<128x128xf32, #tpu.memory_space<vmem>>, %arg5: memref<5000x128xf32, #tpu.memory_space<vmem>>) attributes {dimension_semantics = [], scalar_prefetch = 0 : i64, scratch_operands = 0 : i64, tpu.core_type = #tpu.core_type<tc>} {
    %get3A = arith.constant 0 : index
    %get3A_0 = arith.constant 0 : index
    %get3A_1 = arith.constant 0 : index
    %get3A_2 = vector.load %arg0[%get3A, %get3A_0, %get3A_1] : memref<2x5120x128xf32, #tpu.memory_space<vmem>>, vector<1x5000x128xf32>
    %get3A_3 = vector.shape_cast %get3A_2 : vector<1x5000x128xf32> to vector<5000x128xf32>
    %get3A_4 = arith.constant 1 : index
    %get3A_5 = arith.constant 0 : index
    %get3A_6 = arith.constant 0 : index
    %get3A_7 = vector.load %arg0[%get3A_4, %get3A_5, %get3A_6] : memref<2x5120x128xf32, #tpu.memory_space<vmem>>, vector<1x5000x128xf32>
    %get3A_8 = vector.shape_cast %get3A_7 : vector<1x5000x128xf32> to vector<5000x128xf32>
    %add3A = arith.addf %get3A_3, %get3A_8 : vector<5000x128xf32>
    %iota3A = tpu.iota {dimensions = array<i32: 0>} : vector<96x3xi32>
    %iota3A_9 = tpu.iota {dimensions = array<i32: 1>} : vector<96x3xi32>
    %jit3A = arith.constant 32 : i32
    %div3A = vector.broadcast %jit3A : i32 to vector<96x3xi32>
    %div3A_10 = arith.divsi %iota3A, %div3A : vector<96x3xi32>
    %sign3A = arith.constant 0 : i32
    %sign3A_11 = vector.broadcast %sign3A : i32 to vector<96x3xi32>
    %sign3A_12 = arith.cmpi sgt, %iota3A, %sign3A_11 : vector<96x3xi32>
    %sign3A_13 = arith.extui %sign3A_12 : vector<96x3xi1> to vector<96x3xi32>
    %sign3A_14 = arith.constant 0 : i32
    %sign3A_15 = vector.broadcast %sign3A_14 : i32 to vector<96x3xi32>
    %sign3A_16 = arith.cmpi slt, %iota3A, %sign3A_15 : vector<96x3xi32>
    %sign3A_17 = arith.extui %sign3A_16 : vector<96x3xi1> to vector<96x3xi32>
    %sign3A_18 = arith.subi %sign3A_13, %sign3A_17 : vector<96x3xi32>
    %sign3A_19 = arith.constant 0 : i32
    %sign3A_20 = arith.cmpi sgt, %jit3A, %sign3A_19 : i32
    %sign3A_21 = arith.extui %sign3A_20 : i1 to i32
    %sign3A_22 = arith.constant 0 : i32
    %sign3A_23 = arith.cmpi slt, %jit3A, %sign3A_22 : i32
    %sign3A_24 = arith.extui %sign3A_23 : i1 to i32
    %sign3A_25 = arith.subi %sign3A_21, %sign3A_24 : i32
    %ne3A = vector.broadcast %sign3A_25 : i32 to vector<96x3xi32>
    %ne3A_26 = arith.cmpi ne, %sign3A_18, %ne3A : vector<96x3xi32>
    %rem3A = vector.broadcast %jit3A : i32 to vector<96x3xi32>
    %rem3A_27 = arith.remsi %iota3A, %rem3A : vector<96x3xi32>
    %ne3A_28 = arith.constant 0 : i32
    %ne3A_29 = vector.broadcast %ne3A_28 : i32 to vector<96x3xi32>
    %ne3A_30 = arith.cmpi ne, %rem3A_27, %ne3A_29 : vector<96x3xi32>
    %and3A = arith.andi %ne3A_26, %ne3A_30 : vector<96x3xi1>
    %sub3A = arith.constant 1 : i32
    %sub3A_31 = vector.broadcast %sub3A : i32 to vector<96x3xi32>
    %sub3A_32 = arith.subi %div3A_10, %sub3A_31 : vector<96x3xi32>
    %select_n3A = arith.select %and3A, %sub3A_32, %div3A_10 : vector<96x3xi1>, vector<96x3xi32>
    %eq3A = arith.cmpi eq, %select_n3A, %iota3A_9 : vector<96x3xi32>
    %jit3A_33 = arith.constant 1.000000e+00 : f32
    %jit3A_34 = arith.constant 0.000000e+00 : f32
    %broadcast_in_dim3A = vector.broadcast %jit3A_33 : f32 to vector<96x3xf32>
    %broadcast_in_dim3A_35 = vector.broadcast %jit3A_34 : f32 to vector<96x3xf32>
    %select_n3A_36 = arith.select %eq3A, %broadcast_in_dim3A, %broadcast_in_dim3A_35 : vector<96x3xi1>, vector<96x3xf32>
    %get3A_37 = arith.constant 0 : index
    %get3A_38 = arith.constant 0 : index
    %get3A_39 = vector.load %arg1[%get3A_37, %get3A_38] : memref<96x5120xf32, #tpu.memory_space<vmem>>, vector<96x5120xf32>
    %dot_general3A = arith.constant dense<0.000000e+00> : vector<5120x3xf32>
    %dot_general3A_40 = tpu.matmul %get3A_39, %select_n3A_36, %dot_general3A {dimension_numbers = #tpu.dot_dimension_numbers<[0], [0], [1], [1], [0, 1, 1, 1], [], []>, transpose_lhs_hint = false} : vector<96x5120xf32>, vector<96x3xf32>, vector<5120x3xf32> -> vector<5120x3xf32>
    %slice3A = vector.extract_strided_slice %dot_general3A_40 {offsets = [0, 0], sizes = [5000, 3], strides = [1, 1]} : vector<5120x3xf32> to vector<5000x3xf32>
    %get3A_41 = arith.constant 0 : index
    %get3A_42 = arith.constant 0 : index
    %get3A_43 = vector.load %arg2[%get3A_41, %get3A_42] : memref<128x128xf32, #tpu.memory_space<vmem>>, vector<128x128xf32>
    %dot_general3A_44 = arith.constant dense<0.000000e+00> : vector<5000x128xf32>
    %dot_general3A_45 = tpu.matmul %add3A, %get3A_43, %dot_general3A_44 {dimension_numbers = #tpu.dot_dimension_numbers<[1], [0], [0], [1], [0, 0, 1, 1], [], []>, transpose_lhs_hint = false} : vector<5000x128xf32>, vector<128x128xf32>, vector<5000x128xf32> -> vector<5000x128xf32>
    %get3A_46 = arith.constant 0 : index
    %get3A_47 = arith.constant 0 : index
    %get3A_48 = vector.load %arg3[%get3A_46, %get3A_47] : memref<3x128xf32, #tpu.memory_space<vmem>>, vector<3x128xf32>
    %dot_general3A_49 = arith.constant dense<0.000000e+00> : vector<5000x128xf32>
    %dot_general3A_50 = tpu.matmul %slice3A, %get3A_48, %dot_general3A_49 {dimension_numbers = #tpu.dot_dimension_numbers<[1], [0], [0], [1], [0, 0, 1, 1], [], []>, transpose_lhs_hint = false} : vector<5000x3xf32>, vector<3x128xf32>, vector<5000x128xf32> -> vector<5000x128xf32>
    %add3A_51 = arith.addf %dot_general3A_45, %dot_general3A_50 : vector<5000x128xf32>
    %get3A_52 = arith.constant 0 : index
    %get3A_53 = arith.constant 0 : index
    %get3A_54 = vector.load %arg4[%get3A_52, %get3A_53] : memref<128x128xf32, #tpu.memory_space<vmem>>, vector<128x128xf32>
    %dot_general3A_55 = arith.constant dense<0.000000e+00> : vector<5000x128xf32>
    %dot_general3A_56 = tpu.matmul %add3A_51, %get3A_54, %dot_general3A_55 {dimension_numbers = #tpu.dot_dimension_numbers<[1], [0], [0], [1], [0, 0, 1, 1], [], []>, transpose_lhs_hint = false} : vector<5000x128xf32>, vector<128x128xf32>, vector<5000x128xf32> -> vector<5000x128xf32>
    %swap3A = arith.constant 0 : index
    %swap3A_57 = arith.constant 0 : index
    %swap3A_58 = vector.load %arg5[%swap3A, %swap3A_57] : memref<5000x128xf32, #tpu.memory_space<vmem>>, vector<5000x128xf32>
    tpu.vector_store %arg5[%swap3A, %swap3A_57], %dot_general3A_56 {strides = array<i32>} : memref<5000x128xf32, #tpu.memory_space<vmem>>, vector<5000x128xf32>,
    return
  }
}

</mosaic_0001>

<sc_bundles>
// kernel: kernel.5.cloned.1.call-start
scs
__scs_entry_jumppad:
0x0: {  	(pc) =	sbr.rel $0x88, $3  }
0x1: {  	(tag) =	ssettag $0x0;
	lr =	simm.s32 $0x1  }
0x2: {  	[smem:$0x3F99] =	sst lr;
	_ =	strace $0xD0000000  }
0x3: {  	_ = 	snop  }
0x4: {  	_ = 	snop  }
0x5: {  	_ = 	snop  }
0x6: {  	_ = 	snop  }
0x7: {  	_ = 	snop  }
__scs_overlays_trampoline_lowered:
0x8: {  	[smem:$0x3FA8] =	sst s0  }
0x9: {  	[smem:$0x3FA9] =	sst s1  }
0xa: {  	[smem:$0x3FAA] =	sst s2  }
0xb: {  	[smem:$0x3FAB] =	sst s3  }
0xc: {  	[smem:$0x3FAC] =	sst s4  }
0xd: {  	[smem:$0x3FAD] =	sst s5  }
0xe: {  	[smem:$0x3FAE] =	sst s6  }
0xf: {  	[smem:$0x3FAF] =	sst s7  }
0x10: {  	[smem:$0x3FB0] =	sst s8  }
0x11: {  	[smem:$0x3FB1] =	sst s9;
	s0 =	simm.s32 @!p0 $0x0  }
0x12: {  	s1 =	sld [smem:$0x3F97];
	s0 =	simm.s32 @p0 $0x1  }
0x13: {  	[smem:$0x3FB2] =	sst s0;
	s0 =	simm.s32 @!p1 $0x0  }
0x14: {  	s2 =	sld [smem:$0x3F96];
	s0 =	simm.s32 @p1 $0x1  }
0x15: {  	[smem:$0x3FB3] =	sst s0;
	s0 =	simm.s32 @!p2 $0x0  }
0x16: {  	s3 =	sld [smem:$0x3FDB];
	s0 =	simm.s32 @p2 $0x1  }
0x17: {  	s4 =	simm.s32 $0x1BF5;
	[smem:$0x3FB5] =	sst s0  }
0x18: {  	s0 =	sld [smem:$0x3F98];
	_ =	swait.ge [sflag:s4], $0x0  }
0x19: {  	s7 =	sld [smem:$0x3F99]  }
0x1a: {  	s8 =	sadd.s32 $0xFFFFE003, lr  }
0x1b: {  	s9 =	sadd.s32 $0xFFFFFEF7, lr;
	s5 =	simm.s32 $0xFFFFFFFF;
	p2 =	slt.u32 s8, $0xFFFFF086  }
0x1c: {  	p1 =	slt.u32 s9, $0xF7A;
	s5 =	simm.s32 @!p2 $0x0  }
0x1d: {  	s5 =	simm.s32 @p1 $0x1;
	p0 =	seq.s32 s7, s2  }
0x1e: {  	s7 =	smul.u32 @!p0 $0xF7A, s2;
	p2 =	seq.s32 @!p0 s5, $0x0  }
0x1f: {  	s9 =	smul.u32 $0xF7A, s1;
	s8 =	simm.s32 @!p0 $0x1BF5;
	p2 =	por !p2, p0  }
0x20: {  	[sflag:s8] =	ssyncset.s32 @!p0 $0xFFFFF086;
	s6 =	sadd.s32 @!p0 s3, s7;
	s7 =	simm.s32 @!p0 $0x108  }
0x21: {  	s3 =	sadd.s32 s3, s9;
	s6 =	sadd.s32 @!p0 $0x88, s6;
	s7 =	simm.s32 @p2 $0x1082  }
0x22: {  	[simem:s7], [sflag:s8] =	dma.local @!p0 [hbm:s6], $0xF7A  }
0x23: {  	s9 =	sor.u32 $0xD0000000, s2;
	s6 =	simm.s32 $0x108;
	_ =	swait.ge @!p0 [sflag:s8], $0x0  }
0x24: {  	s3 =	sadd.s32 $0x88, s3;
	s6 =	simm.s32 @!p1 $0x1082;
	[sflag:s4] =	ssyncset.s32 $0xFFFFF086  }
0x25: {  	[simem:s6], [sflag:s4] =	dma.local [hbm:s3], $0xF7A  }
0x26: {  	[smem:$0x3F99] =	sst s1;
	(tag) =	ssettag s2;
	_ =	strace s9  }
0x27: {  	s1 =	sld [smem:$0x3FA9]  }
0x28: {  	s2 =	sld [smem:$0x3FAA]  }
0x29: {  	s4 =	sld [smem:$0x3FAC]  }
0x2a: {  	p0 =	seq.s32 s5, $0x0;
	s5 =	sld [smem:$0x3FAD]  }
0x2b: {  	s6 =	sld [smem:$0x3FAE]  }
0x2c: {  	s7 =	sld [smem:$0x3FAF]  }
0x2d: {  	s3 =	simm.s32 $0x108;
	s8 =	sld [smem:$0x3FB0]  }
0x2e: {  	s3 =	simm.s32 @!p0 $0x1082;
	s9 =	sld [smem:$0x3FB1]  }
0x2f: {  	lr =	sadd.s32 s0, s3;
	s0 =	sld [smem:$0x3FA8]  }
0x30: {  	s3 =	sld [smem:$0x3FAB]  }
0x31: {  	[smem:$0x3FB4] =	sst s10  }
0x32: {  	s10 =	sld [smem:$0x3FB2];
	_ =	sdelay $0x3  }
0x33: {  	p0 =	seq.s32 s10, $0x1;
	s10 =	sld [smem:$0x3FB4];
	_ =	sdelay $0x3  }
0x34: {  	[smem:$0x3FB4] =	sst s10  }
0x35: {  	s10 =	sld [smem:$0x3FB3];
	_ =	sdelay $0x3  }
0x36: {  	p1 =	seq.s32 s10, $0x1;
	s10 =	sld [smem:$0x3FB4];
	_ =	sdelay $0x3  }
0x37: {  	[smem:$0x3FB4] =	sst s10  }
0x38: {  	s10 =	sld [smem:$0x3FB5]  }
0x39: {  	_ = 	snop;
	(pc) =	sbr.ind lr, $3  }
0x3a: {  	_ = 	snop  }
0x3b: {  	_ = 	snop  }
0x3c: {  	p2 =	seq.s32 s10, $0x1;
	s10 =	sld [smem:$0x3FB4]  }
0x3d: {  	_ =	shalt  }
0x3e: {  	_ =	shalt  }
0x3f: {  	_ =	shalt  }
0x40: {  	_ =	shalt  }
0x41: {  	_ =	shalt  }
0x42: {  	_ =	shalt  }
0x43: {  	_ =	shalt  }
0x44: {  	_ =	shalt  }
0x45: {  	_ =	shalt  }
0x46: {  	_ =	shalt  }
0x47: {  	_ =	shalt  }
0x48: {  	_ =	shalt  }
0x49: {  	_ =	shalt  }
0x4a: {  	_ =	shalt  }
0x4b: {  	_ =	shalt  }
0x4c: {  	_ =	shalt  }
0x4d: {  	_ =	shalt  }
0x4e: {  	_ =	shalt  }
0x4f: {  	_ =	shalt  }
0x50: {  	_ =	shalt  }
0x51: {  	_ =	shalt  }
0x52: {  	_ =	shalt  }
0x53: {  	_ =	shalt  }
0x54: {  	_ =	shalt  }
0x55: {  	_ =	shalt  }
0x56: {  	_ =	shalt  }
0x57: {  	_ =	shalt  }
0x58: {  	_ =	shalt  }
0x59: {  	_ =	shalt  }
0x5a: {  	_ =	shalt  }
0x5b: {  	_ =	shalt  }
0x5c: {  	_ =	shalt  }
0x5d: {  	_ =	shalt  }
0x5e: {  	_ =	shalt  }
0x5f: {  	_ =	shalt  }
0x60: {  	_ =	shalt  }
0x61: {  	_ =	shalt  }
0x62: {  	_ =	shalt  }
0x63: {  	_ =	shalt  }
0x64: {  	_ =	shalt  }
0x65: {  	_ =	shalt  }
0x66: {  	_ =	shalt  }
0x67: {  	_ =	shalt  }
0x68: {  	_ =	shalt  }
0x69: {  	_ =	shalt  }
0x6a: {  	_ =	shalt  }
0x6b: {  	_ =	shalt  }
0x6c: {  	_ =	shalt  }
0x6d: {  	_ =	shalt  }
0x6e: {  	_ =	shalt  }
0x6f: {  	_ =	shalt  }
0x70: {  	_ =	shalt  }
0x71: {  	_ =	shalt  }
0x72: {  	_ =	shalt  }
0x73: {  	_ =	shalt  }
0x74: {  	_ =	shalt  }
0x75: {  	_ =	shalt  }
0x76: {  	_ =	shalt  }
0x77: {  	_ =	shalt  }
0x78: {  	_ =	shalt  }
0x79: {  	_ =	shalt  }
0x7a: {  	_ =	shalt  }
0x7b: {  	_ =	shalt  }
0x7c: {  	_ =	shalt  }
0x7d: {  	_ =	shalt  }
0x7e: {  	_ =	shalt  }
0x7f: {  	_ =	shalt  }
0x80: {  	_ =	shalt  }
0x81: {  	_ =	shalt  }
0x82: {  	_ =	shalt  }
0x83: {  	_ =	shalt  }
0x84: {  	_ =	shalt  }
0x85: {  	_ =	shalt  }
0x86: {  	_ =	shalt  }
0x87: {  	_ =	shalt  }
.Lfunc_end0:
.L_simem_size_0:
called_computation_lowered:
.L_overlay_start_0:
0x88: {  	s2 =	sld [smem:$0x3FD9]  }
0x89: {  	s3 =	sld [smem:$0x3FFE];
	_ =	sdelay $0x1  }
0x8a: {  	s1 =	srdreg.scid  }
0x8b: {  	s0 =	sand.u32 $0x1, s1  }
0x8c: {  	s14 =	sshll.u32 s0, $0xA;
	s2 =	sadd.s32 s3, s2  }
0x8d: {  	s2 =	sadd.s32 s2, s14  }
0x8e: {  	[smem:$0x3FC0] =	sst s2  }
0x8f: {  	_ = 	snop  }
0x90: {  	s2 =	sld [smem:$0x3FD0];
	_ =	sdelay $0x2  }
0x91: {  	s4 =	simm.s32 $0xA;
	s5 =	simm.s32 $0x10;
	s15 =	sld [smem:$0x3FC9]  }
0x92: {  	[smem:s5], [sflag:s4] =	dma.local [hbm:s2], $0x1  }
0x93: {  	_ =	swait.eq [sflag:s4], $0x1  }
0x94: {  	[sflag:s4] =	ssyncset.done $0x0  }
0x95: {  	s16 =	sld [smem:$0x10];
	[sflag:s4] =	ssyncadd.s32 $0xFFFFFFFF  }
0x96: {  	s17 =	sld [smem:$0x13];
	(tm) =	ssettm $0x1  }
0x97: {  	s18 =	sld [smem:$0x3FFB];
	_ =	sdelay $0x3  }
0x98: {  	_ =	strace s18  }
0x99: {  	s5 =	sld [smem:$0x3FFC];
	_ =	sdelay $0x3  }
0x9a: {  	_ =	strace s5  }
0x9b: {  	s5 =	sld [smem:$0x3FFD];
	_ =	sdelay $0x3  }
0x9c: {  	_ =	strace s5  }
0x9d: {  	_ =	strace $0x8FFFFFFF  }
0x9e: {  	s19 =	sld [smem:$0x3FDB];
	_ =	sdelay $0x1  }
0x9f: {  	s6 =	simm.s32 $_scs_section_size  }
0xa0: {  	s7 =	simm.s32 $_size__tile_overlayer_lowered;
	s8 =	simm.s32 $_tile_overlayer_lowered  }
0xa1: {  	s22 =	simm.s32 $0x1BFF;
	s21 =	sshll.u32 s8, $0x1;
	s5 =	sadd.s32 s6, s19  }
0xa2: {  	s9 =	simm.s32 $0x0;
	s20 =	sshll.u32 s7, $0x1;
	s7 =	sadd.s32 s21, s5  }
0xa3: {  	[timem:s9], [sflag:s22] =	dma.local [hbm:s7], s20  }
0xa4: {  	_ =	swait.ge [sflag:s22], s20  }
0xa5: {  	s6 =	ssub.s32 $0x0, s20;
	[sflag:s22] =	ssyncset.done $0x0  }
0xa6: {  	[sflag:s22] =	ssyncadd.s32 s6;
	_ =	sdelay $0x1  }
0xa7: {  	s23 =	simm.s32 $0x1B8B  }
0xa8: {  	_ =	swait.ge [sflag:s23], $0x1  }
0xa9: {  	[sflag:s23] =	ssyncset.done $0x0  }
0xaa: {  	s25 =	simm.s32 $0x1B8E;
	s24 =	sld [smem:$0x3FFE];
	[sflag:s23] =	ssyncadd.s32 $0xFFFFFFFF  }
0xab: {  	s26 =	simm.s32 $execute0_lowered;
	[smem:$0x3FD2] =	sst s25  }
0xac: {  	s7 =	sshll.u32 s26, $0x1;
	_ =	strace $0x80000046;
	[dreg:$0x1] =	wrdreg $0xFFFFFFFF  }
0xad: {  	s28 =	simm.s32 $_size_execute0_lowered;
	s5 =	sadd.s32 s5, s7;
	[dreg:$0x0] =	wrdreg $0x0  }
0xae: {  	s7 =	sshll.u32 s28, $0x1;
	[dreg:$0x2] =	wrdreg s5  }
0xaf: {  	[dreg:$0x3] =	wrdreg s7  }
0xb0: {  	[dreg:$0x4] =	wrdreg $0xC0  }
0xb1: {  	_ =	task [dreg:s9], $0x5FFFF  }
0xb2: {  	[dreg:$0x1] =	wrdreg $0xFFFFFFFF  }
0xb3: {  	[dreg:$0x0] =	wrdreg $0x60  }
0xb4: {  	[dreg:$0x2] =	wrdreg s15  }
0xb5: {  	[dreg:$0x3] =	wrdreg s24  }
0xb6: {  	[dreg:$0x4] =	wrdreg s17  }
0xb7: {  	[dreg:$0x5] =	wrdreg s16  }
0xb8: {  	[dreg:$0x6] =	wrdreg $0x148800  }
0xb9: {  	[dreg:$0x7] =	wrdreg $0x9  }
0xba: {  	_ =	task.clear_ibuf [dreg:s9], $0x8FFFF;
	_ =	strace $0x90000046  }
0xbb: {  	s29 =	simm.s32 $0x9;
	_ =	strace $0x80000048  }
0xbc: {  	_ =	swait.ge [sflag:s29], $0x1  }
0xbd: {  	[sflag:s29] =	ssyncadd.s32 $0xFFFFFFFF  }
0xbe: {  	_ =	strace $0x90000048  }
0xbf: {  	_ =	sfence  }
0xc0: {  	s30 =	sld [smem:$0x0];
	_ =	sdelay $0x2  }
0xc1: {  	s31 =	sshll.u32 s1, $0xD;
	s1 =	sshrl.u32 s1, $0x2  }
0xc2: {  	s3 =	sand.u32 $0x4000, s31;
	s1 =	sadd.s32 s1, s30  }
0xc3: {  	s0 =	sor.u32 s3, s0;
	s1 =	sshll.u32 s1, $0x11  }
0xc4: {  	s0 =	sor.u32 s1, s0  }
0xc5: {  	s0 =	sadd.s32 $0x8F2B, s0  }
0xc6: {  	[sflag:s0] =	ssyncadd.remote.s32 $0x1  }
0xc7: {  	_ =	sfence.sel $0xFFFF  }
0xc8: {  	[dreg:$0x0] =	wrdreg $0xFFFFFFFF;
	(pc) =	sbr.abs _section_cstart, $3  }
0xc9: {  	[dreg:$0x1] =	wrdreg $0xFFFFFFFF  }
0xca: {  	_ =	task.clear_ibuf [dreg:s9], $0x2FFFF;
	_ =	strace $0x9FFFFFFF  }
0xcb: {  	(tm) =	ssettm $0x7FFFFFFF  }
tec
execute0_lowered:
.L_overlay_start_1:
0x0: {  	(tag) =	ssettag $0x1  }
0x1: {  	s0 =	rddreg [dreg:$0x0]  }
0x2: {  	s2 =	rddreg [dreg:$0x1]  }
0x3: {  	s18 =	rddreg [dreg:$0x2]  }
0x4: {  	s1 =	srdreg.scid;
	s6 =	rddreg [dreg:$0x3]  }
0x5: {  	s16 =	stileid.u32;
	s4 =	rddreg [dreg:$0x4];
	s5 =	simm.s32 $0x0  }
0x6: {  	s30 =	simm.s32 $0x8B80;
	s28 =	simm.s32 $0x1;
	s3 =	sand.u32 $0x1, s1  }
0x7: {  	[smem:$0x7FF] =	sst s5;
	s9 =	sadd.s32 $0x15600, s2;
	s11 =	smul.u32 $0x28000, s16  }
0x8: {  	s12 =	sadd.s32 $0x15E00, s2;
	s13 =	smul.u32 $0xA000, s16;
	s1 =	sshll.u32 s3, $0x4  }
0x9: {  	_ =	strace $0x80000047;
	[dreg:$0x6] =	wrdreg s9;
	s15 =	smul.u32 $0xA0000, s3  }
0xa: {  	s9 =	sadd.s32 $0x33400, s2;
	s10 =	ssub.s32 $0x2, s3;
	s3 =	smul.u32 $0x27100, s3  }
0xb: {  	s7 =	sor.u32 s16, s1;
	s17 =	sshrl.u32 s10, $0x1;
	s20 =	sshrl.u32 s11, $0x2  }
0xc: {  	s21 =	sadd.s32 $0x2800, s13;
	s23 =	sadd.s32 $0x5000, s13;
	s16 =	smul.u32 $0x2710, s16  }
0xd: {  	s14 =	sadd.s32 $0x7800, s13;
	s1 =	smul.u32 $0x2710, s7;
	s24 =	sadd.s32 s20, s4  }
0xe: {  	s22 =	smul.u32 $0x280, s7;
	s25 =	sadd.s32 s21, s4;
	[dreg:$0x9] =	wrdreg s24  }
0xf: {  	s7 =	smul.u32 $0x1400, s7;
	s26 =	sadd.s32 s23, s4;
	[dreg:$0xa] =	wrdreg s25  }
0x10: {  	s3 =	sadd.s32 s16, s3;
	[dreg:$0xb] =	wrdreg s26;
	s1 =	sshrl.u32 s1, $0x3  }
0x11: {  	s7 =	sshrl.u32 s7, $0x3;
	s11 =	sadd.s32 s6, s22;
	s22 =	sadd.s32 $0x4E2A0, s3  }
0x12: {  	s8 =	sadd.s32 s1, s2;
	s2 =	ssub.s32 s10, s17;
	s17 =	sadd.s32 s14, s4  }
0x13: {  	[dreg:$0xd] =	wrdreg s11;
	s6 =	sadd.s32 s6, s7;
	s11 =	sadd.s32 s13, s15  }
0x14: {  	s10 =	sadd.s32 s15, s21;
	s21 =	sadd.s32 $0xA0, s3;
	s19 =	sadd.s32 $0xB800, s8  }
0x15: {  	s8 =	sadd.s32 $0x1A00, s8;
	[dreg:$0xc] =	wrdreg s17;
	s7 =	sshrl.u32 s11, $0x3  }
0x16: {  	s13 =	sshrl.u32 s10, $0x3;
	s17 =	sadd.s32 s15, s23;
	[dreg:$0x7] =	wrdreg s19  }
0x17: {  	s23 =	sadd.s32 $0x9C4A0, s3;
	s2 =	smax.u32 s2, $0x1;
	[dreg:$0x8] =	wrdreg s8  }
0x18: {  	s7 =	sadd.s32 s9, s7;
	s19 =	sadd.s32 s15, s14;
	s10 =	sshrl.u32 s23, $0x3  }
0x19: {  	s14 =	sshrl.u32 s3, $0x3;
	s15 =	sadd.s32 $0x9C400, s3;
	[smem:$0x7F1] =	sst s2  }
0x1a: {  	s23 =	sadd.s32 s12, s1;
	[dreg:$0xe] =	wrdreg s7;
	s7 =	sadd.s32 s9, s13  }
0x1b: {  	s8 =	sshrl.u32 s19, $0x3;
	s11 =	sadd.s32 s10, s12;
	s13 =	sadd.s32 $0x4E200, s3  }
0x1c: {  	s16 =	sshrl.u32 s15, $0x3;
	s19 =	sadd.s32 $0x4E250, s3;
	[dreg:$0xf] =	wrdreg s7  }
0x1d: {  	s10 =	sadd.s32 $0xA10E, s23;
	s15 =	sadd.s32 $0x5000, s6;
	[dreg:$0x14] =	wrdreg s11  }
0x1e: {  	s7 =	sshrl.u32 s17, $0x3;
	s20 =	sadd.s32 s9, s8;
	[dreg:$0x1d] =	wrdreg s10  }
0x1f: {  	s8 =	sshrl.u32 s22, $0x3;
	s17 =	sadd.s32 $0x50, s3;
	[smem:$0x7EF] =	sst s15  }
0x20: {  	s11 =	sadd.s32 $0x13D4E, s23;
	s7 =	sadd.s32 s9, s7;
	[dreg:$0x11] =	wrdreg s20  }
0x21: {  	s20 =	sadd.s32 $0x9C450, s3;
	s9 =	sadd.s32 $0x4CE, s23;
	[dreg:$0x1e] =	wrdreg s11  }
0x22: {  	s11 =	sadd.s32 $0x4E340, s3;
	[dreg:$0x10] =	wrdreg s7;
	s7 =	sshrl.u32 s21, $0x3  }
0x23: {  	s22 =	sshrl.u32 s20, $0x3;
	[dreg:$0x1c] =	wrdreg s9;
	s9 =	sadd.s32 $0x140, s3  }
0x24: {  	s7 =	sadd.s32 s7, s12;
	s10 =	sshrl.u32 s9, $0x3;
	s9 =	simm.s32 $0xA  }
0x25: {  	[dreg:$0x12] =	wrdreg s7;
	s7 =	sadd.s32 s8, s12;
	s8 =	sadd.s32 s14, s12  }
0x26: {  	s14 =	sadd.s32 $0x13D58, s23;
	s31 =	sadd.s32 s10, s18;
	[dreg:$0x13] =	wrdreg s7  }
0x27: {  	s10 =	simm.s32 $0xB380;
	s7 =	sshrl.u32 s13, $0x3;
	[dreg:$0x15] =	wrdreg s8  }
0x28: {  	s8 =	sshrl.u32 s19, $0x3;
	s13 =	sadd.s32 $0xA118, s23;
	[smem:$0x7EE] =	sst s14  }
0x29: {  	s19 =	sadd.s32 $0x4E390, s3;
	s7 =	sadd.s32 s7, s12;
	s21 =	sadd.s32 s8, s12  }
0x2a: {  	s8 =	sadd.s32 s18, s1;
	[smem:$0x7ED] =	sst s13;
	s20 =	sshrl.u32 s19, $0x3  }
0x2b: {  	s13 =	sadd.s32 $0x9C540, s3;
	[dreg:$0x16] =	wrdreg s7;
	s7 =	sadd.s32 s16, s12  }
0x2c: {  	[dreg:$0x19] =	wrdreg s21;
	s16 =	sadd.s32 $0xA000, s6;
	s21 =	sadd.s32 $0x9C590, s3  }
0x2d: {  	s6 =	sadd.s32 $0x4E2F0, s3;
	s14 =	sshrl.u32 s13, $0x3;
	[dreg:$0x1b] =	wrdreg s8  }
0x2e: {  	s15 =	sadd.s32 $0x9C40, s8;
	s19 =	sadd.s32 $0x9C4A, s8;
	[dreg:$0x17] =	wrdreg s7  }
0x2f: {  	s13 =	simm.s32 $0xDB80;
	s7 =	sshrl.u32 s17, $0x3;
	[smem:$0x7F0] =	sst s16  }
0x30: {  	s17 =	sadd.s32 $0x190, s3;
	[smem:$0x7F6] =	sst s15;
	s16 =	sadd.s32 $0x13880, s8  }
0x31: {  	[smem:$0x7F9] =	sst s19;
	s15 =	simm.s32 $0x5;
	s19 =	simm.s32 $0x3  }
0x32: {  	s7 =	sadd.s32 s7, s12;
	s1 =	sshrl.u32 s17, $0x3;
	[smem:$0x7F7] =	sst s16  }
0x33: {  	s16 =	simm.s32 $0xC;
	[dreg:$0x18] =	wrdreg s7;
	s7 =	sadd.s32 s22, s12  }
0x34: {  	s12 =	sadd.s32 $0x4D8, s23;
	s1 =	sadd.s32 s1, s18;
	[dreg:$0x1a] =	wrdreg s7  }
0x35: {  	s22 =	sshrl.u32 s21, $0x3;
	s23 =	sadd.s32 $0x9C4F0, s3;
	[dreg:$0x1f] =	wrdreg s12  }
0x36: {  	s21 =	sadd.s32 $0x14, s8;
	[smem:$0x7F2] =	sst s1;
	s1 =	sadd.s32 s20, s18  }
0x37: {  	s2 =	sshrl.u32 s23, $0x3;
	s7 =	sshrl.u32 s6, $0x3;
	s12 =	sadd.s32 $0xF0, s3  }
0x38: {  	s20 =	sadd.s32 $0x1388A, s8;
	[smem:$0x7FB] =	sst s21;
	s23 =	sadd.s32 $0x13894, s8  }
0x39: {  	s6 =	simm.s32 $0x4;
	[smem:$0x7F3] =	sst s1;
	s1 =	sadd.s32 s22, s18  }
0x3a: {  	s17 =	sadd.s32 s2, s18;
	s29 =	sadd.s32 s7, s18;
	[smem:$0x7F5] =	sst s12  }
0x3b: {  	s2 =	sshrl.u32 s11, $0x3;
	[smem:$0x7FA] =	sst s20;
	s22 =	sadd.s32 $0x9C54, s8  }
0x3c: {  	[smem:$0x7FD] =	sst s23;
	s7 =	simm.s32 $0x5080;
	s12 =	simm.s32 $0x10C80  }
.Ltmp0:
0x3d: {  	s11 =	simm.s32 $0x13480;
	s20 =	simm.s32 $0x6;
	(pc) =	sbr.rel .LBB2_1-.Ltmp0, $4  }
0x3e: {  	s23 =	simm.s32 $0x0;
	[smem:$0x7F4] =	sst s1;
	s3 =	sadd.s32 s2, s18  }
0x3f: {  	s1 =	sadd.s32 s14, s18;
	s18 =	sadd.s32 $0xA, s8;
	[smem:$0x7FC] =	sst s22  }
0x40: {  	s22 =	simm.s32 $0xD;
	s8 =	simm.s32 $0x50;
	s2 =	simm.s32 $0x12080  }
0x41: {  	v0 =	vimm.f32 $0.0e+00;
	s14 =	simm.s32 $0x2;
	[smem:$0x7F8] =	sst s18;
	s18 =	simm.s32 $0xB  }
.LBB2_8:
0x42: {  	_ =	swait.ge [sflag:s28], $0x2800  }
0x43: {  	[sflag:s28] =	ssyncset.done $0x0  }
0x44: {  	[sflag:s28] =	ssyncadd.s32 $0xFFFFD800  }
0x45: {  	_ =	swait.ge [sflag:s9], $0x50  }
0x46: {  	[sflag:s9] =	ssyncset.done $0x0  }
0x47: {  	[sflag:s9] =	ssyncadd.s32 $0xFFFFFFB0  }
0x48: {  	_ =	swait.ge [sflag:s9], $0x50  }
0x49: {  	[sflag:s9] =	ssyncset.done $0x0  }
0x4a: {  	[sflag:s9] =	ssyncadd.s32 $0xFFFFFFB0  }
0x4b: {  	_ =	swait.ge [sflag:s9], $0x50  }
0x4c: {  	[sflag:s9] =	ssyncset.done $0x0  }
0x4d: {  	[sflag:s9] =	ssyncadd.s32 $0xFFFFFFB0  }
0x4e: {  	v1 =	vld [tilespmem:$0x4DF0]  }
0x4f: {  	v2 =	vld [tilespmem:$0x4E00]  }
0x50: {  	v3 =	vld [tilespmem:$0x4E10]  }
0x51: {  	v4 =	vld [tilespmem:$0x4E20]  }
0x52: {  	v5 =	vld [tilespmem:$0x4E30]  }
0x53: {  	v6 =	vshrl.u32 v1, $0x1  }
0x54: {  	v2 =	vshrl.u32 v2, $0x1;
	[tilespmem:$0x4F00] =	vst v6  }
0x55: {  	v3 =	vshrl.u32 v3, $0x1;
	[tilespmem:$0x4F10] =	vst v2  }
0x56: {  	v4 =	vshrl.u32 v4, $0x1;
	[tilespmem:$0x4F20] =	vst v3  }
0x57: {  	v1 =	vshrl.u32 v5, $0x1;
	[tilespmem:$0x4F30] =	vst v4  }
0x58: {  	s21 =	simm.s32 $0x4F00;
	s23 =	simm.s32 $0x7;
	[tilespmem:$0x4F40] =	vst v1  }
0x59: {  	[spmem:s4] =	stream.indirect.scatter.add.f32 [tilespmem:s30], [sflag:$0x4], $0x80, s21, s8, $0xb8;
	[tilespmem:$0x1E880] =	vst v63  }
0x5a: {  	_ =	swait.ge [sflag:s23], $0x50  }
0x5b: {  	[sflag:s23] =	ssyncset.done $0x0  }
0x5c: {  	[sflag:s23] =	ssyncadd.s32 $0xFFFFFFB0  }
0x5d: {  	_ =	swait.ge [sflag:s23], $0x50  }
0x5e: {  	[sflag:s23] =	ssyncset.done $0x0  }
0x5f: {  	[sflag:s23] =	ssyncadd.s32 $0xFFFFFFB0  }
0x60: {  	_ =	swait.ge [sflag:s23], $0x50  }
0x61: {  	[sflag:s23] =	ssyncset.done $0x0  }
0x62: {  	[sflag:s23] =	ssyncadd.s32 $0xFFFFFFB0  }
0x63: {  	v58 =	vld [tilespmem:$0x2670];
	_ =	sdelay $0x4  }
0x64: {  	v7 =	vmul.u32 $0x3, v6;
	v8 =	vld [tilespmem:$0x10380];
	v5 =	vshrl.u32 v58, $0x1  }
0x65: {  	v5 =	vmul.u32 $0x3, v5;
	_ =	sdelay $0x3  }
0x66: {  	[tilespmem:v6+s12+$0x0] =	vst.idx.add.f32.msk $0xffff, v8  }
0x67: {  	v8 =	vld.idx.msk [tilespmem:v7+s7+$0x0], $0xffff  }
0x68: {  	v9 =	vld.idx.msk [tilespmem:v5+s7+$0x0], $0xffff;
	_ =	sdelay $0x2  }
0x69: {  	v10 =	vld [tilespmem:$0x10400]  }
0x6a: {  	v11 =	vadd.s32 $0x1, v7  }
0x6b: {  	v59 =	vadd.s32 $0x1, v5;
	v8 =	vsub.f32 v8, v9;
	_ =	sdelay $0x1  }
0x6c: {  	[tilespmem:$0x10800] =	vst v8  }
0x6d: {  	[tilespmem:v6+s2+$0x0] =	vst.idx.add.f32.msk $0xffff, v10  }
0x6e: {  	v8 =	vld.idx.msk [tilespmem:v11+s7+$0x0], $0xffff  }
0x6f: {  	v9 =	vld.idx.msk [tilespmem:v59+s7+$0x0], $0xffff;
	_ =	sdelay $0x2  }
0x70: {  	v10 =	vld [tilespmem:$0x10480];
	_ =	sdelay $0x1  }
0x71: {  	v7 =	vadd.s32 $0x2, v7;
	v8 =	vsub.f32 v8, v9  }
0x72: {  	v5 =	vadd.s32 $0x2, v5  }
0x73: {  	[tilespmem:$0x10880] =	vst v8  }
0x74: {  	[tilespmem:v6+s11+$0x0] =	vst.idx.add.f32.msk $0xffff, v10  }
0x75: {  	v6 =	vld [tilespmem:$0x2680]  }
0x76: {  	v7 =	vld.idx.msk [tilespmem:v7+s7+$0x0], $0xffff  }
0x77: {  	v5 =	vld.idx.msk [tilespmem:v5+s7+$0x0], $0xffff;
	_ =	sdelay $0x2  }
0x78: {  	v60 =	vmul.u32 $0x3, v2;
	v61 =	vld [tilespmem:$0x10390];
	v6 =	vshrl.u32 v6, $0x1  }
0x79: {  	v6 =	vmul.u32 $0x3, v6  }
0x7a: {  	v5 =	vsub.f32 v7, v5;
	_ =	sdelay $0x1  }
0x7b: {  	[tilespmem:$0x10900] =	vst v5  }
0x7c: {  	[tilespmem:v2+s12+$0x0] =	vst.idx.add.f32.msk $0xffff, v61  }
0x7d: {  	v5 =	vld.idx.msk [tilespmem:v60+s7+$0x0], $0xffff  }
0x7e: {  	v62 =	vld.idx.msk [tilespmem:v6+s7+$0x0], $0xffff;
	_ =	sdelay $0x2  }
0x7f: {  	v9 =	vld [tilespmem:$0x10410]  }
0x80: {  	v63 =	vadd.s32 $0x1, v60  }
0x81: {  	v12 =	vadd.s32 $0x1, v6;
	v5 =	vsub.f32 v5, v62;
	_ =	sdelay $0x1  }
0x82: {  	[tilespmem:$0x10810] =	vst v5  }
0x83: {  	[tilespmem:v2+s2+$0x0] =	vst.idx.add.f32.msk $0xffff, v9  }
0x84: {  	v5 =	vld.idx.msk [tilespmem:v63+s7+$0x0], $0xffff  }
0x85: {  	v7 =	vld.idx.msk [tilespmem:v12+s7+$0x0], $0xffff;
	_ =	sdelay $0x2  }
0x86: {  	v9 =	vld [tilespmem:$0x10490];
	_ =	sdelay $0x1  }
0x87: {  	v13 =	vadd.s32 $0x2, v60;
	v5 =	vsub.f32 v5, v7  }
0x88: {  	v6 =	vadd.s32 $0x2, v6  }
0x89: {  	[tilespmem:$0x10890] =	vst v5  }
0x8a: {  	[tilespmem:v2+s11+$0x0] =	vst.idx.add.f32.msk $0xffff, v9  }
0x8b: {  	v2 =	vld [tilespmem:$0x2690]  }
0x8c: {  	v5 =	vld.idx.msk [tilespmem:v13+s7+$0x0], $0xffff  }
0x8d: {  	v6 =	vld.idx.msk [tilespmem:v6+s7+$0x0], $0xffff;
	_ =	sdelay $0x2  }
0x8e: {  	v14 =	vmul.u32 $0x3, v3;
	v15 =	vld [tilespmem:$0x103A0];
	v2 =	vshrl.u32 v2, $0x1  }
0x8f: {  	v2 =	vmul.u32 $0x3, v2  }
0x90: {  	v5 =	vsub.f32 v5, v6;
	_ =	sdelay $0x1  }
0x91: {  	[tilespmem:$0x10910] =	vst v5  }
0x92: {  	[tilespmem:v3+s12+$0x0] =	vst.idx.add.f32.msk $0xffff, v15  }
0x93: {  	v5 =	vld.idx.msk [tilespmem:v14+s7+$0x0], $0xffff  }
0x94: {  	v16 =	vld.idx.msk [tilespmem:v2+s7+$0x0], $0xffff;
	_ =	sdelay $0x2  }
0x95: {  	v8 =	vld [tilespmem:$0x10420]  }
0x96: {  	v17 =	vadd.s32 $0x1, v14  }
0x97: {  	v18 =	vadd.s32 $0x1, v2;
	v5 =	vsub.f32 v5, v16;
	_ =	sdelay $0x1  }
0x98: {  	[tilespmem:$0x10820] =	vst v5  }
0x99: {  	[tilespmem:v3+s2+$0x0] =	vst.idx.add.f32.msk $0xffff, v8  }
0x9a: {  	v5 =	vld.idx.msk [tilespmem:v17+s7+$0x0], $0xffff  }
0x9b: {  	v6 =	vld.idx.msk [tilespmem:v18+s7+$0x0], $0xffff;
	_ =	sdelay $0x2  }
0x9c: {  	v8 =	vld [tilespmem:$0x104A0];
	_ =	sdelay $0x1  }
0x9d: {  	v19 =	vadd.s32 $0x2, v14;
	v5 =	vsub.f32 v5, v6  }
0x9e: {  	v2 =	vadd.s32 $0x2, v2  }
0x9f: {  	[tilespmem:$0x108A0] =	vst v5  }
0xa0: {  	[tilespmem:v3+s11+$0x0] =	vst.idx.add.f32.msk $0xffff, v8  }
0xa1: {  	v3 =	vld [tilespmem:$0x26A0]  }
0xa2: {  	v5 =	vld.idx.msk [tilespmem:v19+s7+$0x0], $0xffff  }
0xa3: {  	v2 =	vld.idx.msk [tilespmem:v2+s7+$0x0], $0xffff;
	_ =	sdelay $0x2  }
0xa4: {  	v20 =	vmul.u32 $0x3, v4;
	v21 =	vld [tilespmem:$0x103B0];
	v3 =	vshrl.u32 v3, $0x1  }
0xa5: {  	v3 =	vmul.u32 $0x3, v3  }
0xa6: {  	v2 =	vsub.f32 v5, v2;
	_ =	sdelay $0x1  }
0xa7: {  	[tilespmem:$0x10920] =	vst v2  }
0xa8: {  	[tilespmem:v4+s12+$0x0] =	vst.idx.add.f32.msk $0xffff, v21  }
0xa9: {  	v2 =	vld.idx.msk [tilespmem:v20+s7+$0x0], $0xffff  }
0xaa: {  	v22 =	vld.idx.msk [tilespmem:v3+s7+$0x0], $0xffff;
	_ =	sdelay $0x2  }
0xab: {  	v7 =	vld [tilespmem:$0x10430]  }
0xac: {  	v23 =	vadd.s32 $0x1, v20  }
0xad: {  	v24 =	vadd.s32 $0x1, v3;
	v2 =	vsub.f32 v2, v22;
	_ =	sdelay $0x1  }
0xae: {  	[tilespmem:$0x10830] =	vst v2  }
0xaf: {  	[tilespmem:v4+s2+$0x0] =	vst.idx.add.f32.msk $0xffff, v7  }
0xb0: {  	v2 =	vld.idx.msk [tilespmem:v23+s7+$0x0], $0xffff  }
0xb1: {  	v5 =	vld.idx.msk [tilespmem:v24+s7+$0x0], $0xffff;
	_ =	sdelay $0x2  }
0xb2: {  	v7 =	vld [tilespmem:$0x104B0];
	_ =	sdelay $0x1  }
0xb3: {  	v25 =	vadd.s32 $0x2, v20;
	v2 =	vsub.f32 v2, v5  }
0xb4: {  	v3 =	vadd.s32 $0x2, v3  }
0xb5: {  	[tilespmem:$0x108B0] =	vst v2  }
0xb6: {  	[tilespmem:v4+s11+$0x0] =	vst.idx.add.f32.msk $0xffff, v7  }
0xb7: {  	v2 =	vld [tilespmem:$0x26B0]  }
0xb8: {  	v4 =	vld.idx.msk [tilespmem:v25+s7+$0x0], $0xffff  }
0xb9: {  	v3 =	vld.idx.msk [tilespmem:v3+s7+$0x0], $0xffff;
	_ =	sdelay $0x2  }
0xba: {  	v26 =	vmul.u32 $0x3, v1;
	v27 =	vld [tilespmem:$0x103C0];
	v2 =	vshrl.u32 v2, $0x1  }
0xbb: {  	v2 =	vmul.u32 $0x3, v2  }
0xbc: {  	v3 =	vsub.f32 v4, v3;
	_ =	sdelay $0x1  }
0xbd: {  	[tilespmem:$0x10930] =	vst v3  }
0xbe: {  	[tilespmem:v1+s12+$0x0] =	vst.idx.add.f32.msk $0xffff, v27  }
0xbf: {  	v3 =	vld.idx.msk [tilespmem:v26+s7+$0x0], $0xffff  }
0xc0: {  	v28 =	vld.idx.msk [tilespmem:v2+s7+$0x0], $0xffff;
	_ =	sdelay $0x2  }
0xc1: {  	v6 =	vld [tilespmem:$0x10440]  }
0xc2: {  	v29 =	vadd.s32 $0x1, v26  }
0xc3: {  	v30 =	vadd.s32 $0x1, v2;
	v3 =	vsub.f32 v3, v28;
	_ =	sdelay $0x1  }
0xc4: {  	[tilespmem:$0x10840] =	vst v3  }
0xc5: {  	[tilespmem:v1+s2+$0x0] =	vst.idx.add.f32.msk $0xffff, v6  }
0xc6: {  	v3 =	vld.idx.msk [tilespmem:v29+s7+$0x0], $0xffff  }
0xc7: {  	v4 =	vld.idx.msk [tilespmem:v30+s7+$0x0], $0xffff;
	_ =	sdelay $0x2  }
0xc8: {  	v6 =	vld [tilespmem:$0x104C0]  }
0xc9: {  	v5 =	vadd.s32 $0x2, v26  }
0xca: {  	v2 =	vadd.s32 $0x2, v2;
	v3 =	vsub.f32 v3, v4;
	_ =	sdelay $0x1  }
0xcb: {  	[tilespmem:$0x108C0] =	vst v3  }
0xcc: {  	[tilespmem:v1+s11+$0x0] =	vst.idx.add.f32.msk $0xffff, v6  }
0xcd: {  	v1 =	vld.idx.msk [tilespmem:v5+s7+$0x0], $0xffff  }
0xce: {  	v2 =	vld.idx.msk [tilespmem:v2+s7+$0x0], $0xffff;
	_ =	sdelay $0x4  }
0xcf: {  	v1 =	vsub.f32 v1, v2;
	_ =	sdelay $0x1  }
0xd0: {  	s22 =	simm.s32 $0x10800;
	s26 =	rddreg [dreg:$0x1c];
	[tilespmem:$0x10940] =	vst v1  }
0xd1: {  	[hbm4b:s26+s5] =	stream.linear.scatter [tilespmem:s22], [sflag:$0x7], $0x50, $0x38;
	[tilespmem:$0x1E880] =	vst v63  }
0xd2: {  	s24 =	simm.s32 $0x10880;
	s22 =	rddreg [dreg:$0x1d]  }
0xd3: {  	[hbm4b:s22+s5] =	stream.linear.scatter [tilespmem:s24], [sflag:$0x7], $0x50, $0x38;
	[tilespmem:$0x1E880] =	vst v63  }
0xd4: {  	s25 =	rddreg [dreg:$0x1e];
	s26 =	simm.s32 $0x10900  }
0xd5: {  	[hbm4b:s25+s5] =	stream.linear.scatter [tilespmem:s26], [sflag:$0x7], $0x50, $0x38;
	[tilespmem:$0x1E880] =	vst v63  }
0xd6: {  	_ =	swait.ge [sflag:s6], $0x2800  }
0xd7: {  	[sflag:s6] =	ssyncset.done $0x0  }
0xd8: {  	[sflag:s6] =	ssyncadd.s32 $0xFFFFD800  }
0xd9: {  	_ =	swait.ge [sflag:s14], $0x2800  }
0xda: {  	[sflag:s14] =	ssyncset.done $0x0  }
0xdb: {  	[sflag:s14] =	ssyncadd.s32 $0xFFFFD800  }
0xdc: {  	_ =	swait.ge [sflag:s18], $0x50  }
0xdd: {  	[sflag:s18] =	ssyncset.done $0x0  }
0xde: {  	[sflag:s18] =	ssyncadd.s32 $0xFFFFFFB0  }
0xdf: {  	_ =	swait.ge [sflag:s18], $0x50  }
0xe0: {  	[sflag:s18] =	ssyncset.done $0x0  }
0xe1: {  	[sflag:s18] =	ssyncadd.s32 $0xFFFFFFB0  }
0xe2: {  	_ =	swait.ge [sflag:s18], $0x50  }
0xe3: {  	[sflag:s18] =	ssyncset.done $0x0  }
0xe4: {  	[sflag:s18] =	ssyncadd.s32 $0xFFFFFFB0  }
0xe5: {  	v1 =	vld [tilespmem:$0x4E40]  }
0xe6: {  	v2 =	vld [tilespmem:$0x4E50]  }
0xe7: {  	v3 =	vld [tilespmem:$0x4E60]  }
0xe8: {  	v31 =	vld [tilespmem:$0x4E70]  }
0xe9: {  	v32 =	vld [tilespmem:$0x4E80]  }
0xea: {  	v33 =	vshrl.u32 v1, $0x1  }
0xeb: {  	v2 =	vshrl.u32 v2, $0x1;
	[tilespmem:$0x4F80] =	vst v33  }
0xec: {  	v3 =	vshrl.u32 v3, $0x1;
	[tilespmem:$0x4F90] =	vst v2  }
0xed: {  	v4 =	vshrl.u32 v31, $0x1;
	[tilespmem:$0x4FA0] =	vst v3  }
0xee: {  	v1 =	vshrl.u32 v32, $0x1;
	[tilespmem:$0x4FB0] =	vst v4  }
0xef: {  	s24 =	simm.s32 $0x4F80;
	[tilespmem:$0x4FC0] =	vst v1  }
0xf0: {  	[spmem:s4] =	stream.indirect.scatter.add.f32 [tilespmem:s10], [sflag:$0x5], $0x80, s24, s8, $0xb8;
	[tilespmem:$0x1E880] =	vst v63  }
0xf1: {  	s24 =	simm.s32 $0x8  }
0xf2: {  	_ =	swait.ge [sflag:s24], $0x50  }
0xf3: {  	[sflag:s24] =	ssyncset.done $0x0  }
0xf4: {  	[sflag:s24] =	ssyncadd.s32 $0xFFFFFFB0  }
0xf5: {  	_ =	swait.ge [sflag:s24], $0x50  }
0xf6: {  	[sflag:s24] =	ssyncset.done $0x0  }
0xf7: {  	[sflag:s24] =	ssyncadd.s32 $0xFFFFFFB0  }
0xf8: {  	_ =	swait.ge [sflag:s24], $0x50  }
0xf9: {  	[sflag:s24] =	ssyncset.done $0x0  }
0xfa: {  	[sflag:s24] =	ssyncadd.s32 $0xFFFFFFB0  }
0xfb: {  	v34 =	vld [tilespmem:$0x26C0];
	_ =	sdelay $0x4  }
0xfc: {  	v35 =	vmul.u32 $0x3, v33;
	v36 =	vld [tilespmem:$0x10500];
	v5 =	vshrl.u32 v34, $0x1  }
0xfd: {  	v5 =	vmul.u32 $0x3, v5;
	_ =	sdelay $0x3  }
0xfe: {  	[tilespmem:v33+s12+$0x0] =	vst.idx.add.f32.msk $0xffff, v36  }
0xff: {  	v8 =	vld.idx.msk [tilespmem:v35+s7+$0x0], $0xffff  }
0x100: {  	v37 =	vld.idx.msk [tilespmem:v5+s7+$0x0], $0xffff;
	_ =	sdelay $0x2  }
0x101: {  	v38 =	vld [tilespmem:$0x10580]  }
0x102: {  	v39 =	vadd.s32 $0x1, v35  }
0x103: {  	v40 =	vadd.s32 $0x1, v5;
	v8 =	vsub.f32 v8, v37;
	_ =	sdelay $0x1  }
0x104: {  	[tilespmem:$0x10980] =	vst v8  }
0x105: {  	[tilespmem:v33+s2+$0x0] =	vst.idx.add.f32.msk $0xffff, v38  }
0x106: {  	v8 =	vld.idx.msk [tilespmem:v39+s7+$0x0], $0xffff  }
0x107: {  	v9 =	vld.idx.msk [tilespmem:v40+s7+$0x0], $0xffff;
	_ =	sdelay $0x2  }
0x108: {  	v10 =	vld [tilespmem:$0x10600];
	_ =	sdelay $0x1  }
0x109: {  	v7 =	vadd.s32 $0x2, v35;
	v8 =	vsub.f32 v8, v9  }
0x10a: {  	v5 =	vadd.s32 $0x2, v5  }
0x10b: {  	[tilespmem:$0x10A00] =	vst v8  }
0x10c: {  	[tilespmem:v33+s11+$0x0] =	vst.idx.add.f32.msk $0xffff, v10  }
0x10d: {  	v6 =	vld [tilespmem:$0x26D0]  }
0x10e: {  	v7 =	vld.idx.msk [tilespmem:v7+s7+$0x0], $0xffff  }
0x10f: {  	v5 =	vld.idx.msk [tilespmem:v5+s7+$0x0], $0xffff;
	_ =	sdelay $0x2  }
0x110: {  	v41 =	vmul.u32 $0x3, v2;
	v42 =	vld [tilespmem:$0x10510];
	v6 =	vshrl.u32 v6, $0x1  }
0x111: {  	v6 =	vmul.u32 $0x3, v6  }
0x112: {  	v5 =	vsub.f32 v7, v5;
	_ =	sdelay $0x1  }
0x113: {  	[tilespmem:$0x10A80] =	vst v5  }
0x114: {  	[tilespmem:v2+s12+$0x0] =	vst.idx.add.f32.msk $0xffff, v42  }
0x115: {  	v5 =	vld.idx.msk [tilespmem:v41+s7+$0x0], $0xffff  }
0x116: {  	v43 =	vld.idx.msk [tilespmem:v6+s7+$0x0], $0xffff;
	_ =	sdelay $0x2  }
0x117: {  	v9 =	vld [tilespmem:$0x10590]  }
0x118: {  	v44 =	vadd.s32 $0x1, v41  }
0x119: {  	v45 =	vadd.s32 $0x1, v6;
	v5 =	vsub.f32 v5, v43;
	_ =	sdelay $0x1  }
0x11a: {  	[tilespmem:$0x10990] =	vst v5  }
0x11b: {  	[tilespmem:v2+s2+$0x0] =	vst.idx.add.f32.msk $0xffff, v9  }
0x11c: {  	v5 =	vld.idx.msk [tilespmem:v44+s7+$0x0], $0xffff  }
0x11d: {  	v7 =	vld.idx.msk [tilespmem:v45+s7+$0x0], $0xffff;
	_ =	sdelay $0x2  }
0x11e: {  	v9 =	vld [tilespmem:$0x10610];
	_ =	sdelay $0x1  }
0x11f: {  	v46 =	vadd.s32 $0x2, v41;
	v5 =	vsub.f32 v5, v7  }
0x120: {  	v6 =	vadd.s32 $0x2, v6  }
0x121: {  	[tilespmem:$0x10A10] =	vst v5  }
0x122: {  	[tilespmem:v2+s11+$0x0] =	vst.idx.add.f32.msk $0xffff, v9  }
0x123: {  	v2 =	vld [tilespmem:$0x26E0]  }
0x124: {  	v5 =	vld.idx.msk [tilespmem:v46+s7+$0x0], $0xffff  }
0x125: {  	v6 =	vld.idx.msk [tilespmem:v6+s7+$0x0], $0xffff;
	_ =	sdelay $0x2  }
0x126: {  	v47 =	vmul.u32 $0x3, v3;
	v48 =	vld [tilespmem:$0x10520];
	v2 =	vshrl.u32 v2, $0x1  }
0x127: {  	v2 =	vmul.u32 $0x3, v2  }
0x128: {  	v5 =	vsub.f32 v5, v6;
	_ =	sdelay $0x1  }
0x129: {  	[tilespmem:$0x10A90] =	vst v5  }
0x12a: {  	[tilespmem:v3+s12+$0x0] =	vst.idx.add.f32.msk $0xffff, v48  }
0x12b: {  	v5 =	vld.idx.msk [tilespmem:v47+s7+$0x0], $0xffff  }
0x12c: {  	v49 =	vld.idx.msk [tilespmem:v2+s7+$0x0], $0xffff;
	_ =	sdelay $0x2  }
0x12d: {  	v8 =	vld [tilespmem:$0x105A0]  }
0x12e: {  	v50 =	vadd.s32 $0x1, v47  }
0x12f: {  	v51 =	vadd.s32 $0x1, v2;
	v5 =	vsub.f32 v5, v49;
	_ =	sdelay $0x1  }
0x130: {  	[tilespmem:$0x109A0] =	vst v5  }
0x131: {  	[tilespmem:v3+s2+$0x0] =	vst.idx.add.f32.msk $0xffff, v8  }
0x132: {  	v5 =	vld.idx.msk [tilespmem:v50+s7+$0x0], $0xffff  }
0x133: {  	v6 =	vld.idx.msk [tilespmem:v51+s7+$0x0], $0xffff;
	_ =	sdelay $0x2  }
0x134: {  	v8 =	vld [tilespmem:$0x10620];
	_ =	sdelay $0x1  }
0x135: {  	v52 =	vadd.s32 $0x2, v47;
	v5 =	vsub.f32 v5, v6  }
0x136: {  	v2 =	vadd.s32 $0x2, v2  }
0x137: {  	[tilespmem:$0x10A20] =	vst v5  }
0x138: {  	[tilespmem:v3+s11+$0x0] =	vst.idx.add.f32.msk $0xffff, v8  }
0x139: {  	v3 =	vld [tilespmem:$0x26F0]  }
0x13a: {  	v5 =	vld.idx.msk [tilespmem:v52+s7+$0x0], $0xffff  }
0x13b: {  	v2 =	vld.idx.msk [tilespmem:v2+s7+$0x0], $0xffff;
	_ =	sdelay $0x2  }
0x13c: {  	v53 =	vmul.u32 $0x3, v4;
	v54 =	vld [tilespmem:$0x10530];
	v3 =	vshrl.u32 v3, $0x1  }
0x13d: {  	v3 =	vmul.u32 $0x3, v3  }
0x13e: {  	v2 =	vsub.f32 v5, v2;
	_ =	sdelay $0x1  }
0x13f: {  	[tilespmem:$0x10AA0] =	vst v2  }
0x140: {  	[tilespmem:v4+s12+$0x0] =	vst.idx.add.f32.msk $0xffff, v54  }
0x141: {  	v2 =	vld.idx.msk [tilespmem:v53+s7+$0x0], $0xffff  }
0x142: {  	v55 =	vld.idx.msk [tilespmem:v3+s7+$0x0], $0xffff;
	_ =	sdelay $0x2  }
0x143: {  	v7 =	vld [tilespmem:$0x105B0]  }
0x144: {  	v56 =	vadd.s32 $0x1, v53  }
0x145: {  	v57 =	vadd.s32 $0x1, v3;
	v2 =	vsub.f32 v2, v55;
	_ =	sdelay $0x1  }
0x146: {  	[tilespmem:$0x109B0] =	vst v2  }
0x147: {  	[tilespmem:v4+s2+$0x0] =	vst.idx.add.f32.msk $0xffff, v7  }
0x148: {  	v2 =	vld.idx.msk [tilespmem:v56+s7+$0x0], $0xffff  }
0x149: {  	v5 =	vld.idx.msk [tilespmem:v57+s7+$0x0], $0xffff;
	_ =	sdelay $0x2  }
0x14a: {  	v7 =	vld [tilespmem:$0x10630];
	_ =	sdelay $0x1  }
0x14b: {  	v58 =	vadd.s32 $0x2, v53;
	v2 =	vsub.f32 v2, v5  }
0x14c: {  	v3 =	vadd.s32 $0x2, v3  }
0x14d: {  	[tilespmem:$0x10A30] =	vst v2  }
0x14e: {  	[tilespmem:v4+s11+$0x0] =	vst.idx.add.f32.msk $0xffff, v7  }
0x14f: {  	v2 =	vld [tilespmem:$0x2700]  }
0x150: {  	v4 =	vld.idx.msk [tilespmem:v58+s7+$0x0], $0xffff  }
0x151: {  	v3 =	vld.idx.msk [tilespmem:v3+s7+$0x0], $0xffff;
	_ =	sdelay $0x2  }
0x152: {  	v59 =	vmul.u32 $0x3, v1;
	v60 =	vld [tilespmem:$0x10540];
	v2 =	vshrl.u32 v2, $0x1  }
0x153: {  	v2 =	vmul.u32 $0x3, v2  }
0x154: {  	v3 =	vsub.f32 v4, v3;
	_ =	sdelay $0x1  }
0x155: {  	[tilespmem:$0x10AB0] =	vst v3  }
0x156: {  	[tilespmem:v1+s12+$0x0] =	vst.idx.add.f32.msk $0xffff, v60  }
0x157: {  	v3 =	vld.idx.msk [tilespmem:v59+s7+$0x0], $0xffff  }
0x158: {  	v61 =	vld.idx.msk [tilespmem:v2+s7+$0x0], $0xffff;
	_ =	sdelay $0x2  }
0x159: {  	v6 =	vld [tilespmem:$0x105C0]  }
0x15a: {  	v62 =	vadd.s32 $0x1, v59  }
0x15b: {  	v63 =	vadd.s32 $0x1, v2;
	v3 =	vsub.f32 v3, v61;
	_ =	sdelay $0x1  }
0x15c: {  	[tilespmem:$0x109C0] =	vst v3  }
0x15d: {  	[tilespmem:v1+s2+$0x0] =	vst.idx.add.f32.msk $0xffff, v6  }
0x15e: {  	v3 =	vld.idx.msk [tilespmem:v62+s7+$0x0], $0xffff  }
0x15f: {  	v4 =	vld.idx.msk [tilespmem:v63+s7+$0x0], $0xffff;
	_ =	sdelay $0x2  }
0x160: {  	v6 =	vld [tilespmem:$0x10640]  }
0x161: {  	v5 =	vadd.s32 $0x2, v59  }
0x162: {  	v2 =	vadd.s32 $0x2, v2;
	v3 =	vsub.f32 v3, v4;
	_ =	sdelay $0x1  }
0x163: {  	[tilespmem:$0x10A40] =	vst v3  }
0x164: {  	[tilespmem:v1+s11+$0x0] =	vst.idx.add.f32.msk $0xffff, v6  }
0x165: {  	v1 =	vld.idx.msk [tilespmem:v5+s7+$0x0], $0xffff  }
0x166: {  	v2 =	vld.idx.msk [tilespmem:v2+s7+$0x0], $0xffff;
	_ =	sdelay $0x4  }
0x167: {  	v1 =	vsub.f32 v1, v2;
	_ =	sdelay $0x1  }
0x168: {  	s26 =	simm.s32 $0x10980;
	s25 =	rddreg [dreg:$0x1f];
	[tilespmem:$0x10AC0] =	vst v1  }
0x169: {  	[hbm4b:s25+s5] =	stream.linear.scatter [tilespmem:s26], [sflag:$0x8], $0x50, $0x38;
	[tilespmem:$0x1E880] =	vst v63  }
0x16a: {  	s25 =	sld [smem:$0x7ED];
	_ =	sdelay $0x1  }
0x16b: {  	s22 =	sld [smem:$0x7EE];
	s26 =	simm.s32 $0x10A00  }
0x16c: {  	[hbm4b:s25+s5] =	stream.linear.scatter [tilespmem:s26], [sflag:$0x8], $0x50, $0x38;
	[tilespmem:$0x1E880] =	vst v63  }
0x16d: {  	s25 =	simm.s32 $0x10A80  }
0x16e: {  	[hbm4b:s22+s5] =	stream.linear.scatter [tilespmem:s25], [sflag:$0x8], $0x50, $0x38;
	[tilespmem:$0x1E880] =	vst v63  }
0x16f: {  	_ =	swait.ge [sflag:s15], $0x2800  }
0x170: {  	[sflag:s15] =	ssyncset.done $0x0  }
0x171: {  	s26 =	simm.s32 $0x9;
	[sflag:s15] =	ssyncadd.s32 $0xFFFFD800  }
0x172: {  	_ =	swait.ge [sflag:s26], $0x50  }
0x173: {  	[sflag:s26] =	ssyncset.done $0x0  }
0x174: {  	[sflag:s26] =	ssyncadd.s32 $0xFFFFFFB0  }
0x175: {  	_ =	swait.ge [sflag:s26], $0x50  }
0x176: {  	[sflag:s26] =	ssyncset.done $0x0  }
0x177: {  	[sflag:s26] =	ssyncadd.s32 $0xFFFFFFB0  }
0x178: {  	_ =	swait.ge [sflag:s26], $0x50  }
0x179: {  	[sflag:s26] =	ssyncset.done $0x0  }
0x17a: {  	[sflag:s26] =	ssyncadd.s32 $0xFFFFFFB0  }
0x17b: {  	_ =	swait.ge [sflag:s23], $0x50  }
0x17c: {  	[sflag:s23] =	ssyncset.done $0x0  }
0x17d: {  	[sflag:s23] =	ssyncadd.s32 $0xFFFFFFB0  }
0x17e: {  	_ =	swait.ge [sflag:s23], $0x50  }
0x17f: {  	[sflag:s23] =	ssyncset.done $0x0  }
0x180: {  	[sflag:s23] =	ssyncadd.s32 $0xFFFFFFB0  }
0x181: {  	_ =	swait.ge [sflag:s23], $0x50  }
0x182: {  	[sflag:s23] =	ssyncset.done $0x0  }
0x183: {  	[sflag:s23] =	ssyncadd.s32 $0xFFFFFFB0  }
0x184: {  	_ =	swait.ge [sflag:s24], $0x50  }
0x185: {  	[sflag:s24] =	ssyncset.done $0x0  }
0x186: {  	[sflag:s24] =	ssyncadd.s32 $0xFFFFFFB0  }
0x187: {  	_ =	swait.ge [sflag:s24], $0x50  }
0x188: {  	[sflag:s24] =	ssyncset.done $0x0  }
0x189: {  	[sflag:s24] =	ssyncadd.s32 $0xFFFFFFB0  }
0x18a: {  	_ =	swait.ge [sflag:s24], $0x50  }
0x18b: {  	[sflag:s24] =	ssyncset.done $0x0  }
0x18c: {  	s22 =	rddreg [dreg:$0xd];
	[sflag:s24] =	ssyncadd.s32 $0xFFFFFFB0  }
0x18d: {  	[hbm4b:s22+s5] =	stream.linear.scatter [tilespmem:s12], [sflag:$0xD], $0x1400, $0x38;
	[tilespmem:$0x1E880] =	vst v63  }
0x18e: {  	s22 =	simm.s32 $0xD  }
0x18f: {  	_ =	swait.ge [sflag:s22], $0x1400  }
0x190: {  	s23 =	sld [smem:$0x7EF]  }
0x191: {  	[sflag:s22] =	ssyncset.done $0x0  }
0x192: {  	[sflag:s22] =	ssyncadd.s32 $0xFFFFEC00  }
0x193: {  	[hbm4b:s23+s5] =	stream.linear.scatter [tilespmem:s2], [sflag:$0xD], $0x1400, $0x38;
	[tilespmem:$0x1E880] =	vst v63  }
0x194: {  	_ =	swait.ge [sflag:s22], $0x1400  }
0x195: {  	s24 =	sld [smem:$0x7F0]  }
0x196: {  	[sflag:s22] =	ssyncset.done $0x0  }
0x197: {  	[sflag:s22] =	ssyncadd.s32 $0xFFFFEC00  }
0x198: {  	[hbm4b:s24+s5] =	stream.linear.scatter [tilespmem:s11], [sflag:$0xD], $0x1400, $0x38;
	[tilespmem:$0x1E880] =	vst v63  }
0x199: {  	_ =	swait.ge [sflag:s22], $0x1400  }
0x19a: {  	[sflag:s22] =	ssyncset.done $0x0  }
0x19b: {  	[sflag:s22] =	ssyncadd.s32 $0xFFFFEC00  }
0x19c: {  	[bflag:$0x0] =	sbarrier.arrive $0xFFFF  }
0x19d: {  	s24 =	rddreg [dreg:$0x9]  }
0x19e: {  	[tilespmem:s30], [sflag:$0xD] =	stream.linear.gather [spmem:s24], $0x2800, $0x38;
	[tilespmem:$0x1E880] =	vst v63  }
0x19f: {  	_ =	swait.ge [sflag:s22], $0x2800  }
0x1a0: {  	[sflag:s22] =	ssyncset.done $0x0  }
0x1a1: {  	s25 =	rddreg [dreg:$0xe];
	[sflag:s22] =	ssyncadd.s32 $0xFFFFD800  }
0x1a2: {  	[hbm4b:s25+s5] =	stream.linear.scatter [tilespmem:s30], [sflag:$0xD], $0x2800, $0x38;
	[tilespmem:$0x1E880] =	vst v63  }
0x1a3: {  	_ =	swait.ge [sflag:s22], $0x2800  }
0x1a4: {  	[sflag:s22] =	ssyncset.done $0x0  }
0x1a5: {  	s25 =	rddreg [dreg:$0xa];
	[sflag:s22] =	ssyncadd.s32 $0xFFFFD800  }
0x1a6: {  	[tilespmem:s30], [sflag:$0xD] =	stream.linear.gather [spmem:s25], $0x2800, $0x38;
	[tilespmem:$0x1E880] =	vst v63  }
0x1a7: {  	_ =	swait.ge [sflag:s22], $0x2800  }
0x1a8: {  	[sflag:s22] =	ssyncset.done $0x0  }
0x1a9: {  	s26 =	rddreg [dreg:$0xf];
	[sflag:s22] =	ssyncadd.s32 $0xFFFFD800  }
0x1aa: {  	[hbm4b:s26+s5] =	stream.linear.scatter [tilespmem:s30], [sflag:$0xD], $0x2800, $0x38;
	[tilespmem:$0x1E880] =	vst v63  }
0x1ab: {  	_ =	swait.ge [sflag:s22], $0x2800  }
0x1ac: {  	[sflag:s22] =	ssyncset.done $0x0  }
0x1ad: {  	s26 =	rddreg [dreg:$0xb];
	[sflag:s22] =	ssyncadd.s32 $0xFFFFD800  }
0x1ae: {  	[tilespmem:s30], [sflag:$0xD] =	stream.linear.gather [spmem:s26], $0x2800, $0x38;
	[tilespmem:$0x1E880] =	vst v63  }
0x1af: {  	_ =	swait.ge [sflag:s22], $0x2800  }
0x1b0: {  	[sflag:s22] =	ssyncset.done $0x0  }
0x1b1: {  	s23 =	rddreg [dreg:$0x10];
	[sflag:s22] =	ssyncadd.s32 $0xFFFFD800  }
0x1b2: {  	[hbm4b:s23+s5] =	stream.linear.scatter [tilespmem:s30], [sflag:$0xD], $0x2800, $0x38;
	[tilespmem:$0x1E880] =	vst v63  }
0x1b3: {  	_ =	swait.ge [sflag:s22], $0x2800  }
0x1b4: {  	[sflag:s22] =	ssyncset.done $0x0  }
0x1b5: {  	s23 =	rddreg [dreg:$0xc];
	[sflag:s22] =	ssyncadd.s32 $0xFFFFD800  }
0x1b6: {  	[tilespmem:s30], [sflag:$0xD] =	stream.linear.gather [spmem:s23], $0x2800, $0x38;
	[tilespmem:$0x1E880] =	vst v63  }
0x1b7: {  	_ =	swait.ge [sflag:s22], $0x2800  }
0x1b8: {  	[sflag:s22] =	ssyncset.done $0x0  }
0x1b9: {  	s23 =	rddreg [dreg:$0x11];
	[sflag:s22] =	ssyncadd.s32 $0xFFFFD800  }
0x1ba: {  	[hbm4b:s23+s5] =	stream.linear.scatter [tilespmem:s30], [sflag:$0xD], $0x2800, $0x38;
	[tilespmem:$0x1E880] =	vst v63  }
0x1bb: {  	_ =	swait.ge [sflag:s22], $0x2800  }
0x1bc: {  	s21 =	sld [smem:$0x7EC];
	_ =	sdelay $0x2  }
0x1bd: {  	s23 =	sadd.s32 $0x1, s21;
	s21 =	sld [smem:$0x7F1];
	_ =	sdelay $0x2  }
0x1be: {  	p0 =	sne.s32 s23, s21  }
.Ltmp1:
0x1bf: {  	_ = 	snop;
	(pc) =	sbr.rel @!p0 .LBB2_9-.Ltmp1, $3  }
0x1c0: {  	_ =	sdelay $0x1  }
0x1c1: {  	[sflag:s22] =	ssyncset.done $0x0  }
0x1c2: {  	[sflag:s22] =	ssyncadd.s32 $0xFFFFD800  }
.LBB2_1:
0x1c3: {  	[smem:$0x7EC] =	sst s23  }
0x1c4: {  	s21 =	rddreg [dreg:$0x7]  }
0x1c5: {  	[tilespmem:s5], [sflag:$0xD] =	stream.linear.gather [hbm4b:s21+s5], $0x2710, $0x38;
	[tilespmem:$0x1E880] =	vst v63  }
0x1c6: {  	_ =	swait.ge [sflag:s22], $0x2710  }
0x1c7: {  	[sflag:s22] =	ssyncset.done $0x0  }
0x1c8: {  	s23 =	simm.s32 $0x2780;
	s21 =	rddreg [dreg:$0x8];
	[sflag:s22] =	ssyncadd.s32 $0xFFFFD8F0  }
0x1c9: {  	[tilespmem:s23], [sflag:$0xD] =	stream.linear.gather [hbm4b:s21+s5], $0x2710, $0x38;
	[tilespmem:$0x1E880] =	vst v63  }
0x1ca: {  	_ =	swait.ge [sflag:s22], $0x2710  }
0x1cb: {  	[sflag:s22] =	ssyncset.done $0x0  }
0x1cc: {  	s23 =	rddreg [dreg:$0x6];
	[sflag:s22] =	ssyncadd.s32 $0xFFFFD8F0  }
0x1cd: {  	[tilespmem:s7], [sflag:$0xD] =	stream.linear.gather [hbm4b:s23+s5], $0x3A98, $0x38;
	[tilespmem:$0x1E880] =	vst v63  }
0x1ce: {  	_ =	swait.ge [sflag:s22], $0x3A98  }
0x1cf: {  	[sflag:s22] =	ssyncset.done $0x0  }
0x1d0: {  	s21 =	simm.s32 $0x0;
	[sflag:s22] =	ssyncadd.s32 $0xFFFFC568;
	s22 =	simm.s32 $0x200  }
.LBB2_2:
0x1d1: {  	p0 =	sne.s32 s22, $0x9E00;
	[tilespmem:s21+$0x8BF0] =	vst v0  }
0x1d2: {  	[tilespmem:s21+$0x8B80] =	vst v0  }
0x1d3: {  	[tilespmem:s21+$0x8B90] =	vst v0  }
.Ltmp2:
0x1d4: {  	[tilespmem:s21+$0x8BA0] =	vst v0;
	(pc) =	sbr.rel @p0 .LBB2_2-.Ltmp2, $4  }
0x1d5: {  	[tilespmem:s21+$0x8BB0] =	vst v0  }
0x1d6: {  	[tilespmem:s21+$0x8BC0] =	vst v0  }
0x1d7: {  	[tilespmem:s21+$0x8BD0] =	vst v0  }
0x1d8: {  	[tilespmem:s21+$0x8BE0] =	vst v0;
	s21 =	sshra.s32 s22, $0x2;
	s22 =	sadd.s32 $0x200, s22  }
0x1d9: {  	[tilespmem:s21+$0x8BF0] =	vst v0  }
0x1da: {  	[tilespmem:s21+$0x8B80] =	vst v0  }
0x1db: {  	[tilespmem:s21+$0x8B90] =	vst v0  }
0x1dc: {  	[tilespmem:s21+$0x8BA0] =	vst v0  }
0x1dd: {  	[tilespmem:s21+$0x8BB0] =	vst v0  }
0x1de: {  	[tilespmem:s21+$0x8BC0] =	vst v0  }
0x1df: {  	[tilespmem:s21+$0x8BD0] =	vst v0  }
0x1e0: {  	[tilespmem:s21+$0x8BE0] =	vst v0;
	s21 =	simm.s32 $0x40;
	s22 =	simm.s32 $0x0  }
.LBB2_4:
0x1e1: {  	p0 =	sne.s32 s21, $0x4FC0;
	[tilespmem:s22+$0x13480] =	vst v0;
	s23 =	smov.u32 s21;
	s21 =	sadd.s32 $0x40, s21  }
.Ltmp3:
0x1e2: {  	[tilespmem:s22+$0x10C80] =	vst v0;
	(pc) =	sbr.rel @p0 .LBB2_4-.Ltmp3, $2  }
0x1e3: {  	[tilespmem:s22+$0x12080] =	vst v0;
	_ =	sdelay $0x2  }
0x1e4: {  	s22 =	sshra.s32 s23, $0x2  }
0x1e5: {  	[tilespmem:s22+$0x13480] =	vst v0  }
0x1e6: {  	[tilespmem:s22+$0x10C80] =	vst v0  }
0x1e7: {  	[tilespmem:s22+$0x12080] =	vst v0;
	s23 =	simm.s32 $0xD  }
0x1e8: {  	[spmem:s24] =	stream.linear.scatter [tilespmem:s30], [sflag:$0xD], $0x2800, $0x38;
	[tilespmem:$0x1E880] =	vst v63  }
0x1e9: {  	_ =	swait.ge [sflag:s23], $0x2800  }
0x1ea: {  	[sflag:s23] =	ssyncset.done $0x0  }
0x1eb: {  	[sflag:s23] =	ssyncadd.s32 $0xFFFFD800  }
0x1ec: {  	[spmem:s25] =	stream.linear.scatter [tilespmem:s30], [sflag:$0xD], $0x2800, $0x38;
	[tilespmem:$0x1E880] =	vst v63  }
0x1ed: {  	_ =	swait.ge [sflag:s23], $0x2800  }
0x1ee: {  	[sflag:s23] =	ssyncset.done $0x0  }
0x1ef: {  	[sflag:s23] =	ssyncadd.s32 $0xFFFFD800  }
0x1f0: {  	[spmem:s26] =	stream.linear.scatter [tilespmem:s30], [sflag:$0xD], $0x2800, $0x38;
	[tilespmem:$0x1E880] =	vst v63  }
0x1f1: {  	_ =	swait.ge [sflag:s23], $0x2800  }
0x1f2: {  	[sflag:s23] =	ssyncset.done $0x0  }
0x1f3: {  	s21 =	rddreg [dreg:$0xc];
	[sflag:s23] =	ssyncadd.s32 $0xFFFFD800  }
0x1f4: {  	[spmem:s21] =	stream.linear.scatter [tilespmem:s30], [sflag:$0xD], $0x2800, $0x38;
	[tilespmem:$0x1E880] =	vst v63  }
0x1f5: {  	_ =	swait.ge [sflag:s23], $0x2800  }
0x1f6: {  	[sflag:s23] =	ssyncset.done $0x0  }
0x1f7: {  	[sflag:s23] =	ssyncadd.s32 $0xFFFFD800  }
0x1f8: {  	s21 =	simm.s32 $0x0;
	[bflag:$0x0] =	sbarrier.arrive $0xFFFF  }
0x1f9: {  	[tilespmem:s30], [sflag:$0x1] =	stream.indirect.gather [hbm4b:s0+s8], $0x80, s21, s8, $0xb8;
	[tilespmem:$0x1E880] =	vst v63  }
0x1fa: {  	s24 =	rddreg [dreg:$0x1b]  }
0x1fb: {  	s23 =	simm.s32 $0x10380;
	s25 =	sld [smem:$0x7F6]  }
0x1fc: {  	[tilespmem:s23], [sflag:$0xA] =	stream.linear.gather [hbm4b:s24+s21], $0x50, $0x38;
	[tilespmem:$0x1E880] =	vst v63  }
0x1fd: {  	s26 =	simm.s32 $0x10400;
	s23 =	sld [smem:$0x7F7]  }
0x1fe: {  	[tilespmem:s26], [sflag:$0xA] =	stream.linear.gather [hbm4b:s25+s21], $0x50, $0x38;
	[tilespmem:$0x1E880] =	vst v63  }
0x1ff: {  	s24 =	simm.s32 $0x10480  }
0x200: {  	[tilespmem:s24], [sflag:$0xA] =	stream.linear.gather [hbm4b:s23+s21], $0x50, $0x38;
	[tilespmem:$0x1E880] =	vst v63  }
0x201: {  	s25 =	sld [smem:$0x7F8]  }
0x202: {  	[tilespmem:s10], [sflag:$0x2] =	stream.indirect.gather [hbm4b:s0+s8], $0x80, s8, s8, $0xb8;
	[tilespmem:$0x1E880] =	vst v63  }
0x203: {  	s26 =	simm.s32 $0x10500;
	s23 =	sld [smem:$0x7F9]  }
0x204: {  	[tilespmem:s26], [sflag:$0xB] =	stream.linear.gather [hbm4b:s25+s21], $0x50, $0x38;
	[tilespmem:$0x1E880] =	vst v63  }
0x205: {  	s24 =	simm.s32 $0x10580;
	s25 =	sld [smem:$0x7FA]  }
0x206: {  	[tilespmem:s24], [sflag:$0xB] =	stream.linear.gather [hbm4b:s23+s21], $0x50, $0x38;
	[tilespmem:$0x1E880] =	vst v63  }
0x207: {  	s26 =	simm.s32 $0x10600  }
0x208: {  	[tilespmem:s26], [sflag:$0xB] =	stream.linear.gather [hbm4b:s25+s21], $0x50, $0x38;
	[tilespmem:$0x1E880] =	vst v63  }
0x209: {  	s24 =	simm.s32 $0xA0;
	s25 =	sld [smem:$0x7FB]  }
0x20a: {  	[tilespmem:s13], [sflag:$0x3] =	stream.indirect.gather [hbm4b:s0+s8], $0x80, s24, s8, $0xb8;
	[tilespmem:$0x1E880] =	vst v63  }
0x20b: {  	s23 =	sld [smem:$0x7FC];
	s26 =	simm.s32 $0x10680  }
0x20c: {  	[tilespmem:s26], [sflag:$0xC] =	stream.linear.gather [hbm4b:s25+s21], $0x50, $0x38;
	[tilespmem:$0x1E880] =	vst v63  }
0x20d: {  	s22 =	simm.s32 $0x190;
	s24 =	simm.s32 $0x10700;
	s25 =	sld [smem:$0x7FD]  }
0x20e: {  	[tilespmem:s24], [sflag:$0xC] =	stream.linear.gather [hbm4b:s23+s21], $0x50, $0x38;
	[tilespmem:$0x1E880] =	vst v63  }
0x20f: {  	s26 =	simm.s32 $0x10780;
	s23 =	simm.s32 $0x27F0;
	s24 =	sld [smem:$0x7F5]  }
0x210: {  	[tilespmem:s26], [sflag:$0xC] =	stream.linear.gather [hbm4b:s25+s21], $0x50, $0x38;
	[tilespmem:$0x1E880] =	vst v63  }
.LBB2_6:
0x211: {  	_ =	swait.ge [sflag:s28], $0x2800  }
0x212: {  	[sflag:s28] =	ssyncset.done $0x0  }
0x213: {  	[sflag:s28] =	ssyncadd.s32 $0xFFFFD800  }
0x214: {  	_ =	swait.ge [sflag:s9], $0x50  }
0x215: {  	[sflag:s9] =	ssyncset.done $0x0  }
0x216: {  	[sflag:s9] =	ssyncadd.s32 $0xFFFFFFB0  }
0x217: {  	_ =	swait.ge [sflag:s9], $0x50  }
0x218: {  	[sflag:s9] =	ssyncset.done $0x0  }
0x219: {  	[sflag:s9] =	ssyncadd.s32 $0xFFFFFFB0  }
0x21a: {  	_ =	swait.ge [sflag:s9], $0x50  }
0x21b: {  	[sflag:s9] =	ssyncset.done $0x0  }
0x21c: {  	[sflag:s9] =	ssyncadd.s32 $0xFFFFFFB0  }
0x21d: {  	v1 =	vld [tilespmem:s23+$0xFFFFFF90];
	_ =	sdelay $0x4  }
0x21e: {  	v2 =	vshrl.u32 v1, $0x1  }
0x21f: {  	[tilespmem:$0x4F00] =	vst v2  }
0x220: {  	v1 =	vld [tilespmem:s23+$0xFFFFFFA0];
	_ =	sdelay $0x4  }
0x221: {  	v3 =	vshrl.u32 v1, $0x1  }
0x222: {  	[tilespmem:$0x4F10] =	vst v3  }
0x223: {  	v1 =	vld [tilespmem:s23+$0xFFFFFFB0];
	_ =	sdelay $0x4  }
0x224: {  	v4 =	vshrl.u32 v1, $0x1  }
0x225: {  	[tilespmem:$0x4F20] =	vst v4  }
0x226: {  	v1 =	vld [tilespmem:s23+$0xFFFFFFC0];
	_ =	sdelay $0x4  }
0x227: {  	v5 =	vshrl.u32 v1, $0x1  }
0x228: {  	[tilespmem:$0x4F30] =	vst v5  }
0x229: {  	v1 =	vld [tilespmem:s23+$0xFFFFFFD0];
	_ =	sdelay $0x4  }
0x22a: {  	v1 =	vshrl.u32 v1, $0x1  }
0x22b: {  	s25 =	simm.s32 $0x4F00;
	p0 =	seq.s32 s21, $0x0;
	[tilespmem:$0x4F40] =	vst v1  }
0x22c: {  	[spmem:s4] =	stream.indirect.scatter.add.f32 [tilespmem:s30], [sflag:$0x4], $0x80, s25, s8, $0xb8;
	[tilespmem:$0x1E880] =	vst v63  }
0x22d: {  	s25 =	simm.s32 @!p0 $0x7  }
0x22e: {  	_ =	swait.ge @!p0 [sflag:s25], $0x50  }
0x22f: {  	[sflag:s25] =	ssyncset.done @!p0 $0x0  }
0x230: {  	[sflag:s25] =	ssyncadd.s32 @!p0 $0xFFFFFFB0  }
0x231: {  	_ =	swait.ge @!p0 [sflag:s25], $0x50  }
0x232: {  	[sflag:s25] =	ssyncset.done @!p0 $0x0  }
0x233: {  	[sflag:s25] =	ssyncadd.s32 @!p0 $0xFFFFFFB0  }
0x234: {  	_ =	swait.ge @!p0 [sflag:s25], $0x50  }
0x235: {  	[sflag:s25] =	ssyncset.done @!p0 $0x0  }
0x236: {  	[sflag:s25] =	ssyncadd.s32 @!p0 $0xFFFFFFB0  }
0x237: {  	v6 =	vld [tilespmem:s22+$0xFFFFFE70];
	_ =	sdelay $0x4  }
0x238: {  	v7 =	vmul.u32 $0x3, v2;
	v8 =	vld [tilespmem:$0x10380];
	v6 =	vshrl.u32 v6, $0x1  }
0x239: {  	v6 =	vmul.u32 $0x3, v6;
	_ =	sdelay $0x3  }
0x23a: {  	[tilespmem:v2+s12+$0x0] =	vst.idx.add.f32.msk $0xffff, v8  }
0x23b: {  	v8 =	vld.idx.msk [tilespmem:v7+s7+$0x0], $0xffff  }
0x23c: {  	v9 =	vld.idx.msk [tilespmem:v6+s7+$0x0], $0xffff;
	_ =	sdelay $0x2  }
0x23d: {  	v10 =	vld [tilespmem:$0x10400]  }
0x23e: {  	v11 =	vadd.s32 $0x1, v7  }
0x23f: {  	v52 =	vadd.s32 $0x1, v6;
	v8 =	vsub.f32 v8, v9;
	_ =	sdelay $0x1  }
0x240: {  	[tilespmem:$0x10800] =	vst v8  }
0x241: {  	[tilespmem:v2+s2+$0x0] =	vst.idx.add.f32.msk $0xffff, v10  }
0x242: {  	v8 =	vld.idx.msk [tilespmem:v11+s7+$0x0], $0xffff  }
0x243: {  	v9 =	vld.idx.msk [tilespmem:v52+s7+$0x0], $0xffff;
	_ =	sdelay $0x2  }
0x244: {  	v10 =	vld [tilespmem:$0x10480]  }
0x245: {  	v7 =	vadd.s32 $0x2, v7  }
0x246: {  	v6 =	vadd.s32 $0x2, v6;
	v8 =	vsub.f32 v8, v9;
	_ =	sdelay $0x1  }
0x247: {  	[tilespmem:$0x10880] =	vst v8  }
0x248: {  	[tilespmem:v2+s11+$0x0] =	vst.idx.add.f32.msk $0xffff, v10  }
0x249: {  	v2 =	vld.idx.msk [tilespmem:v7+s7+$0x0], $0xffff  }
0x24a: {  	v6 =	vld.idx.msk [tilespmem:v6+s7+$0x0], $0xffff;
	_ =	sdelay $0x4  }
0x24b: {  	v2 =	vsub.f32 v2, v6;
	_ =	sdelay $0x1  }
0x24c: {  	[tilespmem:$0x10900] =	vst v2  }
0x24d: {  	v2 =	vld [tilespmem:s22+$0xFFFFFE80];
	_ =	sdelay $0x4  }
0x24e: {  	v53 =	vmul.u32 $0x3, v3;
	v54 =	vld [tilespmem:$0x10390];
	v2 =	vshrl.u32 v2, $0x1  }
0x24f: {  	v2 =	vmul.u32 $0x3, v2;
	_ =	sdelay $0x3  }
0x250: {  	[tilespmem:v3+s12+$0x0] =	vst.idx.add.f32.msk $0xffff, v54  }
0x251: {  	v7 =	vld.idx.msk [tilespmem:v53+s7+$0x0], $0xffff  }
0x252: {  	v8 =	vld.idx.msk [tilespmem:v2+s7+$0x0], $0xffff;
	_ =	sdelay $0x2  }
0x253: {  	v55 =	vld [tilespmem:$0x10410]  }
0x254: {  	v56 =	vadd.s32 $0x1, v53  }
0x255: {  	v57 =	vadd.s32 $0x1, v2;
	v7 =	vsub.f32 v7, v8;
	_ =	sdelay $0x1  }
0x256: {  	[tilespmem:$0x10810] =	vst v7  }
0x257: {  	[tilespmem:v3+s2+$0x0] =	vst.idx.add.f32.msk $0xffff, v55  }
0x258: {  	v7 =	vld.idx.msk [tilespmem:v56+s7+$0x0], $0xffff  }
0x259: {  	v8 =	vld.idx.msk [tilespmem:v57+s7+$0x0], $0xffff;
	_ =	sdelay $0x2  }
0x25a: {  	v9 =	vld [tilespmem:$0x10490]  }
0x25b: {  	v6 =	vadd.s32 $0x2, v53  }
0x25c: {  	v2 =	vadd.s32 $0x2, v2;
	v7 =	vsub.f32 v7, v8;
	_ =	sdelay $0x1  }
0x25d: {  	[tilespmem:$0x10890] =	vst v7  }
0x25e: {  	[tilespmem:v3+s11+$0x0] =	vst.idx.add.f32.msk $0xffff, v9  }
0x25f: {  	v3 =	vld.idx.msk [tilespmem:v6+s7+$0x0], $0xffff  }
0x260: {  	v2 =	vld.idx.msk [tilespmem:v2+s7+$0x0], $0xffff;
	_ =	sdelay $0x4  }
0x261: {  	v2 =	vsub.f32 v3, v2;
	_ =	sdelay $0x1  }
0x262: {  	[tilespmem:$0x10910] =	vst v2  }
0x263: {  	v2 =	vld [tilespmem:s22+$0xFFFFFE90];
	_ =	sdelay $0x4  }
0x264: {  	v58 =	vld [tilespmem:$0x103A0];
	v3 =	vmul.u32 $0x3, v4;
	v2 =	vshrl.u32 v2, $0x1  }
0x265: {  	v2 =	vmul.u32 $0x3, v2;
	_ =	sdelay $0x3  }
0x266: {  	[tilespmem:v4+s12+$0x0] =	vst.idx.add.f32.msk $0xffff, v58  }
0x267: {  	v6 =	vld.idx.msk [tilespmem:v3+s7+$0x0], $0xffff  }
0x268: {  	v7 =	vld.idx.msk [tilespmem:v2+s7+$0x0], $0xffff;
	_ =	sdelay $0x2  }
0x269: {  	v59 =	vld [tilespmem:$0x10420]  }
0x26a: {  	v60 =	vadd.s32 $0x1, v3  }
0x26b: {  	v61 =	vadd.s32 $0x1, v2;
	v6 =	vsub.f32 v6, v7;
	_ =	sdelay $0x1  }
0x26c: {  	[tilespmem:$0x10820] =	vst v6  }
0x26d: {  	[tilespmem:v4+s2+$0x0] =	vst.idx.add.f32.msk $0xffff, v59  }
0x26e: {  	v6 =	vld.idx.msk [tilespmem:v60+s7+$0x0], $0xffff  }
0x26f: {  	v7 =	vld.idx.msk [tilespmem:v61+s7+$0x0], $0xffff;
	_ =	sdelay $0x2  }
0x270: {  	v8 =	vld [tilespmem:$0x104A0]  }
0x271: {  	v3 =	vadd.s32 $0x2, v3  }
0x272: {  	v2 =	vadd.s32 $0x2, v2;
	v6 =	vsub.f32 v6, v7;
	_ =	sdelay $0x1  }
0x273: {  	[tilespmem:$0x108A0] =	vst v6  }
0x274: {  	[tilespmem:v4+s11+$0x0] =	vst.idx.add.f32.msk $0xffff, v8  }
0x275: {  	v3 =	vld.idx.msk [tilespmem:v3+s7+$0x0], $0xffff  }
0x276: {  	v2 =	vld.idx.msk [tilespmem:v2+s7+$0x0], $0xffff;
	_ =	sdelay $0x4  }
0x277: {  	v2 =	vsub.f32 v3, v2;
	_ =	sdelay $0x1  }
0x278: {  	[tilespmem:$0x10920] =	vst v2  }
0x279: {  	v2 =	vld [tilespmem:s22+$0xFFFFFEA0];
	_ =	sdelay $0x4  }
0x27a: {  	v4 =	vld [tilespmem:$0x103B0];
	v3 =	vmul.u32 $0x3, v5;
	v2 =	vshrl.u32 v2, $0x1  }
0x27b: {  	v2 =	vmul.u32 $0x3, v2;
	_ =	sdelay $0x3  }
0x27c: {  	[tilespmem:v5+s12+$0x0] =	vst.idx.add.f32.msk $0xffff, v4  }
0x27d: {  	v4 =	vld.idx.msk [tilespmem:v3+s7+$0x0], $0xffff  }
0x27e: {  	v6 =	vld.idx.msk [tilespmem:v2+s7+$0x0], $0xffff;
	_ =	sdelay $0x2  }
0x27f: {  	v62 =	vld [tilespmem:$0x10430]  }
0x280: {  	v63 =	vadd.s32 $0x1, v3  }
0x281: {  	v9 =	vadd.s32 $0x1, v2;
	v4 =	vsub.f32 v4, v6;
	_ =	sdelay $0x1  }
0x282: {  	[tilespmem:$0x10830] =	vst v4  }
0x283: {  	[tilespmem:v5+s2+$0x0] =	vst.idx.add.f32.msk $0xffff, v62  }
0x284: {  	v4 =	vld.idx.msk [tilespmem:v63+s7+$0x0], $0xffff  }
0x285: {  	v6 =	vld.idx.msk [tilespmem:v9+s7+$0x0], $0xffff;
	_ =	sdelay $0x2  }
0x286: {  	v7 =	vld [tilespmem:$0x104B0]  }
0x287: {  	v3 =	vadd.s32 $0x2, v3  }
0x288: {  	v2 =	vadd.s32 $0x2, v2;
	v4 =	vsub.f32 v4, v6;
	_ =	sdelay $0x1  }
0x289: {  	[tilespmem:$0x108B0] =	vst v4  }
0x28a: {  	[tilespmem:v5+s11+$0x0] =	vst.idx.add.f32.msk $0xffff, v7  }
0x28b: {  	v3 =	vld.idx.msk [tilespmem:v3+s7+$0x0], $0xffff  }
0x28c: {  	v2 =	vld.idx.msk [tilespmem:v2+s7+$0x0], $0xffff;
	_ =	sdelay $0x4  }
0x28d: {  	v2 =	vsub.f32 v3, v2;
	_ =	sdelay $0x1  }
0x28e: {  	[tilespmem:$0x10930] =	vst v2  }
0x28f: {  	v2 =	vld [tilespmem:s22+$0xFFFFFEB0];
	_ =	sdelay $0x4  }
0x290: {  	v10 =	vld [tilespmem:$0x103C0];
	v3 =	vmul.u32 $0x3, v1;
	v2 =	vshrl.u32 v2, $0x1  }
0x291: {  	v2 =	vmul.u32 $0x3, v2;
	_ =	sdelay $0x3  }
0x292: {  	[tilespmem:v1+s12+$0x0] =	vst.idx.add.f32.msk $0xffff, v10  }
0x293: {  	v4 =	vld.idx.msk [tilespmem:v3+s7+$0x0], $0xffff  }
0x294: {  	v5 =	vld.idx.msk [tilespmem:v2+s7+$0x0], $0xffff;
	_ =	sdelay $0x2  }
0x295: {  	v11 =	vld [tilespmem:$0x10440]  }
0x296: {  	v12 =	vadd.s32 $0x1, v3  }
0x297: {  	v13 =	vadd.s32 $0x1, v2;
	v4 =	vsub.f32 v4, v5;
	_ =	sdelay $0x1  }
0x298: {  	[tilespmem:$0x10840] =	vst v4  }
0x299: {  	[tilespmem:v1+s2+$0x0] =	vst.idx.add.f32.msk $0xffff, v11  }
0x29a: {  	v4 =	vld.idx.msk [tilespmem:v12+s7+$0x0], $0xffff  }
0x29b: {  	v5 =	vld.idx.msk [tilespmem:v13+s7+$0x0], $0xffff;
	_ =	sdelay $0x2  }
0x29c: {  	v6 =	vld [tilespmem:$0x104C0]  }
0x29d: {  	v3 =	vadd.s32 $0x2, v3  }
0x29e: {  	v2 =	vadd.s32 $0x2, v2;
	v4 =	vsub.f32 v4, v5;
	_ =	sdelay $0x1  }
0x29f: {  	[tilespmem:$0x108C0] =	vst v4  }
0x2a0: {  	[tilespmem:v1+s11+$0x0] =	vst.idx.add.f32.msk $0xffff, v6  }
0x2a1: {  	v1 =	vld.idx.msk [tilespmem:v3+s7+$0x0], $0xffff  }
0x2a2: {  	v2 =	vld.idx.msk [tilespmem:v2+s7+$0x0], $0xffff;
	_ =	sdelay $0x4  }
0x2a3: {  	v1 =	vsub.f32 v1, v2  }
0x2a4: {  	s26 =	rddreg [dreg:$0x15]  }
0x2a5: {  	s25 =	sadd.s32 s21, s26;
	s26 =	simm.s32 $0x10800;
	[tilespmem:$0x10940] =	vst v1  }
0x2a6: {  	[hbm4b:s25+s5] =	stream.linear.scatter [tilespmem:s26], [sflag:$0x7], $0x50, $0x38;
	[tilespmem:$0x1E880] =	vst v63  }
0x2a7: {  	s26 =	rddreg [dreg:$0x16]  }
0x2a8: {  	s25 =	sadd.s32 s21, s26;
	s26 =	simm.s32 $0x10880  }
0x2a9: {  	[hbm4b:s25+s5] =	stream.linear.scatter [tilespmem:s26], [sflag:$0x7], $0x50, $0x38;
	[tilespmem:$0x1E880] =	vst v63  }
0x2aa: {  	s26 =	rddreg [dreg:$0x17]  }
0x2ab: {  	s25 =	sadd.s32 s21, s26;
	s26 =	simm.s32 $0x10900  }
0x2ac: {  	[hbm4b:s25+s5] =	stream.linear.scatter [tilespmem:s26], [sflag:$0x7], $0x50, $0x38;
	[tilespmem:$0x1E880] =	vst v63  }
0x2ad: {  	_ =	swait.ge [sflag:s6], $0x2800  }
0x2ae: {  	[sflag:s6] =	ssyncset.done $0x0  }
0x2af: {  	s26 =	sadd.s32 $0xFFFFFF60, s22;
	[sflag:s6] =	ssyncadd.s32 $0xFFFFD800  }
0x2b0: {  	[tilespmem:s30], [sflag:$0x1] =	stream.indirect.gather [hbm4b:s0+s8], $0x80, s26, s8, $0xb8;
	[tilespmem:$0x1E880] =	vst v63  }
0x2b1: {  	s25 =	sshrl.u32 s24, $0x3;
	s26 =	rddreg [dreg:$0x2]  }
0x2b2: {  	s25 =	sadd.s32 s26, s25;
	s26 =	simm.s32 $0x10380  }
0x2b3: {  	[tilespmem:s26], [sflag:$0xA] =	stream.linear.gather [hbm4b:s25+s5], $0x50, $0x38;
	[tilespmem:$0x1E880] =	vst v63  }
0x2b4: {  	s25 =	sadd.s32 s21, s29;
	s26 =	simm.s32 $0x10400  }
0x2b5: {  	[tilespmem:s26], [sflag:$0xA] =	stream.linear.gather [hbm4b:s25+s5], $0x50, $0x38;
	[tilespmem:$0x1E880] =	vst v63  }
0x2b6: {  	s25 =	sadd.s32 s21, s17;
	s26 =	simm.s32 $0x10480  }
0x2b7: {  	[tilespmem:s26], [sflag:$0xA] =	stream.linear.gather [hbm4b:s25+s5], $0x50, $0x38;
	[tilespmem:$0x1E880] =	vst v63  }
0x2b8: {  	_ =	swait.ge [sflag:s14], $0x2800  }
0x2b9: {  	[sflag:s14] =	ssyncset.done $0x0  }
0x2ba: {  	[sflag:s14] =	ssyncadd.s32 $0xFFFFD800  }
0x2bb: {  	_ =	swait.ge [sflag:s18], $0x50  }
0x2bc: {  	[sflag:s18] =	ssyncset.done $0x0  }
0x2bd: {  	[sflag:s18] =	ssyncadd.s32 $0xFFFFFFB0  }
0x2be: {  	_ =	swait.ge [sflag:s18], $0x50  }
0x2bf: {  	[sflag:s18] =	ssyncset.done $0x0  }
0x2c0: {  	[sflag:s18] =	ssyncadd.s32 $0xFFFFFFB0  }
0x2c1: {  	_ =	swait.ge [sflag:s18], $0x50  }
0x2c2: {  	[sflag:s18] =	ssyncset.done $0x0  }
0x2c3: {  	[sflag:s18] =	ssyncadd.s32 $0xFFFFFFB0  }
0x2c4: {  	v1 =	vld [tilespmem:s23+$0xFFFFFFE0];
	_ =	sdelay $0x4  }
0x2c5: {  	v2 =	vshrl.u32 v1, $0x1  }
0x2c6: {  	[tilespmem:$0x4F80] =	vst v2  }
0x2c7: {  	v1 =	vld [tilespmem:s23+$0xFFFFFFF0];
	_ =	sdelay $0x4  }
0x2c8: {  	v3 =	vshrl.u32 v1, $0x1  }
0x2c9: {  	[tilespmem:$0x4F90] =	vst v3  }
0x2ca: {  	v1 =	vld [tilespmem:s23+$0x0];
	_ =	sdelay $0x4  }
0x2cb: {  	v14 =	vshrl.u32 v1, $0x1  }
0x2cc: {  	[tilespmem:$0x4FA0] =	vst v14  }
0x2cd: {  	v1 =	vld [tilespmem:s23+$0x10];
	_ =	sdelay $0x4  }
0x2ce: {  	v15 =	vshrl.u32 v1, $0x1  }
0x2cf: {  	[tilespmem:$0x4FB0] =	vst v15  }
0x2d0: {  	v1 =	vld [tilespmem:s23+$0x20];
	_ =	sdelay $0x4  }
0x2d1: {  	v1 =	vshrl.u32 v1, $0x1  }
0x2d2: {  	s26 =	simm.s32 $0x4F80;
	s25 =	simm.s32 @!p0 $0x8;
	[tilespmem:$0x4FC0] =	vst v1  }
0x2d3: {  	[spmem:s4] =	stream.indirect.scatter.add.f32 [tilespmem:s10], [sflag:$0x5], $0x80, s26, s8, $0xb8;
	[tilespmem:$0x1E880] =	vst v63  }
0x2d4: {  	_ =	swait.ge @!p0 [sflag:s25], $0x50  }
0x2d5: {  	[sflag:s25] =	ssyncset.done @!p0 $0x0  }
0x2d6: {  	[sflag:s25] =	ssyncadd.s32 @!p0 $0xFFFFFFB0  }
0x2d7: {  	_ =	swait.ge @!p0 [sflag:s25], $0x50  }
0x2d8: {  	[sflag:s25] =	ssyncset.done @!p0 $0x0  }
0x2d9: {  	[sflag:s25] =	ssyncadd.s32 @!p0 $0xFFFFFFB0  }
0x2da: {  	_ =	swait.ge @!p0 [sflag:s25], $0x50  }
0x2db: {  	[sflag:s25] =	ssyncset.done @!p0 $0x0  }
0x2dc: {  	[sflag:s25] =	ssyncadd.s32 @!p0 $0xFFFFFFB0  }
0x2dd: {  	v16 =	vld [tilespmem:s22+$0xFFFFFEC0];
	_ =	sdelay $0x4  }
0x2de: {  	v17 =	vmul.u32 $0x3, v2;
	v18 =	vld [tilespmem:$0x10500];
	v6 =	vshrl.u32 v16, $0x1  }
0x2df: {  	v6 =	vmul.u32 $0x3, v6;
	_ =	sdelay $0x3  }
0x2e0: {  	[tilespmem:v2+s12+$0x0] =	vst.idx.add.f32.msk $0xffff, v18  }
0x2e1: {  	v8 =	vld.idx.msk [tilespmem:v17+s7+$0x0], $0xffff  }
0x2e2: {  	v19 =	vld.idx.msk [tilespmem:v6+s7+$0x0], $0xffff;
	_ =	sdelay $0x2  }
0x2e3: {  	v20 =	vld [tilespmem:$0x10580]  }
0x2e4: {  	v21 =	vadd.s32 $0x1, v17  }
0x2e5: {  	v22 =	vadd.s32 $0x1, v6;
	v8 =	vsub.f32 v8, v19;
	_ =	sdelay $0x1  }
0x2e6: {  	[tilespmem:$0x10980] =	vst v8  }
0x2e7: {  	[tilespmem:v2+s2+$0x0] =	vst.idx.add.f32.msk $0xffff, v20  }
0x2e8: {  	v8 =	vld.idx.msk [tilespmem:v21+s7+$0x0], $0xffff  }
0x2e9: {  	v9 =	vld.idx.msk [tilespmem:v22+s7+$0x0], $0xffff;
	_ =	sdelay $0x2  }
0x2ea: {  	v10 =	vld [tilespmem:$0x10600]  }
0x2eb: {  	v7 =	vadd.s32 $0x2, v17  }
0x2ec: {  	v6 =	vadd.s32 $0x2, v6;
	v8 =	vsub.f32 v8, v9;
	_ =	sdelay $0x1  }
0x2ed: {  	[tilespmem:$0x10A00] =	vst v8  }
0x2ee: {  	[tilespmem:v2+s11+$0x0] =	vst.idx.add.f32.msk $0xffff, v10  }
0x2ef: {  	v2 =	vld.idx.msk [tilespmem:v7+s7+$0x0], $0xffff  }
0x2f0: {  	v6 =	vld.idx.msk [tilespmem:v6+s7+$0x0], $0xffff;
	_ =	sdelay $0x4  }
0x2f1: {  	v2 =	vsub.f32 v2, v6;
	_ =	sdelay $0x1  }
0x2f2: {  	[tilespmem:$0x10A80] =	vst v2  }
0x2f3: {  	v2 =	vld [tilespmem:s22+$0xFFFFFED0];
	_ =	sdelay $0x4  }
0x2f4: {  	v23 =	vmul.u32 $0x3, v3;
	v24 =	vld [tilespmem:$0x10510];
	v2 =	vshrl.u32 v2, $0x1  }
0x2f5: {  	v2 =	vmul.u32 $0x3, v2;
	_ =	sdelay $0x3  }
0x2f6: {  	[tilespmem:v3+s12+$0x0] =	vst.idx.add.f32.msk $0xffff, v24  }
0x2f7: {  	v7 =	vld.idx.msk [tilespmem:v23+s7+$0x0], $0xffff  }
0x2f8: {  	v8 =	vld.idx.msk [tilespmem:v2+s7+$0x0], $0xffff;
	_ =	sdelay $0x2  }
0x2f9: {  	v25 =	vld [tilespmem:$0x10590]  }
0x2fa: {  	v26 =	vadd.s32 $0x1, v23  }
0x2fb: {  	v27 =	vadd.s32 $0x1, v2;
	v7 =	vsub.f32 v7, v8;
	_ =	sdelay $0x1  }
0x2fc: {  	[tilespmem:$0x10990] =	vst v7  }
0x2fd: {  	[tilespmem:v3+s2+$0x0] =	vst.idx.add.f32.msk $0xffff, v25  }
0x2fe: {  	v7 =	vld.idx.msk [tilespmem:v26+s7+$0x0], $0xffff  }
0x2ff: {  	v8 =	vld.idx.msk [tilespmem:v27+s7+$0x0], $0xffff;
	_ =	sdelay $0x2  }
0x300: {  	v9 =	vld [tilespmem:$0x10610]  }
0x301: {  	v6 =	vadd.s32 $0x2, v23  }
0x302: {  	v2 =	vadd.s32 $0x2, v2;
	v7 =	vsub.f32 v7, v8;
	_ =	sdelay $0x1  }
0x303: {  	[tilespmem:$0x10A10] =	vst v7  }
0x304: {  	[tilespmem:v3+s11+$0x0] =	vst.idx.add.f32.msk $0xffff, v9  }
0x305: {  	v3 =	vld.idx.msk [tilespmem:v6+s7+$0x0], $0xffff  }
0x306: {  	v2 =	vld.idx.msk [tilespmem:v2+s7+$0x0], $0xffff;
	_ =	sdelay $0x4  }
0x307: {  	v2 =	vsub.f32 v3, v2;
	_ =	sdelay $0x1  }
0x308: {  	[tilespmem:$0x10A90] =	vst v2  }
0x309: {  	v2 =	vld [tilespmem:s22+$0xFFFFFEE0];
	_ =	sdelay $0x4  }
0x30a: {  	v28 =	vld [tilespmem:$0x10520];
	v3 =	vmul.u32 $0x3, v14;
	v2 =	vshrl.u32 v2, $0x1  }
0x30b: {  	v2 =	vmul.u32 $0x3, v2;
	_ =	sdelay $0x3  }
0x30c: {  	[tilespmem:v14+s12+$0x0] =	vst.idx.add.f32.msk $0xffff, v28  }
0x30d: {  	v6 =	vld.idx.msk [tilespmem:v3+s7+$0x0], $0xffff  }
0x30e: {  	v7 =	vld.idx.msk [tilespmem:v2+s7+$0x0], $0xffff;
	_ =	sdelay $0x2  }
0x30f: {  	v29 =	vld [tilespmem:$0x105A0]  }
0x310: {  	v30 =	vadd.s32 $0x1, v3  }
0x311: {  	v31 =	vadd.s32 $0x1, v2;
	v6 =	vsub.f32 v6, v7;
	_ =	sdelay $0x1  }
0x312: {  	[tilespmem:$0x109A0] =	vst v6  }
0x313: {  	[tilespmem:v14+s2+$0x0] =	vst.idx.add.f32.msk $0xffff, v29  }
0x314: {  	v6 =	vld.idx.msk [tilespmem:v30+s7+$0x0], $0xffff  }
0x315: {  	v7 =	vld.idx.msk [tilespmem:v31+s7+$0x0], $0xffff;
	_ =	sdelay $0x2  }
0x316: {  	v8 =	vld [tilespmem:$0x10620]  }
0x317: {  	v3 =	vadd.s32 $0x2, v3  }
0x318: {  	v2 =	vadd.s32 $0x2, v2;
	v6 =	vsub.f32 v6, v7;
	_ =	sdelay $0x1  }
0x319: {  	[tilespmem:$0x10A20] =	vst v6  }
0x31a: {  	[tilespmem:v14+s11+$0x0] =	vst.idx.add.f32.msk $0xffff, v8  }
0x31b: {  	v3 =	vld.idx.msk [tilespmem:v3+s7+$0x0], $0xffff  }
0x31c: {  	v2 =	vld.idx.msk [tilespmem:v2+s7+$0x0], $0xffff;
	_ =	sdelay $0x4  }
0x31d: {  	v2 =	vsub.f32 v3, v2;
	_ =	sdelay $0x1  }
0x31e: {  	[tilespmem:$0x10AA0] =	vst v2  }
0x31f: {  	v2 =	vld [tilespmem:s22+$0xFFFFFEF0];
	_ =	sdelay $0x4  }
0x320: {  	v4 =	vld [tilespmem:$0x10530];
	v3 =	vmul.u32 $0x3, v15;
	v2 =	vshrl.u32 v2, $0x1  }
0x321: {  	v2 =	vmul.u32 $0x3, v2;
	_ =	sdelay $0x3  }
0x322: {  	[tilespmem:v15+s12+$0x0] =	vst.idx.add.f32.msk $0xffff, v4  }
0x323: {  	v4 =	vld.idx.msk [tilespmem:v3+s7+$0x0], $0xffff  }
0x324: {  	v6 =	vld.idx.msk [tilespmem:v2+s7+$0x0], $0xffff;
	_ =	sdelay $0x2  }
0x325: {  	v32 =	vld [tilespmem:$0x105B0]  }
0x326: {  	v33 =	vadd.s32 $0x1, v3  }
0x327: {  	v34 =	vadd.s32 $0x1, v2;
	v4 =	vsub.f32 v4, v6;
	_ =	sdelay $0x1  }
0x328: {  	[tilespmem:$0x109B0] =	vst v4  }
0x329: {  	[tilespmem:v15+s2+$0x0] =	vst.idx.add.f32.msk $0xffff, v32  }
0x32a: {  	v4 =	vld.idx.msk [tilespmem:v33+s7+$0x0], $0xffff  }
0x32b: {  	v6 =	vld.idx.msk [tilespmem:v34+s7+$0x0], $0xffff;
	_ =	sdelay $0x2  }
0x32c: {  	v7 =	vld [tilespmem:$0x10630]  }
0x32d: {  	v3 =	vadd.s32 $0x2, v3  }
0x32e: {  	v2 =	vadd.s32 $0x2, v2;
	v4 =	vsub.f32 v4, v6;
	_ =	sdelay $0x1  }
0x32f: {  	[tilespmem:$0x10A30] =	vst v4  }
0x330: {  	[tilespmem:v15+s11+$0x0] =	vst.idx.add.f32.msk $0xffff, v7  }
0x331: {  	v3 =	vld.idx.msk [tilespmem:v3+s7+$0x0], $0xffff  }
0x332: {  	v2 =	vld.idx.msk [tilespmem:v2+s7+$0x0], $0xffff;
	_ =	sdelay $0x4  }
0x333: {  	v2 =	vsub.f32 v3, v2;
	_ =	sdelay $0x1  }
0x334: {  	[tilespmem:$0x10AB0] =	vst v2  }
0x335: {  	v2 =	vld [tilespmem:s22+$0xFFFFFF00];
	_ =	sdelay $0x4  }
0x336: {  	v35 =	vld [tilespmem:$0x10540];
	v3 =	vmul.u32 $0x3, v1;
	v2 =	vshrl.u32 v2, $0x1  }
0x337: {  	v2 =	vmul.u32 $0x3, v2;
	_ =	sdelay $0x3  }
0x338: {  	[tilespmem:v1+s12+$0x0] =	vst.idx.add.f32.msk $0xffff, v35  }
0x339: {  	v4 =	vld.idx.msk [tilespmem:v3+s7+$0x0], $0xffff  }
0x33a: {  	v5 =	vld.idx.msk [tilespmem:v2+s7+$0x0], $0xffff;
	_ =	sdelay $0x2  }
0x33b: {  	v36 =	vld [tilespmem:$0x105C0]  }
0x33c: {  	v37 =	vadd.s32 $0x1, v3  }
0x33d: {  	v38 =	vadd.s32 $0x1, v2;
	v4 =	vsub.f32 v4, v5;
	_ =	sdelay $0x1  }
0x33e: {  	[tilespmem:$0x109C0] =	vst v4  }
0x33f: {  	[tilespmem:v1+s2+$0x0] =	vst.idx.add.f32.msk $0xffff, v36  }
0x340: {  	v4 =	vld.idx.msk [tilespmem:v37+s7+$0x0], $0xffff  }
0x341: {  	v5 =	vld.idx.msk [tilespmem:v38+s7+$0x0], $0xffff;
	_ =	sdelay $0x2  }
0x342: {  	v6 =	vld [tilespmem:$0x10640]  }
0x343: {  	v3 =	vadd.s32 $0x2, v3  }
0x344: {  	v2 =	vadd.s32 $0x2, v2;
	v4 =	vsub.f32 v4, v5;
	_ =	sdelay $0x1  }
0x345: {  	[tilespmem:$0x10A40] =	vst v4  }
0x346: {  	[tilespmem:v1+s11+$0x0] =	vst.idx.add.f32.msk $0xffff, v6  }
0x347: {  	v1 =	vld.idx.msk [tilespmem:v3+s7+$0x0], $0xffff  }
0x348: {  	v2 =	vld.idx.msk [tilespmem:v2+s7+$0x0], $0xffff;
	_ =	sdelay $0x4  }
0x349: {  	v1 =	vsub.f32 v1, v2  }
0x34a: {  	s26 =	rddreg [dreg:$0x18]  }
0x34b: {  	s25 =	sadd.s32 s21, s26;
	s26 =	simm.s32 $0x10980;
	[tilespmem:$0x10AC0] =	vst v1  }
0x34c: {  	[hbm4b:s25+s5] =	stream.linear.scatter [tilespmem:s26], [sflag:$0x8], $0x50, $0x38;
	[tilespmem:$0x1E880] =	vst v63  }
0x34d: {  	s26 =	rddreg [dreg:$0x19]  }
0x34e: {  	s25 =	sadd.s32 s21, s26;
	s26 =	simm.s32 $0x10A00  }
0x34f: {  	[hbm4b:s25+s5] =	stream.linear.scatter [tilespmem:s26], [sflag:$0x8], $0x50, $0x38;
	[tilespmem:$0x1E880] =	vst v63  }
0x350: {  	s26 =	rddreg [dreg:$0x1a]  }
0x351: {  	s25 =	sadd.s32 s21, s26;
	s26 =	simm.s32 $0x10A80  }
0x352: {  	[hbm4b:s25+s5] =	stream.linear.scatter [tilespmem:s26], [sflag:$0x8], $0x50, $0x38;
	[tilespmem:$0x1E880] =	vst v63  }
0x353: {  	_ =	swait.ge [sflag:s15], $0x2800  }
0x354: {  	[sflag:s15] =	ssyncset.done $0x0  }
0x355: {  	s26 =	sadd.s32 $0xFFFFFFB0, s22;
	[sflag:s15] =	ssyncadd.s32 $0xFFFFD800  }
0x356: {  	[tilespmem:s10], [sflag:$0x2] =	stream.indirect.gather [hbm4b:s0+s8], $0x80, s26, s8, $0xb8;
	[tilespmem:$0x1E880] =	vst v63  }
0x357: {  	s25 =	sadd.s32 s21, s31;
	s26 =	simm.s32 $0x10500  }
0x358: {  	[tilespmem:s26], [sflag:$0xB] =	stream.linear.gather [hbm4b:s25+s5], $0x50, $0x38;
	[tilespmem:$0x1E880] =	vst v63  }
0x359: {  	s25 =	sadd.s32 s21, s3;
	s26 =	simm.s32 $0x10580  }
0x35a: {  	[tilespmem:s26], [sflag:$0xB] =	stream.linear.gather [hbm4b:s25+s5], $0x50, $0x38;
	[tilespmem:$0x1E880] =	vst v63  }
0x35b: {  	s25 =	sadd.s32 s21, s1;
	s26 =	simm.s32 $0x10600  }
0x35c: {  	[tilespmem:s26], [sflag:$0xB] =	stream.linear.gather [hbm4b:s25+s5], $0x50, $0x38;
	[tilespmem:$0x1E880] =	vst v63  }
0x35d: {  	_ =	swait.ge [sflag:s19], $0x2800  }
0x35e: {  	[sflag:s19] =	ssyncset.done $0x0  }
0x35f: {  	[sflag:s19] =	ssyncadd.s32 $0xFFFFD800  }
0x360: {  	_ =	swait.ge [sflag:s16], $0x50  }
0x361: {  	[sflag:s16] =	ssyncset.done $0x0  }
0x362: {  	[sflag:s16] =	ssyncadd.s32 $0xFFFFFFB0  }
0x363: {  	_ =	swait.ge [sflag:s16], $0x50  }
0x364: {  	[sflag:s16] =	ssyncset.done $0x0  }
0x365: {  	[sflag:s16] =	ssyncadd.s32 $0xFFFFFFB0  }
0x366: {  	_ =	swait.ge [sflag:s16], $0x50  }
0x367: {  	[sflag:s16] =	ssyncset.done $0x0  }
0x368: {  	[sflag:s16] =	ssyncadd.s32 $0xFFFFFFB0  }
0x369: {  	v1 =	vld [tilespmem:s23+$0x30];
	_ =	sdelay $0x4  }
0x36a: {  	v2 =	vshrl.u32 v1, $0x1  }
0x36b: {  	[tilespmem:$0x5000] =	vst v2  }
0x36c: {  	v1 =	vld [tilespmem:s23+$0x40];
	_ =	sdelay $0x4  }
0x36d: {  	v3 =	vshrl.u32 v1, $0x1  }
0x36e: {  	[tilespmem:$0x5010] =	vst v3  }
0x36f: {  	v1 =	vld [tilespmem:s23+$0x50];
	_ =	sdelay $0x4  }
0x370: {  	v39 =	vshrl.u32 v1, $0x1  }
0x371: {  	[tilespmem:$0x5020] =	vst v39  }
0x372: {  	v1 =	vld [tilespmem:s23+$0x60];
	_ =	sdelay $0x4  }
0x373: {  	v40 =	vshrl.u32 v1, $0x1  }
0x374: {  	[tilespmem:$0x5030] =	vst v40  }
0x375: {  	v1 =	vld [tilespmem:s23+$0x70];
	_ =	sdelay $0x4  }
0x376: {  	v1 =	vshrl.u32 v1, $0x1  }
0x377: {  	s26 =	simm.s32 $0x5000;
	s25 =	simm.s32 @!p0 $0x9;
	[tilespmem:$0x5040] =	vst v1  }
0x378: {  	[spmem:s4] =	stream.indirect.scatter.add.f32 [tilespmem:s13], [sflag:$0x6], $0x80, s26, s8, $0xb8;
	[tilespmem:$0x1E880] =	vst v63  }
0x379: {  	_ =	swait.ge @!p0 [sflag:s25], $0x50  }
0x37a: {  	[sflag:s25] =	ssyncset.done @!p0 $0x0  }
0x37b: {  	[sflag:s25] =	ssyncadd.s32 @!p0 $0xFFFFFFB0  }
0x37c: {  	_ =	swait.ge @!p0 [sflag:s25], $0x50  }
0x37d: {  	[sflag:s25] =	ssyncset.done @!p0 $0x0  }
0x37e: {  	[sflag:s25] =	ssyncadd.s32 @!p0 $0xFFFFFFB0  }
0x37f: {  	_ =	swait.ge @!p0 [sflag:s25], $0x50  }
0x380: {  	[sflag:s25] =	ssyncset.done @!p0 $0x0  }
0x381: {  	[sflag:s25] =	ssyncadd.s32 @!p0 $0xFFFFFFB0  }
0x382: {  	v41 =	vld [tilespmem:s22+$0xFFFFFF10];
	_ =	sdelay $0x4  }
0x383: {  	v42 =	vmul.u32 $0x3, v2;
	v43 =	vld [tilespmem:$0x10680];
	v6 =	vshrl.u32 v41, $0x1  }
0x384: {  	v6 =	vmul.u32 $0x3, v6;
	_ =	sdelay $0x3  }
0x385: {  	[tilespmem:v2+s12+$0x0] =	vst.idx.add.f32.msk $0xffff, v43  }
0x386: {  	v8 =	vld.idx.msk [tilespmem:v42+s7+$0x0], $0xffff  }
0x387: {  	v44 =	vld.idx.msk [tilespmem:v6+s7+$0x0], $0xffff;
	_ =	sdelay $0x2  }
0x388: {  	v45 =	vld [tilespmem:$0x10700]  }
0x389: {  	v46 =	vadd.s32 $0x1, v42  }
0x38a: {  	v47 =	vadd.s32 $0x1, v6;
	v8 =	vsub.f32 v8, v44;
	_ =	sdelay $0x1  }
0x38b: {  	[tilespmem:$0x10B00] =	vst v8  }
0x38c: {  	[tilespmem:v2+s2+$0x0] =	vst.idx.add.f32.msk $0xffff, v45  }
0x38d: {  	v8 =	vld.idx.msk [tilespmem:v46+s7+$0x0], $0xffff  }
0x38e: {  	v9 =	vld.idx.msk [tilespmem:v47+s7+$0x0], $0xffff;
	_ =	sdelay $0x2  }
0x38f: {  	v10 =	vld [tilespmem:$0x10780]  }
0x390: {  	v7 =	vadd.s32 $0x2, v42  }
0x391: {  	v6 =	vadd.s32 $0x2, v6;
	v8 =	vsub.f32 v8, v9;
	_ =	sdelay $0x1  }
0x392: {  	[tilespmem:$0x10B80] =	vst v8  }
0x393: {  	[tilespmem:v2+s11+$0x0] =	vst.idx.add.f32.msk $0xffff, v10  }
0x394: {  	v2 =	vld.idx.msk [tilespmem:v7+s7+$0x0], $0xffff  }
0x395: {  	v6 =	vld.idx.msk [tilespmem:v6+s7+$0x0], $0xffff;
	_ =	sdelay $0x4  }
0x396: {  	v2 =	vsub.f32 v2, v6;
	_ =	sdelay $0x1  }
0x397: {  	[tilespmem:$0x10C00] =	vst v2  }
0x398: {  	v2 =	vld [tilespmem:s22+$0xFFFFFF20];
	_ =	sdelay $0x4  }
0x399: {  	v48 =	vmul.u32 $0x3, v3;
	v49 =	vld [tilespmem:$0x10690];
	v2 =	vshrl.u32 v2, $0x1  }
0x39a: {  	v2 =	vmul.u32 $0x3, v2;
	_ =	sdelay $0x3  }
0x39b: {  	[tilespmem:v3+s12+$0x0] =	vst.idx.add.f32.msk $0xffff, v49  }
0x39c: {  	v7 =	vld.idx.msk [tilespmem:v48+s7+$0x0], $0xffff  }
0x39d: {  	v8 =	vld.idx.msk [tilespmem:v2+s7+$0x0], $0xffff;
	_ =	sdelay $0x2  }
0x39e: {  	v50 =	vld [tilespmem:$0x10710]  }
0x39f: {  	v51 =	vadd.s32 $0x1, v48  }
0x3a0: {  	v52 =	vadd.s32 $0x1, v2;
	v7 =	vsub.f32 v7, v8;
	_ =	sdelay $0x1  }
0x3a1: {  	[tilespmem:$0x10B10] =	vst v7  }
0x3a2: {  	[tilespmem:v3+s2+$0x0] =	vst.idx.add.f32.msk $0xffff, v50  }
0x3a3: {  	v7 =	vld.idx.msk [tilespmem:v51+s7+$0x0], $0xffff  }
0x3a4: {  	v8 =	vld.idx.msk [tilespmem:v52+s7+$0x0], $0xffff;
	_ =	sdelay $0x2  }
0x3a5: {  	v9 =	vld [tilespmem:$0x10790]  }
0x3a6: {  	v6 =	vadd.s32 $0x2, v48  }
0x3a7: {  	v2 =	vadd.s32 $0x2, v2;
	v7 =	vsub.f32 v7, v8;
	_ =	sdelay $0x1  }
0x3a8: {  	[tilespmem:$0x10B90] =	vst v7  }
0x3a9: {  	[tilespmem:v3+s11+$0x0] =	vst.idx.add.f32.msk $0xffff, v9  }
0x3aa: {  	v3 =	vld.idx.msk [tilespmem:v6+s7+$0x0], $0xffff  }
0x3ab: {  	v2 =	vld.idx.msk [tilespmem:v2+s7+$0x0], $0xffff;
	_ =	sdelay $0x4  }
0x3ac: {  	v2 =	vsub.f32 v3, v2;
	_ =	sdelay $0x1  }
0x3ad: {  	[tilespmem:$0x10C10] =	vst v2  }
0x3ae: {  	v2 =	vld [tilespmem:s22+$0xFFFFFF30];
	_ =	sdelay $0x4  }
0x3af: {  	v53 =	vld [tilespmem:$0x106A0];
	v3 =	vmul.u32 $0x3, v39;
	v2 =	vshrl.u32 v2, $0x1  }
0x3b0: {  	v2 =	vmul.u32 $0x3, v2;
	_ =	sdelay $0x3  }
0x3b1: {  	[tilespmem:v39+s12+$0x0] =	vst.idx.add.f32.msk $0xffff, v53  }
0x3b2: {  	v6 =	vld.idx.msk [tilespmem:v3+s7+$0x0], $0xffff  }
0x3b3: {  	v7 =	vld.idx.msk [tilespmem:v2+s7+$0x0], $0xffff;
	_ =	sdelay $0x2  }
0x3b4: {  	v54 =	vld [tilespmem:$0x10720]  }
0x3b5: {  	v55 =	vadd.s32 $0x1, v3  }
0x3b6: {  	v56 =	vadd.s32 $0x1, v2;
	v6 =	vsub.f32 v6, v7;
	_ =	sdelay $0x1  }
0x3b7: {  	[tilespmem:$0x10B20] =	vst v6  }
0x3b8: {  	[tilespmem:v39+s2+$0x0] =	vst.idx.add.f32.msk $0xffff, v54  }
0x3b9: {  	v6 =	vld.idx.msk [tilespmem:v55+s7+$0x0], $0xffff  }
0x3ba: {  	v7 =	vld.idx.msk [tilespmem:v56+s7+$0x0], $0xffff;
	_ =	sdelay $0x2  }
0x3bb: {  	v8 =	vld [tilespmem:$0x107A0]  }
0x3bc: {  	v3 =	vadd.s32 $0x2, v3  }
0x3bd: {  	v2 =	vadd.s32 $0x2, v2;
	v6 =	vsub.f32 v6, v7;
	_ =	sdelay $0x1  }
0x3be: {  	[tilespmem:$0x10BA0] =	vst v6  }
0x3bf: {  	[tilespmem:v39+s11+$0x0] =	vst.idx.add.f32.msk $0xffff, v8  }
0x3c0: {  	v3 =	vld.idx.msk [tilespmem:v3+s7+$0x0], $0xffff  }
0x3c1: {  	v2 =	vld.idx.msk [tilespmem:v2+s7+$0x0], $0xffff;
	_ =	sdelay $0x4  }
0x3c2: {  	v2 =	vsub.f32 v3, v2;
	_ =	sdelay $0x1  }
0x3c3: {  	[tilespmem:$0x10C20] =	vst v2  }
0x3c4: {  	v2 =	vld [tilespmem:s22+$0xFFFFFF40];
	_ =	sdelay $0x4  }
0x3c5: {  	v4 =	vld [tilespmem:$0x106B0];
	v3 =	vmul.u32 $0x3, v40;
	v2 =	vshrl.u32 v2, $0x1  }
0x3c6: {  	v2 =	vmul.u32 $0x3, v2;
	_ =	sdelay $0x3  }
0x3c7: {  	[tilespmem:v40+s12+$0x0] =	vst.idx.add.f32.msk $0xffff, v4  }
0x3c8: {  	v4 =	vld.idx.msk [tilespmem:v3+s7+$0x0], $0xffff  }
0x3c9: {  	v6 =	vld.idx.msk [tilespmem:v2+s7+$0x0], $0xffff;
	_ =	sdelay $0x2  }
0x3ca: {  	v57 =	vld [tilespmem:$0x10730]  }
0x3cb: {  	v58 =	vadd.s32 $0x1, v3  }
0x3cc: {  	v59 =	vadd.s32 $0x1, v2;
	v4 =	vsub.f32 v4, v6;
	_ =	sdelay $0x1  }
0x3cd: {  	[tilespmem:$0x10B30] =	vst v4  }
0x3ce: {  	[tilespmem:v40+s2+$0x0] =	vst.idx.add.f32.msk $0xffff, v57  }
0x3cf: {  	v4 =	vld.idx.msk [tilespmem:v58+s7+$0x0], $0xffff  }
0x3d0: {  	v6 =	vld.idx.msk [tilespmem:v59+s7+$0x0], $0xffff;
	_ =	sdelay $0x2  }
0x3d1: {  	v7 =	vld [tilespmem:$0x107B0]  }
0x3d2: {  	v3 =	vadd.s32 $0x2, v3  }
0x3d3: {  	v2 =	vadd.s32 $0x2, v2;
	v4 =	vsub.f32 v4, v6;
	_ =	sdelay $0x1  }
0x3d4: {  	[tilespmem:$0x10BB0] =	vst v4  }
0x3d5: {  	[tilespmem:v40+s11+$0x0] =	vst.idx.add.f32.msk $0xffff, v7  }
0x3d6: {  	v3 =	vld.idx.msk [tilespmem:v3+s7+$0x0], $0xffff  }
0x3d7: {  	v2 =	vld.idx.msk [tilespmem:v2+s7+$0x0], $0xffff;
	_ =	sdelay $0x4  }
0x3d8: {  	v2 =	vsub.f32 v3, v2;
	_ =	sdelay $0x1  }
0x3d9: {  	[tilespmem:$0x10C30] =	vst v2  }
0x3da: {  	v2 =	vld [tilespmem:s22+$0xFFFFFF50];
	_ =	sdelay $0x4  }
0x3db: {  	v60 =	vld [tilespmem:$0x106C0];
	v3 =	vmul.u32 $0x3, v1;
	v2 =	vshrl.u32 v2, $0x1  }
0x3dc: {  	v2 =	vmul.u32 $0x3, v2;
	_ =	sdelay $0x3  }
0x3dd: {  	[tilespmem:v1+s12+$0x0] =	vst.idx.add.f32.msk $0xffff, v60  }
0x3de: {  	v4 =	vld.idx.msk [tilespmem:v3+s7+$0x0], $0xffff  }
0x3df: {  	v5 =	vld.idx.msk [tilespmem:v2+s7+$0x0], $0xffff;
	_ =	sdelay $0x2  }
0x3e0: {  	v61 =	vld [tilespmem:$0x10740]  }
0x3e1: {  	v62 =	vadd.s32 $0x1, v3  }
0x3e2: {  	v63 =	vadd.s32 $0x1, v2;
	v4 =	vsub.f32 v4, v5;
	_ =	sdelay $0x1  }
0x3e3: {  	[tilespmem:$0x10B40] =	vst v4  }
0x3e4: {  	[tilespmem:v1+s2+$0x0] =	vst.idx.add.f32.msk $0xffff, v61  }
0x3e5: {  	v4 =	vld.idx.msk [tilespmem:v62+s7+$0x0], $0xffff  }
0x3e6: {  	v5 =	vld.idx.msk [tilespmem:v63+s7+$0x0], $0xffff;
	_ =	sdelay $0x2  }
0x3e7: {  	v6 =	vld [tilespmem:$0x107C0]  }
0x3e8: {  	v3 =	vadd.s32 $0x2, v3  }
0x3e9: {  	v2 =	vadd.s32 $0x2, v2;
	v4 =	vsub.f32 v4, v5;
	_ =	sdelay $0x1  }
0x3ea: {  	[tilespmem:$0x10BC0] =	vst v4  }
0x3eb: {  	[tilespmem:v1+s11+$0x0] =	vst.idx.add.f32.msk $0xffff, v6  }
0x3ec: {  	v1 =	vld.idx.msk [tilespmem:v3+s7+$0x0], $0xffff  }
0x3ed: {  	v2 =	vld.idx.msk [tilespmem:v2+s7+$0x0], $0xffff;
	_ =	sdelay $0x4  }
0x3ee: {  	v1 =	vsub.f32 v1, v2  }
0x3ef: {  	s26 =	rddreg [dreg:$0x12]  }
0x3f0: {  	s25 =	sadd.s32 s21, s26;
	s26 =	simm.s32 $0x10B00;
	[tilespmem:$0x10C40] =	vst v1  }
0x3f1: {  	[hbm4b:s25+s5] =	stream.linear.scatter [tilespmem:s26], [sflag:$0x9], $0x50, $0x38;
	[tilespmem:$0x1E880] =	vst v63  }
0x3f2: {  	s26 =	rddreg [dreg:$0x13]  }
0x3f3: {  	s25 =	sadd.s32 s21, s26;
	s26 =	simm.s32 $0x10B80  }
0x3f4: {  	[hbm4b:s25+s5] =	stream.linear.scatter [tilespmem:s26], [sflag:$0x9], $0x50, $0x38;
	[tilespmem:$0x1E880] =	vst v63  }
0x3f5: {  	p0 =	seq.s32 s21, $0x4B0;
	s26 =	rddreg [dreg:$0x14]  }
.Ltmp4:
0x3f6: {  	s25 =	sadd.s32 s21, s26;
	s26 =	simm.s32 $0x10C00;
	(pc) =	sbr.rel @p0 .LBB2_8-.Ltmp4, $4  }
0x3f7: {  	[hbm4b:s25+s5] =	stream.linear.scatter [tilespmem:s26], [sflag:$0x9], $0x50, $0x38;
	[tilespmem:$0x1E880] =	vst v63  }
0x3f8: {  	_ =	swait.ge [sflag:s20], $0x2800  }
0x3f9: {  	[sflag:s20] =	ssyncset.done $0x0  }
0x3fa: {  	[sflag:s20] =	ssyncadd.s32 $0xFFFFD800  }
0x3fb: {  	s25 =	sld [smem:$0x7F2];
	_ =	sdelay $0x1  }
0x3fc: {  	[tilespmem:s13], [sflag:$0x3] =	stream.indirect.gather [hbm4b:s0+s8], $0x80, s22, s8, $0xb8;
	[tilespmem:$0x1E880] =	vst v63  }
0x3fd: {  	s26 =	simm.s32 $0x10680;
	s25 =	sadd.s32 s21, s25  }
0x3fe: {  	[tilespmem:s26], [sflag:$0xC] =	stream.linear.gather [hbm4b:s25+s5], $0x50, $0x38;
	[tilespmem:$0x1E880] =	vst v63  }
0x3ff: {  	s26 =	sld [smem:$0x7F3];
	_ =	sdelay $0x2  }
0x400: {  	s25 =	sadd.s32 s21, s26;
	s26 =	simm.s32 $0x10700  }
0x401: {  	[tilespmem:s26], [sflag:$0xC] =	stream.linear.gather [hbm4b:s25+s5], $0x50, $0x38;
	[tilespmem:$0x1E880] =	vst v63  }
.Ltmp5:
0x402: {  	s26 =	sld [smem:$0x7F4];
	(pc) =	sbr.rel .LBB2_6-.Ltmp5, $4  }
0x403: {  	_ = 	snop  }
0x404: {  	s22 =	sadd.s32 $0xF0, s22;
	s24 =	sadd.s32 $0xF0, s24;
	s23 =	sadd.s32 $0xF0, s23  }
0x405: {  	s25 =	sadd.s32 s21, s26;
	s26 =	simm.s32 $0x10780;
	s21 =	sadd.s32 $0x1E, s21  }
0x406: {  	[tilespmem:s26], [sflag:$0xC] =	stream.linear.gather [hbm4b:s25+s5], $0x50, $0x38;
	[tilespmem:$0x1E880] =	vst v63  }
.LBB2_9:
0x407: {  	_ =	sfence.sel $0x180000  }
0x408: {  	[bflag:$0x0] =	sbarrier.arrive $0xFFFF  }
0x409: {  	_ =	strace $0x90000047  }
0x40a: {  	s0 =	stileid.u32;
	[bflag:$0x2] =	sbarrier.arrive $0xFFFF  }
0x40b: {  	p0 =	sne.s32 s0, $0x0;
	s0 =	rddreg [dreg:$0x5]  }
0x40c: {  	s0 =	sadd.s32 @!p0 $0x100000, s0  }
0x40d: {  	[sflag:s0] =	ssyncadd.tile.s32 @!p0 $0x1;
	_ =	shalt  }
.Lfunc_end2:
_tile_overlayer_lowered:
.L_overlay_start_2:
0x40e: {  	(tag) =	ssettag $0x2  }
0x40f: {  	s0 =	rddreg [dreg:$0x0];
	s2 =	stileid.u32  }
0x410: {  	s1 =	rddreg [dreg:$0x1];
	p0 =	sne.s32 s2, $0x0  }
0x411: {  	s3 =	rddreg [dreg:$0x2];
	[bflag:$0x3] =	sbarrier.arrive $0xFFFF;
	s2 =	simm.s32 @!p0 $0x1C0D  }
0x412: {  	[timem:s3], [sflag:s2] =	dma.local @!p0 [hbm:s0], s1  }
0x413: {  	s0 =	simm.s32 @!p0 $0xD  }
0x414: {  	_ =	swait.ge @!p0 [sflag:s0], s1  }
0x415: {  	s1 =	ssub.s32 @!p0 $0x0, s1;
	[sflag:s0] =	ssyncset.done @!p0 $0x0  }
0x416: {  	[sflag:s0] =	ssyncadd.s32 @!p0 s1  }
0x417: {  	[bflag:$0x3] =	sbarrier.arrive $0xFFFF  }
0x418: {  	_ =	shalt  }

</sc_bundles>
